<compile_context>
chip_gen: v7x
topology: tpu7x:2x2x1
jax: 0.10.2.dev20260603
libtpu: 0.0.44.dev20260713+nightly
codegen_flags: <defaults>
</compile_context>

<pallas_src>
import jax
import jax.numpy as jnp
from jax import lax
from jax.experimental import pallas as pl
from jax.experimental.pallas import tpu as pltpu
from jax.experimental.pallas import tpu_sc as plsc

N_WORDS = 1000000
D = 64
B = 16384
L = 16
NC = 2
NS = 16
NW = NC * NS
BPW = B // NW
NG = BPW // L
NV = D // L


def _body(wids_hbm, cids_hbm, table_hbm, params_hbm, out_hbm,
          idx_w, idx_c, wrows, crows, pvec, outv, tr, sem0, sem1):
  wid = lax.axis_index("s") * NC + lax.axis_index("c")
  base = wid * BPW

  pltpu.sync_copy(wids_hbm.at[wid], idx_w)
  pltpu.sync_copy(cids_hbm.at[wid], idx_c)
  pltpu.sync_copy(params_hbm, pvec)

  wbv = pvec[0, :]
  cbv = pvec[1, :]
  fcbv = pvec[2, :]
  fw = [pvec[4 + i, :] for i in range(NV)]
  lane = lax.broadcasted_iota(jnp.int32, (L,), 0)
  sems = [sem0, sem1]

  def prefetch(g, buf):
    ivw = idx_w[pl.ds(g * L, L)]
    ivc = idx_c[pl.ds(g * L, L)]
    for k in range(L):
      pltpu.async_copy(table_hbm.at[ivw[k]], wrows.at[buf, k], sems[buf])
      pltpu.async_copy(table_hbm.at[ivc[k]], crows.at[buf, k], sems[buf])

  def drain(buf):
    pltpu.make_async_copy(
        table_hbm.at[pl.ds(0, L)], wrows.at[buf], sems[buf]).wait()
    pltpu.make_async_copy(
        table_hbm.at[pl.ds(0, L)], crows.at[buf], sems[buf]).wait()

  def compute(g, buf):
    for k in range(L):
      acc = None
      for i in range(NV):
        w = wrows[buf, k, pl.ds(i * L, L)]
        c = crows[buf, k, pl.ds(i * L, L)]
        t = ((w + wbv) * (c + cbv)) * fw[i]
        acc = t if acc is None else acc + t
      plsc.store_scatter(tr, [lane, jnp.full((L,), k, jnp.int32)], acc)
    zv = None
    for j in range(L):
      r = tr[j, pl.ds(0, L)]
      zv = r if zv is None else zv + r
    x = zv + fcbv
    outv[pl.ds(g * L, L)] = 1.0 / (1.0 + jnp.exp(-x))

  prefetch(0, 0)

  def step(h, _):
    g0 = h * 2
    g1 = g0 + 1
    prefetch(g1, 1)
    drain(0)
    compute(g0, 0)

    @pl.when(g1 + 1 < NG)
    def _():
      prefetch(g1 + 1, 0)

    drain(1)
    compute(g1, 1)
    return _

  lax.fori_loop(0, NG // 2, step, None)

  pltpu.sync_copy(outv, out_hbm.at[pl.ds(base, BPW)])


@jax.jit
def _run(wids2, cids2, table, params):
  mesh = plsc.VectorSubcoreMesh(
      core_axis_name="c", subcore_axis_name="s",
      num_cores=NC, num_subcores=NS)
  return pl.kernel(
      _body,
      out_type=jax.ShapeDtypeStruct((B,), jnp.float32),
      mesh=mesh,
      compiler_params=pltpu.CompilerParams(
          needs_layout_passes=False, use_tc_tiling_on_sc=True),
      scratch_types=[
          pltpu.VMEM((BPW,), jnp.int32),
          pltpu.VMEM((BPW,), jnp.int32),
          pltpu.VMEM((2, L, D), jnp.float32),
          pltpu.VMEM((2, L, D), jnp.float32),
          pltpu.VMEM((8, L), jnp.float32),
          pltpu.VMEM((BPW,), jnp.float32),
          pltpu.VMEM((L, L + 1), jnp.float32),
          pltpu.SemaphoreType.DMA,
          pltpu.SemaphoreType.DMA,
      ],
  )(wids2, cids2, table, params)


def kernel(word_ids, context_ids, table, fc_w, fc_b, word_bias, con_bias):
  wids2 = word_ids.astype(jnp.int32).reshape(NW, BPW)
  cids2 = context_ids.astype(jnp.int32).reshape(NW, BPW)
  params = jnp.concatenate([
      jnp.broadcast_to(word_bias.astype(jnp.float32), (L,)),
      jnp.broadcast_to(con_bias.astype(jnp.float32), (L,)),
      jnp.broadcast_to(fc_b.astype(jnp.float32), (L,)),
      jnp.zeros((L,), jnp.float32),
      fc_w.astype(jnp.float32).reshape(D),
  ]).reshape(8, L)
  out = _run(wids2, cids2, table, params)
  return out.reshape(B, 1)

# --- scband reference (transcript-rebuilt; emitter-appended) ---
"""Pipeline reference for scband-bias-bilinear-naive-24352464570224 (READ-ONLY COPY).

The authoritative reference and input builder live on the scoring server;
editing this copy changes nothing except your own understanding.
"""

import jax, jax.numpy as jnp
import numpy as np

N_WORDS = 1000000
EMB_DIM = 64
BATCH = 16384

def setup_inputs(seed: int = 0) -> dict:
    key = jax.random.key(seed)
    k1, k2, k3, k4, k5 = jax.random.split(key, 5)
    word_ids = jax.random.randint(k1, (BATCH,), 0, N_WORDS, dtype=jnp.int64 if jax.config.jax_enable_x64 else jnp.int32)
    context_ids = jax.random.randint(k2, (BATCH,), 0, N_WORDS, dtype=jnp.int64 if jax.config.jax_enable_x64 else jnp.int32)
    table = jax.random.normal(k3, (N_WORDS, EMB_DIM), dtype=jnp.float32)
    fc_w = jax.random.normal(k4, (1, EMB_DIM), dtype=jnp.float32) * (1.0 / np.sqrt(EMB_DIM))
    fc_b = jax.random.normal(k5, (1,), dtype=jnp.float32) * 0.01
    word_bias = jnp.ones((1,), dtype=jnp.float32)
    con_bias = jnp.ones((1,), dtype=jnp.float32)
    return {"word_ids": word_ids, "context_ids": context_ids, "table": table,
            "fc_w": fc_w, "fc_b": fc_b, "word_bias": word_bias, "con_bias": con_bias}

def reference(word_ids, context_ids, table, fc_w, fc_b, word_bias, con_bias):
    word_emb = jnp.take(table, word_ids, axis=0) + word_bias
    context_emb = jnp.take(table, context_ids, axis=0) + con_bias
    z = word_emb * context_emb
    z = jax.nn.sigmoid(z @ fc_w.T + fc_b)
    return z

if __name__ == "__main__":
    import jax
    _d = setup_inputs()
    print(jax.jit(kernel)(*tuple(_d.values())))

</pallas_src>

<mosaic_0001>
#map = affine_map<(d0, d1) -> (0, 0)>
#map1 = affine_map<(d0, d1) -> (0)>
module attributes {stable_mosaic.version = 14 : i64} {
  func.func @_body(%arg0: i32, %arg1: i32, %arg2: memref<32x512xi32, #tpu.memory_space<hbm>>, %arg3: memref<32x512xi32, #tpu.memory_space<hbm>>, %arg4: memref<1000000x64xf32, #tpu.memory_space<hbm>>, %arg5: memref<8x16xf32, #tpu.memory_space<hbm>>, %arg6: memref<16384xf32, #tpu.memory_space<hbm>>, %arg7: memref<512xi32, #tpu.memory_space<vmem>>, %arg8: memref<512xi32, #tpu.memory_space<vmem>>, %arg9: memref<2x16x64xf32, #tpu.memory_space<vmem>>, %arg10: memref<2x16x64xf32, #tpu.memory_space<vmem>>, %arg11: memref<8x16xf32, #tpu.memory_space<vmem>>, %arg12: memref<512xf32, #tpu.memory_space<vmem>>, %arg13: memref<16x17xf32, #tpu.memory_space<vmem>>, %arg14: memref<!tpu.dma_semaphore, #tpu.memory_space<semaphore_mem>>, %arg15: memref<!tpu.dma_semaphore, #tpu.memory_space<semaphore_mem>>) attributes {dimension_semantics = [#tpu.dimension_semantics<core_parallel>, #tpu.dimension_semantics<subcore_parallel>], iteration_bounds = array<i64: 2, 16>, scalar_prefetch = 0 : i64, scratch_operands = 9 : i64, tpu.core_type = #tpu.core_type<sc_vector_subcore>, window_params = [{transform_indices = #map}, {transform_indices = #map}, {transform_indices = #map}, {transform_indices = #map}, {transform_indices = #map1}]} {
    %mul3A = arith.constant 2 : i32
    %mul3A_0 = arith.muli %arg1, %mul3A : i32
    %add3A = arith.addi %mul3A_0, %arg0 : i32
    %mul3A_1 = arith.constant 512 : i32
    %mul3A_2 = arith.muli %add3A, %mul3A_1 : i32
    "tpu.region"() ({
      %run_scoped3A = tpu.sem_alloc : memref<!tpu.dma_semaphore, #tpu.memory_space<semaphore_mem>>
      %dma_start3A_547 = arith.constant 0 : i32
      %dma_start3A_548 = tpu.memref_slice %arg2[%add3A, %dma_start3A_547] : memref<32x512xi32, #tpu.memory_space<hbm>> -> memref<1x512xi32, #tpu.memory_space<hbm>>
      %dma_start3A_549 = tpu.memref_squeeze %dma_start3A_548 : memref<1x512xi32, #tpu.memory_space<hbm>> -> memref<512xi32, #tpu.memory_space<hbm>>
      %dma_start3A_550 = arith.constant 0 : i32
      %dma_start3A_551 = tpu.memref_slice %arg2[%add3A, %dma_start3A_550] : memref<32x512xi32, #tpu.memory_space<hbm>> -> memref<1x512xi32, #tpu.memory_space<hbm>>
      %dma_start3A_552 = tpu.memref_squeeze %dma_start3A_551 : memref<1x512xi32, #tpu.memory_space<hbm>> -> memref<512xi32, #tpu.memory_space<hbm>>
      tpu.enqueue_dma source(%dma_start3A_552 : memref<512xi32, #tpu.memory_space<hbm>>) target(%arg7 : memref<512xi32, #tpu.memory_space<vmem>>) target_semaphore(%run_scoped3A : memref<!tpu.dma_semaphore, #tpu.memory_space<semaphore_mem>>)
      %dma_wait3A = arith.constant 0 : i32
      %dma_wait3A_553 = tpu.memref_slice %arg2[%add3A, %dma_wait3A] : memref<32x512xi32, #tpu.memory_space<hbm>> -> memref<1x512xi32, #tpu.memory_space<hbm>>
      %dma_wait3A_554 = tpu.memref_squeeze %dma_wait3A_553 : memref<1x512xi32, #tpu.memory_space<hbm>> -> memref<512xi32, #tpu.memory_space<hbm>>
      %dma_wait3A_555 = arith.constant 0 : i32
      %dma_wait3A_556 = tpu.memref_slice %arg2[%add3A, %dma_wait3A_555] : memref<32x512xi32, #tpu.memory_space<hbm>> -> memref<1x512xi32, #tpu.memory_space<hbm>>
      %dma_wait3A_557 = tpu.memref_squeeze %dma_wait3A_556 : memref<1x512xi32, #tpu.memory_space<hbm>> -> memref<512xi32, #tpu.memory_space<hbm>>
      tpu.wait_dma2 semaphore(%run_scoped3A : memref<!tpu.dma_semaphore, #tpu.memory_space<semaphore_mem>>) src(%dma_wait3A_557 : memref<512xi32, #tpu.memory_space<hbm>>) dst(%arg7 : memref<512xi32, #tpu.memory_space<vmem>>)
      tpu.yield
    }) : () -> ()
    "tpu.region"() ({
      %run_scoped3A = tpu.sem_alloc : memref<!tpu.dma_semaphore, #tpu.memory_space<semaphore_mem>>
      %dma_start3A_547 = arith.constant 0 : i32
      %dma_start3A_548 = tpu.memref_slice %arg3[%add3A, %dma_start3A_547] : memref<32x512xi32, #tpu.memory_space<hbm>> -> memref<1x512xi32, #tpu.memory_space<hbm>>
      %dma_start3A_549 = tpu.memref_squeeze %dma_start3A_548 : memref<1x512xi32, #tpu.memory_space<hbm>> -> memref<512xi32, #tpu.memory_space<hbm>>
      %dma_start3A_550 = arith.constant 0 : i32
      %dma_start3A_551 = tpu.memref_slice %arg3[%add3A, %dma_start3A_550] : memref<32x512xi32, #tpu.memory_space<hbm>> -> memref<1x512xi32, #tpu.memory_space<hbm>>
      %dma_start3A_552 = tpu.memref_squeeze %dma_start3A_551 : memref<1x512xi32, #tpu.memory_space<hbm>> -> memref<512xi32, #tpu.memory_space<hbm>>
      tpu.enqueue_dma source(%dma_start3A_552 : memref<512xi32, #tpu.memory_space<hbm>>) target(%arg8 : memref<512xi32, #tpu.memory_space<vmem>>) target_semaphore(%run_scoped3A : memref<!tpu.dma_semaphore, #tpu.memory_space<semaphore_mem>>)
      %dma_wait3A = arith.constant 0 : i32
      %dma_wait3A_553 = tpu.memref_slice %arg3[%add3A, %dma_wait3A] : memref<32x512xi32, #tpu.memory_space<hbm>> -> memref<1x512xi32, #tpu.memory_space<hbm>>
      %dma_wait3A_554 = tpu.memref_squeeze %dma_wait3A_553 : memref<1x512xi32, #tpu.memory_space<hbm>> -> memref<512xi32, #tpu.memory_space<hbm>>
      %dma_wait3A_555 = arith.constant 0 : i32
      %dma_wait3A_556 = tpu.memref_slice %arg3[%add3A, %dma_wait3A_555] : memref<32x512xi32, #tpu.memory_space<hbm>> -> memref<1x512xi32, #tpu.memory_space<hbm>>
      %dma_wait3A_557 = tpu.memref_squeeze %dma_wait3A_556 : memref<1x512xi32, #tpu.memory_space<hbm>> -> memref<512xi32, #tpu.memory_space<hbm>>
      tpu.wait_dma2 semaphore(%run_scoped3A : memref<!tpu.dma_semaphore, #tpu.memory_space<semaphore_mem>>) src(%dma_wait3A_557 : memref<512xi32, #tpu.memory_space<hbm>>) dst(%arg8 : memref<512xi32, #tpu.memory_space<vmem>>)
      tpu.yield
    }) : () -> ()
    "tpu.region"() ({
      %run_scoped3A = tpu.sem_alloc : memref<!tpu.dma_semaphore, #tpu.memory_space<semaphore_mem>>
      tpu.enqueue_dma source(%arg5 : memref<8x16xf32, #tpu.memory_space<hbm>>) target(%arg11 : memref<8x16xf32, #tpu.memory_space<vmem>>) target_semaphore(%run_scoped3A : memref<!tpu.dma_semaphore, #tpu.memory_space<semaphore_mem>>)
      tpu.wait_dma2 semaphore(%run_scoped3A : memref<!tpu.dma_semaphore, #tpu.memory_space<semaphore_mem>>) src(%arg5 : memref<8x16xf32, #tpu.memory_space<hbm>>) dst(%arg11 : memref<8x16xf32, #tpu.memory_space<vmem>>)
      tpu.yield
    }) : () -> ()
    %get3A = arith.constant 0 : i32
    %get3A_3 = arith.index_cast %get3A : i32 to index
    %get3A_4 = arith.constant 0 : index
    %get3A_5 = tpu.vector_load %arg11[%get3A_3, %get3A_4] {strides = array<i32>} : memref<8x16xf32, #tpu.memory_space<vmem>>, vector<16xf32>,
    %get3A_6 = arith.constant 1 : i32
    %get3A_7 = arith.index_cast %get3A_6 : i32 to index
    %get3A_8 = arith.constant 0 : index
    %get3A_9 = tpu.vector_load %arg11[%get3A_7, %get3A_8] {strides = array<i32>} : memref<8x16xf32, #tpu.memory_space<vmem>>, vector<16xf32>,
    %get3A_10 = arith.constant 2 : i32
    %get3A_11 = arith.index_cast %get3A_10 : i32 to index
    %get3A_12 = arith.constant 0 : index
    %get3A_13 = tpu.vector_load %arg11[%get3A_11, %get3A_12] {strides = array<i32>} : memref<8x16xf32, #tpu.memory_space<vmem>>, vector<16xf32>,
    %get3A_14 = arith.constant 4 : i32
    %get3A_15 = arith.index_cast %get3A_14 : i32 to index
    %get3A_16 = arith.constant 0 : index
    %get3A_17 = tpu.vector_load %arg11[%get3A_15, %get3A_16] {strides = array<i32>} : memref<8x16xf32, #tpu.memory_space<vmem>>, vector<16xf32>,
    %get3A_18 = arith.constant 5 : i32
    %get3A_19 = arith.index_cast %get3A_18 : i32 to index
    %get3A_20 = arith.constant 0 : index
    %get3A_21 = tpu.vector_load %arg11[%get3A_19, %get3A_20] {strides = array<i32>} : memref<8x16xf32, #tpu.memory_space<vmem>>, vector<16xf32>,
    %get3A_22 = arith.constant 6 : i32
    %get3A_23 = arith.index_cast %get3A_22 : i32 to index
    %get3A_24 = arith.constant 0 : index
    %get3A_25 = tpu.vector_load %arg11[%get3A_23, %get3A_24] {strides = array<i32>} : memref<8x16xf32, #tpu.memory_space<vmem>>, vector<16xf32>,
    %get3A_26 = arith.constant 7 : i32
    %get3A_27 = arith.index_cast %get3A_26 : i32 to index
    %get3A_28 = arith.constant 0 : index
    %get3A_29 = tpu.vector_load %arg11[%get3A_27, %get3A_28] {strides = array<i32>} : memref<8x16xf32, #tpu.memory_space<vmem>>, vector<16xf32>,
    %iota3A = tpu.iota {dimensions = array<i32: 0>} : vector<16xi32>
    %get3A_30 = arith.constant 0 : index
    %get3A_31 = tpu.vector_load %arg7[%get3A_30] {strides = array<i32>} : memref<512xi32, #tpu.memory_space<vmem>>, vector<16xi32>,
    %get3A_32 = arith.constant 0 : index
    %get3A_33 = tpu.vector_load %arg8[%get3A_32] {strides = array<i32>} : memref<512xi32, #tpu.memory_space<vmem>>, vector<16xi32>,
    %slice3A = vector.extract_strided_slice %get3A_31 {offsets = [0], sizes = [1], strides = [1]} : vector<16xi32> to vector<1xi32>
    %squeeze3A = vector.extract %slice3A[0] : i32 from vector<1xi32>
    %dma_start3A = arith.constant 0 : i32
    %dma_start3A_34 = arith.constant 0 : i32
    %dma_start3A_35 = arith.constant 0 : i32
    %dma_start3A_36 = tpu.memref_slice %arg9[%dma_start3A, %dma_start3A_34, %dma_start3A_35] : memref<2x16x64xf32, #tpu.memory_space<vmem>> -> memref<1x1x64xf32, #tpu.memory_space<vmem>>
    %dma_start3A_37 = tpu.memref_squeeze %dma_start3A_36 : memref<1x1x64xf32, #tpu.memory_space<vmem>> -> memref<64xf32, #tpu.memory_space<vmem>>
    %dma_start3A_38 = arith.constant 0 : i32
    %dma_start3A_39 = tpu.memref_slice %arg4[%squeeze3A, %dma_start3A_38] : memref<1000000x64xf32, #tpu.memory_space<hbm>> -> memref<1x64xf32, #tpu.memory_space<hbm>>
    %dma_start3A_40 = tpu.memref_squeeze %dma_start3A_39 : memref<1x64xf32, #tpu.memory_space<hbm>> -> memref<64xf32, #tpu.memory_space<hbm>>
    %dma_start3A_41 = arith.constant 0 : i32
    %dma_start3A_42 = tpu.memref_slice %arg9[%dma_start3A, %dma_start3A_34, %dma_start3A_41] : memref<2x16x64xf32, #tpu.memory_space<vmem>> -> memref<1x1x64xf32, #tpu.memory_space<vmem>>
    %dma_start3A_43 = tpu.memref_squeeze %dma_start3A_42 : memref<1x1x64xf32, #tpu.memory_space<vmem>> -> memref<64xf32, #tpu.memory_space<vmem>>
    %dma_start3A_44 = arith.constant 0 : i32
    %dma_start3A_45 = tpu.memref_slice %arg4[%squeeze3A, %dma_start3A_44] : memref<1000000x64xf32, #tpu.memory_space<hbm>> -> memref<1x64xf32, #tpu.memory_space<hbm>>
    %dma_start3A_46 = tpu.memref_squeeze %dma_start3A_45 : memref<1x64xf32, #tpu.memory_space<hbm>> -> memref<64xf32, #tpu.memory_space<hbm>>
    tpu.enqueue_dma source(%dma_start3A_46 : memref<64xf32, #tpu.memory_space<hbm>>) target(%dma_start3A_43 : memref<64xf32, #tpu.memory_space<vmem>>) target_semaphore(%arg14 : memref<!tpu.dma_semaphore, #tpu.memory_space<semaphore_mem>>)
    %slice3A_47 = vector.extract_strided_slice %get3A_33 {offsets = [0], sizes = [1], strides = [1]} : vector<16xi32> to vector<1xi32>
    %squeeze3A_48 = vector.extract %slice3A_47[0] : i32 from vector<1xi32>
    %dma_start3A_49 = arith.constant 0 : i32
    %dma_start3A_50 = arith.constant 0 : i32
    %dma_start3A_51 = arith.constant 0 : i32
    %dma_start3A_52 = tpu.memref_slice %arg10[%dma_start3A_49, %dma_start3A_50, %dma_start3A_51] : memref<2x16x64xf32, #tpu.memory_space<vmem>> -> memref<1x1x64xf32, #tpu.memory_space<vmem>>
    %dma_start3A_53 = tpu.memref_squeeze %dma_start3A_52 : memref<1x1x64xf32, #tpu.memory_space<vmem>> -> memref<64xf32, #tpu.memory_space<vmem>>
    %dma_start3A_54 = arith.constant 0 : i32
    %dma_start3A_55 = tpu.memref_slice %arg4[%squeeze3A_48, %dma_start3A_54] : memref<1000000x64xf32, #tpu.memory_space<hbm>> -> memref<1x64xf32, #tpu.memory_space<hbm>>
    %dma_start3A_56 = tpu.memref_squeeze %dma_start3A_55 : memref<1x64xf32, #tpu.memory_space<hbm>> -> memref<64xf32, #tpu.memory_space<hbm>>
    %dma_start3A_57 = arith.constant 0 : i32
    %dma_start3A_58 = tpu.memref_slice %arg10[%dma_start3A_49, %dma_start3A_50, %dma_start3A_57] : memref<2x16x64xf32, #tpu.memory_space<vmem>> -> memref<1x1x64xf32, #tpu.memory_space<vmem>>
    %dma_start3A_59 = tpu.memref_squeeze %dma_start3A_58 : memref<1x1x64xf32, #tpu.memory_space<vmem>> -> memref<64xf32, #tpu.memory_space<vmem>>
    %dma_start3A_60 = arith.constant 0 : i32
    %dma_start3A_61 = tpu.memref_slice %arg4[%squeeze3A_48, %dma_start3A_60] : memref<1000000x64xf32, #tpu.memory_space<hbm>> -> memref<1x64xf32, #tpu.memory_space<hbm>>
    %dma_start3A_62 = tpu.memref_squeeze %dma_start3A_61 : memref<1x64xf32, #tpu.memory_space<hbm>> -> memref<64xf32, #tpu.memory_space<hbm>>
    tpu.enqueue_dma source(%dma_start3A_62 : memref<64xf32, #tpu.memory_space<hbm>>) target(%dma_start3A_59 : memref<64xf32, #tpu.memory_space<vmem>>) target_semaphore(%arg14 : memref<!tpu.dma_semaphore, #tpu.memory_space<semaphore_mem>>)
    %slice3A_63 = vector.extract_strided_slice %get3A_31 {offsets = [1], sizes = [1], strides = [1]} : vector<16xi32> to vector<1xi32>
    %squeeze3A_64 = vector.extract %slice3A_63[0] : i32 from vector<1xi32>
    %dma_start3A_65 = arith.constant 0 : i32
    %dma_start3A_66 = arith.constant 1 : i32
    %dma_start3A_67 = arith.constant 0 : i32
    %dma_start3A_68 = tpu.memref_slice %arg9[%dma_start3A_65, %dma_start3A_66, %dma_start3A_67] : memref<2x16x64xf32, #tpu.memory_space<vmem>> -> memref<1x1x64xf32, #tpu.memory_space<vmem>>
    %dma_start3A_69 = tpu.memref_squeeze %dma_start3A_68 : memref<1x1x64xf32, #tpu.memory_space<vmem>> -> memref<64xf32, #tpu.memory_space<vmem>>
    %dma_start3A_70 = arith.constant 0 : i32
    %dma_start3A_71 = tpu.memref_slice %arg4[%squeeze3A_64, %dma_start3A_70] : memref<1000000x64xf32, #tpu.memory_space<hbm>> -> memref<1x64xf32, #tpu.memory_space<hbm>>
    %dma_start3A_72 = tpu.memref_squeeze %dma_start3A_71 : memref<1x64xf32, #tpu.memory_space<hbm>> -> memref<64xf32, #tpu.memory_space<hbm>>
    %dma_start3A_73 = arith.constant 0 : i32
    %dma_start3A_74 = tpu.memref_slice %arg9[%dma_start3A_65, %dma_start3A_66, %dma_start3A_73] : memref<2x16x64xf32, #tpu.memory_space<vmem>> -> memref<1x1x64xf32, #tpu.memory_space<vmem>>
    %dma_start3A_75 = tpu.memref_squeeze %dma_start3A_74 : memref<1x1x64xf32, #tpu.memory_space<vmem>> -> memref<64xf32, #tpu.memory_space<vmem>>
    %dma_start3A_76 = arith.constant 0 : i32
    %dma_start3A_77 = tpu.memref_slice %arg4[%squeeze3A_64, %dma_start3A_76] : memref<1000000x64xf32, #tpu.memory_space<hbm>> -> memref<1x64xf32, #tpu.memory_space<hbm>>
    %dma_start3A_78 = tpu.memref_squeeze %dma_start3A_77 : memref<1x64xf32, #tpu.memory_space<hbm>> -> memref<64xf32, #tpu.memory_space<hbm>>
    tpu.enqueue_dma source(%dma_start3A_78 : memref<64xf32, #tpu.memory_space<hbm>>) target(%dma_start3A_75 : memref<64xf32, #tpu.memory_space<vmem>>) target_semaphore(%arg14 : memref<!tpu.dma_semaphore, #tpu.memory_space<semaphore_mem>>)
    %slice3A_79 = vector.extract_strided_slice %get3A_33 {offsets = [1], sizes = [1], strides = [1]} : vector<16xi32> to vector<1xi32>
    %squeeze3A_80 = vector.extract %slice3A_79[0] : i32 from vector<1xi32>
    %dma_start3A_81 = arith.constant 0 : i32
    %dma_start3A_82 = arith.constant 1 : i32
    %dma_start3A_83 = arith.constant 0 : i32
    %dma_start3A_84 = tpu.memref_slice %arg10[%dma_start3A_81, %dma_start3A_82, %dma_start3A_83] : memref<2x16x64xf32, #tpu.memory_space<vmem>> -> memref<1x1x64xf32, #tpu.memory_space<vmem>>
    %dma_start3A_85 = tpu.memref_squeeze %dma_start3A_84 : memref<1x1x64xf32, #tpu.memory_space<vmem>> -> memref<64xf32, #tpu.memory_space<vmem>>
    %dma_start3A_86 = arith.constant 0 : i32
    %dma_start3A_87 = tpu.memref_slice %arg4[%squeeze3A_80, %dma_start3A_86] : memref<1000000x64xf32, #tpu.memory_space<hbm>> -> memref<1x64xf32, #tpu.memory_space<hbm>>
    %dma_start3A_88 = tpu.memref_squeeze %dma_start3A_87 : memref<1x64xf32, #tpu.memory_space<hbm>> -> memref<64xf32, #tpu.memory_space<hbm>>
    %dma_start3A_89 = arith.constant 0 : i32
    %dma_start3A_90 = tpu.memref_slice %arg10[%dma_start3A_81, %dma_start3A_82, %dma_start3A_89] : memref<2x16x64xf32, #tpu.memory_space<vmem>> -> memref<1x1x64xf32, #tpu.memory_space<vmem>>
    %dma_start3A_91 = tpu.memref_squeeze %dma_start3A_90 : memref<1x1x64xf32, #tpu.memory_space<vmem>> -> memref<64xf32, #tpu.memory_space<vmem>>
    %dma_start3A_92 = arith.constant 0 : i32
    %dma_start3A_93 = tpu.memref_slice %arg4[%squeeze3A_80, %dma_start3A_92] : memref<1000000x64xf32, #tpu.memory_space<hbm>> -> memref<1x64xf32, #tpu.memory_space<hbm>>
    %dma_start3A_94 = tpu.memref_squeeze %dma_start3A_93 : memref<1x64xf32, #tpu.memory_space<hbm>> -> memref<64xf32, #tpu.memory_space<hbm>>
    tpu.enqueue_dma source(%dma_start3A_94 : memref<64xf32, #tpu.memory_space<hbm>>) target(%dma_start3A_91 : memref<64xf32, #tpu.memory_space<vmem>>) target_semaphore(%arg14 : memref<!tpu.dma_semaphore, #tpu.memory_space<semaphore_mem>>)
    %slice3A_95 = vector.extract_strided_slice %get3A_31 {offsets = [2], sizes = [1], strides = [1]} : vector<16xi32> to vector<1xi32>
    %squeeze3A_96 = vector.extract %slice3A_95[0] : i32 from vector<1xi32>
    %dma_start3A_97 = arith.constant 0 : i32
    %dma_start3A_98 = arith.constant 2 : i32
    %dma_start3A_99 = arith.constant 0 : i32
    %dma_start3A_100 = tpu.memref_slice %arg9[%dma_start3A_97, %dma_start3A_98, %dma_start3A_99] : memref<2x16x64xf32, #tpu.memory_space<vmem>> -> memref<1x1x64xf32, #tpu.memory_space<vmem>>
    %dma_start3A_101 = tpu.memref_squeeze %dma_start3A_100 : memref<1x1x64xf32, #tpu.memory_space<vmem>> -> memref<64xf32, #tpu.memory_space<vmem>>
    %dma_start3A_102 = arith.constant 0 : i32
    %dma_start3A_103 = tpu.memref_slice %arg4[%squeeze3A_96, %dma_start3A_102] : memref<1000000x64xf32, #tpu.memory_space<hbm>> -> memref<1x64xf32, #tpu.memory_space<hbm>>
    %dma_start3A_104 = tpu.memref_squeeze %dma_start3A_103 : memref<1x64xf32, #tpu.memory_space<hbm>> -> memref<64xf32, #tpu.memory_space<hbm>>
    %dma_start3A_105 = arith.constant 0 : i32
    %dma_start3A_106 = tpu.memref_slice %arg9[%dma_start3A_97, %dma_start3A_98, %dma_start3A_105] : memref<2x16x64xf32, #tpu.memory_space<vmem>> -> memref<1x1x64xf32, #tpu.memory_space<vmem>>
    %dma_start3A_107 = tpu.memref_squeeze %dma_start3A_106 : memref<1x1x64xf32, #tpu.memory_space<vmem>> -> memref<64xf32, #tpu.memory_space<vmem>>
    %dma_start3A_108 = arith.constant 0 : i32
    %dma_start3A_109 = tpu.memref_slice %arg4[%squeeze3A_96, %dma_start3A_108] : memref<1000000x64xf32, #tpu.memory_space<hbm>> -> memref<1x64xf32, #tpu.memory_space<hbm>>
    %dma_start3A_110 = tpu.memref_squeeze %dma_start3A_109 : memref<1x64xf32, #tpu.memory_space<hbm>> -> memref<64xf32, #tpu.memory_space<hbm>>
    tpu.enqueue_dma source(%dma_start3A_110 : memref<64xf32, #tpu.memory_space<hbm>>) target(%dma_start3A_107 : memref<64xf32, #tpu.memory_space<vmem>>) target_semaphore(%arg14 : memref<!tpu.dma_semaphore, #tpu.memory_space<semaphore_mem>>)
    %slice3A_111 = vector.extract_strided_slice %get3A_33 {offsets = [2], sizes = [1], strides = [1]} : vector<16xi32> to vector<1xi32>
    %squeeze3A_112 = vector.extract %slice3A_111[0] : i32 from vector<1xi32>
    %dma_start3A_113 = arith.constant 0 : i32
    %dma_start3A_114 = arith.constant 2 : i32
    %dma_start3A_115 = arith.constant 0 : i32
    %dma_start3A_116 = tpu.memref_slice %arg10[%dma_start3A_113, %dma_start3A_114, %dma_start3A_115] : memref<2x16x64xf32, #tpu.memory_space<vmem>> -> memref<1x1x64xf32, #tpu.memory_space<vmem>>
    %dma_start3A_117 = tpu.memref_squeeze %dma_start3A_116 : memref<1x1x64xf32, #tpu.memory_space<vmem>> -> memref<64xf32, #tpu.memory_space<vmem>>
    %dma_start3A_118 = arith.constant 0 : i32
    %dma_start3A_119 = tpu.memref_slice %arg4[%squeeze3A_112, %dma_start3A_118] : memref<1000000x64xf32, #tpu.memory_space<hbm>> -> memref<1x64xf32, #tpu.memory_space<hbm>>
    %dma_start3A_120 = tpu.memref_squeeze %dma_start3A_119 : memref<1x64xf32, #tpu.memory_space<hbm>> -> memref<64xf32, #tpu.memory_space<hbm>>
    %dma_start3A_121 = arith.constant 0 : i32
    %dma_start3A_122 = tpu.memref_slice %arg10[%dma_start3A_113, %dma_start3A_114, %dma_start3A_121] : memref<2x16x64xf32, #tpu.memory_space<vmem>> -> memref<1x1x64xf32, #tpu.memory_space<vmem>>
    %dma_start3A_123 = tpu.memref_squeeze %dma_start3A_122 : memref<1x1x64xf32, #tpu.memory_space<vmem>> -> memref<64xf32, #tpu.memory_space<vmem>>
    %dma_start3A_124 = arith.constant 0 : i32
    %dma_start3A_125 = tpu.memref_slice %arg4[%squeeze3A_112, %dma_start3A_124] : memref<1000000x64xf32, #tpu.memory_space<hbm>> -> memref<1x64xf32, #tpu.memory_space<hbm>>
    %dma_start3A_126 = tpu.memref_squeeze %dma_start3A_125 : memref<1x64xf32, #tpu.memory_space<hbm>> -> memref<64xf32, #tpu.memory_space<hbm>>
    tpu.enqueue_dma source(%dma_start3A_126 : memref<64xf32, #tpu.memory_space<hbm>>) target(%dma_start3A_123 : memref<64xf32, #tpu.memory_space<vmem>>) target_semaphore(%arg14 : memref<!tpu.dma_semaphore, #tpu.memory_space<semaphore_mem>>)
    %slice3A_127 = vector.extract_strided_slice %get3A_31 {offsets = [3], sizes = [1], strides = [1]} : vector<16xi32> to vector<1xi32>
    %squeeze3A_128 = vector.extract %slice3A_127[0] : i32 from vector<1xi32>
    %dma_start3A_129 = arith.constant 0 : i32
    %dma_start3A_130 = arith.constant 3 : i32
    %dma_start3A_131 = arith.constant 0 : i32
    %dma_start3A_132 = tpu.memref_slice %arg9[%dma_start3A_129, %dma_start3A_130, %dma_start3A_131] : memref<2x16x64xf32, #tpu.memory_space<vmem>> -> memref<1x1x64xf32, #tpu.memory_space<vmem>>
    %dma_start3A_133 = tpu.memref_squeeze %dma_start3A_132 : memref<1x1x64xf32, #tpu.memory_space<vmem>> -> memref<64xf32, #tpu.memory_space<vmem>>
    %dma_start3A_134 = arith.constant 0 : i32
    %dma_start3A_135 = tpu.memref_slice %arg4[%squeeze3A_128, %dma_start3A_134] : memref<1000000x64xf32, #tpu.memory_space<hbm>> -> memref<1x64xf32, #tpu.memory_space<hbm>>
    %dma_start3A_136 = tpu.memref_squeeze %dma_start3A_135 : memref<1x64xf32, #tpu.memory_space<hbm>> -> memref<64xf32, #tpu.memory_space<hbm>>
    %dma_start3A_137 = arith.constant 0 : i32
    %dma_start3A_138 = tpu.memref_slice %arg9[%dma_start3A_129, %dma_start3A_130, %dma_start3A_137] : memref<2x16x64xf32, #tpu.memory_space<vmem>> -> memref<1x1x64xf32, #tpu.memory_space<vmem>>
    %dma_start3A_139 = tpu.memref_squeeze %dma_start3A_138 : memref<1x1x64xf32, #tpu.memory_space<vmem>> -> memref<64xf32, #tpu.memory_space<vmem>>
    %dma_start3A_140 = arith.constant 0 : i32
    %dma_start3A_141 = tpu.memref_slice %arg4[%squeeze3A_128, %dma_start3A_140] : memref<1000000x64xf32, #tpu.memory_space<hbm>> -> memref<1x64xf32, #tpu.memory_space<hbm>>
    %dma_start3A_142 = tpu.memref_squeeze %dma_start3A_141 : memref<1x64xf32, #tpu.memory_space<hbm>> -> memref<64xf32, #tpu.memory_space<hbm>>
    tpu.enqueue_dma source(%dma_start3A_142 : memref<64xf32, #tpu.memory_space<hbm>>) target(%dma_start3A_139 : memref<64xf32, #tpu.memory_space<vmem>>) target_semaphore(%arg14 : memref<!tpu.dma_semaphore, #tpu.memory_space<semaphore_mem>>)
    %slice3A_143 = vector.extract_strided_slice %get3A_33 {offsets = [3], sizes = [1], strides = [1]} : vector<16xi32> to vector<1xi32>
    %squeeze3A_144 = vector.extract %slice3A_143[0] : i32 from vector<1xi32>
    %dma_start3A_145 = arith.constant 0 : i32
    %dma_start3A_146 = arith.constant 3 : i32
    %dma_start3A_147 = arith.constant 0 : i32
    %dma_start3A_148 = tpu.memref_slice %arg10[%dma_start3A_145, %dma_start3A_146, %dma_start3A_147] : memref<2x16x64xf32, #tpu.memory_space<vmem>> -> memref<1x1x64xf32, #tpu.memory_space<vmem>>
    %dma_start3A_149 = tpu.memref_squeeze %dma_start3A_148 : memref<1x1x64xf32, #tpu.memory_space<vmem>> -> memref<64xf32, #tpu.memory_space<vmem>>
    %dma_start3A_150 = arith.constant 0 : i32
    %dma_start3A_151 = tpu.memref_slice %arg4[%squeeze3A_144, %dma_start3A_150] : memref<1000000x64xf32, #tpu.memory_space<hbm>> -> memref<1x64xf32, #tpu.memory_space<hbm>>
    %dma_start3A_152 = tpu.memref_squeeze %dma_start3A_151 : memref<1x64xf32, #tpu.memory_space<hbm>> -> memref<64xf32, #tpu.memory_space<hbm>>
    %dma_start3A_153 = arith.constant 0 : i32
    %dma_start3A_154 = tpu.memref_slice %arg10[%dma_start3A_145, %dma_start3A_146, %dma_start3A_153] : memref<2x16x64xf32, #tpu.memory_space<vmem>> -> memref<1x1x64xf32, #tpu.memory_space<vmem>>
    %dma_start3A_155 = tpu.memref_squeeze %dma_start3A_154 : memref<1x1x64xf32, #tpu.memory_space<vmem>> -> memref<64xf32, #tpu.memory_space<vmem>>
    %dma_start3A_156 = arith.constant 0 : i32
    %dma_start3A_157 = tpu.memref_slice %arg4[%squeeze3A_144, %dma_start3A_156] : memref<1000000x64xf32, #tpu.memory_space<hbm>> -> memref<1x64xf32, #tpu.memory_space<hbm>>
    %dma_start3A_158 = tpu.memref_squeeze %dma_start3A_157 : memref<1x64xf32, #tpu.memory_space<hbm>> -> memref<64xf32, #tpu.memory_space<hbm>>
    tpu.enqueue_dma source(%dma_start3A_158 : memref<64xf32, #tpu.memory_space<hbm>>) target(%dma_start3A_155 : memref<64xf32, #tpu.memory_space<vmem>>) target_semaphore(%arg14 : memref<!tpu.dma_semaphore, #tpu.memory_space<semaphore_mem>>)
    %slice3A_159 = vector.extract_strided_slice %get3A_31 {offsets = [4], sizes = [1], strides = [1]} : vector<16xi32> to vector<1xi32>
    %squeeze3A_160 = vector.extract %slice3A_159[0] : i32 from vector<1xi32>
    %dma_start3A_161 = arith.constant 0 : i32
    %dma_start3A_162 = arith.constant 4 : i32
    %dma_start3A_163 = arith.constant 0 : i32
    %dma_start3A_164 = tpu.memref_slice %arg9[%dma_start3A_161, %dma_start3A_162, %dma_start3A_163] : memref<2x16x64xf32, #tpu.memory_space<vmem>> -> memref<1x1x64xf32, #tpu.memory_space<vmem>>
    %dma_start3A_165 = tpu.memref_squeeze %dma_start3A_164 : memref<1x1x64xf32, #tpu.memory_space<vmem>> -> memref<64xf32, #tpu.memory_space<vmem>>
    %dma_start3A_166 = arith.constant 0 : i32
    %dma_start3A_167 = tpu.memref_slice %arg4[%squeeze3A_160, %dma_start3A_166] : memref<1000000x64xf32, #tpu.memory_space<hbm>> -> memref<1x64xf32, #tpu.memory_space<hbm>>
    %dma_start3A_168 = tpu.memref_squeeze %dma_start3A_167 : memref<1x64xf32, #tpu.memory_space<hbm>> -> memref<64xf32, #tpu.memory_space<hbm>>
    %dma_start3A_169 = arith.constant 0 : i32
    %dma_start3A_170 = tpu.memref_slice %arg9[%dma_start3A_161, %dma_start3A_162, %dma_start3A_169] : memref<2x16x64xf32, #tpu.memory_space<vmem>> -> memref<1x1x64xf32, #tpu.memory_space<vmem>>
    %dma_start3A_171 = tpu.memref_squeeze %dma_start3A_170 : memref<1x1x64xf32, #tpu.memory_space<vmem>> -> memref<64xf32, #tpu.memory_space<vmem>>
    %dma_start3A_172 = arith.constant 0 : i32
    %dma_start3A_173 = tpu.memref_slice %arg4[%squeeze3A_160, %dma_start3A_172] : memref<1000000x64xf32, #tpu.memory_space<hbm>> -> memref<1x64xf32, #tpu.memory_space<hbm>>
    %dma_start3A_174 = tpu.memref_squeeze %dma_start3A_173 : memref<1x64xf32, #tpu.memory_space<hbm>> -> memref<64xf32, #tpu.memory_space<hbm>>
    tpu.enqueue_dma source(%dma_start3A_174 : memref<64xf32, #tpu.memory_space<hbm>>) target(%dma_start3A_171 : memref<64xf32, #tpu.memory_space<vmem>>) target_semaphore(%arg14 : memref<!tpu.dma_semaphore, #tpu.memory_space<semaphore_mem>>)
    %slice3A_175 = vector.extract_strided_slice %get3A_33 {offsets = [4], sizes = [1], strides = [1]} : vector<16xi32> to vector<1xi32>
    %squeeze3A_176 = vector.extract %slice3A_175[0] : i32 from vector<1xi32>
    %dma_start3A_177 = arith.constant 0 : i32
    %dma_start3A_178 = arith.constant 4 : i32
    %dma_start3A_179 = arith.constant 0 : i32
    %dma_start3A_180 = tpu.memref_slice %arg10[%dma_start3A_177, %dma_start3A_178, %dma_start3A_179] : memref<2x16x64xf32, #tpu.memory_space<vmem>> -> memref<1x1x64xf32, #tpu.memory_space<vmem>>
    %dma_start3A_181 = tpu.memref_squeeze %dma_start3A_180 : memref<1x1x64xf32, #tpu.memory_space<vmem>> -> memref<64xf32, #tpu.memory_space<vmem>>
    %dma_start3A_182 = arith.constant 0 : i32
    %dma_start3A_183 = tpu.memref_slice %arg4[%squeeze3A_176, %dma_start3A_182] : memref<1000000x64xf32, #tpu.memory_space<hbm>> -> memref<1x64xf32, #tpu.memory_space<hbm>>
    %dma_start3A_184 = tpu.memref_squeeze %dma_start3A_183 : memref<1x64xf32, #tpu.memory_space<hbm>> -> memref<64xf32, #tpu.memory_space<hbm>>
    %dma_start3A_185 = arith.constant 0 : i32
    %dma_start3A_186 = tpu.memref_slice %arg10[%dma_start3A_177, %dma_start3A_178, %dma_start3A_185] : memref<2x16x64xf32, #tpu.memory_space<vmem>> -> memref<1x1x64xf32, #tpu.memory_space<vmem>>
    %dma_start3A_187 = tpu.memref_squeeze %dma_start3A_186 : memref<1x1x64xf32, #tpu.memory_space<vmem>> -> memref<64xf32, #tpu.memory_space<vmem>>
    %dma_start3A_188 = arith.constant 0 : i32
    %dma_start3A_189 = tpu.memref_slice %arg4[%squeeze3A_176, %dma_start3A_188] : memref<1000000x64xf32, #tpu.memory_space<hbm>> -> memref<1x64xf32, #tpu.memory_space<hbm>>
    %dma_start3A_190 = tpu.memref_squeeze %dma_start3A_189 : memref<1x64xf32, #tpu.memory_space<hbm>> -> memref<64xf32, #tpu.memory_space<hbm>>
    tpu.enqueue_dma source(%dma_start3A_190 : memref<64xf32, #tpu.memory_space<hbm>>) target(%dma_start3A_187 : memref<64xf32, #tpu.memory_space<vmem>>) target_semaphore(%arg14 : memref<!tpu.dma_semaphore, #tpu.memory_space<semaphore_mem>>)
    %slice3A_191 = vector.extract_strided_slice %get3A_31 {offsets = [5], sizes = [1], strides = [1]} : vector<16xi32> to vector<1xi32>
    %squeeze3A_192 = vector.extract %slice3A_191[0] : i32 from vector<1xi32>
    %dma_start3A_193 = arith.constant 0 : i32
    %dma_start3A_194 = arith.constant 5 : i32
    %dma_start3A_195 = arith.constant 0 : i32
    %dma_start3A_196 = tpu.memref_slice %arg9[%dma_start3A_193, %dma_start3A_194, %dma_start3A_195] : memref<2x16x64xf32, #tpu.memory_space<vmem>> -> memref<1x1x64xf32, #tpu.memory_space<vmem>>
    %dma_start3A_197 = tpu.memref_squeeze %dma_start3A_196 : memref<1x1x64xf32, #tpu.memory_space<vmem>> -> memref<64xf32, #tpu.memory_space<vmem>>
    %dma_start3A_198 = arith.constant 0 : i32
    %dma_start3A_199 = tpu.memref_slice %arg4[%squeeze3A_192, %dma_start3A_198] : memref<1000000x64xf32, #tpu.memory_space<hbm>> -> memref<1x64xf32, #tpu.memory_space<hbm>>
    %dma_start3A_200 = tpu.memref_squeeze %dma_start3A_199 : memref<1x64xf32, #tpu.memory_space<hbm>> -> memref<64xf32, #tpu.memory_space<hbm>>
    %dma_start3A_201 = arith.constant 0 : i32
    %dma_start3A_202 = tpu.memref_slice %arg9[%dma_start3A_193, %dma_start3A_194, %dma_start3A_201] : memref<2x16x64xf32, #tpu.memory_space<vmem>> -> memref<1x1x64xf32, #tpu.memory_space<vmem>>
    %dma_start3A_203 = tpu.memref_squeeze %dma_start3A_202 : memref<1x1x64xf32, #tpu.memory_space<vmem>> -> memref<64xf32, #tpu.memory_space<vmem>>
    %dma_start3A_204 = arith.constant 0 : i32
    %dma_start3A_205 = tpu.memref_slice %arg4[%squeeze3A_192, %dma_start3A_204] : memref<1000000x64xf32, #tpu.memory_space<hbm>> -> memref<1x64xf32, #tpu.memory_space<hbm>>
    %dma_start3A_206 = tpu.memref_squeeze %dma_start3A_205 : memref<1x64xf32, #tpu.memory_space<hbm>> -> memref<64xf32, #tpu.memory_space<hbm>>
    tpu.enqueue_dma source(%dma_start3A_206 : memref<64xf32, #tpu.memory_space<hbm>>) target(%dma_start3A_203 : memref<64xf32, #tpu.memory_space<vmem>>) target_semaphore(%arg14 : memref<!tpu.dma_semaphore, #tpu.memory_space<semaphore_mem>>)
    %slice3A_207 = vector.extract_strided_slice %get3A_33 {offsets = [5], sizes = [1], strides = [1]} : vector<16xi32> to vector<1xi32>
    %squeeze3A_208 = vector.extract %slice3A_207[0] : i32 from vector<1xi32>
    %dma_start3A_209 = arith.constant 0 : i32
    %dma_start3A_210 = arith.constant 5 : i32
    %dma_start3A_211 = arith.constant 0 : i32
    %dma_start3A_212 = tpu.memref_slice %arg10[%dma_start3A_209, %dma_start3A_210, %dma_start3A_211] : memref<2x16x64xf32, #tpu.memory_space<vmem>> -> memref<1x1x64xf32, #tpu.memory_space<vmem>>
    %dma_start3A_213 = tpu.memref_squeeze %dma_start3A_212 : memref<1x1x64xf32, #tpu.memory_space<vmem>> -> memref<64xf32, #tpu.memory_space<vmem>>
    %dma_start3A_214 = arith.constant 0 : i32
    %dma_start3A_215 = tpu.memref_slice %arg4[%squeeze3A_208, %dma_start3A_214] : memref<1000000x64xf32, #tpu.memory_space<hbm>> -> memref<1x64xf32, #tpu.memory_space<hbm>>
    %dma_start3A_216 = tpu.memref_squeeze %dma_start3A_215 : memref<1x64xf32, #tpu.memory_space<hbm>> -> memref<64xf32, #tpu.memory_space<hbm>>
    %dma_start3A_217 = arith.constant 0 : i32
    %dma_start3A_218 = tpu.memref_slice %arg10[%dma_start3A_209, %dma_start3A_210, %dma_start3A_217] : memref<2x16x64xf32, #tpu.memory_space<vmem>> -> memref<1x1x64xf32, #tpu.memory_space<vmem>>
    %dma_start3A_219 = tpu.memref_squeeze %dma_start3A_218 : memref<1x1x64xf32, #tpu.memory_space<vmem>> -> memref<64xf32, #tpu.memory_space<vmem>>
    %dma_start3A_220 = arith.constant 0 : i32
    %dma_start3A_221 = tpu.memref_slice %arg4[%squeeze3A_208, %dma_start3A_220] : memref<1000000x64xf32, #tpu.memory_space<hbm>> -> memref<1x64xf32, #tpu.memory_space<hbm>>
    %dma_start3A_222 = tpu.memref_squeeze %dma_start3A_221 : memref<1x64xf32, #tpu.memory_space<hbm>> -> memref<64xf32, #tpu.memory_space<hbm>>
    tpu.enqueue_dma source(%dma_start3A_222 : memref<64xf32, #tpu.memory_space<hbm>>) target(%dma_start3A_219 : memref<64xf32, #tpu.memory_space<vmem>>) target_semaphore(%arg14 : memref<!tpu.dma_semaphore, #tpu.memory_space<semaphore_mem>>)
    %slice3A_223 = vector.extract_strided_slice %get3A_31 {offsets = [6], sizes = [1], strides = [1]} : vector<16xi32> to vector<1xi32>
    %squeeze3A_224 = vector.extract %slice3A_223[0] : i32 from vector<1xi32>
    %dma_start3A_225 = arith.constant 0 : i32
    %dma_start3A_226 = arith.constant 6 : i32
    %dma_start3A_227 = arith.constant 0 : i32
    %dma_start3A_228 = tpu.memref_slice %arg9[%dma_start3A_225, %dma_start3A_226, %dma_start3A_227] : memref<2x16x64xf32, #tpu.memory_space<vmem>> -> memref<1x1x64xf32, #tpu.memory_space<vmem>>
    %dma_start3A_229 = tpu.memref_squeeze %dma_start3A_228 : memref<1x1x64xf32, #tpu.memory_space<vmem>> -> memref<64xf32, #tpu.memory_space<vmem>>
    %dma_start3A_230 = arith.constant 0 : i32
    %dma_start3A_231 = tpu.memref_slice %arg4[%squeeze3A_224, %dma_start3A_230] : memref<1000000x64xf32, #tpu.memory_space<hbm>> -> memref<1x64xf32, #tpu.memory_space<hbm>>
    %dma_start3A_232 = tpu.memref_squeeze %dma_start3A_231 : memref<1x64xf32, #tpu.memory_space<hbm>> -> memref<64xf32, #tpu.memory_space<hbm>>
    %dma_start3A_233 = arith.constant 0 : i32
    %dma_start3A_234 = tpu.memref_slice %arg9[%dma_start3A_225, %dma_start3A_226, %dma_start3A_233] : memref<2x16x64xf32, #tpu.memory_space<vmem>> -> memref<1x1x64xf32, #tpu.memory_space<vmem>>
    %dma_start3A_235 = tpu.memref_squeeze %dma_start3A_234 : memref<1x1x64xf32, #tpu.memory_space<vmem>> -> memref<64xf32, #tpu.memory_space<vmem>>
    %dma_start3A_236 = arith.constant 0 : i32
    %dma_start3A_237 = tpu.memref_slice %arg4[%squeeze3A_224, %dma_start3A_236] : memref<1000000x64xf32, #tpu.memory_space<hbm>> -> memref<1x64xf32, #tpu.memory_space<hbm>>
    %dma_start3A_238 = tpu.memref_squeeze %dma_start3A_237 : memref<1x64xf32, #tpu.memory_space<hbm>> -> memref<64xf32, #tpu.memory_space<hbm>>
    tpu.enqueue_dma source(%dma_start3A_238 : memref<64xf32, #tpu.memory_space<hbm>>) target(%dma_start3A_235 : memref<64xf32, #tpu.memory_space<vmem>>) target_semaphore(%arg14 : memref<!tpu.dma_semaphore, #tpu.memory_space<semaphore_mem>>)
    %slice3A_239 = vector.extract_strided_slice %get3A_33 {offsets = [6], sizes = [1], strides = [1]} : vector<16xi32> to vector<1xi32>
    %squeeze3A_240 = vector.extract %slice3A_239[0] : i32 from vector<1xi32>
    %dma_start3A_241 = arith.constant 0 : i32
    %dma_start3A_242 = arith.constant 6 : i32
    %dma_start3A_243 = arith.constant 0 : i32
    %dma_start3A_244 = tpu.memref_slice %arg10[%dma_start3A_241, %dma_start3A_242, %dma_start3A_243] : memref<2x16x64xf32, #tpu.memory_space<vmem>> -> memref<1x1x64xf32, #tpu.memory_space<vmem>>
    %dma_start3A_245 = tpu.memref_squeeze %dma_start3A_244 : memref<1x1x64xf32, #tpu.memory_space<vmem>> -> memref<64xf32, #tpu.memory_space<vmem>>
    %dma_start3A_246 = arith.constant 0 : i32
    %dma_start3A_247 = tpu.memref_slice %arg4[%squeeze3A_240, %dma_start3A_246] : memref<1000000x64xf32, #tpu.memory_space<hbm>> -> memref<1x64xf32, #tpu.memory_space<hbm>>
    %dma_start3A_248 = tpu.memref_squeeze %dma_start3A_247 : memref<1x64xf32, #tpu.memory_space<hbm>> -> memref<64xf32, #tpu.memory_space<hbm>>
    %dma_start3A_249 = arith.constant 0 : i32
    %dma_start3A_250 = tpu.memref_slice %arg10[%dma_start3A_241, %dma_start3A_242, %dma_start3A_249] : memref<2x16x64xf32, #tpu.memory_space<vmem>> -> memref<1x1x64xf32, #tpu.memory_space<vmem>>
    %dma_start3A_251 = tpu.memref_squeeze %dma_start3A_250 : memref<1x1x64xf32, #tpu.memory_space<vmem>> -> memref<64xf32, #tpu.memory_space<vmem>>
    %dma_start3A_252 = arith.constant 0 : i32
    %dma_start3A_253 = tpu.memref_slice %arg4[%squeeze3A_240, %dma_start3A_252] : memref<1000000x64xf32, #tpu.memory_space<hbm>> -> memref<1x64xf32, #tpu.memory_space<hbm>>
    %dma_start3A_254 = tpu.memref_squeeze %dma_start3A_253 : memref<1x64xf32, #tpu.memory_space<hbm>> -> memref<64xf32, #tpu.memory_space<hbm>>
    tpu.enqueue_dma source(%dma_start3A_254 : memref<64xf32, #tpu.memory_space<hbm>>) target(%dma_start3A_251 : memref<64xf32, #tpu.memory_space<vmem>>) target_semaphore(%arg14 : memref<!tpu.dma_semaphore, #tpu.memory_space<semaphore_mem>>)
    %slice3A_255 = vector.extract_strided_slice %get3A_31 {offsets = [7], sizes = [1], strides = [1]} : vector<16xi32> to vector<1xi32>
    %squeeze3A_256 = vector.extract %slice3A_255[0] : i32 from vector<1xi32>
    %dma_start3A_257 = arith.constant 0 : i32
    %dma_start3A_258 = arith.constant 7 : i32
    %dma_start3A_259 = arith.constant 0 : i32
    %dma_start3A_260 = tpu.memref_slice %arg9[%dma_start3A_257, %dma_start3A_258, %dma_start3A_259] : memref<2x16x64xf32, #tpu.memory_space<vmem>> -> memref<1x1x64xf32, #tpu.memory_space<vmem>>
    %dma_start3A_261 = tpu.memref_squeeze %dma_start3A_260 : memref<1x1x64xf32, #tpu.memory_space<vmem>> -> memref<64xf32, #tpu.memory_space<vmem>>
    %dma_start3A_262 = arith.constant 0 : i32
    %dma_start3A_263 = tpu.memref_slice %arg4[%squeeze3A_256, %dma_start3A_262] : memref<1000000x64xf32, #tpu.memory_space<hbm>> -> memref<1x64xf32, #tpu.memory_space<hbm>>
    %dma_start3A_264 = tpu.memref_squeeze %dma_start3A_263 : memref<1x64xf32, #tpu.memory_space<hbm>> -> memref<64xf32, #tpu.memory_space<hbm>>
    %dma_start3A_265 = arith.constant 0 : i32
    %dma_start3A_266 = tpu.memref_slice %arg9[%dma_start3A_257, %dma_start3A_258, %dma_start3A_265] : memref<2x16x64xf32, #tpu.memory_space<vmem>> -> memref<1x1x64xf32, #tpu.memory_space<vmem>>
    %dma_start3A_267 = tpu.memref_squeeze %dma_start3A_266 : memref<1x1x64xf32, #tpu.memory_space<vmem>> -> memref<64xf32, #tpu.memory_space<vmem>>
    %dma_start3A_268 = arith.constant 0 : i32
    %dma_start3A_269 = tpu.memref_slice %arg4[%squeeze3A_256, %dma_start3A_268] : memref<1000000x64xf32, #tpu.memory_space<hbm>> -> memref<1x64xf32, #tpu.memory_space<hbm>>
    %dma_start3A_270 = tpu.memref_squeeze %dma_start3A_269 : memref<1x64xf32, #tpu.memory_space<hbm>> -> memref<64xf32, #tpu.memory_space<hbm>>
    tpu.enqueue_dma source(%dma_start3A_270 : memref<64xf32, #tpu.memory_space<hbm>>) target(%dma_start3A_267 : memref<64xf32, #tpu.memory_space<vmem>>) target_semaphore(%arg14 : memref<!tpu.dma_semaphore, #tpu.memory_space<semaphore_mem>>)
    %slice3A_271 = vector.extract_strided_slice %get3A_33 {offsets = [7], sizes = [1], strides = [1]} : vector<16xi32> to vector<1xi32>
    %squeeze3A_272 = vector.extract %slice3A_271[0] : i32 from vector<1xi32>
    %dma_start3A_273 = arith.constant 0 : i32
    %dma_start3A_274 = arith.constant 7 : i32
    %dma_start3A_275 = arith.constant 0 : i32
    %dma_start3A_276 = tpu.memref_slice %arg10[%dma_start3A_273, %dma_start3A_274, %dma_start3A_275] : memref<2x16x64xf32, #tpu.memory_space<vmem>> -> memref<1x1x64xf32, #tpu.memory_space<vmem>>
    %dma_start3A_277 = tpu.memref_squeeze %dma_start3A_276 : memref<1x1x64xf32, #tpu.memory_space<vmem>> -> memref<64xf32, #tpu.memory_space<vmem>>
    %dma_start3A_278 = arith.constant 0 : i32
    %dma_start3A_279 = tpu.memref_slice %arg4[%squeeze3A_272, %dma_start3A_278] : memref<1000000x64xf32, #tpu.memory_space<hbm>> -> memref<1x64xf32, #tpu.memory_space<hbm>>
    %dma_start3A_280 = tpu.memref_squeeze %dma_start3A_279 : memref<1x64xf32, #tpu.memory_space<hbm>> -> memref<64xf32, #tpu.memory_space<hbm>>
    %dma_start3A_281 = arith.constant 0 : i32
    %dma_start3A_282 = tpu.memref_slice %arg10[%dma_start3A_273, %dma_start3A_274, %dma_start3A_281] : memref<2x16x64xf32, #tpu.memory_space<vmem>> -> memref<1x1x64xf32, #tpu.memory_space<vmem>>
    %dma_start3A_283 = tpu.memref_squeeze %dma_start3A_282 : memref<1x1x64xf32, #tpu.memory_space<vmem>> -> memref<64xf32, #tpu.memory_space<vmem>>
    %dma_start3A_284 = arith.constant 0 : i32
    %dma_start3A_285 = tpu.memref_slice %arg4[%squeeze3A_272, %dma_start3A_284] : memref<1000000x64xf32, #tpu.memory_space<hbm>> -> memref<1x64xf32, #tpu.memory_space<hbm>>
    %dma_start3A_286 = tpu.memref_squeeze %dma_start3A_285 : memref<1x64xf32, #tpu.memory_space<hbm>> -> memref<64xf32, #tpu.memory_space<hbm>>
    tpu.enqueue_dma source(%dma_start3A_286 : memref<64xf32, #tpu.memory_space<hbm>>) target(%dma_start3A_283 : memref<64xf32, #tpu.memory_space<vmem>>) target_semaphore(%arg14 : memref<!tpu.dma_semaphore, #tpu.memory_space<semaphore_mem>>)
    %slice3A_287 = vector.extract_strided_slice %get3A_31 {offsets = [8], sizes = [1], strides = [1]} : vector<16xi32> to vector<1xi32>
    %squeeze3A_288 = vector.extract %slice3A_287[0] : i32 from vector<1xi32>
    %dma_start3A_289 = arith.constant 0 : i32
    %dma_start3A_290 = arith.constant 8 : i32
    %dma_start3A_291 = arith.constant 0 : i32
    %dma_start3A_292 = tpu.memref_slice %arg9[%dma_start3A_289, %dma_start3A_290, %dma_start3A_291] : memref<2x16x64xf32, #tpu.memory_space<vmem>> -> memref<1x1x64xf32, #tpu.memory_space<vmem>>
    %dma_start3A_293 = tpu.memref_squeeze %dma_start3A_292 : memref<1x1x64xf32, #tpu.memory_space<vmem>> -> memref<64xf32, #tpu.memory_space<vmem>>
    %dma_start3A_294 = arith.constant 0 : i32
    %dma_start3A_295 = tpu.memref_slice %arg4[%squeeze3A_288, %dma_start3A_294] : memref<1000000x64xf32, #tpu.memory_space<hbm>> -> memref<1x64xf32, #tpu.memory_space<hbm>>
    %dma_start3A_296 = tpu.memref_squeeze %dma_start3A_295 : memref<1x64xf32, #tpu.memory_space<hbm>> -> memref<64xf32, #tpu.memory_space<hbm>>
    %dma_start3A_297 = arith.constant 0 : i32
    %dma_start3A_298 = tpu.memref_slice %arg9[%dma_start3A_289, %dma_start3A_290, %dma_start3A_297] : memref<2x16x64xf32, #tpu.memory_space<vmem>> -> memref<1x1x64xf32, #tpu.memory_space<vmem>>
    %dma_start3A_299 = tpu.memref_squeeze %dma_start3A_298 : memref<1x1x64xf32, #tpu.memory_space<vmem>> -> memref<64xf32, #tpu.memory_space<vmem>>
    %dma_start3A_300 = arith.constant 0 : i32
    %dma_start3A_301 = tpu.memref_slice %arg4[%squeeze3A_288, %dma_start3A_300] : memref<1000000x64xf32, #tpu.memory_space<hbm>> -> memref<1x64xf32, #tpu.memory_space<hbm>>
    %dma_start3A_302 = tpu.memref_squeeze %dma_start3A_301 : memref<1x64xf32, #tpu.memory_space<hbm>> -> memref<64xf32, #tpu.memory_space<hbm>>
    tpu.enqueue_dma source(%dma_start3A_302 : memref<64xf32, #tpu.memory_space<hbm>>) target(%dma_start3A_299 : memref<64xf32, #tpu.memory_space<vmem>>) target_semaphore(%arg14 : memref<!tpu.dma_semaphore, #tpu.memory_space<semaphore_mem>>)
    %slice3A_303 = vector.extract_strided_slice %get3A_33 {offsets = [8], sizes = [1], strides = [1]} : vector<16xi32> to vector<1xi32>
    %squeeze3A_304 = vector.extract %slice3A_303[0] : i32 from vector<1xi32>
    %dma_start3A_305 = arith.constant 0 : i32
    %dma_start3A_306 = arith.constant 8 : i32
    %dma_start3A_307 = arith.constant 0 : i32
    %dma_start3A_308 = tpu.memref_slice %arg10[%dma_start3A_305, %dma_start3A_306, %dma_start3A_307] : memref<2x16x64xf32, #tpu.memory_space<vmem>> -> memref<1x1x64xf32, #tpu.memory_space<vmem>>
    %dma_start3A_309 = tpu.memref_squeeze %dma_start3A_308 : memref<1x1x64xf32, #tpu.memory_space<vmem>> -> memref<64xf32, #tpu.memory_space<vmem>>
    %dma_start3A_310 = arith.constant 0 : i32
    %dma_start3A_311 = tpu.memref_slice %arg4[%squeeze3A_304, %dma_start3A_310] : memref<1000000x64xf32, #tpu.memory_space<hbm>> -> memref<1x64xf32, #tpu.memory_space<hbm>>
    %dma_start3A_312 = tpu.memref_squeeze %dma_start3A_311 : memref<1x64xf32, #tpu.memory_space<hbm>> -> memref<64xf32, #tpu.memory_space<hbm>>
    %dma_start3A_313 = arith.constant 0 : i32
    %dma_start3A_314 = tpu.memref_slice %arg10[%dma_start3A_305, %dma_start3A_306, %dma_start3A_313] : memref<2x16x64xf32, #tpu.memory_space<vmem>> -> memref<1x1x64xf32, #tpu.memory_space<vmem>>
    %dma_start3A_315 = tpu.memref_squeeze %dma_start3A_314 : memref<1x1x64xf32, #tpu.memory_space<vmem>> -> memref<64xf32, #tpu.memory_space<vmem>>
    %dma_start3A_316 = arith.constant 0 : i32
    %dma_start3A_317 = tpu.memref_slice %arg4[%squeeze3A_304, %dma_start3A_316] : memref<1000000x64xf32, #tpu.memory_space<hbm>> -> memref<1x64xf32, #tpu.memory_space<hbm>>
    %dma_start3A_318 = tpu.memref_squeeze %dma_start3A_317 : memref<1x64xf32, #tpu.memory_space<hbm>> -> memref<64xf32, #tpu.memory_space<hbm>>
    tpu.enqueue_dma source(%dma_start3A_318 : memref<64xf32, #tpu.memory_space<hbm>>) target(%dma_start3A_315 : memref<64xf32, #tpu.memory_space<vmem>>) target_semaphore(%arg14 : memref<!tpu.dma_semaphore, #tpu.memory_space<semaphore_mem>>)
    %slice3A_319 = vector.extract_strided_slice %get3A_31 {offsets = [9], sizes = [1], strides = [1]} : vector<16xi32> to vector<1xi32>
    %squeeze3A_320 = vector.extract %slice3A_319[0] : i32 from vector<1xi32>
    %dma_start3A_321 = arith.constant 0 : i32
    %dma_start3A_322 = arith.constant 9 : i32
    %dma_start3A_323 = arith.constant 0 : i32
    %dma_start3A_324 = tpu.memref_slice %arg9[%dma_start3A_321, %dma_start3A_322, %dma_start3A_323] : memref<2x16x64xf32, #tpu.memory_space<vmem>> -> memref<1x1x64xf32, #tpu.memory_space<vmem>>
    %dma_start3A_325 = tpu.memref_squeeze %dma_start3A_324 : memref<1x1x64xf32, #tpu.memory_space<vmem>> -> memref<64xf32, #tpu.memory_space<vmem>>
    %dma_start3A_326 = arith.constant 0 : i32
    %dma_start3A_327 = tpu.memref_slice %arg4[%squeeze3A_320, %dma_start3A_326] : memref<1000000x64xf32, #tpu.memory_space<hbm>> -> memref<1x64xf32, #tpu.memory_space<hbm>>
    %dma_start3A_328 = tpu.memref_squeeze %dma_start3A_327 : memref<1x64xf32, #tpu.memory_space<hbm>> -> memref<64xf32, #tpu.memory_space<hbm>>
    %dma_start3A_329 = arith.constant 0 : i32
    %dma_start3A_330 = tpu.memref_slice %arg9[%dma_start3A_321, %dma_start3A_322, %dma_start3A_329] : memref<2x16x64xf32, #tpu.memory_space<vmem>> -> memref<1x1x64xf32, #tpu.memory_space<vmem>>
    %dma_start3A_331 = tpu.memref_squeeze %dma_start3A_330 : memref<1x1x64xf32, #tpu.memory_space<vmem>> -> memref<64xf32, #tpu.memory_space<vmem>>
    %dma_start3A_332 = arith.constant 0 : i32
    %dma_start3A_333 = tpu.memref_slice %arg4[%squeeze3A_320, %dma_start3A_332] : memref<1000000x64xf32, #tpu.memory_space<hbm>> -> memref<1x64xf32, #tpu.memory_space<hbm>>
    %dma_start3A_334 = tpu.memref_squeeze %dma_start3A_333 : memref<1x64xf32, #tpu.memory_space<hbm>> -> memref<64xf32, #tpu.memory_space<hbm>>
    tpu.enqueue_dma source(%dma_start3A_334 : memref<64xf32, #tpu.memory_space<hbm>>) target(%dma_start3A_331 : memref<64xf32, #tpu.memory_space<vmem>>) target_semaphore(%arg14 : memref<!tpu.dma_semaphore, #tpu.memory_space<semaphore_mem>>)
    %slice3A_335 = vector.extract_strided_slice %get3A_33 {offsets = [9], sizes = [1], strides = [1]} : vector<16xi32> to vector<1xi32>
    %squeeze3A_336 = vector.extract %slice3A_335[0] : i32 from vector<1xi32>
    %dma_start3A_337 = arith.constant 0 : i32
    %dma_start3A_338 = arith.constant 9 : i32
    %dma_start3A_339 = arith.constant 0 : i32
    %dma_start3A_340 = tpu.memref_slice %arg10[%dma_start3A_337, %dma_start3A_338, %dma_start3A_339] : memref<2x16x64xf32, #tpu.memory_space<vmem>> -> memref<1x1x64xf32, #tpu.memory_space<vmem>>
    %dma_start3A_341 = tpu.memref_squeeze %dma_start3A_340 : memref<1x1x64xf32, #tpu.memory_space<vmem>> -> memref<64xf32, #tpu.memory_space<vmem>>
    %dma_start3A_342 = arith.constant 0 : i32
    %dma_start3A_343 = tpu.memref_slice %arg4[%squeeze3A_336, %dma_start3A_342] : memref<1000000x64xf32, #tpu.memory_space<hbm>> -> memref<1x64xf32, #tpu.memory_space<hbm>>
    %dma_start3A_344 = tpu.memref_squeeze %dma_start3A_343 : memref<1x64xf32, #tpu.memory_space<hbm>> -> memref<64xf32, #tpu.memory_space<hbm>>
    %dma_start3A_345 = arith.constant 0 : i32
    %dma_start3A_346 = tpu.memref_slice %arg10[%dma_start3A_337, %dma_start3A_338, %dma_start3A_345] : memref<2x16x64xf32, #tpu.memory_space<vmem>> -> memref<1x1x64xf32, #tpu.memory_space<vmem>>
    %dma_start3A_347 = tpu.memref_squeeze %dma_start3A_346 : memref<1x1x64xf32, #tpu.memory_space<vmem>> -> memref<64xf32, #tpu.memory_space<vmem>>
    %dma_start3A_348 = arith.constant 0 : i32
    %dma_start3A_349 = tpu.memref_slice %arg4[%squeeze3A_336, %dma_start3A_348] : memref<1000000x64xf32, #tpu.memory_space<hbm>> -> memref<1x64xf32, #tpu.memory_space<hbm>>
    %dma_start3A_350 = tpu.memref_squeeze %dma_start3A_349 : memref<1x64xf32, #tpu.memory_space<hbm>> -> memref<64xf32, #tpu.memory_space<hbm>>
    tpu.enqueue_dma source(%dma_start3A_350 : memref<64xf32, #tpu.memory_space<hbm>>) target(%dma_start3A_347 : memref<64xf32, #tpu.memory_space<vmem>>) target_semaphore(%arg14 : memref<!tpu.dma_semaphore, #tpu.memory_space<semaphore_mem>>)
    %slice3A_351 = vector.extract_strided_slice %get3A_31 {offsets = [10], sizes = [1], strides = [1]} : vector<16xi32> to vector<1xi32>
    %squeeze3A_352 = vector.extract %slice3A_351[0] : i32 from vector<1xi32>
    %dma_start3A_353 = arith.constant 0 : i32
    %dma_start3A_354 = arith.constant 10 : i32
    %dma_start3A_355 = arith.constant 0 : i32
    %dma_start3A_356 = tpu.memref_slice %arg9[%dma_start3A_353, %dma_start3A_354, %dma_start3A_355] : memref<2x16x64xf32, #tpu.memory_space<vmem>> -> memref<1x1x64xf32, #tpu.memory_space<vmem>>
    %dma_start3A_357 = tpu.memref_squeeze %dma_start3A_356 : memref<1x1x64xf32, #tpu.memory_space<vmem>> -> memref<64xf32, #tpu.memory_space<vmem>>
    %dma_start3A_358 = arith.constant 0 : i32
    %dma_start3A_359 = tpu.memref_slice %arg4[%squeeze3A_352, %dma_start3A_358] : memref<1000000x64xf32, #tpu.memory_space<hbm>> -> memref<1x64xf32, #tpu.memory_space<hbm>>
    %dma_start3A_360 = tpu.memref_squeeze %dma_start3A_359 : memref<1x64xf32, #tpu.memory_space<hbm>> -> memref<64xf32, #tpu.memory_space<hbm>>
    %dma_start3A_361 = arith.constant 0 : i32
    %dma_start3A_362 = tpu.memref_slice %arg9[%dma_start3A_353, %dma_start3A_354, %dma_start3A_361] : memref<2x16x64xf32, #tpu.memory_space<vmem>> -> memref<1x1x64xf32, #tpu.memory_space<vmem>>
    %dma_start3A_363 = tpu.memref_squeeze %dma_start3A_362 : memref<1x1x64xf32, #tpu.memory_space<vmem>> -> memref<64xf32, #tpu.memory_space<vmem>>
    %dma_start3A_364 = arith.constant 0 : i32
    %dma_start3A_365 = tpu.memref_slice %arg4[%squeeze3A_352, %dma_start3A_364] : memref<1000000x64xf32, #tpu.memory_space<hbm>> -> memref<1x64xf32, #tpu.memory_space<hbm>>
    %dma_start3A_366 = tpu.memref_squeeze %dma_start3A_365 : memref<1x64xf32, #tpu.memory_space<hbm>> -> memref<64xf32, #tpu.memory_space<hbm>>
    tpu.enqueue_dma source(%dma_start3A_366 : memref<64xf32, #tpu.memory_space<hbm>>) target(%dma_start3A_363 : memref<64xf32, #tpu.memory_space<vmem>>) target_semaphore(%arg14 : memref<!tpu.dma_semaphore, #tpu.memory_space<semaphore_mem>>)
    %slice3A_367 = vector.extract_strided_slice %get3A_33 {offsets = [10], sizes = [1], strides = [1]} : vector<16xi32> to vector<1xi32>
    %squeeze3A_368 = vector.extract %slice3A_367[0] : i32 from vector<1xi32>
    %dma_start3A_369 = arith.constant 0 : i32
    %dma_start3A_370 = arith.constant 10 : i32
    %dma_start3A_371 = arith.constant 0 : i32
    %dma_start3A_372 = tpu.memref_slice %arg10[%dma_start3A_369, %dma_start3A_370, %dma_start3A_371] : memref<2x16x64xf32, #tpu.memory_space<vmem>> -> memref<1x1x64xf32, #tpu.memory_space<vmem>>
    %dma_start3A_373 = tpu.memref_squeeze %dma_start3A_372 : memref<1x1x64xf32, #tpu.memory_space<vmem>> -> memref<64xf32, #tpu.memory_space<vmem>>
    %dma_start3A_374 = arith.constant 0 : i32
    %dma_start3A_375 = tpu.memref_slice %arg4[%squeeze3A_368, %dma_start3A_374] : memref<1000000x64xf32, #tpu.memory_space<hbm>> -> memref<1x64xf32, #tpu.memory_space<hbm>>
    %dma_start3A_376 = tpu.memref_squeeze %dma_start3A_375 : memref<1x64xf32, #tpu.memory_space<hbm>> -> memref<64xf32, #tpu.memory_space<hbm>>
    %dma_start3A_377 = arith.constant 0 : i32
    %dma_start3A_378 = tpu.memref_slice %arg10[%dma_start3A_369, %dma_start3A_370, %dma_start3A_377] : memref<2x16x64xf32, #tpu.memory_space<vmem>> -> memref<1x1x64xf32, #tpu.memory_space<vmem>>
    %dma_start3A_379 = tpu.memref_squeeze %dma_start3A_378 : memref<1x1x64xf32, #tpu.memory_space<vmem>> -> memref<64xf32, #tpu.memory_space<vmem>>
    %dma_start3A_380 = arith.constant 0 : i32
    %dma_start3A_381 = tpu.memref_slice %arg4[%squeeze3A_368, %dma_start3A_380] : memref<1000000x64xf32, #tpu.memory_space<hbm>> -> memref<1x64xf32, #tpu.memory_space<hbm>>
    %dma_start3A_382 = tpu.memref_squeeze %dma_start3A_381 : memref<1x64xf32, #tpu.memory_space<hbm>> -> memref<64xf32, #tpu.memory_space<hbm>>
    tpu.enqueue_dma source(%dma_start3A_382 : memref<64xf32, #tpu.memory_space<hbm>>) target(%dma_start3A_379 : memref<64xf32, #tpu.memory_space<vmem>>) target_semaphore(%arg14 : memref<!tpu.dma_semaphore, #tpu.memory_space<semaphore_mem>>)
    %slice3A_383 = vector.extract_strided_slice %get3A_31 {offsets = [11], sizes = [1], strides = [1]} : vector<16xi32> to vector<1xi32>
    %squeeze3A_384 = vector.extract %slice3A_383[0] : i32 from vector<1xi32>
    %dma_start3A_385 = arith.constant 0 : i32
    %dma_start3A_386 = arith.constant 11 : i32
    %dma_start3A_387 = arith.constant 0 : i32
    %dma_start3A_388 = tpu.memref_slice %arg9[%dma_start3A_385, %dma_start3A_386, %dma_start3A_387] : memref<2x16x64xf32, #tpu.memory_space<vmem>> -> memref<1x1x64xf32, #tpu.memory_space<vmem>>
    %dma_start3A_389 = tpu.memref_squeeze %dma_start3A_388 : memref<1x1x64xf32, #tpu.memory_space<vmem>> -> memref<64xf32, #tpu.memory_space<vmem>>
    %dma_start3A_390 = arith.constant 0 : i32
    %dma_start3A_391 = tpu.memref_slice %arg4[%squeeze3A_384, %dma_start3A_390] : memref<1000000x64xf32, #tpu.memory_space<hbm>> -> memref<1x64xf32, #tpu.memory_space<hbm>>
    %dma_start3A_392 = tpu.memref_squeeze %dma_start3A_391 : memref<1x64xf32, #tpu.memory_space<hbm>> -> memref<64xf32, #tpu.memory_space<hbm>>
    %dma_start3A_393 = arith.constant 0 : i32
    %dma_start3A_394 = tpu.memref_slice %arg9[%dma_start3A_385, %dma_start3A_386, %dma_start3A_393] : memref<2x16x64xf32, #tpu.memory_space<vmem>> -> memref<1x1x64xf32, #tpu.memory_space<vmem>>
    %dma_start3A_395 = tpu.memref_squeeze %dma_start3A_394 : memref<1x1x64xf32, #tpu.memory_space<vmem>> -> memref<64xf32, #tpu.memory_space<vmem>>
    %dma_start3A_396 = arith.constant 0 : i32
    %dma_start3A_397 = tpu.memref_slice %arg4[%squeeze3A_384, %dma_start3A_396] : memref<1000000x64xf32, #tpu.memory_space<hbm>> -> memref<1x64xf32, #tpu.memory_space<hbm>>
    %dma_start3A_398 = tpu.memref_squeeze %dma_start3A_397 : memref<1x64xf32, #tpu.memory_space<hbm>> -> memref<64xf32, #tpu.memory_space<hbm>>
    tpu.enqueue_dma source(%dma_start3A_398 : memref<64xf32, #tpu.memory_space<hbm>>) target(%dma_start3A_395 : memref<64xf32, #tpu.memory_space<vmem>>) target_semaphore(%arg14 : memref<!tpu.dma_semaphore, #tpu.memory_space<semaphore_mem>>)
    %slice3A_399 = vector.extract_strided_slice %get3A_33 {offsets = [11], sizes = [1], strides = [1]} : vector<16xi32> to vector<1xi32>
    %squeeze3A_400 = vector.extract %slice3A_399[0] : i32 from vector<1xi32>
    %dma_start3A_401 = arith.constant 0 : i32
    %dma_start3A_402 = arith.constant 11 : i32
    %dma_start3A_403 = arith.constant 0 : i32
    %dma_start3A_404 = tpu.memref_slice %arg10[%dma_start3A_401, %dma_start3A_402, %dma_start3A_403] : memref<2x16x64xf32, #tpu.memory_space<vmem>> -> memref<1x1x64xf32, #tpu.memory_space<vmem>>
    %dma_start3A_405 = tpu.memref_squeeze %dma_start3A_404 : memref<1x1x64xf32, #tpu.memory_space<vmem>> -> memref<64xf32, #tpu.memory_space<vmem>>
    %dma_start3A_406 = arith.constant 0 : i32
    %dma_start3A_407 = tpu.memref_slice %arg4[%squeeze3A_400, %dma_start3A_406] : memref<1000000x64xf32, #tpu.memory_space<hbm>> -> memref<1x64xf32, #tpu.memory_space<hbm>>
    %dma_start3A_408 = tpu.memref_squeeze %dma_start3A_407 : memref<1x64xf32, #tpu.memory_space<hbm>> -> memref<64xf32, #tpu.memory_space<hbm>>
    %dma_start3A_409 = arith.constant 0 : i32
    %dma_start3A_410 = tpu.memref_slice %arg10[%dma_start3A_401, %dma_start3A_402, %dma_start3A_409] : memref<2x16x64xf32, #tpu.memory_space<vmem>> -> memref<1x1x64xf32, #tpu.memory_space<vmem>>
    %dma_start3A_411 = tpu.memref_squeeze %dma_start3A_410 : memref<1x1x64xf32, #tpu.memory_space<vmem>> -> memref<64xf32, #tpu.memory_space<vmem>>
    %dma_start3A_412 = arith.constant 0 : i32
    %dma_start3A_413 = tpu.memref_slice %arg4[%squeeze3A_400, %dma_start3A_412] : memref<1000000x64xf32, #tpu.memory_space<hbm>> -> memref<1x64xf32, #tpu.memory_space<hbm>>
    %dma_start3A_414 = tpu.memref_squeeze %dma_start3A_413 : memref<1x64xf32, #tpu.memory_space<hbm>> -> memref<64xf32, #tpu.memory_space<hbm>>
    tpu.enqueue_dma source(%dma_start3A_414 : memref<64xf32, #tpu.memory_space<hbm>>) target(%dma_start3A_411 : memref<64xf32, #tpu.memory_space<vmem>>) target_semaphore(%arg14 : memref<!tpu.dma_semaphore, #tpu.memory_space<semaphore_mem>>)
    %slice3A_415 = vector.extract_strided_slice %get3A_31 {offsets = [12], sizes = [1], strides = [1]} : vector<16xi32> to vector<1xi32>
    %squeeze3A_416 = vector.extract %slice3A_415[0] : i32 from vector<1xi32>
    %dma_start3A_417 = arith.constant 0 : i32
    %dma_start3A_418 = arith.constant 12 : i32
    %dma_start3A_419 = arith.constant 0 : i32
    %dma_start3A_420 = tpu.memref_slice %arg9[%dma_start3A_417, %dma_start3A_418, %dma_start3A_419] : memref<2x16x64xf32, #tpu.memory_space<vmem>> -> memref<1x1x64xf32, #tpu.memory_space<vmem>>
    %dma_start3A_421 = tpu.memref_squeeze %dma_start3A_420 : memref<1x1x64xf32, #tpu.memory_space<vmem>> -> memref<64xf32, #tpu.memory_space<vmem>>
    %dma_start3A_422 = arith.constant 0 : i32
    %dma_start3A_423 = tpu.memref_slice %arg4[%squeeze3A_416, %dma_start3A_422] : memref<1000000x64xf32, #tpu.memory_space<hbm>> -> memref<1x64xf32, #tpu.memory_space<hbm>>
    %dma_start3A_424 = tpu.memref_squeeze %dma_start3A_423 : memref<1x64xf32, #tpu.memory_space<hbm>> -> memref<64xf32, #tpu.memory_space<hbm>>
    %dma_start3A_425 = arith.constant 0 : i32
    %dma_start3A_426 = tpu.memref_slice %arg9[%dma_start3A_417, %dma_start3A_418, %dma_start3A_425] : memref<2x16x64xf32, #tpu.memory_space<vmem>> -> memref<1x1x64xf32, #tpu.memory_space<vmem>>
    %dma_start3A_427 = tpu.memref_squeeze %dma_start3A_426 : memref<1x1x64xf32, #tpu.memory_space<vmem>> -> memref<64xf32, #tpu.memory_space<vmem>>
    %dma_start3A_428 = arith.constant 0 : i32
    %dma_start3A_429 = tpu.memref_slice %arg4[%squeeze3A_416, %dma_start3A_428] : memref<1000000x64xf32, #tpu.memory_space<hbm>> -> memref<1x64xf32, #tpu.memory_space<hbm>>
    %dma_start3A_430 = tpu.memref_squeeze %dma_start3A_429 : memref<1x64xf32, #tpu.memory_space<hbm>> -> memref<64xf32, #tpu.memory_space<hbm>>
    tpu.enqueue_dma source(%dma_start3A_430 : memref<64xf32, #tpu.memory_space<hbm>>) target(%dma_start3A_427 : memref<64xf32, #tpu.memory_space<vmem>>) target_semaphore(%arg14 : memref<!tpu.dma_semaphore, #tpu.memory_space<semaphore_mem>>)
    %slice3A_431 = vector.extract_strided_slice %get3A_33 {offsets = [12], sizes = [1], strides = [1]} : vector<16xi32> to vector<1xi32>
    %squeeze3A_432 = vector.extract %slice3A_431[0] : i32 from vector<1xi32>
    %dma_start3A_433 = arith.constant 0 : i32
    %dma_start3A_434 = arith.constant 12 : i32
    %dma_start3A_435 = arith.constant 0 : i32
    %dma_start3A_436 = tpu.memref_slice %arg10[%dma_start3A_433, %dma_start3A_434, %dma_start3A_435] : memref<2x16x64xf32, #tpu.memory_space<vmem>> -> memref<1x1x64xf32, #tpu.memory_space<vmem>>
    %dma_start3A_437 = tpu.memref_squeeze %dma_start3A_436 : memref<1x1x64xf32, #tpu.memory_space<vmem>> -> memref<64xf32, #tpu.memory_space<vmem>>
    %dma_start3A_438 = arith.constant 0 : i32
    %dma_start3A_439 = tpu.memref_slice %arg4[%squeeze3A_432, %dma_start3A_438] : memref<1000000x64xf32, #tpu.memory_space<hbm>> -> memref<1x64xf32, #tpu.memory_space<hbm>>
    %dma_start3A_440 = tpu.memref_squeeze %dma_start3A_439 : memref<1x64xf32, #tpu.memory_space<hbm>> -> memref<64xf32, #tpu.memory_space<hbm>>
    %dma_start3A_441 = arith.constant 0 : i32
    %dma_start3A_442 = tpu.memref_slice %arg10[%dma_start3A_433, %dma_start3A_434, %dma_start3A_441] : memref<2x16x64xf32, #tpu.memory_space<vmem>> -> memref<1x1x64xf32, #tpu.memory_space<vmem>>
    %dma_start3A_443 = tpu.memref_squeeze %dma_start3A_442 : memref<1x1x64xf32, #tpu.memory_space<vmem>> -> memref<64xf32, #tpu.memory_space<vmem>>
    %dma_start3A_444 = arith.constant 0 : i32
    %dma_start3A_445 = tpu.memref_slice %arg4[%squeeze3A_432, %dma_start3A_444] : memref<1000000x64xf32, #tpu.memory_space<hbm>> -> memref<1x64xf32, #tpu.memory_space<hbm>>
    %dma_start3A_446 = tpu.memref_squeeze %dma_start3A_445 : memref<1x64xf32, #tpu.memory_space<hbm>> -> memref<64xf32, #tpu.memory_space<hbm>>
    tpu.enqueue_dma source(%dma_start3A_446 : memref<64xf32, #tpu.memory_space<hbm>>) target(%dma_start3A_443 : memref<64xf32, #tpu.memory_space<vmem>>) target_semaphore(%arg14 : memref<!tpu.dma_semaphore, #tpu.memory_space<semaphore_mem>>)
    %slice3A_447 = vector.extract_strided_slice %get3A_31 {offsets = [13], sizes = [1], strides = [1]} : vector<16xi32> to vector<1xi32>
    %squeeze3A_448 = vector.extract %slice3A_447[0] : i32 from vector<1xi32>
    %dma_start3A_449 = arith.constant 0 : i32
    %dma_start3A_450 = arith.constant 13 : i32
    %dma_start3A_451 = arith.constant 0 : i32
    %dma_start3A_452 = tpu.memref_slice %arg9[%dma_start3A_449, %dma_start3A_450, %dma_start3A_451] : memref<2x16x64xf32, #tpu.memory_space<vmem>> -> memref<1x1x64xf32, #tpu.memory_space<vmem>>
    %dma_start3A_453 = tpu.memref_squeeze %dma_start3A_452 : memref<1x1x64xf32, #tpu.memory_space<vmem>> -> memref<64xf32, #tpu.memory_space<vmem>>
    %dma_start3A_454 = arith.constant 0 : i32
    %dma_start3A_455 = tpu.memref_slice %arg4[%squeeze3A_448, %dma_start3A_454] : memref<1000000x64xf32, #tpu.memory_space<hbm>> -> memref<1x64xf32, #tpu.memory_space<hbm>>
    %dma_start3A_456 = tpu.memref_squeeze %dma_start3A_455 : memref<1x64xf32, #tpu.memory_space<hbm>> -> memref<64xf32, #tpu.memory_space<hbm>>
    %dma_start3A_457 = arith.constant 0 : i32
    %dma_start3A_458 = tpu.memref_slice %arg9[%dma_start3A_449, %dma_start3A_450, %dma_start3A_457] : memref<2x16x64xf32, #tpu.memory_space<vmem>> -> memref<1x1x64xf32, #tpu.memory_space<vmem>>
    %dma_start3A_459 = tpu.memref_squeeze %dma_start3A_458 : memref<1x1x64xf32, #tpu.memory_space<vmem>> -> memref<64xf32, #tpu.memory_space<vmem>>
    %dma_start3A_460 = arith.constant 0 : i32
    %dma_start3A_461 = tpu.memref_slice %arg4[%squeeze3A_448, %dma_start3A_460] : memref<1000000x64xf32, #tpu.memory_space<hbm>> -> memref<1x64xf32, #tpu.memory_space<hbm>>
    %dma_start3A_462 = tpu.memref_squeeze %dma_start3A_461 : memref<1x64xf32, #tpu.memory_space<hbm>> -> memref<64xf32, #tpu.memory_space<hbm>>
    tpu.enqueue_dma source(%dma_start3A_462 : memref<64xf32, #tpu.memory_space<hbm>>) target(%dma_start3A_459 : memref<64xf32, #tpu.memory_space<vmem>>) target_semaphore(%arg14 : memref<!tpu.dma_semaphore, #tpu.memory_space<semaphore_mem>>)
    %slice3A_463 = vector.extract_strided_slice %get3A_33 {offsets = [13], sizes = [1], strides = [1]} : vector<16xi32> to vector<1xi32>
    %squeeze3A_464 = vector.extract %slice3A_463[0] : i32 from vector<1xi32>
    %dma_start3A_465 = arith.constant 0 : i32
    %dma_start3A_466 = arith.constant 13 : i32
    %dma_start3A_467 = arith.constant 0 : i32
    %dma_start3A_468 = tpu.memref_slice %arg10[%dma_start3A_465, %dma_start3A_466, %dma_start3A_467] : memref<2x16x64xf32, #tpu.memory_space<vmem>> -> memref<1x1x64xf32, #tpu.memory_space<vmem>>
    %dma_start3A_469 = tpu.memref_squeeze %dma_start3A_468 : memref<1x1x64xf32, #tpu.memory_space<vmem>> -> memref<64xf32, #tpu.memory_space<vmem>>
    %dma_start3A_470 = arith.constant 0 : i32
    %dma_start3A_471 = tpu.memref_slice %arg4[%squeeze3A_464, %dma_start3A_470] : memref<1000000x64xf32, #tpu.memory_space<hbm>> -> memref<1x64xf32, #tpu.memory_space<hbm>>
    %dma_start3A_472 = tpu.memref_squeeze %dma_start3A_471 : memref<1x64xf32, #tpu.memory_space<hbm>> -> memref<64xf32, #tpu.memory_space<hbm>>
    %dma_start3A_473 = arith.constant 0 : i32
    %dma_start3A_474 = tpu.memref_slice %arg10[%dma_start3A_465, %dma_start3A_466, %dma_start3A_473] : memref<2x16x64xf32, #tpu.memory_space<vmem>> -> memref<1x1x64xf32, #tpu.memory_space<vmem>>
    %dma_start3A_475 = tpu.memref_squeeze %dma_start3A_474 : memref<1x1x64xf32, #tpu.memory_space<vmem>> -> memref<64xf32, #tpu.memory_space<vmem>>
    %dma_start3A_476 = arith.constant 0 : i32
    %dma_start3A_477 = tpu.memref_slice %arg4[%squeeze3A_464, %dma_start3A_476] : memref<1000000x64xf32, #tpu.memory_space<hbm>> -> memref<1x64xf32, #tpu.memory_space<hbm>>
    %dma_start3A_478 = tpu.memref_squeeze %dma_start3A_477 : memref<1x64xf32, #tpu.memory_space<hbm>> -> memref<64xf32, #tpu.memory_space<hbm>>
    tpu.enqueue_dma source(%dma_start3A_478 : memref<64xf32, #tpu.memory_space<hbm>>) target(%dma_start3A_475 : memref<64xf32, #tpu.memory_space<vmem>>) target_semaphore(%arg14 : memref<!tpu.dma_semaphore, #tpu.memory_space<semaphore_mem>>)
    %slice3A_479 = vector.extract_strided_slice %get3A_31 {offsets = [14], sizes = [1], strides = [1]} : vector<16xi32> to vector<1xi32>
    %squeeze3A_480 = vector.extract %slice3A_479[0] : i32 from vector<1xi32>
    %dma_start3A_481 = arith.constant 0 : i32
    %dma_start3A_482 = arith.constant 14 : i32
    %dma_start3A_483 = arith.constant 0 : i32
    %dma_start3A_484 = tpu.memref_slice %arg9[%dma_start3A_481, %dma_start3A_482, %dma_start3A_483] : memref<2x16x64xf32, #tpu.memory_space<vmem>> -> memref<1x1x64xf32, #tpu.memory_space<vmem>>
    %dma_start3A_485 = tpu.memref_squeeze %dma_start3A_484 : memref<1x1x64xf32, #tpu.memory_space<vmem>> -> memref<64xf32, #tpu.memory_space<vmem>>
    %dma_start3A_486 = arith.constant 0 : i32
    %dma_start3A_487 = tpu.memref_slice %arg4[%squeeze3A_480, %dma_start3A_486] : memref<1000000x64xf32, #tpu.memory_space<hbm>> -> memref<1x64xf32, #tpu.memory_space<hbm>>
    %dma_start3A_488 = tpu.memref_squeeze %dma_start3A_487 : memref<1x64xf32, #tpu.memory_space<hbm>> -> memref<64xf32, #tpu.memory_space<hbm>>
    %dma_start3A_489 = arith.constant 0 : i32
    %dma_start3A_490 = tpu.memref_slice %arg9[%dma_start3A_481, %dma_start3A_482, %dma_start3A_489] : memref<2x16x64xf32, #tpu.memory_space<vmem>> -> memref<1x1x64xf32, #tpu.memory_space<vmem>>
    %dma_start3A_491 = tpu.memref_squeeze %dma_start3A_490 : memref<1x1x64xf32, #tpu.memory_space<vmem>> -> memref<64xf32, #tpu.memory_space<vmem>>
    %dma_start3A_492 = arith.constant 0 : i32
    %dma_start3A_493 = tpu.memref_slice %arg4[%squeeze3A_480, %dma_start3A_492] : memref<1000000x64xf32, #tpu.memory_space<hbm>> -> memref<1x64xf32, #tpu.memory_space<hbm>>
    %dma_start3A_494 = tpu.memref_squeeze %dma_start3A_493 : memref<1x64xf32, #tpu.memory_space<hbm>> -> memref<64xf32, #tpu.memory_space<hbm>>
    tpu.enqueue_dma source(%dma_start3A_494 : memref<64xf32, #tpu.memory_space<hbm>>) target(%dma_start3A_491 : memref<64xf32, #tpu.memory_space<vmem>>) target_semaphore(%arg14 : memref<!tpu.dma_semaphore, #tpu.memory_space<semaphore_mem>>)
    %slice3A_495 = vector.extract_strided_slice %get3A_33 {offsets = [14], sizes = [1], strides = [1]} : vector<16xi32> to vector<1xi32>
    %squeeze3A_496 = vector.extract %slice3A_495[0] : i32 from vector<1xi32>
    %dma_start3A_497 = arith.constant 0 : i32
    %dma_start3A_498 = arith.constant 14 : i32
    %dma_start3A_499 = arith.constant 0 : i32
    %dma_start3A_500 = tpu.memref_slice %arg10[%dma_start3A_497, %dma_start3A_498, %dma_start3A_499] : memref<2x16x64xf32, #tpu.memory_space<vmem>> -> memref<1x1x64xf32, #tpu.memory_space<vmem>>
    %dma_start3A_501 = tpu.memref_squeeze %dma_start3A_500 : memref<1x1x64xf32, #tpu.memory_space<vmem>> -> memref<64xf32, #tpu.memory_space<vmem>>
    %dma_start3A_502 = arith.constant 0 : i32
    %dma_start3A_503 = tpu.memref_slice %arg4[%squeeze3A_496, %dma_start3A_502] : memref<1000000x64xf32, #tpu.memory_space<hbm>> -> memref<1x64xf32, #tpu.memory_space<hbm>>
    %dma_start3A_504 = tpu.memref_squeeze %dma_start3A_503 : memref<1x64xf32, #tpu.memory_space<hbm>> -> memref<64xf32, #tpu.memory_space<hbm>>
    %dma_start3A_505 = arith.constant 0 : i32
    %dma_start3A_506 = tpu.memref_slice %arg10[%dma_start3A_497, %dma_start3A_498, %dma_start3A_505] : memref<2x16x64xf32, #tpu.memory_space<vmem>> -> memref<1x1x64xf32, #tpu.memory_space<vmem>>
    %dma_start3A_507 = tpu.memref_squeeze %dma_start3A_506 : memref<1x1x64xf32, #tpu.memory_space<vmem>> -> memref<64xf32, #tpu.memory_space<vmem>>
    %dma_start3A_508 = arith.constant 0 : i32
    %dma_start3A_509 = tpu.memref_slice %arg4[%squeeze3A_496, %dma_start3A_508] : memref<1000000x64xf32, #tpu.memory_space<hbm>> -> memref<1x64xf32, #tpu.memory_space<hbm>>
    %dma_start3A_510 = tpu.memref_squeeze %dma_start3A_509 : memref<1x64xf32, #tpu.memory_space<hbm>> -> memref<64xf32, #tpu.memory_space<hbm>>
    tpu.enqueue_dma source(%dma_start3A_510 : memref<64xf32, #tpu.memory_space<hbm>>) target(%dma_start3A_507 : memref<64xf32, #tpu.memory_space<vmem>>) target_semaphore(%arg14 : memref<!tpu.dma_semaphore, #tpu.memory_space<semaphore_mem>>)
    %slice3A_511 = vector.extract_strided_slice %get3A_31 {offsets = [15], sizes = [1], strides = [1]} : vector<16xi32> to vector<1xi32>
    %squeeze3A_512 = vector.extract %slice3A_511[0] : i32 from vector<1xi32>
    %dma_start3A_513 = arith.constant 0 : i32
    %dma_start3A_514 = arith.constant 15 : i32
    %dma_start3A_515 = arith.constant 0 : i32
    %dma_start3A_516 = tpu.memref_slice %arg9[%dma_start3A_513, %dma_start3A_514, %dma_start3A_515] : memref<2x16x64xf32, #tpu.memory_space<vmem>> -> memref<1x1x64xf32, #tpu.memory_space<vmem>>
    %dma_start3A_517 = tpu.memref_squeeze %dma_start3A_516 : memref<1x1x64xf32, #tpu.memory_space<vmem>> -> memref<64xf32, #tpu.memory_space<vmem>>
    %dma_start3A_518 = arith.constant 0 : i32
    %dma_start3A_519 = tpu.memref_slice %arg4[%squeeze3A_512, %dma_start3A_518] : memref<1000000x64xf32, #tpu.memory_space<hbm>> -> memref<1x64xf32, #tpu.memory_space<hbm>>
    %dma_start3A_520 = tpu.memref_squeeze %dma_start3A_519 : memref<1x64xf32, #tpu.memory_space<hbm>> -> memref<64xf32, #tpu.memory_space<hbm>>
    %dma_start3A_521 = arith.constant 0 : i32
    %dma_start3A_522 = tpu.memref_slice %arg9[%dma_start3A_513, %dma_start3A_514, %dma_start3A_521] : memref<2x16x64xf32, #tpu.memory_space<vmem>> -> memref<1x1x64xf32, #tpu.memory_space<vmem>>
    %dma_start3A_523 = tpu.memref_squeeze %dma_start3A_522 : memref<1x1x64xf32, #tpu.memory_space<vmem>> -> memref<64xf32, #tpu.memory_space<vmem>>
    %dma_start3A_524 = arith.constant 0 : i32
    %dma_start3A_525 = tpu.memref_slice %arg4[%squeeze3A_512, %dma_start3A_524] : memref<1000000x64xf32, #tpu.memory_space<hbm>> -> memref<1x64xf32, #tpu.memory_space<hbm>>
    %dma_start3A_526 = tpu.memref_squeeze %dma_start3A_525 : memref<1x64xf32, #tpu.memory_space<hbm>> -> memref<64xf32, #tpu.memory_space<hbm>>
    tpu.enqueue_dma source(%dma_start3A_526 : memref<64xf32, #tpu.memory_space<hbm>>) target(%dma_start3A_523 : memref<64xf32, #tpu.memory_space<vmem>>) target_semaphore(%arg14 : memref<!tpu.dma_semaphore, #tpu.memory_space<semaphore_mem>>)
    %slice3A_527 = vector.extract_strided_slice %get3A_33 {offsets = [15], sizes = [1], strides = [1]} : vector<16xi32> to vector<1xi32>
    %squeeze3A_528 = vector.extract %slice3A_527[0] : i32 from vector<1xi32>
    %dma_start3A_529 = arith.constant 0 : i32
    %dma_start3A_530 = arith.constant 15 : i32
    %dma_start3A_531 = arith.constant 0 : i32
    %dma_start3A_532 = tpu.memref_slice %arg10[%dma_start3A_529, %dma_start3A_530, %dma_start3A_531] : memref<2x16x64xf32, #tpu.memory_space<vmem>> -> memref<1x1x64xf32, #tpu.memory_space<vmem>>
    %dma_start3A_533 = tpu.memref_squeeze %dma_start3A_532 : memref<1x1x64xf32, #tpu.memory_space<vmem>> -> memref<64xf32, #tpu.memory_space<vmem>>
    %dma_start3A_534 = arith.constant 0 : i32
    %dma_start3A_535 = tpu.memref_slice %arg4[%squeeze3A_528, %dma_start3A_534] : memref<1000000x64xf32, #tpu.memory_space<hbm>> -> memref<1x64xf32, #tpu.memory_space<hbm>>
    %dma_start3A_536 = tpu.memref_squeeze %dma_start3A_535 : memref<1x64xf32, #tpu.memory_space<hbm>> -> memref<64xf32, #tpu.memory_space<hbm>>
    %dma_start3A_537 = arith.constant 0 : i32
    %dma_start3A_538 = tpu.memref_slice %arg10[%dma_start3A_529, %dma_start3A_530, %dma_start3A_537] : memref<2x16x64xf32, #tpu.memory_space<vmem>> -> memref<1x1x64xf32, #tpu.memory_space<vmem>>
    %dma_start3A_539 = tpu.memref_squeeze %dma_start3A_538 : memref<1x1x64xf32, #tpu.memory_space<vmem>> -> memref<64xf32, #tpu.memory_space<vmem>>
    %dma_start3A_540 = arith.constant 0 : i32
    %dma_start3A_541 = tpu.memref_slice %arg4[%squeeze3A_528, %dma_start3A_540] : memref<1000000x64xf32, #tpu.memory_space<hbm>> -> memref<1x64xf32, #tpu.memory_space<hbm>>
    %dma_start3A_542 = tpu.memref_squeeze %dma_start3A_541 : memref<1x64xf32, #tpu.memory_space<hbm>> -> memref<64xf32, #tpu.memory_space<hbm>>
    tpu.enqueue_dma source(%dma_start3A_542 : memref<64xf32, #tpu.memory_space<hbm>>) target(%dma_start3A_539 : memref<64xf32, #tpu.memory_space<vmem>>) target_semaphore(%arg14 : memref<!tpu.dma_semaphore, #tpu.memory_space<semaphore_mem>>)
    %scan3A = arith.constant 0 : i32
    %scan3A_543 = arith.constant 16 : i32
    %scan3A_544 = arith.addi %scan3A, %scan3A_543 : i32
    %scan3A_545 = arith.constant 1 : i32
    scf.for %scan3A_547 = %scan3A to %scan3A_544 step %scan3A_545  : i32 {
      %mul3A_548 = arith.constant 2 : i32
      %mul3A_549 = arith.muli %scan3A_547, %mul3A_548 : i32
      %add3A_550 = arith.constant 1 : i32
      %add3A_551 = arith.addi %mul3A_549, %add3A_550 : i32
      %mul3A_552 = arith.constant 16 : i32
      %mul3A_553 = arith.muli %add3A_551, %mul3A_552 : i32
      %get3A_554 = arith.index_cast %mul3A_553 : i32 to index
      %get3A_555 = tpu.vector_load %arg7[%get3A_554] {strides = array<i32>} : memref<512xi32, #tpu.memory_space<vmem>>, vector<16xi32>,
      %mul3A_556 = arith.constant 16 : i32
      %mul3A_557 = arith.muli %add3A_551, %mul3A_556 : i32
      %get3A_558 = arith.index_cast %mul3A_557 : i32 to index
      %get3A_559 = tpu.vector_load %arg8[%get3A_558] {strides = array<i32>} : memref<512xi32, #tpu.memory_space<vmem>>, vector<16xi32>,
      %slice3A_560 = vector.extract_strided_slice %get3A_555 {offsets = [0], sizes = [1], strides = [1]} : vector<16xi32> to vector<1xi32>
      %squeeze3A_561 = vector.extract %slice3A_560[0] : i32 from vector<1xi32>
      %dma_start3A_562 = arith.constant 1 : i32
      %dma_start3A_563 = arith.constant 0 : i32
      %dma_start3A_564 = arith.constant 0 : i32
      %dma_start3A_565 = tpu.memref_slice %arg9[%dma_start3A_562, %dma_start3A_563, %dma_start3A_564] : memref<2x16x64xf32, #tpu.memory_space<vmem>> -> memref<1x1x64xf32, #tpu.memory_space<vmem>>
      %dma_start3A_566 = tpu.memref_squeeze %dma_start3A_565 : memref<1x1x64xf32, #tpu.memory_space<vmem>> -> memref<64xf32, #tpu.memory_space<vmem>>
      %dma_start3A_567 = arith.constant 0 : i32
      %dma_start3A_568 = tpu.memref_slice %arg4[%squeeze3A_561, %dma_start3A_567] : memref<1000000x64xf32, #tpu.memory_space<hbm>> -> memref<1x64xf32, #tpu.memory_space<hbm>>
      %dma_start3A_569 = tpu.memref_squeeze %dma_start3A_568 : memref<1x64xf32, #tpu.memory_space<hbm>> -> memref<64xf32, #tpu.memory_space<hbm>>
      %dma_start3A_570 = arith.constant 0 : i32
      %dma_start3A_571 = tpu.memref_slice %arg9[%dma_start3A_562, %dma_start3A_563, %dma_start3A_570] : memref<2x16x64xf32, #tpu.memory_space<vmem>> -> memref<1x1x64xf32, #tpu.memory_space<vmem>>
      %dma_start3A_572 = tpu.memref_squeeze %dma_start3A_571 : memref<1x1x64xf32, #tpu.memory_space<vmem>> -> memref<64xf32, #tpu.memory_space<vmem>>
      %dma_start3A_573 = arith.constant 0 : i32
      %dma_start3A_574 = tpu.memref_slice %arg4[%squeeze3A_561, %dma_start3A_573] : memref<1000000x64xf32, #tpu.memory_space<hbm>> -> memref<1x64xf32, #tpu.memory_space<hbm>>
      %dma_start3A_575 = tpu.memref_squeeze %dma_start3A_574 : memref<1x64xf32, #tpu.memory_space<hbm>> -> memref<64xf32, #tpu.memory_space<hbm>>
      tpu.enqueue_dma source(%dma_start3A_575 : memref<64xf32, #tpu.memory_space<hbm>>) target(%dma_start3A_572 : memref<64xf32, #tpu.memory_space<vmem>>) target_semaphore(%arg15 : memref<!tpu.dma_semaphore, #tpu.memory_space<semaphore_mem>>)
      %slice3A_576 = vector.extract_strided_slice %get3A_559 {offsets = [0], sizes = [1], strides = [1]} : vector<16xi32> to vector<1xi32>
      %squeeze3A_577 = vector.extract %slice3A_576[0] : i32 from vector<1xi32>
      %dma_start3A_578 = arith.constant 1 : i32
      %dma_start3A_579 = arith.constant 0 : i32
      %dma_start3A_580 = arith.constant 0 : i32
      %dma_start3A_581 = tpu.memref_slice %arg10[%dma_start3A_578, %dma_start3A_579, %dma_start3A_580] : memref<2x16x64xf32, #tpu.memory_space<vmem>> -> memref<1x1x64xf32, #tpu.memory_space<vmem>>
      %dma_start3A_582 = tpu.memref_squeeze %dma_start3A_581 : memref<1x1x64xf32, #tpu.memory_space<vmem>> -> memref<64xf32, #tpu.memory_space<vmem>>
      %dma_start3A_583 = arith.constant 0 : i32
      %dma_start3A_584 = tpu.memref_slice %arg4[%squeeze3A_577, %dma_start3A_583] : memref<1000000x64xf32, #tpu.memory_space<hbm>> -> memref<1x64xf32, #tpu.memory_space<hbm>>
      %dma_start3A_585 = tpu.memref_squeeze %dma_start3A_584 : memref<1x64xf32, #tpu.memory_space<hbm>> -> memref<64xf32, #tpu.memory_space<hbm>>
      %dma_start3A_586 = arith.constant 0 : i32
      %dma_start3A_587 = tpu.memref_slice %arg10[%dma_start3A_578, %dma_start3A_579, %dma_start3A_586] : memref<2x16x64xf32, #tpu.memory_space<vmem>> -> memref<1x1x64xf32, #tpu.memory_space<vmem>>
      %dma_start3A_588 = tpu.memref_squeeze %dma_start3A_587 : memref<1x1x64xf32, #tpu.memory_space<vmem>> -> memref<64xf32, #tpu.memory_space<vmem>>
      %dma_start3A_589 = arith.constant 0 : i32
      %dma_start3A_590 = tpu.memref_slice %arg4[%squeeze3A_577, %dma_start3A_589] : memref<1000000x64xf32, #tpu.memory_space<hbm>> -> memref<1x64xf32, #tpu.memory_space<hbm>>
      %dma_start3A_591 = tpu.memref_squeeze %dma_start3A_590 : memref<1x64xf32, #tpu.memory_space<hbm>> -> memref<64xf32, #tpu.memory_space<hbm>>
      tpu.enqueue_dma source(%dma_start3A_591 : memref<64xf32, #tpu.memory_space<hbm>>) target(%dma_start3A_588 : memref<64xf32, #tpu.memory_space<vmem>>) target_semaphore(%arg15 : memref<!tpu.dma_semaphore, #tpu.memory_space<semaphore_mem>>)
      %slice3A_592 = vector.extract_strided_slice %get3A_555 {offsets = [1], sizes = [1], strides = [1]} : vector<16xi32> to vector<1xi32>
      %squeeze3A_593 = vector.extract %slice3A_592[0] : i32 from vector<1xi32>
      %dma_start3A_594 = arith.constant 1 : i32
      %dma_start3A_595 = arith.constant 1 : i32
      %dma_start3A_596 = arith.constant 0 : i32
      %dma_start3A_597 = tpu.memref_slice %arg9[%dma_start3A_594, %dma_start3A_595, %dma_start3A_596] : memref<2x16x64xf32, #tpu.memory_space<vmem>> -> memref<1x1x64xf32, #tpu.memory_space<vmem>>
      %dma_start3A_598 = tpu.memref_squeeze %dma_start3A_597 : memref<1x1x64xf32, #tpu.memory_space<vmem>> -> memref<64xf32, #tpu.memory_space<vmem>>
      %dma_start3A_599 = arith.constant 0 : i32
      %dma_start3A_600 = tpu.memref_slice %arg4[%squeeze3A_593, %dma_start3A_599] : memref<1000000x64xf32, #tpu.memory_space<hbm>> -> memref<1x64xf32, #tpu.memory_space<hbm>>
      %dma_start3A_601 = tpu.memref_squeeze %dma_start3A_600 : memref<1x64xf32, #tpu.memory_space<hbm>> -> memref<64xf32, #tpu.memory_space<hbm>>
      %dma_start3A_602 = arith.constant 0 : i32
      %dma_start3A_603 = tpu.memref_slice %arg9[%dma_start3A_594, %dma_start3A_595, %dma_start3A_602] : memref<2x16x64xf32, #tpu.memory_space<vmem>> -> memref<1x1x64xf32, #tpu.memory_space<vmem>>
      %dma_start3A_604 = tpu.memref_squeeze %dma_start3A_603 : memref<1x1x64xf32, #tpu.memory_space<vmem>> -> memref<64xf32, #tpu.memory_space<vmem>>
      %dma_start3A_605 = arith.constant 0 : i32
      %dma_start3A_606 = tpu.memref_slice %arg4[%squeeze3A_593, %dma_start3A_605] : memref<1000000x64xf32, #tpu.memory_space<hbm>> -> memref<1x64xf32, #tpu.memory_space<hbm>>
      %dma_start3A_607 = tpu.memref_squeeze %dma_start3A_606 : memref<1x64xf32, #tpu.memory_space<hbm>> -> memref<64xf32, #tpu.memory_space<hbm>>
      tpu.enqueue_dma source(%dma_start3A_607 : memref<64xf32, #tpu.memory_space<hbm>>) target(%dma_start3A_604 : memref<64xf32, #tpu.memory_space<vmem>>) target_semaphore(%arg15 : memref<!tpu.dma_semaphore, #tpu.memory_space<semaphore_mem>>)
      %slice3A_608 = vector.extract_strided_slice %get3A_559 {offsets = [1], sizes = [1], strides = [1]} : vector<16xi32> to vector<1xi32>
      %squeeze3A_609 = vector.extract %slice3A_608[0] : i32 from vector<1xi32>
      %dma_start3A_610 = arith.constant 1 : i32
      %dma_start3A_611 = arith.constant 1 : i32
      %dma_start3A_612 = arith.constant 0 : i32
      %dma_start3A_613 = tpu.memref_slice %arg10[%dma_start3A_610, %dma_start3A_611, %dma_start3A_612] : memref<2x16x64xf32, #tpu.memory_space<vmem>> -> memref<1x1x64xf32, #tpu.memory_space<vmem>>
      %dma_start3A_614 = tpu.memref_squeeze %dma_start3A_613 : memref<1x1x64xf32, #tpu.memory_space<vmem>> -> memref<64xf32, #tpu.memory_space<vmem>>
      %dma_start3A_615 = arith.constant 0 : i32
      %dma_start3A_616 = tpu.memref_slice %arg4[%squeeze3A_609, %dma_start3A_615] : memref<1000000x64xf32, #tpu.memory_space<hbm>> -> memref<1x64xf32, #tpu.memory_space<hbm>>
      %dma_start3A_617 = tpu.memref_squeeze %dma_start3A_616 : memref<1x64xf32, #tpu.memory_space<hbm>> -> memref<64xf32, #tpu.memory_space<hbm>>
      %dma_start3A_618 = arith.constant 0 : i32
      %dma_start3A_619 = tpu.memref_slice %arg10[%dma_start3A_610, %dma_start3A_611, %dma_start3A_618] : memref<2x16x64xf32, #tpu.memory_space<vmem>> -> memref<1x1x64xf32, #tpu.memory_space<vmem>>
      %dma_start3A_620 = tpu.memref_squeeze %dma_start3A_619 : memref<1x1x64xf32, #tpu.memory_space<vmem>> -> memref<64xf32, #tpu.memory_space<vmem>>
      %dma_start3A_621 = arith.constant 0 : i32
      %dma_start3A_622 = tpu.memref_slice %arg4[%squeeze3A_609, %dma_start3A_621] : memref<1000000x64xf32, #tpu.memory_space<hbm>> -> memref<1x64xf32, #tpu.memory_space<hbm>>
      %dma_start3A_623 = tpu.memref_squeeze %dma_start3A_622 : memref<1x64xf32, #tpu.memory_space<hbm>> -> memref<64xf32, #tpu.memory_space<hbm>>
      tpu.enqueue_dma source(%dma_start3A_623 : memref<64xf32, #tpu.memory_space<hbm>>) target(%dma_start3A_620 : memref<64xf32, #tpu.memory_space<vmem>>) target_semaphore(%arg15 : memref<!tpu.dma_semaphore, #tpu.memory_space<semaphore_mem>>)
      %slice3A_624 = vector.extract_strided_slice %get3A_555 {offsets = [2], sizes = [1], strides = [1]} : vector<16xi32> to vector<1xi32>
      %squeeze3A_625 = vector.extract %slice3A_624[0] : i32 from vector<1xi32>
      %dma_start3A_626 = arith.constant 1 : i32
      %dma_start3A_627 = arith.constant 2 : i32
      %dma_start3A_628 = arith.constant 0 : i32
      %dma_start3A_629 = tpu.memref_slice %arg9[%dma_start3A_626, %dma_start3A_627, %dma_start3A_628] : memref<2x16x64xf32, #tpu.memory_space<vmem>> -> memref<1x1x64xf32, #tpu.memory_space<vmem>>
      %dma_start3A_630 = tpu.memref_squeeze %dma_start3A_629 : memref<1x1x64xf32, #tpu.memory_space<vmem>> -> memref<64xf32, #tpu.memory_space<vmem>>
      %dma_start3A_631 = arith.constant 0 : i32
      %dma_start3A_632 = tpu.memref_slice %arg4[%squeeze3A_625, %dma_start3A_631] : memref<1000000x64xf32, #tpu.memory_space<hbm>> -> memref<1x64xf32, #tpu.memory_space<hbm>>
      %dma_start3A_633 = tpu.memref_squeeze %dma_start3A_632 : memref<1x64xf32, #tpu.memory_space<hbm>> -> memref<64xf32, #tpu.memory_space<hbm>>
      %dma_start3A_634 = arith.constant 0 : i32
      %dma_start3A_635 = tpu.memref_slice %arg9[%dma_start3A_626, %dma_start3A_627, %dma_start3A_634] : memref<2x16x64xf32, #tpu.memory_space<vmem>> -> memref<1x1x64xf32, #tpu.memory_space<vmem>>
      %dma_start3A_636 = tpu.memref_squeeze %dma_start3A_635 : memref<1x1x64xf32, #tpu.memory_space<vmem>> -> memref<64xf32, #tpu.memory_space<vmem>>
      %dma_start3A_637 = arith.constant 0 : i32
      %dma_start3A_638 = tpu.memref_slice %arg4[%squeeze3A_625, %dma_start3A_637] : memref<1000000x64xf32, #tpu.memory_space<hbm>> -> memref<1x64xf32, #tpu.memory_space<hbm>>
      %dma_start3A_639 = tpu.memref_squeeze %dma_start3A_638 : memref<1x64xf32, #tpu.memory_space<hbm>> -> memref<64xf32, #tpu.memory_space<hbm>>
      tpu.enqueue_dma source(%dma_start3A_639 : memref<64xf32, #tpu.memory_space<hbm>>) target(%dma_start3A_636 : memref<64xf32, #tpu.memory_space<vmem>>) target_semaphore(%arg15 : memref<!tpu.dma_semaphore, #tpu.memory_space<semaphore_mem>>)
      %slice3A_640 = vector.extract_strided_slice %get3A_559 {offsets = [2], sizes = [1], strides = [1]} : vector<16xi32> to vector<1xi32>
      %squeeze3A_641 = vector.extract %slice3A_640[0] : i32 from vector<1xi32>
      %dma_start3A_642 = arith.constant 1 : i32
      %dma_start3A_643 = arith.constant 2 : i32
      %dma_start3A_644 = arith.constant 0 : i32
      %dma_start3A_645 = tpu.memref_slice %arg10[%dma_start3A_642, %dma_start3A_643, %dma_start3A_644] : memref<2x16x64xf32, #tpu.memory_space<vmem>> -> memref<1x1x64xf32, #tpu.memory_space<vmem>>
      %dma_start3A_646 = tpu.memref_squeeze %dma_start3A_645 : memref<1x1x64xf32, #tpu.memory_space<vmem>> -> memref<64xf32, #tpu.memory_space<vmem>>
      %dma_start3A_647 = arith.constant 0 : i32
      %dma_start3A_648 = tpu.memref_slice %arg4[%squeeze3A_641, %dma_start3A_647] : memref<1000000x64xf32, #tpu.memory_space<hbm>> -> memref<1x64xf32, #tpu.memory_space<hbm>>
      %dma_start3A_649 = tpu.memref_squeeze %dma_start3A_648 : memref<1x64xf32, #tpu.memory_space<hbm>> -> memref<64xf32, #tpu.memory_space<hbm>>
      %dma_start3A_650 = arith.constant 0 : i32
      %dma_start3A_651 = tpu.memref_slice %arg10[%dma_start3A_642, %dma_start3A_643, %dma_start3A_650] : memref<2x16x64xf32, #tpu.memory_space<vmem>> -> memref<1x1x64xf32, #tpu.memory_space<vmem>>
      %dma_start3A_652 = tpu.memref_squeeze %dma_start3A_651 : memref<1x1x64xf32, #tpu.memory_space<vmem>> -> memref<64xf32, #tpu.memory_space<vmem>>
      %dma_start3A_653 = arith.constant 0 : i32
      %dma_start3A_654 = tpu.memref_slice %arg4[%squeeze3A_641, %dma_start3A_653] : memref<1000000x64xf32, #tpu.memory_space<hbm>> -> memref<1x64xf32, #tpu.memory_space<hbm>>
      %dma_start3A_655 = tpu.memref_squeeze %dma_start3A_654 : memref<1x64xf32, #tpu.memory_space<hbm>> -> memref<64xf32, #tpu.memory_space<hbm>>
      tpu.enqueue_dma source(%dma_start3A_655 : memref<64xf32, #tpu.memory_space<hbm>>) target(%dma_start3A_652 : memref<64xf32, #tpu.memory_space<vmem>>) target_semaphore(%arg15 : memref<!tpu.dma_semaphore, #tpu.memory_space<semaphore_mem>>)
      %slice3A_656 = vector.extract_strided_slice %get3A_555 {offsets = [3], sizes = [1], strides = [1]} : vector<16xi32> to vector<1xi32>
      %squeeze3A_657 = vector.extract %slice3A_656[0] : i32 from vector<1xi32>
      %dma_start3A_658 = arith.constant 1 : i32
      %dma_start3A_659 = arith.constant 3 : i32
      %dma_start3A_660 = arith.constant 0 : i32
      %dma_start3A_661 = tpu.memref_slice %arg9[%dma_start3A_658, %dma_start3A_659, %dma_start3A_660] : memref<2x16x64xf32, #tpu.memory_space<vmem>> -> memref<1x1x64xf32, #tpu.memory_space<vmem>>
      %dma_start3A_662 = tpu.memref_squeeze %dma_start3A_661 : memref<1x1x64xf32, #tpu.memory_space<vmem>> -> memref<64xf32, #tpu.memory_space<vmem>>
      %dma_start3A_663 = arith.constant 0 : i32
      %dma_start3A_664 = tpu.memref_slice %arg4[%squeeze3A_657, %dma_start3A_663] : memref<1000000x64xf32, #tpu.memory_space<hbm>> -> memref<1x64xf32, #tpu.memory_space<hbm>>
      %dma_start3A_665 = tpu.memref_squeeze %dma_start3A_664 : memref<1x64xf32, #tpu.memory_space<hbm>> -> memref<64xf32, #tpu.memory_space<hbm>>
      %dma_start3A_666 = arith.constant 0 : i32
      %dma_start3A_667 = tpu.memref_slice %arg9[%dma_start3A_658, %dma_start3A_659, %dma_start3A_666] : memref<2x16x64xf32, #tpu.memory_space<vmem>> -> memref<1x1x64xf32, #tpu.memory_space<vmem>>
      %dma_start3A_668 = tpu.memref_squeeze %dma_start3A_667 : memref<1x1x64xf32, #tpu.memory_space<vmem>> -> memref<64xf32, #tpu.memory_space<vmem>>
      %dma_start3A_669 = arith.constant 0 : i32
      %dma_start3A_670 = tpu.memref_slice %arg4[%squeeze3A_657, %dma_start3A_669] : memref<1000000x64xf32, #tpu.memory_space<hbm>> -> memref<1x64xf32, #tpu.memory_space<hbm>>
      %dma_start3A_671 = tpu.memref_squeeze %dma_start3A_670 : memref<1x64xf32, #tpu.memory_space<hbm>> -> memref<64xf32, #tpu.memory_space<hbm>>
      tpu.enqueue_dma source(%dma_start3A_671 : memref<64xf32, #tpu.memory_space<hbm>>) target(%dma_start3A_668 : memref<64xf32, #tpu.memory_space<vmem>>) target_semaphore(%arg15 : memref<!tpu.dma_semaphore, #tpu.memory_space<semaphore_mem>>)
      %slice3A_672 = vector.extract_strided_slice %get3A_559 {offsets = [3], sizes = [1], strides = [1]} : vector<16xi32> to vector<1xi32>
      %squeeze3A_673 = vector.extract %slice3A_672[0] : i32 from vector<1xi32>
      %dma_start3A_674 = arith.constant 1 : i32
      %dma_start3A_675 = arith.constant 3 : i32
      %dma_start3A_676 = arith.constant 0 : i32
      %dma_start3A_677 = tpu.memref_slice %arg10[%dma_start3A_674, %dma_start3A_675, %dma_start3A_676] : memref<2x16x64xf32, #tpu.memory_space<vmem>> -> memref<1x1x64xf32, #tpu.memory_space<vmem>>
      %dma_start3A_678 = tpu.memref_squeeze %dma_start3A_677 : memref<1x1x64xf32, #tpu.memory_space<vmem>> -> memref<64xf32, #tpu.memory_space<vmem>>
      %dma_start3A_679 = arith.constant 0 : i32
      %dma_start3A_680 = tpu.memref_slice %arg4[%squeeze3A_673, %dma_start3A_679] : memref<1000000x64xf32, #tpu.memory_space<hbm>> -> memref<1x64xf32, #tpu.memory_space<hbm>>
      %dma_start3A_681 = tpu.memref_squeeze %dma_start3A_680 : memref<1x64xf32, #tpu.memory_space<hbm>> -> memref<64xf32, #tpu.memory_space<hbm>>
      %dma_start3A_682 = arith.constant 0 : i32
      %dma_start3A_683 = tpu.memref_slice %arg10[%dma_start3A_674, %dma_start3A_675, %dma_start3A_682] : memref<2x16x64xf32, #tpu.memory_space<vmem>> -> memref<1x1x64xf32, #tpu.memory_space<vmem>>
      %dma_start3A_684 = tpu.memref_squeeze %dma_start3A_683 : memref<1x1x64xf32, #tpu.memory_space<vmem>> -> memref<64xf32, #tpu.memory_space<vmem>>
      %dma_start3A_685 = arith.constant 0 : i32
      %dma_start3A_686 = tpu.memref_slice %arg4[%squeeze3A_673, %dma_start3A_685] : memref<1000000x64xf32, #tpu.memory_space<hbm>> -> memref<1x64xf32, #tpu.memory_space<hbm>>
      %dma_start3A_687 = tpu.memref_squeeze %dma_start3A_686 : memref<1x64xf32, #tpu.memory_space<hbm>> -> memref<64xf32, #tpu.memory_space<hbm>>
      tpu.enqueue_dma source(%dma_start3A_687 : memref<64xf32, #tpu.memory_space<hbm>>) target(%dma_start3A_684 : memref<64xf32, #tpu.memory_space<vmem>>) target_semaphore(%arg15 : memref<!tpu.dma_semaphore, #tpu.memory_space<semaphore_mem>>)
      %slice3A_688 = vector.extract_strided_slice %get3A_555 {offsets = [4], sizes = [1], strides = [1]} : vector<16xi32> to vector<1xi32>
      %squeeze3A_689 = vector.extract %slice3A_688[0] : i32 from vector<1xi32>
      %dma_start3A_690 = arith.constant 1 : i32
      %dma_start3A_691 = arith.constant 4 : i32
      %dma_start3A_692 = arith.constant 0 : i32
      %dma_start3A_693 = tpu.memref_slice %arg9[%dma_start3A_690, %dma_start3A_691, %dma_start3A_692] : memref<2x16x64xf32, #tpu.memory_space<vmem>> -> memref<1x1x64xf32, #tpu.memory_space<vmem>>
      %dma_start3A_694 = tpu.memref_squeeze %dma_start3A_693 : memref<1x1x64xf32, #tpu.memory_space<vmem>> -> memref<64xf32, #tpu.memory_space<vmem>>
      %dma_start3A_695 = arith.constant 0 : i32
      %dma_start3A_696 = tpu.memref_slice %arg4[%squeeze3A_689, %dma_start3A_695] : memref<1000000x64xf32, #tpu.memory_space<hbm>> -> memref<1x64xf32, #tpu.memory_space<hbm>>
      %dma_start3A_697 = tpu.memref_squeeze %dma_start3A_696 : memref<1x64xf32, #tpu.memory_space<hbm>> -> memref<64xf32, #tpu.memory_space<hbm>>
      %dma_start3A_698 = arith.constant 0 : i32
      %dma_start3A_699 = tpu.memref_slice %arg9[%dma_start3A_690, %dma_start3A_691, %dma_start3A_698] : memref<2x16x64xf32, #tpu.memory_space<vmem>> -> memref<1x1x64xf32, #tpu.memory_space<vmem>>
      %dma_start3A_700 = tpu.memref_squeeze %dma_start3A_699 : memref<1x1x64xf32, #tpu.memory_space<vmem>> -> memref<64xf32, #tpu.memory_space<vmem>>
      %dma_start3A_701 = arith.constant 0 : i32
      %dma_start3A_702 = tpu.memref_slice %arg4[%squeeze3A_689, %dma_start3A_701] : memref<1000000x64xf32, #tpu.memory_space<hbm>> -> memref<1x64xf32, #tpu.memory_space<hbm>>
      %dma_start3A_703 = tpu.memref_squeeze %dma_start3A_702 : memref<1x64xf32, #tpu.memory_space<hbm>> -> memref<64xf32, #tpu.memory_space<hbm>>
      tpu.enqueue_dma source(%dma_start3A_703 : memref<64xf32, #tpu.memory_space<hbm>>) target(%dma_start3A_700 : memref<64xf32, #tpu.memory_space<vmem>>) target_semaphore(%arg15 : memref<!tpu.dma_semaphore, #tpu.memory_space<semaphore_mem>>)
      %slice3A_704 = vector.extract_strided_slice %get3A_559 {offsets = [4], sizes = [1], strides = [1]} : vector<16xi32> to vector<1xi32>
      %squeeze3A_705 = vector.extract %slice3A_704[0] : i32 from vector<1xi32>
      %dma_start3A_706 = arith.constant 1 : i32
      %dma_start3A_707 = arith.constant 4 : i32
      %dma_start3A_708 = arith.constant 0 : i32
      %dma_start3A_709 = tpu.memref_slice %arg10[%dma_start3A_706, %dma_start3A_707, %dma_start3A_708] : memref<2x16x64xf32, #tpu.memory_space<vmem>> -> memref<1x1x64xf32, #tpu.memory_space<vmem>>
      %dma_start3A_710 = tpu.memref_squeeze %dma_start3A_709 : memref<1x1x64xf32, #tpu.memory_space<vmem>> -> memref<64xf32, #tpu.memory_space<vmem>>
      %dma_start3A_711 = arith.constant 0 : i32
      %dma_start3A_712 = tpu.memref_slice %arg4[%squeeze3A_705, %dma_start3A_711] : memref<1000000x64xf32, #tpu.memory_space<hbm>> -> memref<1x64xf32, #tpu.memory_space<hbm>>
      %dma_start3A_713 = tpu.memref_squeeze %dma_start3A_712 : memref<1x64xf32, #tpu.memory_space<hbm>> -> memref<64xf32, #tpu.memory_space<hbm>>
      %dma_start3A_714 = arith.constant 0 : i32
      %dma_start3A_715 = tpu.memref_slice %arg10[%dma_start3A_706, %dma_start3A_707, %dma_start3A_714] : memref<2x16x64xf32, #tpu.memory_space<vmem>> -> memref<1x1x64xf32, #tpu.memory_space<vmem>>
      %dma_start3A_716 = tpu.memref_squeeze %dma_start3A_715 : memref<1x1x64xf32, #tpu.memory_space<vmem>> -> memref<64xf32, #tpu.memory_space<vmem>>
      %dma_start3A_717 = arith.constant 0 : i32
      %dma_start3A_718 = tpu.memref_slice %arg4[%squeeze3A_705, %dma_start3A_717] : memref<1000000x64xf32, #tpu.memory_space<hbm>> -> memref<1x64xf32, #tpu.memory_space<hbm>>
      %dma_start3A_719 = tpu.memref_squeeze %dma_start3A_718 : memref<1x64xf32, #tpu.memory_space<hbm>> -> memref<64xf32, #tpu.memory_space<hbm>>
      tpu.enqueue_dma source(%dma_start3A_719 : memref<64xf32, #tpu.memory_space<hbm>>) target(%dma_start3A_716 : memref<64xf32, #tpu.memory_space<vmem>>) target_semaphore(%arg15 : memref<!tpu.dma_semaphore, #tpu.memory_space<semaphore_mem>>)
      %slice3A_720 = vector.extract_strided_slice %get3A_555 {offsets = [5], sizes = [1], strides = [1]} : vector<16xi32> to vector<1xi32>
      %squeeze3A_721 = vector.extract %slice3A_720[0] : i32 from vector<1xi32>
      %dma_start3A_722 = arith.constant 1 : i32
      %dma_start3A_723 = arith.constant 5 : i32
      %dma_start3A_724 = arith.constant 0 : i32
      %dma_start3A_725 = tpu.memref_slice %arg9[%dma_start3A_722, %dma_start3A_723, %dma_start3A_724] : memref<2x16x64xf32, #tpu.memory_space<vmem>> -> memref<1x1x64xf32, #tpu.memory_space<vmem>>
      %dma_start3A_726 = tpu.memref_squeeze %dma_start3A_725 : memref<1x1x64xf32, #tpu.memory_space<vmem>> -> memref<64xf32, #tpu.memory_space<vmem>>
      %dma_start3A_727 = arith.constant 0 : i32
      %dma_start3A_728 = tpu.memref_slice %arg4[%squeeze3A_721, %dma_start3A_727] : memref<1000000x64xf32, #tpu.memory_space<hbm>> -> memref<1x64xf32, #tpu.memory_space<hbm>>
      %dma_start3A_729 = tpu.memref_squeeze %dma_start3A_728 : memref<1x64xf32, #tpu.memory_space<hbm>> -> memref<64xf32, #tpu.memory_space<hbm>>
      %dma_start3A_730 = arith.constant 0 : i32
      %dma_start3A_731 = tpu.memref_slice %arg9[%dma_start3A_722, %dma_start3A_723, %dma_start3A_730] : memref<2x16x64xf32, #tpu.memory_space<vmem>> -> memref<1x1x64xf32, #tpu.memory_space<vmem>>
      %dma_start3A_732 = tpu.memref_squeeze %dma_start3A_731 : memref<1x1x64xf32, #tpu.memory_space<vmem>> -> memref<64xf32, #tpu.memory_space<vmem>>
      %dma_start3A_733 = arith.constant 0 : i32
      %dma_start3A_734 = tpu.memref_slice %arg4[%squeeze3A_721, %dma_start3A_733] : memref<1000000x64xf32, #tpu.memory_space<hbm>> -> memref<1x64xf32, #tpu.memory_space<hbm>>
      %dma_start3A_735 = tpu.memref_squeeze %dma_start3A_734 : memref<1x64xf32, #tpu.memory_space<hbm>> -> memref<64xf32, #tpu.memory_space<hbm>>
      tpu.enqueue_dma source(%dma_start3A_735 : memref<64xf32, #tpu.memory_space<hbm>>) target(%dma_start3A_732 : memref<64xf32, #tpu.memory_space<vmem>>) target_semaphore(%arg15 : memref<!tpu.dma_semaphore, #tpu.memory_space<semaphore_mem>>)
      %slice3A_736 = vector.extract_strided_slice %get3A_559 {offsets = [5], sizes = [1], strides = [1]} : vector<16xi32> to vector<1xi32>
      %squeeze3A_737 = vector.extract %slice3A_736[0] : i32 from vector<1xi32>
      %dma_start3A_738 = arith.constant 1 : i32
      %dma_start3A_739 = arith.constant 5 : i32
      %dma_start3A_740 = arith.constant 0 : i32
      %dma_start3A_741 = tpu.memref_slice %arg10[%dma_start3A_738, %dma_start3A_739, %dma_start3A_740] : memref<2x16x64xf32, #tpu.memory_space<vmem>> -> memref<1x1x64xf32, #tpu.memory_space<vmem>>
      %dma_start3A_742 = tpu.memref_squeeze %dma_start3A_741 : memref<1x1x64xf32, #tpu.memory_space<vmem>> -> memref<64xf32, #tpu.memory_space<vmem>>
      %dma_start3A_743 = arith.constant 0 : i32
      %dma_start3A_744 = tpu.memref_slice %arg4[%squeeze3A_737, %dma_start3A_743] : memref<1000000x64xf32, #tpu.memory_space<hbm>> -> memref<1x64xf32, #tpu.memory_space<hbm>>
      %dma_start3A_745 = tpu.memref_squeeze %dma_start3A_744 : memref<1x64xf32, #tpu.memory_space<hbm>> -> memref<64xf32, #tpu.memory_space<hbm>>
      %dma_start3A_746 = arith.constant 0 : i32
      %dma_start3A_747 = tpu.memref_slice %arg10[%dma_start3A_738, %dma_start3A_739, %dma_start3A_746] : memref<2x16x64xf32, #tpu.memory_space<vmem>> -> memref<1x1x64xf32, #tpu.memory_space<vmem>>
      %dma_start3A_748 = tpu.memref_squeeze %dma_start3A_747 : memref<1x1x64xf32, #tpu.memory_space<vmem>> -> memref<64xf32, #tpu.memory_space<vmem>>
      %dma_start3A_749 = arith.constant 0 : i32
      %dma_start3A_750 = tpu.memref_slice %arg4[%squeeze3A_737, %dma_start3A_749] : memref<1000000x64xf32, #tpu.memory_space<hbm>> -> memref<1x64xf32, #tpu.memory_space<hbm>>
      %dma_start3A_751 = tpu.memref_squeeze %dma_start3A_750 : memref<1x64xf32, #tpu.memory_space<hbm>> -> memref<64xf32, #tpu.memory_space<hbm>>
      tpu.enqueue_dma source(%dma_start3A_751 : memref<64xf32, #tpu.memory_space<hbm>>) target(%dma_start3A_748 : memref<64xf32, #tpu.memory_space<vmem>>) target_semaphore(%arg15 : memref<!tpu.dma_semaphore, #tpu.memory_space<semaphore_mem>>)
      %slice3A_752 = vector.extract_strided_slice %get3A_555 {offsets = [6], sizes = [1], strides = [1]} : vector<16xi32> to vector<1xi32>
      %squeeze3A_753 = vector.extract %slice3A_752[0] : i32 from vector<1xi32>
      %dma_start3A_754 = arith.constant 1 : i32
      %dma_start3A_755 = arith.constant 6 : i32
      %dma_start3A_756 = arith.constant 0 : i32
      %dma_start3A_757 = tpu.memref_slice %arg9[%dma_start3A_754, %dma_start3A_755, %dma_start3A_756] : memref<2x16x64xf32, #tpu.memory_space<vmem>> -> memref<1x1x64xf32, #tpu.memory_space<vmem>>
      %dma_start3A_758 = tpu.memref_squeeze %dma_start3A_757 : memref<1x1x64xf32, #tpu.memory_space<vmem>> -> memref<64xf32, #tpu.memory_space<vmem>>
      %dma_start3A_759 = arith.constant 0 : i32
      %dma_start3A_760 = tpu.memref_slice %arg4[%squeeze3A_753, %dma_start3A_759] : memref<1000000x64xf32, #tpu.memory_space<hbm>> -> memref<1x64xf32, #tpu.memory_space<hbm>>
      %dma_start3A_761 = tpu.memref_squeeze %dma_start3A_760 : memref<1x64xf32, #tpu.memory_space<hbm>> -> memref<64xf32, #tpu.memory_space<hbm>>
      %dma_start3A_762 = arith.constant 0 : i32
      %dma_start3A_763 = tpu.memref_slice %arg9[%dma_start3A_754, %dma_start3A_755, %dma_start3A_762] : memref<2x16x64xf32, #tpu.memory_space<vmem>> -> memref<1x1x64xf32, #tpu.memory_space<vmem>>
      %dma_start3A_764 = tpu.memref_squeeze %dma_start3A_763 : memref<1x1x64xf32, #tpu.memory_space<vmem>> -> memref<64xf32, #tpu.memory_space<vmem>>
      %dma_start3A_765 = arith.constant 0 : i32
      %dma_start3A_766 = tpu.memref_slice %arg4[%squeeze3A_753, %dma_start3A_765] : memref<1000000x64xf32, #tpu.memory_space<hbm>> -> memref<1x64xf32, #tpu.memory_space<hbm>>
      %dma_start3A_767 = tpu.memref_squeeze %dma_start3A_766 : memref<1x64xf32, #tpu.memory_space<hbm>> -> memref<64xf32, #tpu.memory_space<hbm>>
      tpu.enqueue_dma source(%dma_start3A_767 : memref<64xf32, #tpu.memory_space<hbm>>) target(%dma_start3A_764 : memref<64xf32, #tpu.memory_space<vmem>>) target_semaphore(%arg15 : memref<!tpu.dma_semaphore, #tpu.memory_space<semaphore_mem>>)
      %slice3A_768 = vector.extract_strided_slice %get3A_559 {offsets = [6], sizes = [1], strides = [1]} : vector<16xi32> to vector<1xi32>
      %squeeze3A_769 = vector.extract %slice3A_768[0] : i32 from vector<1xi32>
      %dma_start3A_770 = arith.constant 1 : i32
      %dma_start3A_771 = arith.constant 6 : i32
      %dma_start3A_772 = arith.constant 0 : i32
      %dma_start3A_773 = tpu.memref_slice %arg10[%dma_start3A_770, %dma_start3A_771, %dma_start3A_772] : memref<2x16x64xf32, #tpu.memory_space<vmem>> -> memref<1x1x64xf32, #tpu.memory_space<vmem>>
      %dma_start3A_774 = tpu.memref_squeeze %dma_start3A_773 : memref<1x1x64xf32, #tpu.memory_space<vmem>> -> memref<64xf32, #tpu.memory_space<vmem>>
      %dma_start3A_775 = arith.constant 0 : i32
      %dma_start3A_776 = tpu.memref_slice %arg4[%squeeze3A_769, %dma_start3A_775] : memref<1000000x64xf32, #tpu.memory_space<hbm>> -> memref<1x64xf32, #tpu.memory_space<hbm>>
      %dma_start3A_777 = tpu.memref_squeeze %dma_start3A_776 : memref<1x64xf32, #tpu.memory_space<hbm>> -> memref<64xf32, #tpu.memory_space<hbm>>
      %dma_start3A_778 = arith.constant 0 : i32
      %dma_start3A_779 = tpu.memref_slice %arg10[%dma_start3A_770, %dma_start3A_771, %dma_start3A_778] : memref<2x16x64xf32, #tpu.memory_space<vmem>> -> memref<1x1x64xf32, #tpu.memory_space<vmem>>
      %dma_start3A_780 = tpu.memref_squeeze %dma_start3A_779 : memref<1x1x64xf32, #tpu.memory_space<vmem>> -> memref<64xf32, #tpu.memory_space<vmem>>
      %dma_start3A_781 = arith.constant 0 : i32
      %dma_start3A_782 = tpu.memref_slice %arg4[%squeeze3A_769, %dma_start3A_781] : memref<1000000x64xf32, #tpu.memory_space<hbm>> -> memref<1x64xf32, #tpu.memory_space<hbm>>
      %dma_start3A_783 = tpu.memref_squeeze %dma_start3A_782 : memref<1x64xf32, #tpu.memory_space<hbm>> -> memref<64xf32, #tpu.memory_space<hbm>>
      tpu.enqueue_dma source(%dma_start3A_783 : memref<64xf32, #tpu.memory_space<hbm>>) target(%dma_start3A_780 : memref<64xf32, #tpu.memory_space<vmem>>) target_semaphore(%arg15 : memref<!tpu.dma_semaphore, #tpu.memory_space<semaphore_mem>>)
      %slice3A_784 = vector.extract_strided_slice %get3A_555 {offsets = [7], sizes = [1], strides = [1]} : vector<16xi32> to vector<1xi32>
      %squeeze3A_785 = vector.extract %slice3A_784[0] : i32 from vector<1xi32>
      %dma_start3A_786 = arith.constant 1 : i32
      %dma_start3A_787 = arith.constant 7 : i32
      %dma_start3A_788 = arith.constant 0 : i32
      %dma_start3A_789 = tpu.memref_slice %arg9[%dma_start3A_786, %dma_start3A_787, %dma_start3A_788] : memref<2x16x64xf32, #tpu.memory_space<vmem>> -> memref<1x1x64xf32, #tpu.memory_space<vmem>>
      %dma_start3A_790 = tpu.memref_squeeze %dma_start3A_789 : memref<1x1x64xf32, #tpu.memory_space<vmem>> -> memref<64xf32, #tpu.memory_space<vmem>>
      %dma_start3A_791 = arith.constant 0 : i32
      %dma_start3A_792 = tpu.memref_slice %arg4[%squeeze3A_785, %dma_start3A_791] : memref<1000000x64xf32, #tpu.memory_space<hbm>> -> memref<1x64xf32, #tpu.memory_space<hbm>>
      %dma_start3A_793 = tpu.memref_squeeze %dma_start3A_792 : memref<1x64xf32, #tpu.memory_space<hbm>> -> memref<64xf32, #tpu.memory_space<hbm>>
      %dma_start3A_794 = arith.constant 0 : i32
      %dma_start3A_795 = tpu.memref_slice %arg9[%dma_start3A_786, %dma_start3A_787, %dma_start3A_794] : memref<2x16x64xf32, #tpu.memory_space<vmem>> -> memref<1x1x64xf32, #tpu.memory_space<vmem>>
      %dma_start3A_796 = tpu.memref_squeeze %dma_start3A_795 : memref<1x1x64xf32, #tpu.memory_space<vmem>> -> memref<64xf32, #tpu.memory_space<vmem>>
      %dma_start3A_797 = arith.constant 0 : i32
      %dma_start3A_798 = tpu.memref_slice %arg4[%squeeze3A_785, %dma_start3A_797] : memref<1000000x64xf32, #tpu.memory_space<hbm>> -> memref<1x64xf32, #tpu.memory_space<hbm>>
      %dma_start3A_799 = tpu.memref_squeeze %dma_start3A_798 : memref<1x64xf32, #tpu.memory_space<hbm>> -> memref<64xf32, #tpu.memory_space<hbm>>
      tpu.enqueue_dma source(%dma_start3A_799 : memref<64xf32, #tpu.memory_space<hbm>>) target(%dma_start3A_796 : memref<64xf32, #tpu.memory_space<vmem>>) target_semaphore(%arg15 : memref<!tpu.dma_semaphore, #tpu.memory_space<semaphore_mem>>)
      %slice3A_800 = vector.extract_strided_slice %get3A_559 {offsets = [7], sizes = [1], strides = [1]} : vector<16xi32> to vector<1xi32>
      %squeeze3A_801 = vector.extract %slice3A_800[0] : i32 from vector<1xi32>
      %dma_start3A_802 = arith.constant 1 : i32
      %dma_start3A_803 = arith.constant 7 : i32
      %dma_start3A_804 = arith.constant 0 : i32
      %dma_start3A_805 = tpu.memref_slice %arg10[%dma_start3A_802, %dma_start3A_803, %dma_start3A_804] : memref<2x16x64xf32, #tpu.memory_space<vmem>> -> memref<1x1x64xf32, #tpu.memory_space<vmem>>
      %dma_start3A_806 = tpu.memref_squeeze %dma_start3A_805 : memref<1x1x64xf32, #tpu.memory_space<vmem>> -> memref<64xf32, #tpu.memory_space<vmem>>
      %dma_start3A_807 = arith.constant 0 : i32
      %dma_start3A_808 = tpu.memref_slice %arg4[%squeeze3A_801, %dma_start3A_807] : memref<1000000x64xf32, #tpu.memory_space<hbm>> -> memref<1x64xf32, #tpu.memory_space<hbm>>
      %dma_start3A_809 = tpu.memref_squeeze %dma_start3A_808 : memref<1x64xf32, #tpu.memory_space<hbm>> -> memref<64xf32, #tpu.memory_space<hbm>>
      %dma_start3A_810 = arith.constant 0 : i32
      %dma_start3A_811 = tpu.memref_slice %arg10[%dma_start3A_802, %dma_start3A_803, %dma_start3A_810] : memref<2x16x64xf32, #tpu.memory_space<vmem>> -> memref<1x1x64xf32, #tpu.memory_space<vmem>>
      %dma_start3A_812 = tpu.memref_squeeze %dma_start3A_811 : memref<1x1x64xf32, #tpu.memory_space<vmem>> -> memref<64xf32, #tpu.memory_space<vmem>>
      %dma_start3A_813 = arith.constant 0 : i32
      %dma_start3A_814 = tpu.memref_slice %arg4[%squeeze3A_801, %dma_start3A_813] : memref<1000000x64xf32, #tpu.memory_space<hbm>> -> memref<1x64xf32, #tpu.memory_space<hbm>>
      %dma_start3A_815 = tpu.memref_squeeze %dma_start3A_814 : memref<1x64xf32, #tpu.memory_space<hbm>> -> memref<64xf32, #tpu.memory_space<hbm>>
      tpu.enqueue_dma source(%dma_start3A_815 : memref<64xf32, #tpu.memory_space<hbm>>) target(%dma_start3A_812 : memref<64xf32, #tpu.memory_space<vmem>>) target_semaphore(%arg15 : memref<!tpu.dma_semaphore, #tpu.memory_space<semaphore_mem>>)
      %slice3A_816 = vector.extract_strided_slice %get3A_555 {offsets = [8], sizes = [1], strides = [1]} : vector<16xi32> to vector<1xi32>
      %squeeze3A_817 = vector.extract %slice3A_816[0] : i32 from vector<1xi32>
      %dma_start3A_818 = arith.constant 1 : i32
      %dma_start3A_819 = arith.constant 8 : i32
      %dma_start3A_820 = arith.constant 0 : i32
      %dma_start3A_821 = tpu.memref_slice %arg9[%dma_start3A_818, %dma_start3A_819, %dma_start3A_820] : memref<2x16x64xf32, #tpu.memory_space<vmem>> -> memref<1x1x64xf32, #tpu.memory_space<vmem>>
      %dma_start3A_822 = tpu.memref_squeeze %dma_start3A_821 : memref<1x1x64xf32, #tpu.memory_space<vmem>> -> memref<64xf32, #tpu.memory_space<vmem>>
      %dma_start3A_823 = arith.constant 0 : i32
      %dma_start3A_824 = tpu.memref_slice %arg4[%squeeze3A_817, %dma_start3A_823] : memref<1000000x64xf32, #tpu.memory_space<hbm>> -> memref<1x64xf32, #tpu.memory_space<hbm>>
      %dma_start3A_825 = tpu.memref_squeeze %dma_start3A_824 : memref<1x64xf32, #tpu.memory_space<hbm>> -> memref<64xf32, #tpu.memory_space<hbm>>
      %dma_start3A_826 = arith.constant 0 : i32
      %dma_start3A_827 = tpu.memref_slice %arg9[%dma_start3A_818, %dma_start3A_819, %dma_start3A_826] : memref<2x16x64xf32, #tpu.memory_space<vmem>> -> memref<1x1x64xf32, #tpu.memory_space<vmem>>
      %dma_start3A_828 = tpu.memref_squeeze %dma_start3A_827 : memref<1x1x64xf32, #tpu.memory_space<vmem>> -> memref<64xf32, #tpu.memory_space<vmem>>
      %dma_start3A_829 = arith.constant 0 : i32
      %dma_start3A_830 = tpu.memref_slice %arg4[%squeeze3A_817, %dma_start3A_829] : memref<1000000x64xf32, #tpu.memory_space<hbm>> -> memref<1x64xf32, #tpu.memory_space<hbm>>
      %dma_start3A_831 = tpu.memref_squeeze %dma_start3A_830 : memref<1x64xf32, #tpu.memory_space<hbm>> -> memref<64xf32, #tpu.memory_space<hbm>>
      tpu.enqueue_dma source(%dma_start3A_831 : memref<64xf32, #tpu.memory_space<hbm>>) target(%dma_start3A_828 : memref<64xf32, #tpu.memory_space<vmem>>) target_semaphore(%arg15 : memref<!tpu.dma_semaphore, #tpu.memory_space<semaphore_mem>>)
      %slice3A_832 = vector.extract_strided_slice %get3A_559 {offsets = [8], sizes = [1], strides = [1]} : vector<16xi32> to vector<1xi32>
      %squeeze3A_833 = vector.extract %slice3A_832[0] : i32 from vector<1xi32>
      %dma_start3A_834 = arith.constant 1 : i32
      %dma_start3A_835 = arith.constant 8 : i32
      %dma_start3A_836 = arith.constant 0 : i32
      %dma_start3A_837 = tpu.memref_slice %arg10[%dma_start3A_834, %dma_start3A_835, %dma_start3A_836] : memref<2x16x64xf32, #tpu.memory_space<vmem>> -> memref<1x1x64xf32, #tpu.memory_space<vmem>>
      %dma_start3A_838 = tpu.memref_squeeze %dma_start3A_837 : memref<1x1x64xf32, #tpu.memory_space<vmem>> -> memref<64xf32, #tpu.memory_space<vmem>>
      %dma_start3A_839 = arith.constant 0 : i32
      %dma_start3A_840 = tpu.memref_slice %arg4[%squeeze3A_833, %dma_start3A_839] : memref<1000000x64xf32, #tpu.memory_space<hbm>> -> memref<1x64xf32, #tpu.memory_space<hbm>>
      %dma_start3A_841 = tpu.memref_squeeze %dma_start3A_840 : memref<1x64xf32, #tpu.memory_space<hbm>> -> memref<64xf32, #tpu.memory_space<hbm>>
      %dma_start3A_842 = arith.constant 0 : i32
      %dma_start3A_843 = tpu.memref_slice %arg10[%dma_start3A_834, %dma_start3A_835, %dma_start3A_842] : memref<2x16x64xf32, #tpu.memory_space<vmem>> -> memref<1x1x64xf32, #tpu.memory_space<vmem>>
      %dma_start3A_844 = tpu.memref_squeeze %dma_start3A_843 : memref<1x1x64xf32, #tpu.memory_space<vmem>> -> memref<64xf32, #tpu.memory_space<vmem>>
      %dma_start3A_845 = arith.constant 0 : i32
      %dma_start3A_846 = tpu.memref_slice %arg4[%squeeze3A_833, %dma_start3A_845] : memref<1000000x64xf32, #tpu.memory_space<hbm>> -> memref<1x64xf32, #tpu.memory_space<hbm>>
      %dma_start3A_847 = tpu.memref_squeeze %dma_start3A_846 : memref<1x64xf32, #tpu.memory_space<hbm>> -> memref<64xf32, #tpu.memory_space<hbm>>
      tpu.enqueue_dma source(%dma_start3A_847 : memref<64xf32, #tpu.memory_space<hbm>>) target(%dma_start3A_844 : memref<64xf32, #tpu.memory_space<vmem>>) target_semaphore(%arg15 : memref<!tpu.dma_semaphore, #tpu.memory_space<semaphore_mem>>)
      %slice3A_848 = vector.extract_strided_slice %get3A_555 {offsets = [9], sizes = [1], strides = [1]} : vector<16xi32> to vector<1xi32>
      %squeeze3A_849 = vector.extract %slice3A_848[0] : i32 from vector<1xi32>
      %dma_start3A_850 = arith.constant 1 : i32
      %dma_start3A_851 = arith.constant 9 : i32
      %dma_start3A_852 = arith.constant 0 : i32
      %dma_start3A_853 = tpu.memref_slice %arg9[%dma_start3A_850, %dma_start3A_851, %dma_start3A_852] : memref<2x16x64xf32, #tpu.memory_space<vmem>> -> memref<1x1x64xf32, #tpu.memory_space<vmem>>
      %dma_start3A_854 = tpu.memref_squeeze %dma_start3A_853 : memref<1x1x64xf32, #tpu.memory_space<vmem>> -> memref<64xf32, #tpu.memory_space<vmem>>
      %dma_start3A_855 = arith.constant 0 : i32
      %dma_start3A_856 = tpu.memref_slice %arg4[%squeeze3A_849, %dma_start3A_855] : memref<1000000x64xf32, #tpu.memory_space<hbm>> -> memref<1x64xf32, #tpu.memory_space<hbm>>
      %dma_start3A_857 = tpu.memref_squeeze %dma_start3A_856 : memref<1x64xf32, #tpu.memory_space<hbm>> -> memref<64xf32, #tpu.memory_space<hbm>>
      %dma_start3A_858 = arith.constant 0 : i32
      %dma_start3A_859 = tpu.memref_slice %arg9[%dma_start3A_850, %dma_start3A_851, %dma_start3A_858] : memref<2x16x64xf32, #tpu.memory_space<vmem>> -> memref<1x1x64xf32, #tpu.memory_space<vmem>>
      %dma_start3A_860 = tpu.memref_squeeze %dma_start3A_859 : memref<1x1x64xf32, #tpu.memory_space<vmem>> -> memref<64xf32, #tpu.memory_space<vmem>>
      %dma_start3A_861 = arith.constant 0 : i32
      %dma_start3A_862 = tpu.memref_slice %arg4[%squeeze3A_849, %dma_start3A_861] : memref<1000000x64xf32, #tpu.memory_space<hbm>> -> memref<1x64xf32, #tpu.memory_space<hbm>>
      %dma_start3A_863 = tpu.memref_squeeze %dma_start3A_862 : memref<1x64xf32, #tpu.memory_space<hbm>> -> memref<64xf32, #tpu.memory_space<hbm>>
      tpu.enqueue_dma source(%dma_start3A_863 : memref<64xf32, #tpu.memory_space<hbm>>) target(%dma_start3A_860 : memref<64xf32, #tpu.memory_space<vmem>>) target_semaphore(%arg15 : memref<!tpu.dma_semaphore, #tpu.memory_space<semaphore_mem>>)
      %slice3A_864 = vector.extract_strided_slice %get3A_559 {offsets = [9], sizes = [1], strides = [1]} : vector<16xi32> to vector<1xi32>
      %squeeze3A_865 = vector.extract %slice3A_864[0] : i32 from vector<1xi32>
      %dma_start3A_866 = arith.constant 1 : i32
      %dma_start3A_867 = arith.constant 9 : i32
      %dma_start3A_868 = arith.constant 0 : i32
      %dma_start3A_869 = tpu.memref_slice %arg10[%dma_start3A_866, %dma_start3A_867, %dma_start3A_868] : memref<2x16x64xf32, #tpu.memory_space<vmem>> -> memref<1x1x64xf32, #tpu.memory_space<vmem>>
      %dma_start3A_870 = tpu.memref_squeeze %dma_start3A_869 : memref<1x1x64xf32, #tpu.memory_space<vmem>> -> memref<64xf32, #tpu.memory_space<vmem>>
      %dma_start3A_871 = arith.constant 0 : i32
      %dma_start3A_872 = tpu.memref_slice %arg4[%squeeze3A_865, %dma_start3A_871] : memref<1000000x64xf32, #tpu.memory_space<hbm>> -> memref<1x64xf32, #tpu.memory_space<hbm>>
      %dma_start3A_873 = tpu.memref_squeeze %dma_start3A_872 : memref<1x64xf32, #tpu.memory_space<hbm>> -> memref<64xf32, #tpu.memory_space<hbm>>
      %dma_start3A_874 = arith.constant 0 : i32
      %dma_start3A_875 = tpu.memref_slice %arg10[%dma_start3A_866, %dma_start3A_867, %dma_start3A_874] : memref<2x16x64xf32, #tpu.memory_space<vmem>> -> memref<1x1x64xf32, #tpu.memory_space<vmem>>
      %dma_start3A_876 = tpu.memref_squeeze %dma_start3A_875 : memref<1x1x64xf32, #tpu.memory_space<vmem>> -> memref<64xf32, #tpu.memory_space<vmem>>
      %dma_start3A_877 = arith.constant 0 : i32
      %dma_start3A_878 = tpu.memref_slice %arg4[%squeeze3A_865, %dma_start3A_877] : memref<1000000x64xf32, #tpu.memory_space<hbm>> -> memref<1x64xf32, #tpu.memory_space<hbm>>
      %dma_start3A_879 = tpu.memref_squeeze %dma_start3A_878 : memref<1x64xf32, #tpu.memory_space<hbm>> -> memref<64xf32, #tpu.memory_space<hbm>>
      tpu.enqueue_dma source(%dma_start3A_879 : memref<64xf32, #tpu.memory_space<hbm>>) target(%dma_start3A_876 : memref<64xf32, #tpu.memory_space<vmem>>) target_semaphore(%arg15 : memref<!tpu.dma_semaphore, #tpu.memory_space<semaphore_mem>>)
      %slice3A_880 = vector.extract_strided_slice %get3A_555 {offsets = [10], sizes = [1], strides = [1]} : vector<16xi32> to vector<1xi32>
      %squeeze3A_881 = vector.extract %slice3A_880[0] : i32 from vector<1xi32>
      %dma_start3A_882 = arith.constant 1 : i32
      %dma_start3A_883 = arith.constant 10 : i32
      %dma_start3A_884 = arith.constant 0 : i32
      %dma_start3A_885 = tpu.memref_slice %arg9[%dma_start3A_882, %dma_start3A_883, %dma_start3A_884] : memref<2x16x64xf32, #tpu.memory_space<vmem>> -> memref<1x1x64xf32, #tpu.memory_space<vmem>>
      %dma_start3A_886 = tpu.memref_squeeze %dma_start3A_885 : memref<1x1x64xf32, #tpu.memory_space<vmem>> -> memref<64xf32, #tpu.memory_space<vmem>>
      %dma_start3A_887 = arith.constant 0 : i32
      %dma_start3A_888 = tpu.memref_slice %arg4[%squeeze3A_881, %dma_start3A_887] : memref<1000000x64xf32, #tpu.memory_space<hbm>> -> memref<1x64xf32, #tpu.memory_space<hbm>>
      %dma_start3A_889 = tpu.memref_squeeze %dma_start3A_888 : memref<1x64xf32, #tpu.memory_space<hbm>> -> memref<64xf32, #tpu.memory_space<hbm>>
      %dma_start3A_890 = arith.constant 0 : i32
      %dma_start3A_891 = tpu.memref_slice %arg9[%dma_start3A_882, %dma_start3A_883, %dma_start3A_890] : memref<2x16x64xf32, #tpu.memory_space<vmem>> -> memref<1x1x64xf32, #tpu.memory_space<vmem>>
      %dma_start3A_892 = tpu.memref_squeeze %dma_start3A_891 : memref<1x1x64xf32, #tpu.memory_space<vmem>> -> memref<64xf32, #tpu.memory_space<vmem>>
      %dma_start3A_893 = arith.constant 0 : i32
      %dma_start3A_894 = tpu.memref_slice %arg4[%squeeze3A_881, %dma_start3A_893] : memref<1000000x64xf32, #tpu.memory_space<hbm>> -> memref<1x64xf32, #tpu.memory_space<hbm>>
      %dma_start3A_895 = tpu.memref_squeeze %dma_start3A_894 : memref<1x64xf32, #tpu.memory_space<hbm>> -> memref<64xf32, #tpu.memory_space<hbm>>
      tpu.enqueue_dma source(%dma_start3A_895 : memref<64xf32, #tpu.memory_space<hbm>>) target(%dma_start3A_892 : memref<64xf32, #tpu.memory_space<vmem>>) target_semaphore(%arg15 : memref<!tpu.dma_semaphore, #tpu.memory_space<semaphore_mem>>)
      %slice3A_896 = vector.extract_strided_slice %get3A_559 {offsets = [10], sizes = [1], strides = [1]} : vector<16xi32> to vector<1xi32>
      %squeeze3A_897 = vector.extract %slice3A_896[0] : i32 from vector<1xi32>
      %dma_start3A_898 = arith.constant 1 : i32
      %dma_start3A_899 = arith.constant 10 : i32
      %dma_start3A_900 = arith.constant 0 : i32
      %dma_start3A_901 = tpu.memref_slice %arg10[%dma_start3A_898, %dma_start3A_899, %dma_start3A_900] : memref<2x16x64xf32, #tpu.memory_space<vmem>> -> memref<1x1x64xf32, #tpu.memory_space<vmem>>
      %dma_start3A_902 = tpu.memref_squeeze %dma_start3A_901 : memref<1x1x64xf32, #tpu.memory_space<vmem>> -> memref<64xf32, #tpu.memory_space<vmem>>
      %dma_start3A_903 = arith.constant 0 : i32
      %dma_start3A_904 = tpu.memref_slice %arg4[%squeeze3A_897, %dma_start3A_903] : memref<1000000x64xf32, #tpu.memory_space<hbm>> -> memref<1x64xf32, #tpu.memory_space<hbm>>
      %dma_start3A_905 = tpu.memref_squeeze %dma_start3A_904 : memref<1x64xf32, #tpu.memory_space<hbm>> -> memref<64xf32, #tpu.memory_space<hbm>>
      %dma_start3A_906 = arith.constant 0 : i32
      %dma_start3A_907 = tpu.memref_slice %arg10[%dma_start3A_898, %dma_start3A_899, %dma_start3A_906] : memref<2x16x64xf32, #tpu.memory_space<vmem>> -> memref<1x1x64xf32, #tpu.memory_space<vmem>>
      %dma_start3A_908 = tpu.memref_squeeze %dma_start3A_907 : memref<1x1x64xf32, #tpu.memory_space<vmem>> -> memref<64xf32, #tpu.memory_space<vmem>>
      %dma_start3A_909 = arith.constant 0 : i32
      %dma_start3A_910 = tpu.memref_slice %arg4[%squeeze3A_897, %dma_start3A_909] : memref<1000000x64xf32, #tpu.memory_space<hbm>> -> memref<1x64xf32, #tpu.memory_space<hbm>>
      %dma_start3A_911 = tpu.memref_squeeze %dma_start3A_910 : memref<1x64xf32, #tpu.memory_space<hbm>> -> memref<64xf32, #tpu.memory_space<hbm>>
      tpu.enqueue_dma source(%dma_start3A_911 : memref<64xf32, #tpu.memory_space<hbm>>) target(%dma_start3A_908 : memref<64xf32, #tpu.memory_space<vmem>>) target_semaphore(%arg15 : memref<!tpu.dma_semaphore, #tpu.memory_space<semaphore_mem>>)
      %slice3A_912 = vector.extract_strided_slice %get3A_555 {offsets = [11], sizes = [1], strides = [1]} : vector<16xi32> to vector<1xi32>
      %squeeze3A_913 = vector.extract %slice3A_912[0] : i32 from vector<1xi32>
      %dma_start3A_914 = arith.constant 1 : i32
      %dma_start3A_915 = arith.constant 11 : i32
      %dma_start3A_916 = arith.constant 0 : i32
      %dma_start3A_917 = tpu.memref_slice %arg9[%dma_start3A_914, %dma_start3A_915, %dma_start3A_916] : memref<2x16x64xf32, #tpu.memory_space<vmem>> -> memref<1x1x64xf32, #tpu.memory_space<vmem>>
      %dma_start3A_918 = tpu.memref_squeeze %dma_start3A_917 : memref<1x1x64xf32, #tpu.memory_space<vmem>> -> memref<64xf32, #tpu.memory_space<vmem>>
      %dma_start3A_919 = arith.constant 0 : i32
      %dma_start3A_920 = tpu.memref_slice %arg4[%squeeze3A_913, %dma_start3A_919] : memref<1000000x64xf32, #tpu.memory_space<hbm>> -> memref<1x64xf32, #tpu.memory_space<hbm>>
      %dma_start3A_921 = tpu.memref_squeeze %dma_start3A_920 : memref<1x64xf32, #tpu.memory_space<hbm>> -> memref<64xf32, #tpu.memory_space<hbm>>
      %dma_start3A_922 = arith.constant 0 : i32
      %dma_start3A_923 = tpu.memref_slice %arg9[%dma_start3A_914, %dma_start3A_915, %dma_start3A_922] : memref<2x16x64xf32, #tpu.memory_space<vmem>> -> memref<1x1x64xf32, #tpu.memory_space<vmem>>
      %dma_start3A_924 = tpu.memref_squeeze %dma_start3A_923 : memref<1x1x64xf32, #tpu.memory_space<vmem>> -> memref<64xf32, #tpu.memory_space<vmem>>
      %dma_start3A_925 = arith.constant 0 : i32
      %dma_start3A_926 = tpu.memref_slice %arg4[%squeeze3A_913, %dma_start3A_925] : memref<1000000x64xf32, #tpu.memory_space<hbm>> -> memref<1x64xf32, #tpu.memory_space<hbm>>
      %dma_start3A_927 = tpu.memref_squeeze %dma_start3A_926 : memref<1x64xf32, #tpu.memory_space<hbm>> -> memref<64xf32, #tpu.memory_space<hbm>>
      tpu.enqueue_dma source(%dma_start3A_927 : memref<64xf32, #tpu.memory_space<hbm>>) target(%dma_start3A_924 : memref<64xf32, #tpu.memory_space<vmem>>) target_semaphore(%arg15 : memref<!tpu.dma_semaphore, #tpu.memory_space<semaphore_mem>>)
      %slice3A_928 = vector.extract_strided_slice %get3A_559 {offsets = [11], sizes = [1], strides = [1]} : vector<16xi32> to vector<1xi32>
      %squeeze3A_929 = vector.extract %slice3A_928[0] : i32 from vector<1xi32>
      %dma_start3A_930 = arith.constant 1 : i32
      %dma_start3A_931 = arith.constant 11 : i32
      %dma_start3A_932 = arith.constant 0 : i32
      %dma_start3A_933 = tpu.memref_slice %arg10[%dma_start3A_930, %dma_start3A_931, %dma_start3A_932] : memref<2x16x64xf32, #tpu.memory_space<vmem>> -> memref<1x1x64xf32, #tpu.memory_space<vmem>>
      %dma_start3A_934 = tpu.memref_squeeze %dma_start3A_933 : memref<1x1x64xf32, #tpu.memory_space<vmem>> -> memref<64xf32, #tpu.memory_space<vmem>>
      %dma_start3A_935 = arith.constant 0 : i32
      %dma_start3A_936 = tpu.memref_slice %arg4[%squeeze3A_929, %dma_start3A_935] : memref<1000000x64xf32, #tpu.memory_space<hbm>> -> memref<1x64xf32, #tpu.memory_space<hbm>>
      %dma_start3A_937 = tpu.memref_squeeze %dma_start3A_936 : memref<1x64xf32, #tpu.memory_space<hbm>> -> memref<64xf32, #tpu.memory_space<hbm>>
      %dma_start3A_938 = arith.constant 0 : i32
      %dma_start3A_939 = tpu.memref_slice %arg10[%dma_start3A_930, %dma_start3A_931, %dma_start3A_938] : memref<2x16x64xf32, #tpu.memory_space<vmem>> -> memref<1x1x64xf32, #tpu.memory_space<vmem>>
      %dma_start3A_940 = tpu.memref_squeeze %dma_start3A_939 : memref<1x1x64xf32, #tpu.memory_space<vmem>> -> memref<64xf32, #tpu.memory_space<vmem>>
      %dma_start3A_941 = arith.constant 0 : i32
      %dma_start3A_942 = tpu.memref_slice %arg4[%squeeze3A_929, %dma_start3A_941] : memref<1000000x64xf32, #tpu.memory_space<hbm>> -> memref<1x64xf32, #tpu.memory_space<hbm>>
      %dma_start3A_943 = tpu.memref_squeeze %dma_start3A_942 : memref<1x64xf32, #tpu.memory_space<hbm>> -> memref<64xf32, #tpu.memory_space<hbm>>
      tpu.enqueue_dma source(%dma_start3A_943 : memref<64xf32, #tpu.memory_space<hbm>>) target(%dma_start3A_940 : memref<64xf32, #tpu.memory_space<vmem>>) target_semaphore(%arg15 : memref<!tpu.dma_semaphore, #tpu.memory_space<semaphore_mem>>)
      %slice3A_944 = vector.extract_strided_slice %get3A_555 {offsets = [12], sizes = [1], strides = [1]} : vector<16xi32> to vector<1xi32>
      %squeeze3A_945 = vector.extract %slice3A_944[0] : i32 from vector<1xi32>
      %dma_start3A_946 = arith.constant 1 : i32
      %dma_start3A_947 = arith.constant 12 : i32
      %dma_start3A_948 = arith.constant 0 : i32
      %dma_start3A_949 = tpu.memref_slice %arg9[%dma_start3A_946, %dma_start3A_947, %dma_start3A_948] : memref<2x16x64xf32, #tpu.memory_space<vmem>> -> memref<1x1x64xf32, #tpu.memory_space<vmem>>
      %dma_start3A_950 = tpu.memref_squeeze %dma_start3A_949 : memref<1x1x64xf32, #tpu.memory_space<vmem>> -> memref<64xf32, #tpu.memory_space<vmem>>
      %dma_start3A_951 = arith.constant 0 : i32
      %dma_start3A_952 = tpu.memref_slice %arg4[%squeeze3A_945, %dma_start3A_951] : memref<1000000x64xf32, #tpu.memory_space<hbm>> -> memref<1x64xf32, #tpu.memory_space<hbm>>
      %dma_start3A_953 = tpu.memref_squeeze %dma_start3A_952 : memref<1x64xf32, #tpu.memory_space<hbm>> -> memref<64xf32, #tpu.memory_space<hbm>>
      %dma_start3A_954 = arith.constant 0 : i32
      %dma_start3A_955 = tpu.memref_slice %arg9[%dma_start3A_946, %dma_start3A_947, %dma_start3A_954] : memref<2x16x64xf32, #tpu.memory_space<vmem>> -> memref<1x1x64xf32, #tpu.memory_space<vmem>>
      %dma_start3A_956 = tpu.memref_squeeze %dma_start3A_955 : memref<1x1x64xf32, #tpu.memory_space<vmem>> -> memref<64xf32, #tpu.memory_space<vmem>>
      %dma_start3A_957 = arith.constant 0 : i32
      %dma_start3A_958 = tpu.memref_slice %arg4[%squeeze3A_945, %dma_start3A_957] : memref<1000000x64xf32, #tpu.memory_space<hbm>> -> memref<1x64xf32, #tpu.memory_space<hbm>>
      %dma_start3A_959 = tpu.memref_squeeze %dma_start3A_958 : memref<1x64xf32, #tpu.memory_space<hbm>> -> memref<64xf32, #tpu.memory_space<hbm>>
      tpu.enqueue_dma source(%dma_start3A_959 : memref<64xf32, #tpu.memory_space<hbm>>) target(%dma_start3A_956 : memref<64xf32, #tpu.memory_space<vmem>>) target_semaphore(%arg15 : memref<!tpu.dma_semaphore, #tpu.memory_space<semaphore_mem>>)
      %slice3A_960 = vector.extract_strided_slice %get3A_559 {offsets = [12], sizes = [1], strides = [1]} : vector<16xi32> to vector<1xi32>
      %squeeze3A_961 = vector.extract %slice3A_960[0] : i32 from vector<1xi32>
      %dma_start3A_962 = arith.constant 1 : i32
      %dma_start3A_963 = arith.constant 12 : i32
      %dma_start3A_964 = arith.constant 0 : i32
      %dma_start3A_965 = tpu.memref_slice %arg10[%dma_start3A_962, %dma_start3A_963, %dma_start3A_964] : memref<2x16x64xf32, #tpu.memory_space<vmem>> -> memref<1x1x64xf32, #tpu.memory_space<vmem>>
      %dma_start3A_966 = tpu.memref_squeeze %dma_start3A_965 : memref<1x1x64xf32, #tpu.memory_space<vmem>> -> memref<64xf32, #tpu.memory_space<vmem>>
      %dma_start3A_967 = arith.constant 0 : i32
      %dma_start3A_968 = tpu.memref_slice %arg4[%squeeze3A_961, %dma_start3A_967] : memref<1000000x64xf32, #tpu.memory_space<hbm>> -> memref<1x64xf32, #tpu.memory_space<hbm>>
      %dma_start3A_969 = tpu.memref_squeeze %dma_start3A_968 : memref<1x64xf32, #tpu.memory_space<hbm>> -> memref<64xf32, #tpu.memory_space<hbm>>
      %dma_start3A_970 = arith.constant 0 : i32
      %dma_start3A_971 = tpu.memref_slice %arg10[%dma_start3A_962, %dma_start3A_963, %dma_start3A_970] : memref<2x16x64xf32, #tpu.memory_space<vmem>> -> memref<1x1x64xf32, #tpu.memory_space<vmem>>
      %dma_start3A_972 = tpu.memref_squeeze %dma_start3A_971 : memref<1x1x64xf32, #tpu.memory_space<vmem>> -> memref<64xf32, #tpu.memory_space<vmem>>
      %dma_start3A_973 = arith.constant 0 : i32
      %dma_start3A_974 = tpu.memref_slice %arg4[%squeeze3A_961, %dma_start3A_973] : memref<1000000x64xf32, #tpu.memory_space<hbm>> -> memref<1x64xf32, #tpu.memory_space<hbm>>
      %dma_start3A_975 = tpu.memref_squeeze %dma_start3A_974 : memref<1x64xf32, #tpu.memory_space<hbm>> -> memref<64xf32, #tpu.memory_space<hbm>>
      tpu.enqueue_dma source(%dma_start3A_975 : memref<64xf32, #tpu.memory_space<hbm>>) target(%dma_start3A_972 : memref<64xf32, #tpu.memory_space<vmem>>) target_semaphore(%arg15 : memref<!tpu.dma_semaphore, #tpu.memory_space<semaphore_mem>>)
      %slice3A_976 = vector.extract_strided_slice %get3A_555 {offsets = [13], sizes = [1], strides = [1]} : vector<16xi32> to vector<1xi32>
      %squeeze3A_977 = vector.extract %slice3A_976[0] : i32 from vector<1xi32>
      %dma_start3A_978 = arith.constant 1 : i32
      %dma_start3A_979 = arith.constant 13 : i32
      %dma_start3A_980 = arith.constant 0 : i32
      %dma_start3A_981 = tpu.memref_slice %arg9[%dma_start3A_978, %dma_start3A_979, %dma_start3A_980] : memref<2x16x64xf32, #tpu.memory_space<vmem>> -> memref<1x1x64xf32, #tpu.memory_space<vmem>>
      %dma_start3A_982 = tpu.memref_squeeze %dma_start3A_981 : memref<1x1x64xf32, #tpu.memory_space<vmem>> -> memref<64xf32, #tpu.memory_space<vmem>>
      %dma_start3A_983 = arith.constant 0 : i32
      %dma_start3A_984 = tpu.memref_slice %arg4[%squeeze3A_977, %dma_start3A_983] : memref<1000000x64xf32, #tpu.memory_space<hbm>> -> memref<1x64xf32, #tpu.memory_space<hbm>>
      %dma_start3A_985 = tpu.memref_squeeze %dma_start3A_984 : memref<1x64xf32, #tpu.memory_space<hbm>> -> memref<64xf32, #tpu.memory_space<hbm>>
      %dma_start3A_986 = arith.constant 0 : i32
      %dma_start3A_987 = tpu.memref_slice %arg9[%dma_start3A_978, %dma_start3A_979, %dma_start3A_986] : memref<2x16x64xf32, #tpu.memory_space<vmem>> -> memref<1x1x64xf32, #tpu.memory_space<vmem>>
      %dma_start3A_988 = tpu.memref_squeeze %dma_start3A_987 : memref<1x1x64xf32, #tpu.memory_space<vmem>> -> memref<64xf32, #tpu.memory_space<vmem>>
      %dma_start3A_989 = arith.constant 0 : i32
      %dma_start3A_990 = tpu.memref_slice %arg4[%squeeze3A_977, %dma_start3A_989] : memref<1000000x64xf32, #tpu.memory_space<hbm>> -> memref<1x64xf32, #tpu.memory_space<hbm>>
      %dma_start3A_991 = tpu.memref_squeeze %dma_start3A_990 : memref<1x64xf32, #tpu.memory_space<hbm>> -> memref<64xf32, #tpu.memory_space<hbm>>
      tpu.enqueue_dma source(%dma_start3A_991 : memref<64xf32, #tpu.memory_space<hbm>>) target(%dma_start3A_988 : memref<64xf32, #tpu.memory_space<vmem>>) target_semaphore(%arg15 : memref<!tpu.dma_semaphore, #tpu.memory_space<semaphore_mem>>)
      %slice3A_992 = vector.extract_strided_slice %get3A_559 {offsets = [13], sizes = [1], strides = [1]} : vector<16xi32> to vector<1xi32>
      %squeeze3A_993 = vector.extract %slice3A_992[0] : i32 from vector<1xi32>
      %dma_start3A_994 = arith.constant 1 : i32
      %dma_start3A_995 = arith.constant 13 : i32
      %dma_start3A_996 = arith.constant 0 : i32
      %dma_start3A_997 = tpu.memref_slice %arg10[%dma_start3A_994, %dma_start3A_995, %dma_start3A_996] : memref<2x16x64xf32, #tpu.memory_space<vmem>> -> memref<1x1x64xf32, #tpu.memory_space<vmem>>
      %dma_start3A_998 = tpu.memref_squeeze %dma_start3A_997 : memref<1x1x64xf32, #tpu.memory_space<vmem>> -> memref<64xf32, #tpu.memory_space<vmem>>
      %dma_start3A_999 = arith.constant 0 : i32
      %dma_start3A_1000 = tpu.memref_slice %arg4[%squeeze3A_993, %dma_start3A_999] : memref<1000000x64xf32, #tpu.memory_space<hbm>> -> memref<1x64xf32, #tpu.memory_space<hbm>>
      %dma_start3A_1001 = tpu.memref_squeeze %dma_start3A_1000 : memref<1x64xf32, #tpu.memory_space<hbm>> -> memref<64xf32, #tpu.memory_space<hbm>>
      %dma_start3A_1002 = arith.constant 0 : i32
      %dma_start3A_1003 = tpu.memref_slice %arg10[%dma_start3A_994, %dma_start3A_995, %dma_start3A_1002] : memref<2x16x64xf32, #tpu.memory_space<vmem>> -> memref<1x1x64xf32, #tpu.memory_space<vmem>>
      %dma_start3A_1004 = tpu.memref_squeeze %dma_start3A_1003 : memref<1x1x64xf32, #tpu.memory_space<vmem>> -> memref<64xf32, #tpu.memory_space<vmem>>
      %dma_start3A_1005 = arith.constant 0 : i32
      %dma_start3A_1006 = tpu.memref_slice %arg4[%squeeze3A_993, %dma_start3A_1005] : memref<1000000x64xf32, #tpu.memory_space<hbm>> -> memref<1x64xf32, #tpu.memory_space<hbm>>
      %dma_start3A_1007 = tpu.memref_squeeze %dma_start3A_1006 : memref<1x64xf32, #tpu.memory_space<hbm>> -> memref<64xf32, #tpu.memory_space<hbm>>
      tpu.enqueue_dma source(%dma_start3A_1007 : memref<64xf32, #tpu.memory_space<hbm>>) target(%dma_start3A_1004 : memref<64xf32, #tpu.memory_space<vmem>>) target_semaphore(%arg15 : memref<!tpu.dma_semaphore, #tpu.memory_space<semaphore_mem>>)
      %slice3A_1008 = vector.extract_strided_slice %get3A_555 {offsets = [14], sizes = [1], strides = [1]} : vector<16xi32> to vector<1xi32>
      %squeeze3A_1009 = vector.extract %slice3A_1008[0] : i32 from vector<1xi32>
      %dma_start3A_1010 = arith.constant 1 : i32
      %dma_start3A_1011 = arith.constant 14 : i32
      %dma_start3A_1012 = arith.constant 0 : i32
      %dma_start3A_1013 = tpu.memref_slice %arg9[%dma_start3A_1010, %dma_start3A_1011, %dma_start3A_1012] : memref<2x16x64xf32, #tpu.memory_space<vmem>> -> memref<1x1x64xf32, #tpu.memory_space<vmem>>
      %dma_start3A_1014 = tpu.memref_squeeze %dma_start3A_1013 : memref<1x1x64xf32, #tpu.memory_space<vmem>> -> memref<64xf32, #tpu.memory_space<vmem>>
      %dma_start3A_1015 = arith.constant 0 : i32
      %dma_start3A_1016 = tpu.memref_slice %arg4[%squeeze3A_1009, %dma_start3A_1015] : memref<1000000x64xf32, #tpu.memory_space<hbm>> -> memref<1x64xf32, #tpu.memory_space<hbm>>
      %dma_start3A_1017 = tpu.memref_squeeze %dma_start3A_1016 : memref<1x64xf32, #tpu.memory_space<hbm>> -> memref<64xf32, #tpu.memory_space<hbm>>
      %dma_start3A_1018 = arith.constant 0 : i32
      %dma_start3A_1019 = tpu.memref_slice %arg9[%dma_start3A_1010, %dma_start3A_1011, %dma_start3A_1018] : memref<2x16x64xf32, #tpu.memory_space<vmem>> -> memref<1x1x64xf32, #tpu.memory_space<vmem>>
      %dma_start3A_1020 = tpu.memref_squeeze %dma_start3A_1019 : memref<1x1x64xf32, #tpu.memory_space<vmem>> -> memref<64xf32, #tpu.memory_space<vmem>>
      %dma_start3A_1021 = arith.constant 0 : i32
      %dma_start3A_1022 = tpu.memref_slice %arg4[%squeeze3A_1009, %dma_start3A_1021] : memref<1000000x64xf32, #tpu.memory_space<hbm>> -> memref<1x64xf32, #tpu.memory_space<hbm>>
      %dma_start3A_1023 = tpu.memref_squeeze %dma_start3A_1022 : memref<1x64xf32, #tpu.memory_space<hbm>> -> memref<64xf32, #tpu.memory_space<hbm>>
      tpu.enqueue_dma source(%dma_start3A_1023 : memref<64xf32, #tpu.memory_space<hbm>>) target(%dma_start3A_1020 : memref<64xf32, #tpu.memory_space<vmem>>) target_semaphore(%arg15 : memref<!tpu.dma_semaphore, #tpu.memory_space<semaphore_mem>>)
      %slice3A_1024 = vector.extract_strided_slice %get3A_559 {offsets = [14], sizes = [1], strides = [1]} : vector<16xi32> to vector<1xi32>
      %squeeze3A_1025 = vector.extract %slice3A_1024[0] : i32 from vector<1xi32>
      %dma_start3A_1026 = arith.constant 1 : i32
      %dma_start3A_1027 = arith.constant 14 : i32
      %dma_start3A_1028 = arith.constant 0 : i32
      %dma_start3A_1029 = tpu.memref_slice %arg10[%dma_start3A_1026, %dma_start3A_1027, %dma_start3A_1028] : memref<2x16x64xf32, #tpu.memory_space<vmem>> -> memref<1x1x64xf32, #tpu.memory_space<vmem>>
      %dma_start3A_1030 = tpu.memref_squeeze %dma_start3A_1029 : memref<1x1x64xf32, #tpu.memory_space<vmem>> -> memref<64xf32, #tpu.memory_space<vmem>>
      %dma_start3A_1031 = arith.constant 0 : i32
      %dma_start3A_1032 = tpu.memref_slice %arg4[%squeeze3A_1025, %dma_start3A_1031] : memref<1000000x64xf32, #tpu.memory_space<hbm>> -> memref<1x64xf32, #tpu.memory_space<hbm>>
      %dma_start3A_1033 = tpu.memref_squeeze %dma_start3A_1032 : memref<1x64xf32, #tpu.memory_space<hbm>> -> memref<64xf32, #tpu.memory_space<hbm>>
      %dma_start3A_1034 = arith.constant 0 : i32
      %dma_start3A_1035 = tpu.memref_slice %arg10[%dma_start3A_1026, %dma_start3A_1027, %dma_start3A_1034] : memref<2x16x64xf32, #tpu.memory_space<vmem>> -> memref<1x1x64xf32, #tpu.memory_space<vmem>>
      %dma_start3A_1036 = tpu.memref_squeeze %dma_start3A_1035 : memref<1x1x64xf32, #tpu.memory_space<vmem>> -> memref<64xf32, #tpu.memory_space<vmem>>
      %dma_start3A_1037 = arith.constant 0 : i32
      %dma_start3A_1038 = tpu.memref_slice %arg4[%squeeze3A_1025, %dma_start3A_1037] : memref<1000000x64xf32, #tpu.memory_space<hbm>> -> memref<1x64xf32, #tpu.memory_space<hbm>>
      %dma_start3A_1039 = tpu.memref_squeeze %dma_start3A_1038 : memref<1x64xf32, #tpu.memory_space<hbm>> -> memref<64xf32, #tpu.memory_space<hbm>>
      tpu.enqueue_dma source(%dma_start3A_1039 : memref<64xf32, #tpu.memory_space<hbm>>) target(%dma_start3A_1036 : memref<64xf32, #tpu.memory_space<vmem>>) target_semaphore(%arg15 : memref<!tpu.dma_semaphore, #tpu.memory_space<semaphore_mem>>)
      %slice3A_1040 = vector.extract_strided_slice %get3A_555 {offsets = [15], sizes = [1], strides = [1]} : vector<16xi32> to vector<1xi32>
      %squeeze3A_1041 = vector.extract %slice3A_1040[0] : i32 from vector<1xi32>
      %dma_start3A_1042 = arith.constant 1 : i32
      %dma_start3A_1043 = arith.constant 15 : i32
      %dma_start3A_1044 = arith.constant 0 : i32
      %dma_start3A_1045 = tpu.memref_slice %arg9[%dma_start3A_1042, %dma_start3A_1043, %dma_start3A_1044] : memref<2x16x64xf32, #tpu.memory_space<vmem>> -> memref<1x1x64xf32, #tpu.memory_space<vmem>>
      %dma_start3A_1046 = tpu.memref_squeeze %dma_start3A_1045 : memref<1x1x64xf32, #tpu.memory_space<vmem>> -> memref<64xf32, #tpu.memory_space<vmem>>
      %dma_start3A_1047 = arith.constant 0 : i32
      %dma_start3A_1048 = tpu.memref_slice %arg4[%squeeze3A_1041, %dma_start3A_1047] : memref<1000000x64xf32, #tpu.memory_space<hbm>> -> memref<1x64xf32, #tpu.memory_space<hbm>>
      %dma_start3A_1049 = tpu.memref_squeeze %dma_start3A_1048 : memref<1x64xf32, #tpu.memory_space<hbm>> -> memref<64xf32, #tpu.memory_space<hbm>>
      %dma_start3A_1050 = arith.constant 0 : i32
      %dma_start3A_1051 = tpu.memref_slice %arg9[%dma_start3A_1042, %dma_start3A_1043, %dma_start3A_1050] : memref<2x16x64xf32, #tpu.memory_space<vmem>> -> memref<1x1x64xf32, #tpu.memory_space<vmem>>
      %dma_start3A_1052 = tpu.memref_squeeze %dma_start3A_1051 : memref<1x1x64xf32, #tpu.memory_space<vmem>> -> memref<64xf32, #tpu.memory_space<vmem>>
      %dma_start3A_1053 = arith.constant 0 : i32
      %dma_start3A_1054 = tpu.memref_slice %arg4[%squeeze3A_1041, %dma_start3A_1053] : memref<1000000x64xf32, #tpu.memory_space<hbm>> -> memref<1x64xf32, #tpu.memory_space<hbm>>
      %dma_start3A_1055 = tpu.memref_squeeze %dma_start3A_1054 : memref<1x64xf32, #tpu.memory_space<hbm>> -> memref<64xf32, #tpu.memory_space<hbm>>
      tpu.enqueue_dma source(%dma_start3A_1055 : memref<64xf32, #tpu.memory_space<hbm>>) target(%dma_start3A_1052 : memref<64xf32, #tpu.memory_space<vmem>>) target_semaphore(%arg15 : memref<!tpu.dma_semaphore, #tpu.memory_space<semaphore_mem>>)
      %slice3A_1056 = vector.extract_strided_slice %get3A_559 {offsets = [15], sizes = [1], strides = [1]} : vector<16xi32> to vector<1xi32>
      %squeeze3A_1057 = vector.extract %slice3A_1056[0] : i32 from vector<1xi32>
      %dma_start3A_1058 = arith.constant 1 : i32
      %dma_start3A_1059 = arith.constant 15 : i32
      %dma_start3A_1060 = arith.constant 0 : i32
      %dma_start3A_1061 = tpu.memref_slice %arg10[%dma_start3A_1058, %dma_start3A_1059, %dma_start3A_1060] : memref<2x16x64xf32, #tpu.memory_space<vmem>> -> memref<1x1x64xf32, #tpu.memory_space<vmem>>
      %dma_start3A_1062 = tpu.memref_squeeze %dma_start3A_1061 : memref<1x1x64xf32, #tpu.memory_space<vmem>> -> memref<64xf32, #tpu.memory_space<vmem>>
      %dma_start3A_1063 = arith.constant 0 : i32
      %dma_start3A_1064 = tpu.memref_slice %arg4[%squeeze3A_1057, %dma_start3A_1063] : memref<1000000x64xf32, #tpu.memory_space<hbm>> -> memref<1x64xf32, #tpu.memory_space<hbm>>
      %dma_start3A_1065 = tpu.memref_squeeze %dma_start3A_1064 : memref<1x64xf32, #tpu.memory_space<hbm>> -> memref<64xf32, #tpu.memory_space<hbm>>
      %dma_start3A_1066 = arith.constant 0 : i32
      %dma_start3A_1067 = tpu.memref_slice %arg10[%dma_start3A_1058, %dma_start3A_1059, %dma_start3A_1066] : memref<2x16x64xf32, #tpu.memory_space<vmem>> -> memref<1x1x64xf32, #tpu.memory_space<vmem>>
      %dma_start3A_1068 = tpu.memref_squeeze %dma_start3A_1067 : memref<1x1x64xf32, #tpu.memory_space<vmem>> -> memref<64xf32, #tpu.memory_space<vmem>>
      %dma_start3A_1069 = arith.constant 0 : i32
      %dma_start3A_1070 = tpu.memref_slice %arg4[%squeeze3A_1057, %dma_start3A_1069] : memref<1000000x64xf32, #tpu.memory_space<hbm>> -> memref<1x64xf32, #tpu.memory_space<hbm>>
      %dma_start3A_1071 = tpu.memref_squeeze %dma_start3A_1070 : memref<1x64xf32, #tpu.memory_space<hbm>> -> memref<64xf32, #tpu.memory_space<hbm>>
      tpu.enqueue_dma source(%dma_start3A_1071 : memref<64xf32, #tpu.memory_space<hbm>>) target(%dma_start3A_1068 : memref<64xf32, #tpu.memory_space<vmem>>) target_semaphore(%arg15 : memref<!tpu.dma_semaphore, #tpu.memory_space<semaphore_mem>>)
      %dma_wait3A = arith.constant 0 : i32
      %dma_wait3A_1072 = arith.constant 0 : i32
      %dma_wait3A_1073 = arith.constant 0 : i32
      %dma_wait3A_1074 = tpu.memref_slice %arg9[%dma_wait3A, %dma_wait3A_1072, %dma_wait3A_1073] : memref<2x16x64xf32, #tpu.memory_space<vmem>> -> memref<1x16x64xf32, #tpu.memory_space<vmem>>
      %dma_wait3A_1075 = tpu.memref_squeeze %dma_wait3A_1074 : memref<1x16x64xf32, #tpu.memory_space<vmem>> -> memref<16x64xf32, #tpu.memory_space<vmem>>
      %dma_wait3A_1076 = arith.constant 0 : i32
      %dma_wait3A_1077 = arith.constant 0 : i32
      %dma_wait3A_1078 = tpu.memref_slice %arg4[%dma_wait3A_1076, %dma_wait3A_1077] : memref<1000000x64xf32, #tpu.memory_space<hbm>> -> memref<16x64xf32, #tpu.memory_space<hbm>>
      %dma_wait3A_1079 = arith.constant 0 : i32
      %dma_wait3A_1080 = arith.constant 0 : i32
      %dma_wait3A_1081 = tpu.memref_slice %arg9[%dma_wait3A, %dma_wait3A_1079, %dma_wait3A_1080] : memref<2x16x64xf32, #tpu.memory_space<vmem>> -> memref<1x16x64xf32, #tpu.memory_space<vmem>>
      %dma_wait3A_1082 = tpu.memref_squeeze %dma_wait3A_1081 : memref<1x16x64xf32, #tpu.memory_space<vmem>> -> memref<16x64xf32, #tpu.memory_space<vmem>>
      %dma_wait3A_1083 = arith.constant 0 : i32
      %dma_wait3A_1084 = arith.constant 0 : i32
      %dma_wait3A_1085 = tpu.memref_slice %arg4[%dma_wait3A_1083, %dma_wait3A_1084] : memref<1000000x64xf32, #tpu.memory_space<hbm>> -> memref<16x64xf32, #tpu.memory_space<hbm>>
      tpu.wait_dma2 semaphore(%arg14 : memref<!tpu.dma_semaphore, #tpu.memory_space<semaphore_mem>>) src(%dma_wait3A_1085 : memref<16x64xf32, #tpu.memory_space<hbm>>) dst(%dma_wait3A_1082 : memref<16x64xf32, #tpu.memory_space<vmem>>)
      %dma_wait3A_1086 = arith.constant 0 : i32
      %dma_wait3A_1087 = arith.constant 0 : i32
      %dma_wait3A_1088 = arith.constant 0 : i32
      %dma_wait3A_1089 = tpu.memref_slice %arg10[%dma_wait3A_1086, %dma_wait3A_1087, %dma_wait3A_1088] : memref<2x16x64xf32, #tpu.memory_space<vmem>> -> memref<1x16x64xf32, #tpu.memory_space<vmem>>
      %dma_wait3A_1090 = tpu.memref_squeeze %dma_wait3A_1089 : memref<1x16x64xf32, #tpu.memory_space<vmem>> -> memref<16x64xf32, #tpu.memory_space<vmem>>
      %dma_wait3A_1091 = arith.constant 0 : i32
      %dma_wait3A_1092 = arith.constant 0 : i32
      %dma_wait3A_1093 = tpu.memref_slice %arg4[%dma_wait3A_1091, %dma_wait3A_1092] : memref<1000000x64xf32, #tpu.memory_space<hbm>> -> memref<16x64xf32, #tpu.memory_space<hbm>>
      %dma_wait3A_1094 = arith.constant 0 : i32
      %dma_wait3A_1095 = arith.constant 0 : i32
      %dma_wait3A_1096 = tpu.memref_slice %arg10[%dma_wait3A_1086, %dma_wait3A_1094, %dma_wait3A_1095] : memref<2x16x64xf32, #tpu.memory_space<vmem>> -> memref<1x16x64xf32, #tpu.memory_space<vmem>>
      %dma_wait3A_1097 = tpu.memref_squeeze %dma_wait3A_1096 : memref<1x16x64xf32, #tpu.memory_space<vmem>> -> memref<16x64xf32, #tpu.memory_space<vmem>>
      %dma_wait3A_1098 = arith.constant 0 : i32
      %dma_wait3A_1099 = arith.constant 0 : i32
      %dma_wait3A_1100 = tpu.memref_slice %arg4[%dma_wait3A_1098, %dma_wait3A_1099] : memref<1000000x64xf32, #tpu.memory_space<hbm>> -> memref<16x64xf32, #tpu.memory_space<hbm>>
      tpu.wait_dma2 semaphore(%arg14 : memref<!tpu.dma_semaphore, #tpu.memory_space<semaphore_mem>>) src(%dma_wait3A_1100 : memref<16x64xf32, #tpu.memory_space<hbm>>) dst(%dma_wait3A_1097 : memref<16x64xf32, #tpu.memory_space<vmem>>)
      %get3A_1101 = arith.constant 0 : i32
      %get3A_1102 = arith.constant 0 : i32
      %get3A_1103 = arith.index_cast %get3A_1101 : i32 to index
      %get3A_1104 = arith.index_cast %get3A_1102 : i32 to index
      %get3A_1105 = arith.constant 0 : index
      %get3A_1106 = tpu.vector_load %arg9[%get3A_1103, %get3A_1104, %get3A_1105] {strides = array<i32>} : memref<2x16x64xf32, #tpu.memory_space<vmem>>, vector<16xf32>,
      %get3A_1107 = arith.constant 0 : i32
      %get3A_1108 = arith.constant 0 : i32
      %get3A_1109 = arith.index_cast %get3A_1107 : i32 to index
      %get3A_1110 = arith.index_cast %get3A_1108 : i32 to index
      %get3A_1111 = arith.constant 0 : index
      %get3A_1112 = tpu.vector_load %arg10[%get3A_1109, %get3A_1110, %get3A_1111] {strides = array<i32>} : memref<2x16x64xf32, #tpu.memory_space<vmem>>, vector<16xf32>,
      %add3A_1113 = arith.addf %get3A_1106, %get3A_5 : vector<16xf32>
      %add3A_1114 = arith.addf %get3A_1112, %get3A_9 : vector<16xf32>
      %mul3A_1115 = arith.mulf %add3A_1113, %add3A_1114 : vector<16xf32>
      %mul3A_1116 = arith.mulf %mul3A_1115, %get3A_17 : vector<16xf32>
      %get3A_1117 = arith.constant 0 : i32
      %get3A_1118 = arith.constant 0 : i32
      %get3A_1119 = arith.index_cast %get3A_1117 : i32 to index
      %get3A_1120 = arith.index_cast %get3A_1118 : i32 to index
      %get3A_1121 = arith.constant 16 : index
      %get3A_1122 = tpu.vector_load %arg9[%get3A_1119, %get3A_1120, %get3A_1121] {strides = array<i32>} : memref<2x16x64xf32, #tpu.memory_space<vmem>>, vector<16xf32>,
      %get3A_1123 = arith.constant 0 : i32
      %get3A_1124 = arith.constant 0 : i32
      %get3A_1125 = arith.index_cast %get3A_1123 : i32 to index
      %get3A_1126 = arith.index_cast %get3A_1124 : i32 to index
      %get3A_1127 = arith.constant 16 : index
      %get3A_1128 = tpu.vector_load %arg10[%get3A_1125, %get3A_1126, %get3A_1127] {strides = array<i32>} : memref<2x16x64xf32, #tpu.memory_space<vmem>>, vector<16xf32>,
      %add3A_1129 = arith.addf %get3A_1122, %get3A_5 : vector<16xf32>
      %add3A_1130 = arith.addf %get3A_1128, %get3A_9 : vector<16xf32>
      %mul3A_1131 = arith.mulf %add3A_1129, %add3A_1130 : vector<16xf32>
      %mul3A_1132 = arith.mulf %mul3A_1131, %get3A_21 : vector<16xf32>
      %add3A_1133 = arith.addf %mul3A_1116, %mul3A_1132 : vector<16xf32>
      %get3A_1134 = arith.constant 0 : i32
      %get3A_1135 = arith.constant 0 : i32
      %get3A_1136 = arith.index_cast %get3A_1134 : i32 to index
      %get3A_1137 = arith.index_cast %get3A_1135 : i32 to index
      %get3A_1138 = arith.constant 32 : index
      %get3A_1139 = tpu.vector_load %arg9[%get3A_1136, %get3A_1137, %get3A_1138] {strides = array<i32>} : memref<2x16x64xf32, #tpu.memory_space<vmem>>, vector<16xf32>,
      %get3A_1140 = arith.constant 0 : i32
      %get3A_1141 = arith.constant 0 : i32
      %get3A_1142 = arith.index_cast %get3A_1140 : i32 to index
      %get3A_1143 = arith.index_cast %get3A_1141 : i32 to index
      %get3A_1144 = arith.constant 32 : index
      %get3A_1145 = tpu.vector_load %arg10[%get3A_1142, %get3A_1143, %get3A_1144] {strides = array<i32>} : memref<2x16x64xf32, #tpu.memory_space<vmem>>, vector<16xf32>,
      %add3A_1146 = arith.addf %get3A_1139, %get3A_5 : vector<16xf32>
      %add3A_1147 = arith.addf %get3A_1145, %get3A_9 : vector<16xf32>
      %mul3A_1148 = arith.mulf %add3A_1146, %add3A_1147 : vector<16xf32>
      %mul3A_1149 = arith.mulf %mul3A_1148, %get3A_25 : vector<16xf32>
      %add3A_1150 = arith.addf %add3A_1133, %mul3A_1149 : vector<16xf32>
      %get3A_1151 = arith.constant 0 : i32
      %get3A_1152 = arith.constant 0 : i32
      %get3A_1153 = arith.index_cast %get3A_1151 : i32 to index
      %get3A_1154 = arith.index_cast %get3A_1152 : i32 to index
      %get3A_1155 = arith.constant 48 : index
      %get3A_1156 = tpu.vector_load %arg9[%get3A_1153, %get3A_1154, %get3A_1155] {strides = array<i32>} : memref<2x16x64xf32, #tpu.memory_space<vmem>>, vector<16xf32>,
      %get3A_1157 = arith.constant 0 : i32
      %get3A_1158 = arith.constant 0 : i32
      %get3A_1159 = arith.index_cast %get3A_1157 : i32 to index
      %get3A_1160 = arith.index_cast %get3A_1158 : i32 to index
      %get3A_1161 = arith.constant 48 : index
      %get3A_1162 = tpu.vector_load %arg10[%get3A_1159, %get3A_1160, %get3A_1161] {strides = array<i32>} : memref<2x16x64xf32, #tpu.memory_space<vmem>>, vector<16xf32>,
      %add3A_1163 = arith.addf %get3A_1156, %get3A_5 : vector<16xf32>
      %add3A_1164 = arith.addf %get3A_1162, %get3A_9 : vector<16xf32>
      %mul3A_1165 = arith.mulf %add3A_1163, %add3A_1164 : vector<16xf32>
      %mul3A_1166 = arith.mulf %mul3A_1165, %get3A_29 : vector<16xf32>
      %add3A_1167 = arith.addf %add3A_1150, %mul3A_1166 : vector<16xf32>
      %broadcast_in_dim3A = arith.constant 0 : i32
      %broadcast_in_dim3A_1168 = vector.broadcast %broadcast_in_dim3A : i32 to vector<16xi32>
      tpu.vector_store_idx %arg13[%iota3A, %broadcast_in_dim3A_1168], %add3A_1167 : memref<16x17xf32, #tpu.memory_space<vmem>>[vector<16xi32>, vector<16xi32>], vector<16xf32>,
      %get3A_1169 = arith.constant 0 : i32
      %get3A_1170 = arith.constant 1 : i32
      %get3A_1171 = arith.index_cast %get3A_1169 : i32 to index
      %get3A_1172 = arith.index_cast %get3A_1170 : i32 to index
      %get3A_1173 = arith.constant 0 : index
      %get3A_1174 = tpu.vector_load %arg9[%get3A_1171, %get3A_1172, %get3A_1173] {strides = array<i32>} : memref<2x16x64xf32, #tpu.memory_space<vmem>>, vector<16xf32>,
      %get3A_1175 = arith.constant 0 : i32
      %get3A_1176 = arith.constant 1 : i32
      %get3A_1177 = arith.index_cast %get3A_1175 : i32 to index
      %get3A_1178 = arith.index_cast %get3A_1176 : i32 to index
      %get3A_1179 = arith.constant 0 : index
      %get3A_1180 = tpu.vector_load %arg10[%get3A_1177, %get3A_1178, %get3A_1179] {strides = array<i32>} : memref<2x16x64xf32, #tpu.memory_space<vmem>>, vector<16xf32>,
      %add3A_1181 = arith.addf %get3A_1174, %get3A_5 : vector<16xf32>
      %add3A_1182 = arith.addf %get3A_1180, %get3A_9 : vector<16xf32>
      %mul3A_1183 = arith.mulf %add3A_1181, %add3A_1182 : vector<16xf32>
      %mul3A_1184 = arith.mulf %mul3A_1183, %get3A_17 : vector<16xf32>
      %get3A_1185 = arith.constant 0 : i32
      %get3A_1186 = arith.constant 1 : i32
      %get3A_1187 = arith.index_cast %get3A_1185 : i32 to index
      %get3A_1188 = arith.index_cast %get3A_1186 : i32 to index
      %get3A_1189 = arith.constant 16 : index
      %get3A_1190 = tpu.vector_load %arg9[%get3A_1187, %get3A_1188, %get3A_1189] {strides = array<i32>} : memref<2x16x64xf32, #tpu.memory_space<vmem>>, vector<16xf32>,
      %get3A_1191 = arith.constant 0 : i32
      %get3A_1192 = arith.constant 1 : i32
      %get3A_1193 = arith.index_cast %get3A_1191 : i32 to index
      %get3A_1194 = arith.index_cast %get3A_1192 : i32 to index
      %get3A_1195 = arith.constant 16 : index
      %get3A_1196 = tpu.vector_load %arg10[%get3A_1193, %get3A_1194, %get3A_1195] {strides = array<i32>} : memref<2x16x64xf32, #tpu.memory_space<vmem>>, vector<16xf32>,
      %add3A_1197 = arith.addf %get3A_1190, %get3A_5 : vector<16xf32>
      %add3A_1198 = arith.addf %get3A_1196, %get3A_9 : vector<16xf32>
      %mul3A_1199 = arith.mulf %add3A_1197, %add3A_1198 : vector<16xf32>
      %mul3A_1200 = arith.mulf %mul3A_1199, %get3A_21 : vector<16xf32>
      %add3A_1201 = arith.addf %mul3A_1184, %mul3A_1200 : vector<16xf32>
      %get3A_1202 = arith.constant 0 : i32
      %get3A_1203 = arith.constant 1 : i32
      %get3A_1204 = arith.index_cast %get3A_1202 : i32 to index
      %get3A_1205 = arith.index_cast %get3A_1203 : i32 to index
      %get3A_1206 = arith.constant 32 : index
      %get3A_1207 = tpu.vector_load %arg9[%get3A_1204, %get3A_1205, %get3A_1206] {strides = array<i32>} : memref<2x16x64xf32, #tpu.memory_space<vmem>>, vector<16xf32>,
      %get3A_1208 = arith.constant 0 : i32
      %get3A_1209 = arith.constant 1 : i32
      %get3A_1210 = arith.index_cast %get3A_1208 : i32 to index
      %get3A_1211 = arith.index_cast %get3A_1209 : i32 to index
      %get3A_1212 = arith.constant 32 : index
      %get3A_1213 = tpu.vector_load %arg10[%get3A_1210, %get3A_1211, %get3A_1212] {strides = array<i32>} : memref<2x16x64xf32, #tpu.memory_space<vmem>>, vector<16xf32>,
      %add3A_1214 = arith.addf %get3A_1207, %get3A_5 : vector<16xf32>
      %add3A_1215 = arith.addf %get3A_1213, %get3A_9 : vector<16xf32>
      %mul3A_1216 = arith.mulf %add3A_1214, %add3A_1215 : vector<16xf32>
      %mul3A_1217 = arith.mulf %mul3A_1216, %get3A_25 : vector<16xf32>
      %add3A_1218 = arith.addf %add3A_1201, %mul3A_1217 : vector<16xf32>
      %get3A_1219 = arith.constant 0 : i32
      %get3A_1220 = arith.constant 1 : i32
      %get3A_1221 = arith.index_cast %get3A_1219 : i32 to index
      %get3A_1222 = arith.index_cast %get3A_1220 : i32 to index
      %get3A_1223 = arith.constant 48 : index
      %get3A_1224 = tpu.vector_load %arg9[%get3A_1221, %get3A_1222, %get3A_1223] {strides = array<i32>} : memref<2x16x64xf32, #tpu.memory_space<vmem>>, vector<16xf32>,
      %get3A_1225 = arith.constant 0 : i32
      %get3A_1226 = arith.constant 1 : i32
      %get3A_1227 = arith.index_cast %get3A_1225 : i32 to index
      %get3A_1228 = arith.index_cast %get3A_1226 : i32 to index
      %get3A_1229 = arith.constant 48 : index
      %get3A_1230 = tpu.vector_load %arg10[%get3A_1227, %get3A_1228, %get3A_1229] {strides = array<i32>} : memref<2x16x64xf32, #tpu.memory_space<vmem>>, vector<16xf32>,
      %add3A_1231 = arith.addf %get3A_1224, %get3A_5 : vector<16xf32>
      %add3A_1232 = arith.addf %get3A_1230, %get3A_9 : vector<16xf32>
      %mul3A_1233 = arith.mulf %add3A_1231, %add3A_1232 : vector<16xf32>
      %mul3A_1234 = arith.mulf %mul3A_1233, %get3A_29 : vector<16xf32>
      %add3A_1235 = arith.addf %add3A_1218, %mul3A_1234 : vector<16xf32>
      %broadcast_in_dim3A_1236 = arith.constant 1 : i32
      %broadcast_in_dim3A_1237 = vector.broadcast %broadcast_in_dim3A_1236 : i32 to vector<16xi32>
      tpu.vector_store_idx %arg13[%iota3A, %broadcast_in_dim3A_1237], %add3A_1235 : memref<16x17xf32, #tpu.memory_space<vmem>>[vector<16xi32>, vector<16xi32>], vector<16xf32>,
      %get3A_1238 = arith.constant 0 : i32
      %get3A_1239 = arith.constant 2 : i32
      %get3A_1240 = arith.index_cast %get3A_1238 : i32 to index
      %get3A_1241 = arith.index_cast %get3A_1239 : i32 to index
      %get3A_1242 = arith.constant 0 : index
      %get3A_1243 = tpu.vector_load %arg9[%get3A_1240, %get3A_1241, %get3A_1242] {strides = array<i32>} : memref<2x16x64xf32, #tpu.memory_space<vmem>>, vector<16xf32>,
      %get3A_1244 = arith.constant 0 : i32
      %get3A_1245 = arith.constant 2 : i32
      %get3A_1246 = arith.index_cast %get3A_1244 : i32 to index
      %get3A_1247 = arith.index_cast %get3A_1245 : i32 to index
      %get3A_1248 = arith.constant 0 : index
      %get3A_1249 = tpu.vector_load %arg10[%get3A_1246, %get3A_1247, %get3A_1248] {strides = array<i32>} : memref<2x16x64xf32, #tpu.memory_space<vmem>>, vector<16xf32>,
      %add3A_1250 = arith.addf %get3A_1243, %get3A_5 : vector<16xf32>
      %add3A_1251 = arith.addf %get3A_1249, %get3A_9 : vector<16xf32>
      %mul3A_1252 = arith.mulf %add3A_1250, %add3A_1251 : vector<16xf32>
      %mul3A_1253 = arith.mulf %mul3A_1252, %get3A_17 : vector<16xf32>
      %get3A_1254 = arith.constant 0 : i32
      %get3A_1255 = arith.constant 2 : i32
      %get3A_1256 = arith.index_cast %get3A_1254 : i32 to index
      %get3A_1257 = arith.index_cast %get3A_1255 : i32 to index
      %get3A_1258 = arith.constant 16 : index
      %get3A_1259 = tpu.vector_load %arg9[%get3A_1256, %get3A_1257, %get3A_1258] {strides = array<i32>} : memref<2x16x64xf32, #tpu.memory_space<vmem>>, vector<16xf32>,
      %get3A_1260 = arith.constant 0 : i32
      %get3A_1261 = arith.constant 2 : i32
      %get3A_1262 = arith.index_cast %get3A_1260 : i32 to index
      %get3A_1263 = arith.index_cast %get3A_1261 : i32 to index
      %get3A_1264 = arith.constant 16 : index
      %get3A_1265 = tpu.vector_load %arg10[%get3A_1262, %get3A_1263, %get3A_1264] {strides = array<i32>} : memref<2x16x64xf32, #tpu.memory_space<vmem>>, vector<16xf32>,
      %add3A_1266 = arith.addf %get3A_1259, %get3A_5 : vector<16xf32>
      %add3A_1267 = arith.addf %get3A_1265, %get3A_9 : vector<16xf32>
      %mul3A_1268 = arith.mulf %add3A_1266, %add3A_1267 : vector<16xf32>
      %mul3A_1269 = arith.mulf %mul3A_1268, %get3A_21 : vector<16xf32>
      %add3A_1270 = arith.addf %mul3A_1253, %mul3A_1269 : vector<16xf32>
      %get3A_1271 = arith.constant 0 : i32
      %get3A_1272 = arith.constant 2 : i32
      %get3A_1273 = arith.index_cast %get3A_1271 : i32 to index
      %get3A_1274 = arith.index_cast %get3A_1272 : i32 to index
      %get3A_1275 = arith.constant 32 : index
      %get3A_1276 = tpu.vector_load %arg9[%get3A_1273, %get3A_1274, %get3A_1275] {strides = array<i32>} : memref<2x16x64xf32, #tpu.memory_space<vmem>>, vector<16xf32>,
      %get3A_1277 = arith.constant 0 : i32
      %get3A_1278 = arith.constant 2 : i32
      %get3A_1279 = arith.index_cast %get3A_1277 : i32 to index
      %get3A_1280 = arith.index_cast %get3A_1278 : i32 to index
      %get3A_1281 = arith.constant 32 : index
      %get3A_1282 = tpu.vector_load %arg10[%get3A_1279, %get3A_1280, %get3A_1281] {strides = array<i32>} : memref<2x16x64xf32, #tpu.memory_space<vmem>>, vector<16xf32>,
      %add3A_1283 = arith.addf %get3A_1276, %get3A_5 : vector<16xf32>
      %add3A_1284 = arith.addf %get3A_1282, %get3A_9 : vector<16xf32>
      %mul3A_1285 = arith.mulf %add3A_1283, %add3A_1284 : vector<16xf32>
      %mul3A_1286 = arith.mulf %mul3A_1285, %get3A_25 : vector<16xf32>
      %add3A_1287 = arith.addf %add3A_1270, %mul3A_1286 : vector<16xf32>
      %get3A_1288 = arith.constant 0 : i32
      %get3A_1289 = arith.constant 2 : i32
      %get3A_1290 = arith.index_cast %get3A_1288 : i32 to index
      %get3A_1291 = arith.index_cast %get3A_1289 : i32 to index
      %get3A_1292 = arith.constant 48 : index
      %get3A_1293 = tpu.vector_load %arg9[%get3A_1290, %get3A_1291, %get3A_1292] {strides = array<i32>} : memref<2x16x64xf32, #tpu.memory_space<vmem>>, vector<16xf32>,
      %get3A_1294 = arith.constant 0 : i32
      %get3A_1295 = arith.constant 2 : i32
      %get3A_1296 = arith.index_cast %get3A_1294 : i32 to index
      %get3A_1297 = arith.index_cast %get3A_1295 : i32 to index
      %get3A_1298 = arith.constant 48 : index
      %get3A_1299 = tpu.vector_load %arg10[%get3A_1296, %get3A_1297, %get3A_1298] {strides = array<i32>} : memref<2x16x64xf32, #tpu.memory_space<vmem>>, vector<16xf32>,
      %add3A_1300 = arith.addf %get3A_1293, %get3A_5 : vector<16xf32>
      %add3A_1301 = arith.addf %get3A_1299, %get3A_9 : vector<16xf32>
      %mul3A_1302 = arith.mulf %add3A_1300, %add3A_1301 : vector<16xf32>
      %mul3A_1303 = arith.mulf %mul3A_1302, %get3A_29 : vector<16xf32>
      %add3A_1304 = arith.addf %add3A_1287, %mul3A_1303 : vector<16xf32>
      %broadcast_in_dim3A_1305 = arith.constant 2 : i32
      %broadcast_in_dim3A_1306 = vector.broadcast %broadcast_in_dim3A_1305 : i32 to vector<16xi32>
      tpu.vector_store_idx %arg13[%iota3A, %broadcast_in_dim3A_1306], %add3A_1304 : memref<16x17xf32, #tpu.memory_space<vmem>>[vector<16xi32>, vector<16xi32>], vector<16xf32>,
      %get3A_1307 = arith.constant 0 : i32
      %get3A_1308 = arith.constant 3 : i32
      %get3A_1309 = arith.index_cast %get3A_1307 : i32 to index
      %get3A_1310 = arith.index_cast %get3A_1308 : i32 to index
      %get3A_1311 = arith.constant 0 : index
      %get3A_1312 = tpu.vector_load %arg9[%get3A_1309, %get3A_1310, %get3A_1311] {strides = array<i32>} : memref<2x16x64xf32, #tpu.memory_space<vmem>>, vector<16xf32>,
      %get3A_1313 = arith.constant 0 : i32
      %get3A_1314 = arith.constant 3 : i32
      %get3A_1315 = arith.index_cast %get3A_1313 : i32 to index
      %get3A_1316 = arith.index_cast %get3A_1314 : i32 to index
      %get3A_1317 = arith.constant 0 : index
      %get3A_1318 = tpu.vector_load %arg10[%get3A_1315, %get3A_1316, %get3A_1317] {strides = array<i32>} : memref<2x16x64xf32, #tpu.memory_space<vmem>>, vector<16xf32>,
      %add3A_1319 = arith.addf %get3A_1312, %get3A_5 : vector<16xf32>
      %add3A_1320 = arith.addf %get3A_1318, %get3A_9 : vector<16xf32>
      %mul3A_1321 = arith.mulf %add3A_1319, %add3A_1320 : vector<16xf32>
      %mul3A_1322 = arith.mulf %mul3A_1321, %get3A_17 : vector<16xf32>
      %get3A_1323 = arith.constant 0 : i32
      %get3A_1324 = arith.constant 3 : i32
      %get3A_1325 = arith.index_cast %get3A_1323 : i32 to index
      %get3A_1326 = arith.index_cast %get3A_1324 : i32 to index
      %get3A_1327 = arith.constant 16 : index
      %get3A_1328 = tpu.vector_load %arg9[%get3A_1325, %get3A_1326, %get3A_1327] {strides = array<i32>} : memref<2x16x64xf32, #tpu.memory_space<vmem>>, vector<16xf32>,
      %get3A_1329 = arith.constant 0 : i32
      %get3A_1330 = arith.constant 3 : i32
      %get3A_1331 = arith.index_cast %get3A_1329 : i32 to index
      %get3A_1332 = arith.index_cast %get3A_1330 : i32 to index
      %get3A_1333 = arith.constant 16 : index
      %get3A_1334 = tpu.vector_load %arg10[%get3A_1331, %get3A_1332, %get3A_1333] {strides = array<i32>} : memref<2x16x64xf32, #tpu.memory_space<vmem>>, vector<16xf32>,
      %add3A_1335 = arith.addf %get3A_1328, %get3A_5 : vector<16xf32>
      %add3A_1336 = arith.addf %get3A_1334, %get3A_9 : vector<16xf32>
      %mul3A_1337 = arith.mulf %add3A_1335, %add3A_1336 : vector<16xf32>
      %mul3A_1338 = arith.mulf %mul3A_1337, %get3A_21 : vector<16xf32>
      %add3A_1339 = arith.addf %mul3A_1322, %mul3A_1338 : vector<16xf32>
      %get3A_1340 = arith.constant 0 : i32
      %get3A_1341 = arith.constant 3 : i32
      %get3A_1342 = arith.index_cast %get3A_1340 : i32 to index
      %get3A_1343 = arith.index_cast %get3A_1341 : i32 to index
      %get3A_1344 = arith.constant 32 : index
      %get3A_1345 = tpu.vector_load %arg9[%get3A_1342, %get3A_1343, %get3A_1344] {strides = array<i32>} : memref<2x16x64xf32, #tpu.memory_space<vmem>>, vector<16xf32>,
      %get3A_1346 = arith.constant 0 : i32
      %get3A_1347 = arith.constant 3 : i32
      %get3A_1348 = arith.index_cast %get3A_1346 : i32 to index
      %get3A_1349 = arith.index_cast %get3A_1347 : i32 to index
      %get3A_1350 = arith.constant 32 : index
      %get3A_1351 = tpu.vector_load %arg10[%get3A_1348, %get3A_1349, %get3A_1350] {strides = array<i32>} : memref<2x16x64xf32, #tpu.memory_space<vmem>>, vector<16xf32>,
      %add3A_1352 = arith.addf %get3A_1345, %get3A_5 : vector<16xf32>
      %add3A_1353 = arith.addf %get3A_1351, %get3A_9 : vector<16xf32>
      %mul3A_1354 = arith.mulf %add3A_1352, %add3A_1353 : vector<16xf32>
      %mul3A_1355 = arith.mulf %mul3A_1354, %get3A_25 : vector<16xf32>
      %add3A_1356 = arith.addf %add3A_1339, %mul3A_1355 : vector<16xf32>
      %get3A_1357 = arith.constant 0 : i32
      %get3A_1358 = arith.constant 3 : i32
      %get3A_1359 = arith.index_cast %get3A_1357 : i32 to index
      %get3A_1360 = arith.index_cast %get3A_1358 : i32 to index
      %get3A_1361 = arith.constant 48 : index
      %get3A_1362 = tpu.vector_load %arg9[%get3A_1359, %get3A_1360, %get3A_1361] {strides = array<i32>} : memref<2x16x64xf32, #tpu.memory_space<vmem>>, vector<16xf32>,
      %get3A_1363 = arith.constant 0 : i32
      %get3A_1364 = arith.constant 3 : i32
      %get3A_1365 = arith.index_cast %get3A_1363 : i32 to index
      %get3A_1366 = arith.index_cast %get3A_1364 : i32 to index
      %get3A_1367 = arith.constant 48 : index
      %get3A_1368 = tpu.vector_load %arg10[%get3A_1365, %get3A_1366, %get3A_1367] {strides = array<i32>} : memref<2x16x64xf32, #tpu.memory_space<vmem>>, vector<16xf32>,
      %add3A_1369 = arith.addf %get3A_1362, %get3A_5 : vector<16xf32>
      %add3A_1370 = arith.addf %get3A_1368, %get3A_9 : vector<16xf32>
      %mul3A_1371 = arith.mulf %add3A_1369, %add3A_1370 : vector<16xf32>
      %mul3A_1372 = arith.mulf %mul3A_1371, %get3A_29 : vector<16xf32>
      %add3A_1373 = arith.addf %add3A_1356, %mul3A_1372 : vector<16xf32>
      %broadcast_in_dim3A_1374 = arith.constant 3 : i32
      %broadcast_in_dim3A_1375 = vector.broadcast %broadcast_in_dim3A_1374 : i32 to vector<16xi32>
      tpu.vector_store_idx %arg13[%iota3A, %broadcast_in_dim3A_1375], %add3A_1373 : memref<16x17xf32, #tpu.memory_space<vmem>>[vector<16xi32>, vector<16xi32>], vector<16xf32>,
      %get3A_1376 = arith.constant 0 : i32
      %get3A_1377 = arith.constant 4 : i32
      %get3A_1378 = arith.index_cast %get3A_1376 : i32 to index
      %get3A_1379 = arith.index_cast %get3A_1377 : i32 to index
      %get3A_1380 = arith.constant 0 : index
      %get3A_1381 = tpu.vector_load %arg9[%get3A_1378, %get3A_1379, %get3A_1380] {strides = array<i32>} : memref<2x16x64xf32, #tpu.memory_space<vmem>>, vector<16xf32>,
      %get3A_1382 = arith.constant 0 : i32
      %get3A_1383 = arith.constant 4 : i32
      %get3A_1384 = arith.index_cast %get3A_1382 : i32 to index
      %get3A_1385 = arith.index_cast %get3A_1383 : i32 to index
      %get3A_1386 = arith.constant 0 : index
      %get3A_1387 = tpu.vector_load %arg10[%get3A_1384, %get3A_1385, %get3A_1386] {strides = array<i32>} : memref<2x16x64xf32, #tpu.memory_space<vmem>>, vector<16xf32>,
      %add3A_1388 = arith.addf %get3A_1381, %get3A_5 : vector<16xf32>
      %add3A_1389 = arith.addf %get3A_1387, %get3A_9 : vector<16xf32>
      %mul3A_1390 = arith.mulf %add3A_1388, %add3A_1389 : vector<16xf32>
      %mul3A_1391 = arith.mulf %mul3A_1390, %get3A_17 : vector<16xf32>
      %get3A_1392 = arith.constant 0 : i32
      %get3A_1393 = arith.constant 4 : i32
      %get3A_1394 = arith.index_cast %get3A_1392 : i32 to index
      %get3A_1395 = arith.index_cast %get3A_1393 : i32 to index
      %get3A_1396 = arith.constant 16 : index
      %get3A_1397 = tpu.vector_load %arg9[%get3A_1394, %get3A_1395, %get3A_1396] {strides = array<i32>} : memref<2x16x64xf32, #tpu.memory_space<vmem>>, vector<16xf32>,
      %get3A_1398 = arith.constant 0 : i32
      %get3A_1399 = arith.constant 4 : i32
      %get3A_1400 = arith.index_cast %get3A_1398 : i32 to index
      %get3A_1401 = arith.index_cast %get3A_1399 : i32 to index
      %get3A_1402 = arith.constant 16 : index
      %get3A_1403 = tpu.vector_load %arg10[%get3A_1400, %get3A_1401, %get3A_1402] {strides = array<i32>} : memref<2x16x64xf32, #tpu.memory_space<vmem>>, vector<16xf32>,
      %add3A_1404 = arith.addf %get3A_1397, %get3A_5 : vector<16xf32>
      %add3A_1405 = arith.addf %get3A_1403, %get3A_9 : vector<16xf32>
      %mul3A_1406 = arith.mulf %add3A_1404, %add3A_1405 : vector<16xf32>
      %mul3A_1407 = arith.mulf %mul3A_1406, %get3A_21 : vector<16xf32>
      %add3A_1408 = arith.addf %mul3A_1391, %mul3A_1407 : vector<16xf32>
      %get3A_1409 = arith.constant 0 : i32
      %get3A_1410 = arith.constant 4 : i32
      %get3A_1411 = arith.index_cast %get3A_1409 : i32 to index
      %get3A_1412 = arith.index_cast %get3A_1410 : i32 to index
      %get3A_1413 = arith.constant 32 : index
      %get3A_1414 = tpu.vector_load %arg9[%get3A_1411, %get3A_1412, %get3A_1413] {strides = array<i32>} : memref<2x16x64xf32, #tpu.memory_space<vmem>>, vector<16xf32>,
      %get3A_1415 = arith.constant 0 : i32
      %get3A_1416 = arith.constant 4 : i32
      %get3A_1417 = arith.index_cast %get3A_1415 : i32 to index
      %get3A_1418 = arith.index_cast %get3A_1416 : i32 to index
      %get3A_1419 = arith.constant 32 : index
      %get3A_1420 = tpu.vector_load %arg10[%get3A_1417, %get3A_1418, %get3A_1419] {strides = array<i32>} : memref<2x16x64xf32, #tpu.memory_space<vmem>>, vector<16xf32>,
      %add3A_1421 = arith.addf %get3A_1414, %get3A_5 : vector<16xf32>
      %add3A_1422 = arith.addf %get3A_1420, %get3A_9 : vector<16xf32>
      %mul3A_1423 = arith.mulf %add3A_1421, %add3A_1422 : vector<16xf32>
      %mul3A_1424 = arith.mulf %mul3A_1423, %get3A_25 : vector<16xf32>
      %add3A_1425 = arith.addf %add3A_1408, %mul3A_1424 : vector<16xf32>
      %get3A_1426 = arith.constant 0 : i32
      %get3A_1427 = arith.constant 4 : i32
      %get3A_1428 = arith.index_cast %get3A_1426 : i32 to index
      %get3A_1429 = arith.index_cast %get3A_1427 : i32 to index
      %get3A_1430 = arith.constant 48 : index
      %get3A_1431 = tpu.vector_load %arg9[%get3A_1428, %get3A_1429, %get3A_1430] {strides = array<i32>} : memref<2x16x64xf32, #tpu.memory_space<vmem>>, vector<16xf32>,
      %get3A_1432 = arith.constant 0 : i32
      %get3A_1433 = arith.constant 4 : i32
      %get3A_1434 = arith.index_cast %get3A_1432 : i32 to index
      %get3A_1435 = arith.index_cast %get3A_1433 : i32 to index
      %get3A_1436 = arith.constant 48 : index
      %get3A_1437 = tpu.vector_load %arg10[%get3A_1434, %get3A_1435, %get3A_1436] {strides = array<i32>} : memref<2x16x64xf32, #tpu.memory_space<vmem>>, vector<16xf32>,
      %add3A_1438 = arith.addf %get3A_1431, %get3A_5 : vector<16xf32>
      %add3A_1439 = arith.addf %get3A_1437, %get3A_9 : vector<16xf32>
      %mul3A_1440 = arith.mulf %add3A_1438, %add3A_1439 : vector<16xf32>
      %mul3A_1441 = arith.mulf %mul3A_1440, %get3A_29 : vector<16xf32>
      %add3A_1442 = arith.addf %add3A_1425, %mul3A_1441 : vector<16xf32>
      %broadcast_in_dim3A_1443 = arith.constant 4 : i32
      %broadcast_in_dim3A_1444 = vector.broadcast %broadcast_in_dim3A_1443 : i32 to vector<16xi32>
      tpu.vector_store_idx %arg13[%iota3A, %broadcast_in_dim3A_1444], %add3A_1442 : memref<16x17xf32, #tpu.memory_space<vmem>>[vector<16xi32>, vector<16xi32>], vector<16xf32>,
      %get3A_1445 = arith.constant 0 : i32
      %get3A_1446 = arith.constant 5 : i32
      %get3A_1447 = arith.index_cast %get3A_1445 : i32 to index
      %get3A_1448 = arith.index_cast %get3A_1446 : i32 to index
      %get3A_1449 = arith.constant 0 : index
      %get3A_1450 = tpu.vector_load %arg9[%get3A_1447, %get3A_1448, %get3A_1449] {strides = array<i32>} : memref<2x16x64xf32, #tpu.memory_space<vmem>>, vector<16xf32>,
      %get3A_1451 = arith.constant 0 : i32
      %get3A_1452 = arith.constant 5 : i32
      %get3A_1453 = arith.index_cast %get3A_1451 : i32 to index
      %get3A_1454 = arith.index_cast %get3A_1452 : i32 to index
      %get3A_1455 = arith.constant 0 : index
      %get3A_1456 = tpu.vector_load %arg10[%get3A_1453, %get3A_1454, %get3A_1455] {strides = array<i32>} : memref<2x16x64xf32, #tpu.memory_space<vmem>>, vector<16xf32>,
      %add3A_1457 = arith.addf %get3A_1450, %get3A_5 : vector<16xf32>
      %add3A_1458 = arith.addf %get3A_1456, %get3A_9 : vector<16xf32>
      %mul3A_1459 = arith.mulf %add3A_1457, %add3A_1458 : vector<16xf32>
      %mul3A_1460 = arith.mulf %mul3A_1459, %get3A_17 : vector<16xf32>
      %get3A_1461 = arith.constant 0 : i32
      %get3A_1462 = arith.constant 5 : i32
      %get3A_1463 = arith.index_cast %get3A_1461 : i32 to index
      %get3A_1464 = arith.index_cast %get3A_1462 : i32 to index
      %get3A_1465 = arith.constant 16 : index
      %get3A_1466 = tpu.vector_load %arg9[%get3A_1463, %get3A_1464, %get3A_1465] {strides = array<i32>} : memref<2x16x64xf32, #tpu.memory_space<vmem>>, vector<16xf32>,
      %get3A_1467 = arith.constant 0 : i32
      %get3A_1468 = arith.constant 5 : i32
      %get3A_1469 = arith.index_cast %get3A_1467 : i32 to index
      %get3A_1470 = arith.index_cast %get3A_1468 : i32 to index
      %get3A_1471 = arith.constant 16 : index
      %get3A_1472 = tpu.vector_load %arg10[%get3A_1469, %get3A_1470, %get3A_1471] {strides = array<i32>} : memref<2x16x64xf32, #tpu.memory_space<vmem>>, vector<16xf32>,
      %add3A_1473 = arith.addf %get3A_1466, %get3A_5 : vector<16xf32>
      %add3A_1474 = arith.addf %get3A_1472, %get3A_9 : vector<16xf32>
      %mul3A_1475 = arith.mulf %add3A_1473, %add3A_1474 : vector<16xf32>
      %mul3A_1476 = arith.mulf %mul3A_1475, %get3A_21 : vector<16xf32>
      %add3A_1477 = arith.addf %mul3A_1460, %mul3A_1476 : vector<16xf32>
      %get3A_1478 = arith.constant 0 : i32
      %get3A_1479 = arith.constant 5 : i32
      %get3A_1480 = arith.index_cast %get3A_1478 : i32 to index
      %get3A_1481 = arith.index_cast %get3A_1479 : i32 to index
      %get3A_1482 = arith.constant 32 : index
      %get3A_1483 = tpu.vector_load %arg9[%get3A_1480, %get3A_1481, %get3A_1482] {strides = array<i32>} : memref<2x16x64xf32, #tpu.memory_space<vmem>>, vector<16xf32>,
      %get3A_1484 = arith.constant 0 : i32
      %get3A_1485 = arith.constant 5 : i32
      %get3A_1486 = arith.index_cast %get3A_1484 : i32 to index
      %get3A_1487 = arith.index_cast %get3A_1485 : i32 to index
      %get3A_1488 = arith.constant 32 : index
      %get3A_1489 = tpu.vector_load %arg10[%get3A_1486, %get3A_1487, %get3A_1488] {strides = array<i32>} : memref<2x16x64xf32, #tpu.memory_space<vmem>>, vector<16xf32>,
      %add3A_1490 = arith.addf %get3A_1483, %get3A_5 : vector<16xf32>
      %add3A_1491 = arith.addf %get3A_1489, %get3A_9 : vector<16xf32>
      %mul3A_1492 = arith.mulf %add3A_1490, %add3A_1491 : vector<16xf32>
      %mul3A_1493 = arith.mulf %mul3A_1492, %get3A_25 : vector<16xf32>
      %add3A_1494 = arith.addf %add3A_1477, %mul3A_1493 : vector<16xf32>
      %get3A_1495 = arith.constant 0 : i32
      %get3A_1496 = arith.constant 5 : i32
      %get3A_1497 = arith.index_cast %get3A_1495 : i32 to index
      %get3A_1498 = arith.index_cast %get3A_1496 : i32 to index
      %get3A_1499 = arith.constant 48 : index
      %get3A_1500 = tpu.vector_load %arg9[%get3A_1497, %get3A_1498, %get3A_1499] {strides = array<i32>} : memref<2x16x64xf32, #tpu.memory_space<vmem>>, vector<16xf32>,
      %get3A_1501 = arith.constant 0 : i32
      %get3A_1502 = arith.constant 5 : i32
      %get3A_1503 = arith.index_cast %get3A_1501 : i32 to index
      %get3A_1504 = arith.index_cast %get3A_1502 : i32 to index
      %get3A_1505 = arith.constant 48 : index
      %get3A_1506 = tpu.vector_load %arg10[%get3A_1503, %get3A_1504, %get3A_1505] {strides = array<i32>} : memref<2x16x64xf32, #tpu.memory_space<vmem>>, vector<16xf32>,
      %add3A_1507 = arith.addf %get3A_1500, %get3A_5 : vector<16xf32>
      %add3A_1508 = arith.addf %get3A_1506, %get3A_9 : vector<16xf32>
      %mul3A_1509 = arith.mulf %add3A_1507, %add3A_1508 : vector<16xf32>
      %mul3A_1510 = arith.mulf %mul3A_1509, %get3A_29 : vector<16xf32>
      %add3A_1511 = arith.addf %add3A_1494, %mul3A_1510 : vector<16xf32>
      %broadcast_in_dim3A_1512 = arith.constant 5 : i32
      %broadcast_in_dim3A_1513 = vector.broadcast %broadcast_in_dim3A_1512 : i32 to vector<16xi32>
      tpu.vector_store_idx %arg13[%iota3A, %broadcast_in_dim3A_1513], %add3A_1511 : memref<16x17xf32, #tpu.memory_space<vmem>>[vector<16xi32>, vector<16xi32>], vector<16xf32>,
      %get3A_1514 = arith.constant 0 : i32
      %get3A_1515 = arith.constant 6 : i32
      %get3A_1516 = arith.index_cast %get3A_1514 : i32 to index
      %get3A_1517 = arith.index_cast %get3A_1515 : i32 to index
      %get3A_1518 = arith.constant 0 : index
      %get3A_1519 = tpu.vector_load %arg9[%get3A_1516, %get3A_1517, %get3A_1518] {strides = array<i32>} : memref<2x16x64xf32, #tpu.memory_space<vmem>>, vector<16xf32>,
      %get3A_1520 = arith.constant 0 : i32
      %get3A_1521 = arith.constant 6 : i32
      %get3A_1522 = arith.index_cast %get3A_1520 : i32 to index
      %get3A_1523 = arith.index_cast %get3A_1521 : i32 to index
      %get3A_1524 = arith.constant 0 : index
      %get3A_1525 = tpu.vector_load %arg10[%get3A_1522, %get3A_1523, %get3A_1524] {strides = array<i32>} : memref<2x16x64xf32, #tpu.memory_space<vmem>>, vector<16xf32>,
      %add3A_1526 = arith.addf %get3A_1519, %get3A_5 : vector<16xf32>
      %add3A_1527 = arith.addf %get3A_1525, %get3A_9 : vector<16xf32>
      %mul3A_1528 = arith.mulf %add3A_1526, %add3A_1527 : vector<16xf32>
      %mul3A_1529 = arith.mulf %mul3A_1528, %get3A_17 : vector<16xf32>
      %get3A_1530 = arith.constant 0 : i32
      %get3A_1531 = arith.constant 6 : i32
      %get3A_1532 = arith.index_cast %get3A_1530 : i32 to index
      %get3A_1533 = arith.index_cast %get3A_1531 : i32 to index
      %get3A_1534 = arith.constant 16 : index
      %get3A_1535 = tpu.vector_load %arg9[%get3A_1532, %get3A_1533, %get3A_1534] {strides = array<i32>} : memref<2x16x64xf32, #tpu.memory_space<vmem>>, vector<16xf32>,
      %get3A_1536 = arith.constant 0 : i32
      %get3A_1537 = arith.constant 6 : i32
      %get3A_1538 = arith.index_cast %get3A_1536 : i32 to index
      %get3A_1539 = arith.index_cast %get3A_1537 : i32 to index
      %get3A_1540 = arith.constant 16 : index
      %get3A_1541 = tpu.vector_load %arg10[%get3A_1538, %get3A_1539, %get3A_1540] {strides = array<i32>} : memref<2x16x64xf32, #tpu.memory_space<vmem>>, vector<16xf32>,
      %add3A_1542 = arith.addf %get3A_1535, %get3A_5 : vector<16xf32>
      %add3A_1543 = arith.addf %get3A_1541, %get3A_9 : vector<16xf32>
      %mul3A_1544 = arith.mulf %add3A_1542, %add3A_1543 : vector<16xf32>
      %mul3A_1545 = arith.mulf %mul3A_1544, %get3A_21 : vector<16xf32>
      %add3A_1546 = arith.addf %mul3A_1529, %mul3A_1545 : vector<16xf32>
      %get3A_1547 = arith.constant 0 : i32
      %get3A_1548 = arith.constant 6 : i32
      %get3A_1549 = arith.index_cast %get3A_1547 : i32 to index
      %get3A_1550 = arith.index_cast %get3A_1548 : i32 to index
      %get3A_1551 = arith.constant 32 : index
      %get3A_1552 = tpu.vector_load %arg9[%get3A_1549, %get3A_1550, %get3A_1551] {strides = array<i32>} : memref<2x16x64xf32, #tpu.memory_space<vmem>>, vector<16xf32>,
      %get3A_1553 = arith.constant 0 : i32
      %get3A_1554 = arith.constant 6 : i32
      %get3A_1555 = arith.index_cast %get3A_1553 : i32 to index
      %get3A_1556 = arith.index_cast %get3A_1554 : i32 to index
      %get3A_1557 = arith.constant 32 : index
      %get3A_1558 = tpu.vector_load %arg10[%get3A_1555, %get3A_1556, %get3A_1557] {strides = array<i32>} : memref<2x16x64xf32, #tpu.memory_space<vmem>>, vector<16xf32>,
      %add3A_1559 = arith.addf %get3A_1552, %get3A_5 : vector<16xf32>
      %add3A_1560 = arith.addf %get3A_1558, %get3A_9 : vector<16xf32>
      %mul3A_1561 = arith.mulf %add3A_1559, %add3A_1560 : vector<16xf32>
      %mul3A_1562 = arith.mulf %mul3A_1561, %get3A_25 : vector<16xf32>
      %add3A_1563 = arith.addf %add3A_1546, %mul3A_1562 : vector<16xf32>
      %get3A_1564 = arith.constant 0 : i32
      %get3A_1565 = arith.constant 6 : i32
      %get3A_1566 = arith.index_cast %get3A_1564 : i32 to index
      %get3A_1567 = arith.index_cast %get3A_1565 : i32 to index
      %get3A_1568 = arith.constant 48 : index
      %get3A_1569 = tpu.vector_load %arg9[%get3A_1566, %get3A_1567, %get3A_1568] {strides = array<i32>} : memref<2x16x64xf32, #tpu.memory_space<vmem>>, vector<16xf32>,
      %get3A_1570 = arith.constant 0 : i32
      %get3A_1571 = arith.constant 6 : i32
      %get3A_1572 = arith.index_cast %get3A_1570 : i32 to index
      %get3A_1573 = arith.index_cast %get3A_1571 : i32 to index
      %get3A_1574 = arith.constant 48 : index
      %get3A_1575 = tpu.vector_load %arg10[%get3A_1572, %get3A_1573, %get3A_1574] {strides = array<i32>} : memref<2x16x64xf32, #tpu.memory_space<vmem>>, vector<16xf32>,
      %add3A_1576 = arith.addf %get3A_1569, %get3A_5 : vector<16xf32>
      %add3A_1577 = arith.addf %get3A_1575, %get3A_9 : vector<16xf32>
      %mul3A_1578 = arith.mulf %add3A_1576, %add3A_1577 : vector<16xf32>
      %mul3A_1579 = arith.mulf %mul3A_1578, %get3A_29 : vector<16xf32>
      %add3A_1580 = arith.addf %add3A_1563, %mul3A_1579 : vector<16xf32>
      %broadcast_in_dim3A_1581 = arith.constant 6 : i32
      %broadcast_in_dim3A_1582 = vector.broadcast %broadcast_in_dim3A_1581 : i32 to vector<16xi32>
      tpu.vector_store_idx %arg13[%iota3A, %broadcast_in_dim3A_1582], %add3A_1580 : memref<16x17xf32, #tpu.memory_space<vmem>>[vector<16xi32>, vector<16xi32>], vector<16xf32>,
      %get3A_1583 = arith.constant 0 : i32
      %get3A_1584 = arith.constant 7 : i32
      %get3A_1585 = arith.index_cast %get3A_1583 : i32 to index
      %get3A_1586 = arith.index_cast %get3A_1584 : i32 to index
      %get3A_1587 = arith.constant 0 : index
      %get3A_1588 = tpu.vector_load %arg9[%get3A_1585, %get3A_1586, %get3A_1587] {strides = array<i32>} : memref<2x16x64xf32, #tpu.memory_space<vmem>>, vector<16xf32>,
      %get3A_1589 = arith.constant 0 : i32
      %get3A_1590 = arith.constant 7 : i32
      %get3A_1591 = arith.index_cast %get3A_1589 : i32 to index
      %get3A_1592 = arith.index_cast %get3A_1590 : i32 to index
      %get3A_1593 = arith.constant 0 : index
      %get3A_1594 = tpu.vector_load %arg10[%get3A_1591, %get3A_1592, %get3A_1593] {strides = array<i32>} : memref<2x16x64xf32, #tpu.memory_space<vmem>>, vector<16xf32>,
      %add3A_1595 = arith.addf %get3A_1588, %get3A_5 : vector<16xf32>
      %add3A_1596 = arith.addf %get3A_1594, %get3A_9 : vector<16xf32>
      %mul3A_1597 = arith.mulf %add3A_1595, %add3A_1596 : vector<16xf32>
      %mul3A_1598 = arith.mulf %mul3A_1597, %get3A_17 : vector<16xf32>
      %get3A_1599 = arith.constant 0 : i32
      %get3A_1600 = arith.constant 7 : i32
      %get3A_1601 = arith.index_cast %get3A_1599 : i32 to index
      %get3A_1602 = arith.index_cast %get3A_1600 : i32 to index
      %get3A_1603 = arith.constant 16 : index
      %get3A_1604 = tpu.vector_load %arg9[%get3A_1601, %get3A_1602, %get3A_1603] {strides = array<i32>} : memref<2x16x64xf32, #tpu.memory_space<vmem>>, vector<16xf32>,
      %get3A_1605 = arith.constant 0 : i32
      %get3A_1606 = arith.constant 7 : i32
      %get3A_1607 = arith.index_cast %get3A_1605 : i32 to index
      %get3A_1608 = arith.index_cast %get3A_1606 : i32 to index
      %get3A_1609 = arith.constant 16 : index
      %get3A_1610 = tpu.vector_load %arg10[%get3A_1607, %get3A_1608, %get3A_1609] {strides = array<i32>} : memref<2x16x64xf32, #tpu.memory_space<vmem>>, vector<16xf32>,
      %add3A_1611 = arith.addf %get3A_1604, %get3A_5 : vector<16xf32>
      %add3A_1612 = arith.addf %get3A_1610, %get3A_9 : vector<16xf32>
      %mul3A_1613 = arith.mulf %add3A_1611, %add3A_1612 : vector<16xf32>
      %mul3A_1614 = arith.mulf %mul3A_1613, %get3A_21 : vector<16xf32>
      %add3A_1615 = arith.addf %mul3A_1598, %mul3A_1614 : vector<16xf32>
      %get3A_1616 = arith.constant 0 : i32
      %get3A_1617 = arith.constant 7 : i32
      %get3A_1618 = arith.index_cast %get3A_1616 : i32 to index
      %get3A_1619 = arith.index_cast %get3A_1617 : i32 to index
      %get3A_1620 = arith.constant 32 : index
      %get3A_1621 = tpu.vector_load %arg9[%get3A_1618, %get3A_1619, %get3A_1620] {strides = array<i32>} : memref<2x16x64xf32, #tpu.memory_space<vmem>>, vector<16xf32>,
      %get3A_1622 = arith.constant 0 : i32
      %get3A_1623 = arith.constant 7 : i32
      %get3A_1624 = arith.index_cast %get3A_1622 : i32 to index
      %get3A_1625 = arith.index_cast %get3A_1623 : i32 to index
      %get3A_1626 = arith.constant 32 : index
      %get3A_1627 = tpu.vector_load %arg10[%get3A_1624, %get3A_1625, %get3A_1626] {strides = array<i32>} : memref<2x16x64xf32, #tpu.memory_space<vmem>>, vector<16xf32>,
      %add3A_1628 = arith.addf %get3A_1621, %get3A_5 : vector<16xf32>
      %add3A_1629 = arith.addf %get3A_1627, %get3A_9 : vector<16xf32>
      %mul3A_1630 = arith.mulf %add3A_1628, %add3A_1629 : vector<16xf32>
      %mul3A_1631 = arith.mulf %mul3A_1630, %get3A_25 : vector<16xf32>
      %add3A_1632 = arith.addf %add3A_1615, %mul3A_1631 : vector<16xf32>
      %get3A_1633 = arith.constant 0 : i32
      %get3A_1634 = arith.constant 7 : i32
      %get3A_1635 = arith.index_cast %get3A_1633 : i32 to index
      %get3A_1636 = arith.index_cast %get3A_1634 : i32 to index
      %get3A_1637 = arith.constant 48 : index
      %get3A_1638 = tpu.vector_load %arg9[%get3A_1635, %get3A_1636, %get3A_1637] {strides = array<i32>} : memref<2x16x64xf32, #tpu.memory_space<vmem>>, vector<16xf32>,
      %get3A_1639 = arith.constant 0 : i32
      %get3A_1640 = arith.constant 7 : i32
      %get3A_1641 = arith.index_cast %get3A_1639 : i32 to index
      %get3A_1642 = arith.index_cast %get3A_1640 : i32 to index
      %get3A_1643 = arith.constant 48 : index
      %get3A_1644 = tpu.vector_load %arg10[%get3A_1641, %get3A_1642, %get3A_1643] {strides = array<i32>} : memref<2x16x64xf32, #tpu.memory_space<vmem>>, vector<16xf32>,
      %add3A_1645 = arith.addf %get3A_1638, %get3A_5 : vector<16xf32>
      %add3A_1646 = arith.addf %get3A_1644, %get3A_9 : vector<16xf32>
      %mul3A_1647 = arith.mulf %add3A_1645, %add3A_1646 : vector<16xf32>
      %mul3A_1648 = arith.mulf %mul3A_1647, %get3A_29 : vector<16xf32>
      %add3A_1649 = arith.addf %add3A_1632, %mul3A_1648 : vector<16xf32>
      %broadcast_in_dim3A_1650 = arith.constant 7 : i32
      %broadcast_in_dim3A_1651 = vector.broadcast %broadcast_in_dim3A_1650 : i32 to vector<16xi32>
      tpu.vector_store_idx %arg13[%iota3A, %broadcast_in_dim3A_1651], %add3A_1649 : memref<16x17xf32, #tpu.memory_space<vmem>>[vector<16xi32>, vector<16xi32>], vector<16xf32>,
      %get3A_1652 = arith.constant 0 : i32
      %get3A_1653 = arith.constant 8 : i32
      %get3A_1654 = arith.index_cast %get3A_1652 : i32 to index
      %get3A_1655 = arith.index_cast %get3A_1653 : i32 to index
      %get3A_1656 = arith.constant 0 : index
      %get3A_1657 = tpu.vector_load %arg9[%get3A_1654, %get3A_1655, %get3A_1656] {strides = array<i32>} : memref<2x16x64xf32, #tpu.memory_space<vmem>>, vector<16xf32>,
      %get3A_1658 = arith.constant 0 : i32
      %get3A_1659 = arith.constant 8 : i32
      %get3A_1660 = arith.index_cast %get3A_1658 : i32 to index
      %get3A_1661 = arith.index_cast %get3A_1659 : i32 to index
      %get3A_1662 = arith.constant 0 : index
      %get3A_1663 = tpu.vector_load %arg10[%get3A_1660, %get3A_1661, %get3A_1662] {strides = array<i32>} : memref<2x16x64xf32, #tpu.memory_space<vmem>>, vector<16xf32>,
      %add3A_1664 = arith.addf %get3A_1657, %get3A_5 : vector<16xf32>
      %add3A_1665 = arith.addf %get3A_1663, %get3A_9 : vector<16xf32>
      %mul3A_1666 = arith.mulf %add3A_1664, %add3A_1665 : vector<16xf32>
      %mul3A_1667 = arith.mulf %mul3A_1666, %get3A_17 : vector<16xf32>
      %get3A_1668 = arith.constant 0 : i32
      %get3A_1669 = arith.constant 8 : i32
      %get3A_1670 = arith.index_cast %get3A_1668 : i32 to index
      %get3A_1671 = arith.index_cast %get3A_1669 : i32 to index
      %get3A_1672 = arith.constant 16 : index
      %get3A_1673 = tpu.vector_load %arg9[%get3A_1670, %get3A_1671, %get3A_1672] {strides = array<i32>} : memref<2x16x64xf32, #tpu.memory_space<vmem>>, vector<16xf32>,
      %get3A_1674 = arith.constant 0 : i32
      %get3A_1675 = arith.constant 8 : i32
      %get3A_1676 = arith.index_cast %get3A_1674 : i32 to index
      %get3A_1677 = arith.index_cast %get3A_1675 : i32 to index
      %get3A_1678 = arith.constant 16 : index
      %get3A_1679 = tpu.vector_load %arg10[%get3A_1676, %get3A_1677, %get3A_1678] {strides = array<i32>} : memref<2x16x64xf32, #tpu.memory_space<vmem>>, vector<16xf32>,
      %add3A_1680 = arith.addf %get3A_1673, %get3A_5 : vector<16xf32>
      %add3A_1681 = arith.addf %get3A_1679, %get3A_9 : vector<16xf32>
      %mul3A_1682 = arith.mulf %add3A_1680, %add3A_1681 : vector<16xf32>
      %mul3A_1683 = arith.mulf %mul3A_1682, %get3A_21 : vector<16xf32>
      %add3A_1684 = arith.addf %mul3A_1667, %mul3A_1683 : vector<16xf32>
      %get3A_1685 = arith.constant 0 : i32
      %get3A_1686 = arith.constant 8 : i32
      %get3A_1687 = arith.index_cast %get3A_1685 : i32 to index
      %get3A_1688 = arith.index_cast %get3A_1686 : i32 to index
      %get3A_1689 = arith.constant 32 : index
      %get3A_1690 = tpu.vector_load %arg9[%get3A_1687, %get3A_1688, %get3A_1689] {strides = array<i32>} : memref<2x16x64xf32, #tpu.memory_space<vmem>>, vector<16xf32>,
      %get3A_1691 = arith.constant 0 : i32
      %get3A_1692 = arith.constant 8 : i32
      %get3A_1693 = arith.index_cast %get3A_1691 : i32 to index
      %get3A_1694 = arith.index_cast %get3A_1692 : i32 to index
      %get3A_1695 = arith.constant 32 : index
      %get3A_1696 = tpu.vector_load %arg10[%get3A_1693, %get3A_1694, %get3A_1695] {strides = array<i32>} : memref<2x16x64xf32, #tpu.memory_space<vmem>>, vector<16xf32>,
      %add3A_1697 = arith.addf %get3A_1690, %get3A_5 : vector<16xf32>
      %add3A_1698 = arith.addf %get3A_1696, %get3A_9 : vector<16xf32>
      %mul3A_1699 = arith.mulf %add3A_1697, %add3A_1698 : vector<16xf32>
      %mul3A_1700 = arith.mulf %mul3A_1699, %get3A_25 : vector<16xf32>
      %add3A_1701 = arith.addf %add3A_1684, %mul3A_1700 : vector<16xf32>
      %get3A_1702 = arith.constant 0 : i32
      %get3A_1703 = arith.constant 8 : i32
      %get3A_1704 = arith.index_cast %get3A_1702 : i32 to index
      %get3A_1705 = arith.index_cast %get3A_1703 : i32 to index
      %get3A_1706 = arith.constant 48 : index
      %get3A_1707 = tpu.vector_load %arg9[%get3A_1704, %get3A_1705, %get3A_1706] {strides = array<i32>} : memref<2x16x64xf32, #tpu.memory_space<vmem>>, vector<16xf32>,
      %get3A_1708 = arith.constant 0 : i32
      %get3A_1709 = arith.constant 8 : i32
      %get3A_1710 = arith.index_cast %get3A_1708 : i32 to index
      %get3A_1711 = arith.index_cast %get3A_1709 : i32 to index
      %get3A_1712 = arith.constant 48 : index
      %get3A_1713 = tpu.vector_load %arg10[%get3A_1710, %get3A_1711, %get3A_1712] {strides = array<i32>} : memref<2x16x64xf32, #tpu.memory_space<vmem>>, vector<16xf32>,
      %add3A_1714 = arith.addf %get3A_1707, %get3A_5 : vector<16xf32>
      %add3A_1715 = arith.addf %get3A_1713, %get3A_9 : vector<16xf32>
      %mul3A_1716 = arith.mulf %add3A_1714, %add3A_1715 : vector<16xf32>
      %mul3A_1717 = arith.mulf %mul3A_1716, %get3A_29 : vector<16xf32>
      %add3A_1718 = arith.addf %add3A_1701, %mul3A_1717 : vector<16xf32>
      %broadcast_in_dim3A_1719 = arith.constant 8 : i32
      %broadcast_in_dim3A_1720 = vector.broadcast %broadcast_in_dim3A_1719 : i32 to vector<16xi32>
      tpu.vector_store_idx %arg13[%iota3A, %broadcast_in_dim3A_1720], %add3A_1718 : memref<16x17xf32, #tpu.memory_space<vmem>>[vector<16xi32>, vector<16xi32>], vector<16xf32>,
      %get3A_1721 = arith.constant 0 : i32
      %get3A_1722 = arith.constant 9 : i32
      %get3A_1723 = arith.index_cast %get3A_1721 : i32 to index
      %get3A_1724 = arith.index_cast %get3A_1722 : i32 to index
      %get3A_1725 = arith.constant 0 : index
      %get3A_1726 = tpu.vector_load %arg9[%get3A_1723, %get3A_1724, %get3A_1725] {strides = array<i32>} : memref<2x16x64xf32, #tpu.memory_space<vmem>>, vector<16xf32>,
      %get3A_1727 = arith.constant 0 : i32
      %get3A_1728 = arith.constant 9 : i32
      %get3A_1729 = arith.index_cast %get3A_1727 : i32 to index
      %get3A_1730 = arith.index_cast %get3A_1728 : i32 to index
      %get3A_1731 = arith.constant 0 : index
      %get3A_1732 = tpu.vector_load %arg10[%get3A_1729, %get3A_1730, %get3A_1731] {strides = array<i32>} : memref<2x16x64xf32, #tpu.memory_space<vmem>>, vector<16xf32>,
      %add3A_1733 = arith.addf %get3A_1726, %get3A_5 : vector<16xf32>
      %add3A_1734 = arith.addf %get3A_1732, %get3A_9 : vector<16xf32>
      %mul3A_1735 = arith.mulf %add3A_1733, %add3A_1734 : vector<16xf32>
      %mul3A_1736 = arith.mulf %mul3A_1735, %get3A_17 : vector<16xf32>
      %get3A_1737 = arith.constant 0 : i32
      %get3A_1738 = arith.constant 9 : i32
      %get3A_1739 = arith.index_cast %get3A_1737 : i32 to index
      %get3A_1740 = arith.index_cast %get3A_1738 : i32 to index
      %get3A_1741 = arith.constant 16 : index
      %get3A_1742 = tpu.vector_load %arg9[%get3A_1739, %get3A_1740, %get3A_1741] {strides = array<i32>} : memref<2x16x64xf32, #tpu.memory_space<vmem>>, vector<16xf32>,
      %get3A_1743 = arith.constant 0 : i32
      %get3A_1744 = arith.constant 9 : i32
      %get3A_1745 = arith.index_cast %get3A_1743 : i32 to index
      %get3A_1746 = arith.index_cast %get3A_1744 : i32 to index
      %get3A_1747 = arith.constant 16 : index
      %get3A_1748 = tpu.vector_load %arg10[%get3A_1745, %get3A_1746, %get3A_1747] {strides = array<i32>} : memref<2x16x64xf32, #tpu.memory_space<vmem>>, vector<16xf32>,
      %add3A_1749 = arith.addf %get3A_1742, %get3A_5 : vector<16xf32>
      %add3A_1750 = arith.addf %get3A_1748, %get3A_9 : vector<16xf32>
      %mul3A_1751 = arith.mulf %add3A_1749, %add3A_1750 : vector<16xf32>
      %mul3A_1752 = arith.mulf %mul3A_1751, %get3A_21 : vector<16xf32>
      %add3A_1753 = arith.addf %mul3A_1736, %mul3A_1752 : vector<16xf32>
      %get3A_1754 = arith.constant 0 : i32
      %get3A_1755 = arith.constant 9 : i32
      %get3A_1756 = arith.index_cast %get3A_1754 : i32 to index
      %get3A_1757 = arith.index_cast %get3A_1755 : i32 to index
      %get3A_1758 = arith.constant 32 : index
      %get3A_1759 = tpu.vector_load %arg9[%get3A_1756, %get3A_1757, %get3A_1758] {strides = array<i32>} : memref<2x16x64xf32, #tpu.memory_space<vmem>>, vector<16xf32>,
      %get3A_1760 = arith.constant 0 : i32
      %get3A_1761 = arith.constant 9 : i32
      %get3A_1762 = arith.index_cast %get3A_1760 : i32 to index
      %get3A_1763 = arith.index_cast %get3A_1761 : i32 to index
      %get3A_1764 = arith.constant 32 : index
      %get3A_1765 = tpu.vector_load %arg10[%get3A_1762, %get3A_1763, %get3A_1764] {strides = array<i32>} : memref<2x16x64xf32, #tpu.memory_space<vmem>>, vector<16xf32>,
      %add3A_1766 = arith.addf %get3A_1759, %get3A_5 : vector<16xf32>
      %add3A_1767 = arith.addf %get3A_1765, %get3A_9 : vector<16xf32>
      %mul3A_1768 = arith.mulf %add3A_1766, %add3A_1767 : vector<16xf32>
      %mul3A_1769 = arith.mulf %mul3A_1768, %get3A_25 : vector<16xf32>
      %add3A_1770 = arith.addf %add3A_1753, %mul3A_1769 : vector<16xf32>
      %get3A_1771 = arith.constant 0 : i32
      %get3A_1772 = arith.constant 9 : i32
      %get3A_1773 = arith.index_cast %get3A_1771 : i32 to index
      %get3A_1774 = arith.index_cast %get3A_1772 : i32 to index
      %get3A_1775 = arith.constant 48 : index
      %get3A_1776 = tpu.vector_load %arg9[%get3A_1773, %get3A_1774, %get3A_1775] {strides = array<i32>} : memref<2x16x64xf32, #tpu.memory_space<vmem>>, vector<16xf32>,
      %get3A_1777 = arith.constant 0 : i32
      %get3A_1778 = arith.constant 9 : i32
      %get3A_1779 = arith.index_cast %get3A_1777 : i32 to index
      %get3A_1780 = arith.index_cast %get3A_1778 : i32 to index
      %get3A_1781 = arith.constant 48 : index
      %get3A_1782 = tpu.vector_load %arg10[%get3A_1779, %get3A_1780, %get3A_1781] {strides = array<i32>} : memref<2x16x64xf32, #tpu.memory_space<vmem>>, vector<16xf32>,
      %add3A_1783 = arith.addf %get3A_1776, %get3A_5 : vector<16xf32>
      %add3A_1784 = arith.addf %get3A_1782, %get3A_9 : vector<16xf32>
      %mul3A_1785 = arith.mulf %add3A_1783, %add3A_1784 : vector<16xf32>
      %mul3A_1786 = arith.mulf %mul3A_1785, %get3A_29 : vector<16xf32>
      %add3A_1787 = arith.addf %add3A_1770, %mul3A_1786 : vector<16xf32>
      %broadcast_in_dim3A_1788 = arith.constant 9 : i32
      %broadcast_in_dim3A_1789 = vector.broadcast %broadcast_in_dim3A_1788 : i32 to vector<16xi32>
      tpu.vector_store_idx %arg13[%iota3A, %broadcast_in_dim3A_1789], %add3A_1787 : memref<16x17xf32, #tpu.memory_space<vmem>>[vector<16xi32>, vector<16xi32>], vector<16xf32>,
      %get3A_1790 = arith.constant 0 : i32
      %get3A_1791 = arith.constant 10 : i32
      %get3A_1792 = arith.index_cast %get3A_1790 : i32 to index
      %get3A_1793 = arith.index_cast %get3A_1791 : i32 to index
      %get3A_1794 = arith.constant 0 : index
      %get3A_1795 = tpu.vector_load %arg9[%get3A_1792, %get3A_1793, %get3A_1794] {strides = array<i32>} : memref<2x16x64xf32, #tpu.memory_space<vmem>>, vector<16xf32>,
      %get3A_1796 = arith.constant 0 : i32
      %get3A_1797 = arith.constant 10 : i32
      %get3A_1798 = arith.index_cast %get3A_1796 : i32 to index
      %get3A_1799 = arith.index_cast %get3A_1797 : i32 to index
      %get3A_1800 = arith.constant 0 : index
      %get3A_1801 = tpu.vector_load %arg10[%get3A_1798, %get3A_1799, %get3A_1800] {strides = array<i32>} : memref<2x16x64xf32, #tpu.memory_space<vmem>>, vector<16xf32>,
      %add3A_1802 = arith.addf %get3A_1795, %get3A_5 : vector<16xf32>
      %add3A_1803 = arith.addf %get3A_1801, %get3A_9 : vector<16xf32>
      %mul3A_1804 = arith.mulf %add3A_1802, %add3A_1803 : vector<16xf32>
      %mul3A_1805 = arith.mulf %mul3A_1804, %get3A_17 : vector<16xf32>
      %get3A_1806 = arith.constant 0 : i32
      %get3A_1807 = arith.constant 10 : i32
      %get3A_1808 = arith.index_cast %get3A_1806 : i32 to index
      %get3A_1809 = arith.index_cast %get3A_1807 : i32 to index
      %get3A_1810 = arith.constant 16 : index
      %get3A_1811 = tpu.vector_load %arg9[%get3A_1808, %get3A_1809, %get3A_1810] {strides = array<i32>} : memref<2x16x64xf32, #tpu.memory_space<vmem>>, vector<16xf32>,
      %get3A_1812 = arith.constant 0 : i32
      %get3A_1813 = arith.constant 10 : i32
      %get3A_1814 = arith.index_cast %get3A_1812 : i32 to index
      %get3A_1815 = arith.index_cast %get3A_1813 : i32 to index
      %get3A_1816 = arith.constant 16 : index
      %get3A_1817 = tpu.vector_load %arg10[%get3A_1814, %get3A_1815, %get3A_1816] {strides = array<i32>} : memref<2x16x64xf32, #tpu.memory_space<vmem>>, vector<16xf32>,
      %add3A_1818 = arith.addf %get3A_1811, %get3A_5 : vector<16xf32>
      %add3A_1819 = arith.addf %get3A_1817, %get3A_9 : vector<16xf32>
      %mul3A_1820 = arith.mulf %add3A_1818, %add3A_1819 : vector<16xf32>
      %mul3A_1821 = arith.mulf %mul3A_1820, %get3A_21 : vector<16xf32>
      %add3A_1822 = arith.addf %mul3A_1805, %mul3A_1821 : vector<16xf32>
      %get3A_1823 = arith.constant 0 : i32
      %get3A_1824 = arith.constant 10 : i32
      %get3A_1825 = arith.index_cast %get3A_1823 : i32 to index
      %get3A_1826 = arith.index_cast %get3A_1824 : i32 to index
      %get3A_1827 = arith.constant 32 : index
      %get3A_1828 = tpu.vector_load %arg9[%get3A_1825, %get3A_1826, %get3A_1827] {strides = array<i32>} : memref<2x16x64xf32, #tpu.memory_space<vmem>>, vector<16xf32>,
      %get3A_1829 = arith.constant 0 : i32
      %get3A_1830 = arith.constant 10 : i32
      %get3A_1831 = arith.index_cast %get3A_1829 : i32 to index
      %get3A_1832 = arith.index_cast %get3A_1830 : i32 to index
      %get3A_1833 = arith.constant 32 : index
      %get3A_1834 = tpu.vector_load %arg10[%get3A_1831, %get3A_1832, %get3A_1833] {strides = array<i32>} : memref<2x16x64xf32, #tpu.memory_space<vmem>>, vector<16xf32>,
      %add3A_1835 = arith.addf %get3A_1828, %get3A_5 : vector<16xf32>
      %add3A_1836 = arith.addf %get3A_1834, %get3A_9 : vector<16xf32>
      %mul3A_1837 = arith.mulf %add3A_1835, %add3A_1836 : vector<16xf32>
      %mul3A_1838 = arith.mulf %mul3A_1837, %get3A_25 : vector<16xf32>
      %add3A_1839 = arith.addf %add3A_1822, %mul3A_1838 : vector<16xf32>
      %get3A_1840 = arith.constant 0 : i32
      %get3A_1841 = arith.constant 10 : i32
      %get3A_1842 = arith.index_cast %get3A_1840 : i32 to index
      %get3A_1843 = arith.index_cast %get3A_1841 : i32 to index
      %get3A_1844 = arith.constant 48 : index
      %get3A_1845 = tpu.vector_load %arg9[%get3A_1842, %get3A_1843, %get3A_1844] {strides = array<i32>} : memref<2x16x64xf32, #tpu.memory_space<vmem>>, vector<16xf32>,
      %get3A_1846 = arith.constant 0 : i32
      %get3A_1847 = arith.constant 10 : i32
      %get3A_1848 = arith.index_cast %get3A_1846 : i32 to index
      %get3A_1849 = arith.index_cast %get3A_1847 : i32 to index
      %get3A_1850 = arith.constant 48 : index
      %get3A_1851 = tpu.vector_load %arg10[%get3A_1848, %get3A_1849, %get3A_1850] {strides = array<i32>} : memref<2x16x64xf32, #tpu.memory_space<vmem>>, vector<16xf32>,
      %add3A_1852 = arith.addf %get3A_1845, %get3A_5 : vector<16xf32>
      %add3A_1853 = arith.addf %get3A_1851, %get3A_9 : vector<16xf32>
      %mul3A_1854 = arith.mulf %add3A_1852, %add3A_1853 : vector<16xf32>
      %mul3A_1855 = arith.mulf %mul3A_1854, %get3A_29 : vector<16xf32>
      %add3A_1856 = arith.addf %add3A_1839, %mul3A_1855 : vector<16xf32>
      %broadcast_in_dim3A_1857 = arith.constant 10 : i32
      %broadcast_in_dim3A_1858 = vector.broadcast %broadcast_in_dim3A_1857 : i32 to vector<16xi32>
      tpu.vector_store_idx %arg13[%iota3A, %broadcast_in_dim3A_1858], %add3A_1856 : memref<16x17xf32, #tpu.memory_space<vmem>>[vector<16xi32>, vector<16xi32>], vector<16xf32>,
      %get3A_1859 = arith.constant 0 : i32
      %get3A_1860 = arith.constant 11 : i32
      %get3A_1861 = arith.index_cast %get3A_1859 : i32 to index
      %get3A_1862 = arith.index_cast %get3A_1860 : i32 to index
      %get3A_1863 = arith.constant 0 : index
      %get3A_1864 = tpu.vector_load %arg9[%get3A_1861, %get3A_1862, %get3A_1863] {strides = array<i32>} : memref<2x16x64xf32, #tpu.memory_space<vmem>>, vector<16xf32>,
      %get3A_1865 = arith.constant 0 : i32
      %get3A_1866 = arith.constant 11 : i32
      %get3A_1867 = arith.index_cast %get3A_1865 : i32 to index
      %get3A_1868 = arith.index_cast %get3A_1866 : i32 to index
      %get3A_1869 = arith.constant 0 : index
      %get3A_1870 = tpu.vector_load %arg10[%get3A_1867, %get3A_1868, %get3A_1869] {strides = array<i32>} : memref<2x16x64xf32, #tpu.memory_space<vmem>>, vector<16xf32>,
      %add3A_1871 = arith.addf %get3A_1864, %get3A_5 : vector<16xf32>
      %add3A_1872 = arith.addf %get3A_1870, %get3A_9 : vector<16xf32>
      %mul3A_1873 = arith.mulf %add3A_1871, %add3A_1872 : vector<16xf32>
      %mul3A_1874 = arith.mulf %mul3A_1873, %get3A_17 : vector<16xf32>
      %get3A_1875 = arith.constant 0 : i32
      %get3A_1876 = arith.constant 11 : i32
      %get3A_1877 = arith.index_cast %get3A_1875 : i32 to index
      %get3A_1878 = arith.index_cast %get3A_1876 : i32 to index
      %get3A_1879 = arith.constant 16 : index
      %get3A_1880 = tpu.vector_load %arg9[%get3A_1877, %get3A_1878, %get3A_1879] {strides = array<i32>} : memref<2x16x64xf32, #tpu.memory_space<vmem>>, vector<16xf32>,
      %get3A_1881 = arith.constant 0 : i32
      %get3A_1882 = arith.constant 11 : i32
      %get3A_1883 = arith.index_cast %get3A_1881 : i32 to index
      %get3A_1884 = arith.index_cast %get3A_1882 : i32 to index
      %get3A_1885 = arith.constant 16 : index
      %get3A_1886 = tpu.vector_load %arg10[%get3A_1883, %get3A_1884, %get3A_1885] {strides = array<i32>} : memref<2x16x64xf32, #tpu.memory_space<vmem>>, vector<16xf32>,
      %add3A_1887 = arith.addf %get3A_1880, %get3A_5 : vector<16xf32>
      %add3A_1888 = arith.addf %get3A_1886, %get3A_9 : vector<16xf32>
      %mul3A_1889 = arith.mulf %add3A_1887, %add3A_1888 : vector<16xf32>
      %mul3A_1890 = arith.mulf %mul3A_1889, %get3A_21 : vector<16xf32>
      %add3A_1891 = arith.addf %mul3A_1874, %mul3A_1890 : vector<16xf32>
      %get3A_1892 = arith.constant 0 : i32
      %get3A_1893 = arith.constant 11 : i32
      %get3A_1894 = arith.index_cast %get3A_1892 : i32 to index
      %get3A_1895 = arith.index_cast %get3A_1893 : i32 to index
      %get3A_1896 = arith.constant 32 : index
      %get3A_1897 = tpu.vector_load %arg9[%get3A_1894, %get3A_1895, %get3A_1896] {strides = array<i32>} : memref<2x16x64xf32, #tpu.memory_space<vmem>>, vector<16xf32>,
      %get3A_1898 = arith.constant 0 : i32
      %get3A_1899 = arith.constant 11 : i32
      %get3A_1900 = arith.index_cast %get3A_1898 : i32 to index
      %get3A_1901 = arith.index_cast %get3A_1899 : i32 to index
      %get3A_1902 = arith.constant 32 : index
      %get3A_1903 = tpu.vector_load %arg10[%get3A_1900, %get3A_1901, %get3A_1902] {strides = array<i32>} : memref<2x16x64xf32, #tpu.memory_space<vmem>>, vector<16xf32>,
      %add3A_1904 = arith.addf %get3A_1897, %get3A_5 : vector<16xf32>
      %add3A_1905 = arith.addf %get3A_1903, %get3A_9 : vector<16xf32>
      %mul3A_1906 = arith.mulf %add3A_1904, %add3A_1905 : vector<16xf32>
      %mul3A_1907 = arith.mulf %mul3A_1906, %get3A_25 : vector<16xf32>
      %add3A_1908 = arith.addf %add3A_1891, %mul3A_1907 : vector<16xf32>
      %get3A_1909 = arith.constant 0 : i32
      %get3A_1910 = arith.constant 11 : i32
      %get3A_1911 = arith.index_cast %get3A_1909 : i32 to index
      %get3A_1912 = arith.index_cast %get3A_1910 : i32 to index
      %get3A_1913 = arith.constant 48 : index
      %get3A_1914 = tpu.vector_load %arg9[%get3A_1911, %get3A_1912, %get3A_1913] {strides = array<i32>} : memref<2x16x64xf32, #tpu.memory_space<vmem>>, vector<16xf32>,
      %get3A_1915 = arith.constant 0 : i32
      %get3A_1916 = arith.constant 11 : i32
      %get3A_1917 = arith.index_cast %get3A_1915 : i32 to index
      %get3A_1918 = arith.index_cast %get3A_1916 : i32 to index
      %get3A_1919 = arith.constant 48 : index
      %get3A_1920 = tpu.vector_load %arg10[%get3A_1917, %get3A_1918, %get3A_1919] {strides = array<i32>} : memref<2x16x64xf32, #tpu.memory_space<vmem>>, vector<16xf32>,
      %add3A_1921 = arith.addf %get3A_1914, %get3A_5 : vector<16xf32>
      %add3A_1922 = arith.addf %get3A_1920, %get3A_9 : vector<16xf32>
      %mul3A_1923 = arith.mulf %add3A_1921, %add3A_1922 : vector<16xf32>
      %mul3A_1924 = arith.mulf %mul3A_1923, %get3A_29 : vector<16xf32>
      %add3A_1925 = arith.addf %add3A_1908, %mul3A_1924 : vector<16xf32>
      %broadcast_in_dim3A_1926 = arith.constant 11 : i32
      %broadcast_in_dim3A_1927 = vector.broadcast %broadcast_in_dim3A_1926 : i32 to vector<16xi32>
      tpu.vector_store_idx %arg13[%iota3A, %broadcast_in_dim3A_1927], %add3A_1925 : memref<16x17xf32, #tpu.memory_space<vmem>>[vector<16xi32>, vector<16xi32>], vector<16xf32>,
      %get3A_1928 = arith.constant 0 : i32
      %get3A_1929 = arith.constant 12 : i32
      %get3A_1930 = arith.index_cast %get3A_1928 : i32 to index
      %get3A_1931 = arith.index_cast %get3A_1929 : i32 to index
      %get3A_1932 = arith.constant 0 : index
      %get3A_1933 = tpu.vector_load %arg9[%get3A_1930, %get3A_1931, %get3A_1932] {strides = array<i32>} : memref<2x16x64xf32, #tpu.memory_space<vmem>>, vector<16xf32>,
      %get3A_1934 = arith.constant 0 : i32
      %get3A_1935 = arith.constant 12 : i32
      %get3A_1936 = arith.index_cast %get3A_1934 : i32 to index
      %get3A_1937 = arith.index_cast %get3A_1935 : i32 to index
      %get3A_1938 = arith.constant 0 : index
      %get3A_1939 = tpu.vector_load %arg10[%get3A_1936, %get3A_1937, %get3A_1938] {strides = array<i32>} : memref<2x16x64xf32, #tpu.memory_space<vmem>>, vector<16xf32>,
      %add3A_1940 = arith.addf %get3A_1933, %get3A_5 : vector<16xf32>
      %add3A_1941 = arith.addf %get3A_1939, %get3A_9 : vector<16xf32>
      %mul3A_1942 = arith.mulf %add3A_1940, %add3A_1941 : vector<16xf32>
      %mul3A_1943 = arith.mulf %mul3A_1942, %get3A_17 : vector<16xf32>
      %get3A_1944 = arith.constant 0 : i32
      %get3A_1945 = arith.constant 12 : i32
      %get3A_1946 = arith.index_cast %get3A_1944 : i32 to index
      %get3A_1947 = arith.index_cast %get3A_1945 : i32 to index
      %get3A_1948 = arith.constant 16 : index
      %get3A_1949 = tpu.vector_load %arg9[%get3A_1946, %get3A_1947, %get3A_1948] {strides = array<i32>} : memref<2x16x64xf32, #tpu.memory_space<vmem>>, vector<16xf32>,
      %get3A_1950 = arith.constant 0 : i32
      %get3A_1951 = arith.constant 12 : i32
      %get3A_1952 = arith.index_cast %get3A_1950 : i32 to index
      %get3A_1953 = arith.index_cast %get3A_1951 : i32 to index
      %get3A_1954 = arith.constant 16 : index
      %get3A_1955 = tpu.vector_load %arg10[%get3A_1952, %get3A_1953, %get3A_1954] {strides = array<i32>} : memref<2x16x64xf32, #tpu.memory_space<vmem>>, vector<16xf32>,
      %add3A_1956 = arith.addf %get3A_1949, %get3A_5 : vector<16xf32>
      %add3A_1957 = arith.addf %get3A_1955, %get3A_9 : vector<16xf32>
      %mul3A_1958 = arith.mulf %add3A_1956, %add3A_1957 : vector<16xf32>
      %mul3A_1959 = arith.mulf %mul3A_1958, %get3A_21 : vector<16xf32>
      %add3A_1960 = arith.addf %mul3A_1943, %mul3A_1959 : vector<16xf32>
      %get3A_1961 = arith.constant 0 : i32
      %get3A_1962 = arith.constant 12 : i32
      %get3A_1963 = arith.index_cast %get3A_1961 : i32 to index
      %get3A_1964 = arith.index_cast %get3A_1962 : i32 to index
      %get3A_1965 = arith.constant 32 : index
      %get3A_1966 = tpu.vector_load %arg9[%get3A_1963, %get3A_1964, %get3A_1965] {strides = array<i32>} : memref<2x16x64xf32, #tpu.memory_space<vmem>>, vector<16xf32>,
      %get3A_1967 = arith.constant 0 : i32
      %get3A_1968 = arith.constant 12 : i32
      %get3A_1969 = arith.index_cast %get3A_1967 : i32 to index
      %get3A_1970 = arith.index_cast %get3A_1968 : i32 to index
      %get3A_1971 = arith.constant 32 : index
      %get3A_1972 = tpu.vector_load %arg10[%get3A_1969, %get3A_1970, %get3A_1971] {strides = array<i32>} : memref<2x16x64xf32, #tpu.memory_space<vmem>>, vector<16xf32>,
      %add3A_1973 = arith.addf %get3A_1966, %get3A_5 : vector<16xf32>
      %add3A_1974 = arith.addf %get3A_1972, %get3A_9 : vector<16xf32>
      %mul3A_1975 = arith.mulf %add3A_1973, %add3A_1974 : vector<16xf32>
      %mul3A_1976 = arith.mulf %mul3A_1975, %get3A_25 : vector<16xf32>
      %add3A_1977 = arith.addf %add3A_1960, %mul3A_1976 : vector<16xf32>
      %get3A_1978 = arith.constant 0 : i32
      %get3A_1979 = arith.constant 12 : i32
      %get3A_1980 = arith.index_cast %get3A_1978 : i32 to index
      %get3A_1981 = arith.index_cast %get3A_1979 : i32 to index
      %get3A_1982 = arith.constant 48 : index
      %get3A_1983 = tpu.vector_load %arg9[%get3A_1980, %get3A_1981, %get3A_1982] {strides = array<i32>} : memref<2x16x64xf32, #tpu.memory_space<vmem>>, vector<16xf32>,
      %get3A_1984 = arith.constant 0 : i32
      %get3A_1985 = arith.constant 12 : i32
      %get3A_1986 = arith.index_cast %get3A_1984 : i32 to index
      %get3A_1987 = arith.index_cast %get3A_1985 : i32 to index
      %get3A_1988 = arith.constant 48 : index
      %get3A_1989 = tpu.vector_load %arg10[%get3A_1986, %get3A_1987, %get3A_1988] {strides = array<i32>} : memref<2x16x64xf32, #tpu.memory_space<vmem>>, vector<16xf32>,
      %add3A_1990 = arith.addf %get3A_1983, %get3A_5 : vector<16xf32>
      %add3A_1991 = arith.addf %get3A_1989, %get3A_9 : vector<16xf32>
      %mul3A_1992 = arith.mulf %add3A_1990, %add3A_1991 : vector<16xf32>
      %mul3A_1993 = arith.mulf %mul3A_1992, %get3A_29 : vector<16xf32>
      %add3A_1994 = arith.addf %add3A_1977, %mul3A_1993 : vector<16xf32>
      %broadcast_in_dim3A_1995 = arith.constant 12 : i32
      %broadcast_in_dim3A_1996 = vector.broadcast %broadcast_in_dim3A_1995 : i32 to vector<16xi32>
      tpu.vector_store_idx %arg13[%iota3A, %broadcast_in_dim3A_1996], %add3A_1994 : memref<16x17xf32, #tpu.memory_space<vmem>>[vector<16xi32>, vector<16xi32>], vector<16xf32>,
      %get3A_1997 = arith.constant 0 : i32
      %get3A_1998 = arith.constant 13 : i32
      %get3A_1999 = arith.index_cast %get3A_1997 : i32 to index
      %get3A_2000 = arith.index_cast %get3A_1998 : i32 to index
      %get3A_2001 = arith.constant 0 : index
      %get3A_2002 = tpu.vector_load %arg9[%get3A_1999, %get3A_2000, %get3A_2001] {strides = array<i32>} : memref<2x16x64xf32, #tpu.memory_space<vmem>>, vector<16xf32>,
      %get3A_2003 = arith.constant 0 : i32
      %get3A_2004 = arith.constant 13 : i32
      %get3A_2005 = arith.index_cast %get3A_2003 : i32 to index
      %get3A_2006 = arith.index_cast %get3A_2004 : i32 to index
      %get3A_2007 = arith.constant 0 : index
      %get3A_2008 = tpu.vector_load %arg10[%get3A_2005, %get3A_2006, %get3A_2007] {strides = array<i32>} : memref<2x16x64xf32, #tpu.memory_space<vmem>>, vector<16xf32>,
      %add3A_2009 = arith.addf %get3A_2002, %get3A_5 : vector<16xf32>
      %add3A_2010 = arith.addf %get3A_2008, %get3A_9 : vector<16xf32>
      %mul3A_2011 = arith.mulf %add3A_2009, %add3A_2010 : vector<16xf32>
      %mul3A_2012 = arith.mulf %mul3A_2011, %get3A_17 : vector<16xf32>
      %get3A_2013 = arith.constant 0 : i32
      %get3A_2014 = arith.constant 13 : i32
      %get3A_2015 = arith.index_cast %get3A_2013 : i32 to index
      %get3A_2016 = arith.index_cast %get3A_2014 : i32 to index
      %get3A_2017 = arith.constant 16 : index
      %get3A_2018 = tpu.vector_load %arg9[%get3A_2015, %get3A_2016, %get3A_2017] {strides = array<i32>} : memref<2x16x64xf32, #tpu.memory_space<vmem>>, vector<16xf32>,
      %get3A_2019 = arith.constant 0 : i32
      %get3A_2020 = arith.constant 13 : i32
      %get3A_2021 = arith.index_cast %get3A_2019 : i32 to index
      %get3A_2022 = arith.index_cast %get3A_2020 : i32 to index
      %get3A_2023 = arith.constant 16 : index
      %get3A_2024 = tpu.vector_load %arg10[%get3A_2021, %get3A_2022, %get3A_2023] {strides = array<i32>} : memref<2x16x64xf32, #tpu.memory_space<vmem>>, vector<16xf32>,
      %add3A_2025 = arith.addf %get3A_2018, %get3A_5 : vector<16xf32>
      %add3A_2026 = arith.addf %get3A_2024, %get3A_9 : vector<16xf32>
      %mul3A_2027 = arith.mulf %add3A_2025, %add3A_2026 : vector<16xf32>
      %mul3A_2028 = arith.mulf %mul3A_2027, %get3A_21 : vector<16xf32>
      %add3A_2029 = arith.addf %mul3A_2012, %mul3A_2028 : vector<16xf32>
      %get3A_2030 = arith.constant 0 : i32
      %get3A_2031 = arith.constant 13 : i32
      %get3A_2032 = arith.index_cast %get3A_2030 : i32 to index
      %get3A_2033 = arith.index_cast %get3A_2031 : i32 to index
      %get3A_2034 = arith.constant 32 : index
      %get3A_2035 = tpu.vector_load %arg9[%get3A_2032, %get3A_2033, %get3A_2034] {strides = array<i32>} : memref<2x16x64xf32, #tpu.memory_space<vmem>>, vector<16xf32>,
      %get3A_2036 = arith.constant 0 : i32
      %get3A_2037 = arith.constant 13 : i32
      %get3A_2038 = arith.index_cast %get3A_2036 : i32 to index
      %get3A_2039 = arith.index_cast %get3A_2037 : i32 to index
      %get3A_2040 = arith.constant 32 : index
      %get3A_2041 = tpu.vector_load %arg10[%get3A_2038, %get3A_2039, %get3A_2040] {strides = array<i32>} : memref<2x16x64xf32, #tpu.memory_space<vmem>>, vector<16xf32>,
      %add3A_2042 = arith.addf %get3A_2035, %get3A_5 : vector<16xf32>
      %add3A_2043 = arith.addf %get3A_2041, %get3A_9 : vector<16xf32>
      %mul3A_2044 = arith.mulf %add3A_2042, %add3A_2043 : vector<16xf32>
      %mul3A_2045 = arith.mulf %mul3A_2044, %get3A_25 : vector<16xf32>
      %add3A_2046 = arith.addf %add3A_2029, %mul3A_2045 : vector<16xf32>
      %get3A_2047 = arith.constant 0 : i32
      %get3A_2048 = arith.constant 13 : i32
      %get3A_2049 = arith.index_cast %get3A_2047 : i32 to index
      %get3A_2050 = arith.index_cast %get3A_2048 : i32 to index
      %get3A_2051 = arith.constant 48 : index
      %get3A_2052 = tpu.vector_load %arg9[%get3A_2049, %get3A_2050, %get3A_2051] {strides = array<i32>} : memref<2x16x64xf32, #tpu.memory_space<vmem>>, vector<16xf32>,
      %get3A_2053 = arith.constant 0 : i32
      %get3A_2054 = arith.constant 13 : i32
      %get3A_2055 = arith.index_cast %get3A_2053 : i32 to index
      %get3A_2056 = arith.index_cast %get3A_2054 : i32 to index
      %get3A_2057 = arith.constant 48 : index
      %get3A_2058 = tpu.vector_load %arg10[%get3A_2055, %get3A_2056, %get3A_2057] {strides = array<i32>} : memref<2x16x64xf32, #tpu.memory_space<vmem>>, vector<16xf32>,
      %add3A_2059 = arith.addf %get3A_2052, %get3A_5 : vector<16xf32>
      %add3A_2060 = arith.addf %get3A_2058, %get3A_9 : vector<16xf32>
      %mul3A_2061 = arith.mulf %add3A_2059, %add3A_2060 : vector<16xf32>
      %mul3A_2062 = arith.mulf %mul3A_2061, %get3A_29 : vector<16xf32>
      %add3A_2063 = arith.addf %add3A_2046, %mul3A_2062 : vector<16xf32>
      %broadcast_in_dim3A_2064 = arith.constant 13 : i32
      %broadcast_in_dim3A_2065 = vector.broadcast %broadcast_in_dim3A_2064 : i32 to vector<16xi32>
      tpu.vector_store_idx %arg13[%iota3A, %broadcast_in_dim3A_2065], %add3A_2063 : memref<16x17xf32, #tpu.memory_space<vmem>>[vector<16xi32>, vector<16xi32>], vector<16xf32>,
      %get3A_2066 = arith.constant 0 : i32
      %get3A_2067 = arith.constant 14 : i32
      %get3A_2068 = arith.index_cast %get3A_2066 : i32 to index
      %get3A_2069 = arith.index_cast %get3A_2067 : i32 to index
      %get3A_2070 = arith.constant 0 : index
      %get3A_2071 = tpu.vector_load %arg9[%get3A_2068, %get3A_2069, %get3A_2070] {strides = array<i32>} : memref<2x16x64xf32, #tpu.memory_space<vmem>>, vector<16xf32>,
      %get3A_2072 = arith.constant 0 : i32
      %get3A_2073 = arith.constant 14 : i32
      %get3A_2074 = arith.index_cast %get3A_2072 : i32 to index
      %get3A_2075 = arith.index_cast %get3A_2073 : i32 to index
      %get3A_2076 = arith.constant 0 : index
      %get3A_2077 = tpu.vector_load %arg10[%get3A_2074, %get3A_2075, %get3A_2076] {strides = array<i32>} : memref<2x16x64xf32, #tpu.memory_space<vmem>>, vector<16xf32>,
      %add3A_2078 = arith.addf %get3A_2071, %get3A_5 : vector<16xf32>
      %add3A_2079 = arith.addf %get3A_2077, %get3A_9 : vector<16xf32>
      %mul3A_2080 = arith.mulf %add3A_2078, %add3A_2079 : vector<16xf32>
      %mul3A_2081 = arith.mulf %mul3A_2080, %get3A_17 : vector<16xf32>
      %get3A_2082 = arith.constant 0 : i32
      %get3A_2083 = arith.constant 14 : i32
      %get3A_2084 = arith.index_cast %get3A_2082 : i32 to index
      %get3A_2085 = arith.index_cast %get3A_2083 : i32 to index
      %get3A_2086 = arith.constant 16 : index
      %get3A_2087 = tpu.vector_load %arg9[%get3A_2084, %get3A_2085, %get3A_2086] {strides = array<i32>} : memref<2x16x64xf32, #tpu.memory_space<vmem>>, vector<16xf32>,
      %get3A_2088 = arith.constant 0 : i32
      %get3A_2089 = arith.constant 14 : i32
      %get3A_2090 = arith.index_cast %get3A_2088 : i32 to index
      %get3A_2091 = arith.index_cast %get3A_2089 : i32 to index
      %get3A_2092 = arith.constant 16 : index
      %get3A_2093 = tpu.vector_load %arg10[%get3A_2090, %get3A_2091, %get3A_2092] {strides = array<i32>} : memref<2x16x64xf32, #tpu.memory_space<vmem>>, vector<16xf32>,
      %add3A_2094 = arith.addf %get3A_2087, %get3A_5 : vector<16xf32>
      %add3A_2095 = arith.addf %get3A_2093, %get3A_9 : vector<16xf32>
      %mul3A_2096 = arith.mulf %add3A_2094, %add3A_2095 : vector<16xf32>
      %mul3A_2097 = arith.mulf %mul3A_2096, %get3A_21 : vector<16xf32>
      %add3A_2098 = arith.addf %mul3A_2081, %mul3A_2097 : vector<16xf32>
      %get3A_2099 = arith.constant 0 : i32
      %get3A_2100 = arith.constant 14 : i32
      %get3A_2101 = arith.index_cast %get3A_2099 : i32 to index
      %get3A_2102 = arith.index_cast %get3A_2100 : i32 to index
      %get3A_2103 = arith.constant 32 : index
      %get3A_2104 = tpu.vector_load %arg9[%get3A_2101, %get3A_2102, %get3A_2103] {strides = array<i32>} : memref<2x16x64xf32, #tpu.memory_space<vmem>>, vector<16xf32>,
      %get3A_2105 = arith.constant 0 : i32
      %get3A_2106 = arith.constant 14 : i32
      %get3A_2107 = arith.index_cast %get3A_2105 : i32 to index
      %get3A_2108 = arith.index_cast %get3A_2106 : i32 to index
      %get3A_2109 = arith.constant 32 : index
      %get3A_2110 = tpu.vector_load %arg10[%get3A_2107, %get3A_2108, %get3A_2109] {strides = array<i32>} : memref<2x16x64xf32, #tpu.memory_space<vmem>>, vector<16xf32>,
      %add3A_2111 = arith.addf %get3A_2104, %get3A_5 : vector<16xf32>
      %add3A_2112 = arith.addf %get3A_2110, %get3A_9 : vector<16xf32>
      %mul3A_2113 = arith.mulf %add3A_2111, %add3A_2112 : vector<16xf32>
      %mul3A_2114 = arith.mulf %mul3A_2113, %get3A_25 : vector<16xf32>
      %add3A_2115 = arith.addf %add3A_2098, %mul3A_2114 : vector<16xf32>
      %get3A_2116 = arith.constant 0 : i32
      %get3A_2117 = arith.constant 14 : i32
      %get3A_2118 = arith.index_cast %get3A_2116 : i32 to index
      %get3A_2119 = arith.index_cast %get3A_2117 : i32 to index
      %get3A_2120 = arith.constant 48 : index
      %get3A_2121 = tpu.vector_load %arg9[%get3A_2118, %get3A_2119, %get3A_2120] {strides = array<i32>} : memref<2x16x64xf32, #tpu.memory_space<vmem>>, vector<16xf32>,
      %get3A_2122 = arith.constant 0 : i32
      %get3A_2123 = arith.constant 14 : i32
      %get3A_2124 = arith.index_cast %get3A_2122 : i32 to index
      %get3A_2125 = arith.index_cast %get3A_2123 : i32 to index
      %get3A_2126 = arith.constant 48 : index
      %get3A_2127 = tpu.vector_load %arg10[%get3A_2124, %get3A_2125, %get3A_2126] {strides = array<i32>} : memref<2x16x64xf32, #tpu.memory_space<vmem>>, vector<16xf32>,
      %add3A_2128 = arith.addf %get3A_2121, %get3A_5 : vector<16xf32>
      %add3A_2129 = arith.addf %get3A_2127, %get3A_9 : vector<16xf32>
      %mul3A_2130 = arith.mulf %add3A_2128, %add3A_2129 : vector<16xf32>
      %mul3A_2131 = arith.mulf %mul3A_2130, %get3A_29 : vector<16xf32>
      %add3A_2132 = arith.addf %add3A_2115, %mul3A_2131 : vector<16xf32>
      %broadcast_in_dim3A_2133 = arith.constant 14 : i32
      %broadcast_in_dim3A_2134 = vector.broadcast %broadcast_in_dim3A_2133 : i32 to vector<16xi32>
      tpu.vector_store_idx %arg13[%iota3A, %broadcast_in_dim3A_2134], %add3A_2132 : memref<16x17xf32, #tpu.memory_space<vmem>>[vector<16xi32>, vector<16xi32>], vector<16xf32>,
      %get3A_2135 = arith.constant 0 : i32
      %get3A_2136 = arith.constant 15 : i32
      %get3A_2137 = arith.index_cast %get3A_2135 : i32 to index
      %get3A_2138 = arith.index_cast %get3A_2136 : i32 to index
      %get3A_2139 = arith.constant 0 : index
      %get3A_2140 = tpu.vector_load %arg9[%get3A_2137, %get3A_2138, %get3A_2139] {strides = array<i32>} : memref<2x16x64xf32, #tpu.memory_space<vmem>>, vector<16xf32>,
      %get3A_2141 = arith.constant 0 : i32
      %get3A_2142 = arith.constant 15 : i32
      %get3A_2143 = arith.index_cast %get3A_2141 : i32 to index
      %get3A_2144 = arith.index_cast %get3A_2142 : i32 to index
      %get3A_2145 = arith.constant 0 : index
      %get3A_2146 = tpu.vector_load %arg10[%get3A_2143, %get3A_2144, %get3A_2145] {strides = array<i32>} : memref<2x16x64xf32, #tpu.memory_space<vmem>>, vector<16xf32>,
      %add3A_2147 = arith.addf %get3A_2140, %get3A_5 : vector<16xf32>
      %add3A_2148 = arith.addf %get3A_2146, %get3A_9 : vector<16xf32>
      %mul3A_2149 = arith.mulf %add3A_2147, %add3A_2148 : vector<16xf32>
      %mul3A_2150 = arith.mulf %mul3A_2149, %get3A_17 : vector<16xf32>
      %get3A_2151 = arith.constant 0 : i32
      %get3A_2152 = arith.constant 15 : i32
      %get3A_2153 = arith.index_cast %get3A_2151 : i32 to index
      %get3A_2154 = arith.index_cast %get3A_2152 : i32 to index
      %get3A_2155 = arith.constant 16 : index
      %get3A_2156 = tpu.vector_load %arg9[%get3A_2153, %get3A_2154, %get3A_2155] {strides = array<i32>} : memref<2x16x64xf32, #tpu.memory_space<vmem>>, vector<16xf32>,
      %get3A_2157 = arith.constant 0 : i32
      %get3A_2158 = arith.constant 15 : i32
      %get3A_2159 = arith.index_cast %get3A_2157 : i32 to index
      %get3A_2160 = arith.index_cast %get3A_2158 : i32 to index
      %get3A_2161 = arith.constant 16 : index
      %get3A_2162 = tpu.vector_load %arg10[%get3A_2159, %get3A_2160, %get3A_2161] {strides = array<i32>} : memref<2x16x64xf32, #tpu.memory_space<vmem>>, vector<16xf32>,
      %add3A_2163 = arith.addf %get3A_2156, %get3A_5 : vector<16xf32>
      %add3A_2164 = arith.addf %get3A_2162, %get3A_9 : vector<16xf32>
      %mul3A_2165 = arith.mulf %add3A_2163, %add3A_2164 : vector<16xf32>
      %mul3A_2166 = arith.mulf %mul3A_2165, %get3A_21 : vector<16xf32>
      %add3A_2167 = arith.addf %mul3A_2150, %mul3A_2166 : vector<16xf32>
      %get3A_2168 = arith.constant 0 : i32
      %get3A_2169 = arith.constant 15 : i32
      %get3A_2170 = arith.index_cast %get3A_2168 : i32 to index
      %get3A_2171 = arith.index_cast %get3A_2169 : i32 to index
      %get3A_2172 = arith.constant 32 : index
      %get3A_2173 = tpu.vector_load %arg9[%get3A_2170, %get3A_2171, %get3A_2172] {strides = array<i32>} : memref<2x16x64xf32, #tpu.memory_space<vmem>>, vector<16xf32>,
      %get3A_2174 = arith.constant 0 : i32
      %get3A_2175 = arith.constant 15 : i32
      %get3A_2176 = arith.index_cast %get3A_2174 : i32 to index
      %get3A_2177 = arith.index_cast %get3A_2175 : i32 to index
      %get3A_2178 = arith.constant 32 : index
      %get3A_2179 = tpu.vector_load %arg10[%get3A_2176, %get3A_2177, %get3A_2178] {strides = array<i32>} : memref<2x16x64xf32, #tpu.memory_space<vmem>>, vector<16xf32>,
      %add3A_2180 = arith.addf %get3A_2173, %get3A_5 : vector<16xf32>
      %add3A_2181 = arith.addf %get3A_2179, %get3A_9 : vector<16xf32>
      %mul3A_2182 = arith.mulf %add3A_2180, %add3A_2181 : vector<16xf32>
      %mul3A_2183 = arith.mulf %mul3A_2182, %get3A_25 : vector<16xf32>
      %add3A_2184 = arith.addf %add3A_2167, %mul3A_2183 : vector<16xf32>
      %get3A_2185 = arith.constant 0 : i32
      %get3A_2186 = arith.constant 15 : i32
      %get3A_2187 = arith.index_cast %get3A_2185 : i32 to index
      %get3A_2188 = arith.index_cast %get3A_2186 : i32 to index
      %get3A_2189 = arith.constant 48 : index
      %get3A_2190 = tpu.vector_load %arg9[%get3A_2187, %get3A_2188, %get3A_2189] {strides = array<i32>} : memref<2x16x64xf32, #tpu.memory_space<vmem>>, vector<16xf32>,
      %get3A_2191 = arith.constant 0 : i32
      %get3A_2192 = arith.constant 15 : i32
      %get3A_2193 = arith.index_cast %get3A_2191 : i32 to index
      %get3A_2194 = arith.index_cast %get3A_2192 : i32 to index
      %get3A_2195 = arith.constant 48 : index
      %get3A_2196 = tpu.vector_load %arg10[%get3A_2193, %get3A_2194, %get3A_2195] {strides = array<i32>} : memref<2x16x64xf32, #tpu.memory_space<vmem>>, vector<16xf32>,
      %add3A_2197 = arith.addf %get3A_2190, %get3A_5 : vector<16xf32>
      %add3A_2198 = arith.addf %get3A_2196, %get3A_9 : vector<16xf32>
      %mul3A_2199 = arith.mulf %add3A_2197, %add3A_2198 : vector<16xf32>
      %mul3A_2200 = arith.mulf %mul3A_2199, %get3A_29 : vector<16xf32>
      %add3A_2201 = arith.addf %add3A_2184, %mul3A_2200 : vector<16xf32>
      %broadcast_in_dim3A_2202 = arith.constant 15 : i32
      %broadcast_in_dim3A_2203 = vector.broadcast %broadcast_in_dim3A_2202 : i32 to vector<16xi32>
      tpu.vector_store_idx %arg13[%iota3A, %broadcast_in_dim3A_2203], %add3A_2201 : memref<16x17xf32, #tpu.memory_space<vmem>>[vector<16xi32>, vector<16xi32>], vector<16xf32>,
      %get3A_2204 = arith.constant 0 : i32
      %get3A_2205 = arith.index_cast %get3A_2204 : i32 to index
      %get3A_2206 = arith.constant 0 : index
      %get3A_2207 = tpu.vector_load %arg13[%get3A_2205, %get3A_2206] {strides = array<i32>} : memref<16x17xf32, #tpu.memory_space<vmem>>, vector<16xf32>,
      %get3A_2208 = arith.constant 1 : i32
      %get3A_2209 = arith.index_cast %get3A_2208 : i32 to index
      %get3A_2210 = arith.constant 0 : index
      %get3A_2211 = tpu.vector_load %arg13[%get3A_2209, %get3A_2210] {strides = array<i32>} : memref<16x17xf32, #tpu.memory_space<vmem>>, vector<16xf32>,
      %add3A_2212 = arith.addf %get3A_2207, %get3A_2211 : vector<16xf32>
      %get3A_2213 = arith.constant 2 : i32
      %get3A_2214 = arith.index_cast %get3A_2213 : i32 to index
      %get3A_2215 = arith.constant 0 : index
      %get3A_2216 = tpu.vector_load %arg13[%get3A_2214, %get3A_2215] {strides = array<i32>} : memref<16x17xf32, #tpu.memory_space<vmem>>, vector<16xf32>,
      %add3A_2217 = arith.addf %add3A_2212, %get3A_2216 : vector<16xf32>
      %get3A_2218 = arith.constant 3 : i32
      %get3A_2219 = arith.index_cast %get3A_2218 : i32 to index
      %get3A_2220 = arith.constant 0 : index
      %get3A_2221 = tpu.vector_load %arg13[%get3A_2219, %get3A_2220] {strides = array<i32>} : memref<16x17xf32, #tpu.memory_space<vmem>>, vector<16xf32>,
      %add3A_2222 = arith.addf %add3A_2217, %get3A_2221 : vector<16xf32>
      %get3A_2223 = arith.constant 4 : i32
      %get3A_2224 = arith.index_cast %get3A_2223 : i32 to index
      %get3A_2225 = arith.constant 0 : index
      %get3A_2226 = tpu.vector_load %arg13[%get3A_2224, %get3A_2225] {strides = array<i32>} : memref<16x17xf32, #tpu.memory_space<vmem>>, vector<16xf32>,
      %add3A_2227 = arith.addf %add3A_2222, %get3A_2226 : vector<16xf32>
      %get3A_2228 = arith.constant 5 : i32
      %get3A_2229 = arith.index_cast %get3A_2228 : i32 to index
      %get3A_2230 = arith.constant 0 : index
      %get3A_2231 = tpu.vector_load %arg13[%get3A_2229, %get3A_2230] {strides = array<i32>} : memref<16x17xf32, #tpu.memory_space<vmem>>, vector<16xf32>,
      %add3A_2232 = arith.addf %add3A_2227, %get3A_2231 : vector<16xf32>
      %get3A_2233 = arith.constant 6 : i32
      %get3A_2234 = arith.index_cast %get3A_2233 : i32 to index
      %get3A_2235 = arith.constant 0 : index
      %get3A_2236 = tpu.vector_load %arg13[%get3A_2234, %get3A_2235] {strides = array<i32>} : memref<16x17xf32, #tpu.memory_space<vmem>>, vector<16xf32>,
      %add3A_2237 = arith.addf %add3A_2232, %get3A_2236 : vector<16xf32>
      %get3A_2238 = arith.constant 7 : i32
      %get3A_2239 = arith.index_cast %get3A_2238 : i32 to index
      %get3A_2240 = arith.constant 0 : index
      %get3A_2241 = tpu.vector_load %arg13[%get3A_2239, %get3A_2240] {strides = array<i32>} : memref<16x17xf32, #tpu.memory_space<vmem>>, vector<16xf32>,
      %add3A_2242 = arith.addf %add3A_2237, %get3A_2241 : vector<16xf32>
      %get3A_2243 = arith.constant 8 : i32
      %get3A_2244 = arith.index_cast %get3A_2243 : i32 to index
      %get3A_2245 = arith.constant 0 : index
      %get3A_2246 = tpu.vector_load %arg13[%get3A_2244, %get3A_2245] {strides = array<i32>} : memref<16x17xf32, #tpu.memory_space<vmem>>, vector<16xf32>,
      %add3A_2247 = arith.addf %add3A_2242, %get3A_2246 : vector<16xf32>
      %get3A_2248 = arith.constant 9 : i32
      %get3A_2249 = arith.index_cast %get3A_2248 : i32 to index
      %get3A_2250 = arith.constant 0 : index
      %get3A_2251 = tpu.vector_load %arg13[%get3A_2249, %get3A_2250] {strides = array<i32>} : memref<16x17xf32, #tpu.memory_space<vmem>>, vector<16xf32>,
      %add3A_2252 = arith.addf %add3A_2247, %get3A_2251 : vector<16xf32>
      %get3A_2253 = arith.constant 10 : i32
      %get3A_2254 = arith.index_cast %get3A_2253 : i32 to index
      %get3A_2255 = arith.constant 0 : index
      %get3A_2256 = tpu.vector_load %arg13[%get3A_2254, %get3A_2255] {strides = array<i32>} : memref<16x17xf32, #tpu.memory_space<vmem>>, vector<16xf32>,
      %add3A_2257 = arith.addf %add3A_2252, %get3A_2256 : vector<16xf32>
      %get3A_2258 = arith.constant 11 : i32
      %get3A_2259 = arith.index_cast %get3A_2258 : i32 to index
      %get3A_2260 = arith.constant 0 : index
      %get3A_2261 = tpu.vector_load %arg13[%get3A_2259, %get3A_2260] {strides = array<i32>} : memref<16x17xf32, #tpu.memory_space<vmem>>, vector<16xf32>,
      %add3A_2262 = arith.addf %add3A_2257, %get3A_2261 : vector<16xf32>
      %get3A_2263 = arith.constant 12 : i32
      %get3A_2264 = arith.index_cast %get3A_2263 : i32 to index
      %get3A_2265 = arith.constant 0 : index
      %get3A_2266 = tpu.vector_load %arg13[%get3A_2264, %get3A_2265] {strides = array<i32>} : memref<16x17xf32, #tpu.memory_space<vmem>>, vector<16xf32>,
      %add3A_2267 = arith.addf %add3A_2262, %get3A_2266 : vector<16xf32>
      %get3A_2268 = arith.constant 13 : i32
      %get3A_2269 = arith.index_cast %get3A_2268 : i32 to index
      %get3A_2270 = arith.constant 0 : index
      %get3A_2271 = tpu.vector_load %arg13[%get3A_2269, %get3A_2270] {strides = array<i32>} : memref<16x17xf32, #tpu.memory_space<vmem>>, vector<16xf32>,
      %add3A_2272 = arith.addf %add3A_2267, %get3A_2271 : vector<16xf32>
      %get3A_2273 = arith.constant 14 : i32
      %get3A_2274 = arith.index_cast %get3A_2273 : i32 to index
      %get3A_2275 = arith.constant 0 : index
      %get3A_2276 = tpu.vector_load %arg13[%get3A_2274, %get3A_2275] {strides = array<i32>} : memref<16x17xf32, #tpu.memory_space<vmem>>, vector<16xf32>,
      %add3A_2277 = arith.addf %add3A_2272, %get3A_2276 : vector<16xf32>
      %get3A_2278 = arith.constant 15 : i32
      %get3A_2279 = arith.index_cast %get3A_2278 : i32 to index
      %get3A_2280 = arith.constant 0 : index
      %get3A_2281 = tpu.vector_load %arg13[%get3A_2279, %get3A_2280] {strides = array<i32>} : memref<16x17xf32, #tpu.memory_space<vmem>>, vector<16xf32>,
      %add3A_2282 = arith.addf %add3A_2277, %get3A_2281 : vector<16xf32>
      %add3A_2283 = arith.addf %add3A_2282, %get3A_13 : vector<16xf32>
      %neg3A = arith.constant 0.000000e+00 : f32
      %neg3A_2284 = vector.broadcast %neg3A : f32 to vector<16xf32>
      %neg3A_2285 = arith.subf %neg3A_2284, %add3A_2283 : vector<16xf32>
      %exp3A = math.exp %neg3A_2285 : vector<16xf32>
      %add3A_2286 = arith.constant 1.000000e+00 : f32
      %add3A_2287 = vector.broadcast %add3A_2286 : f32 to vector<16xf32>
      %add3A_2288 = arith.addf %add3A_2287, %exp3A : vector<16xf32>
      %div3A = arith.constant 1.000000e+00 : f32
      %div3A_2289 = vector.broadcast %div3A : f32 to vector<16xf32>
      %div3A_2290 = arith.divf %div3A_2289, %add3A_2288 : vector<16xf32>
      %mul3A_2291 = arith.constant 16 : i32
      %mul3A_2292 = arith.muli %mul3A_549, %mul3A_2291 : i32
      %swap3A = arith.index_cast %mul3A_2292 : i32 to index
      %swap3A_2293 = tpu.vector_load %arg12[%swap3A] {strides = array<i32>} : memref<512xf32, #tpu.memory_space<vmem>>, vector<16xf32>,
      tpu.vector_store %arg12[%swap3A], %div3A_2290 {strides = array<i32>} : memref<512xf32, #tpu.memory_space<vmem>>, vector<16xf32>,
      %add3A_2294 = arith.constant 1 : i32
      %add3A_2295 = arith.addi %add3A_551, %add3A_2294 : i32
      %lt3A = arith.constant 32 : i32
      %lt3A_2296 = arith.cmpi slt, %add3A_2295, %lt3A : i32
      %convert_element_type3A = arith.extui %lt3A_2296 : i1 to i32
      %cond3A = arith.constant 0 : i32
      %cond3A_2297 = arith.cmpi ne, %convert_element_type3A, %cond3A : i32
      scf.if %cond3A_2297 {
        %add3A_3526 = arith.constant 1 : i32
        %add3A_3527 = arith.addi %add3A_551, %add3A_3526 : i32
        %mul3A_3528 = arith.constant 16 : i32
        %mul3A_3529 = arith.muli %add3A_3527, %mul3A_3528 : i32
        %get3A_3530 = arith.index_cast %mul3A_3529 : i32 to index
        %get3A_3531 = tpu.vector_load %arg7[%get3A_3530] {strides = array<i32>} : memref<512xi32, #tpu.memory_space<vmem>>, vector<16xi32>,
        %mul3A_3532 = arith.constant 16 : i32
        %mul3A_3533 = arith.muli %add3A_3527, %mul3A_3532 : i32
        %get3A_3534 = arith.index_cast %mul3A_3533 : i32 to index
        %get3A_3535 = tpu.vector_load %arg8[%get3A_3534] {strides = array<i32>} : memref<512xi32, #tpu.memory_space<vmem>>, vector<16xi32>,
        %slice3A_3536 = vector.extract_strided_slice %get3A_3531 {offsets = [0], sizes = [1], strides = [1]} : vector<16xi32> to vector<1xi32>
        %squeeze3A_3537 = vector.extract %slice3A_3536[0] : i32 from vector<1xi32>
        %dma_start3A_3538 = arith.constant 0 : i32
        %dma_start3A_3539 = arith.constant 0 : i32
        %dma_start3A_3540 = arith.constant 0 : i32
        %dma_start3A_3541 = tpu.memref_slice %arg9[%dma_start3A_3538, %dma_start3A_3539, %dma_start3A_3540] : memref<2x16x64xf32, #tpu.memory_space<vmem>> -> memref<1x1x64xf32, #tpu.memory_space<vmem>>
        %dma_start3A_3542 = tpu.memref_squeeze %dma_start3A_3541 : memref<1x1x64xf32, #tpu.memory_space<vmem>> -> memref<64xf32, #tpu.memory_space<vmem>>
        %dma_start3A_3543 = arith.constant 0 : i32
        %dma_start3A_3544 = tpu.memref_slice %arg4[%squeeze3A_3537, %dma_start3A_3543] : memref<1000000x64xf32, #tpu.memory_space<hbm>> -> memref<1x64xf32, #tpu.memory_space<hbm>>
        %dma_start3A_3545 = tpu.memref_squeeze %dma_start3A_3544 : memref<1x64xf32, #tpu.memory_space<hbm>> -> memref<64xf32, #tpu.memory_space<hbm>>
        %dma_start3A_3546 = arith.constant 0 : i32
        %dma_start3A_3547 = tpu.memref_slice %arg9[%dma_start3A_3538, %dma_start3A_3539, %dma_start3A_3546] : memref<2x16x64xf32, #tpu.memory_space<vmem>> -> memref<1x1x64xf32, #tpu.memory_space<vmem>>
        %dma_start3A_3548 = tpu.memref_squeeze %dma_start3A_3547 : memref<1x1x64xf32, #tpu.memory_space<vmem>> -> memref<64xf32, #tpu.memory_space<vmem>>
        %dma_start3A_3549 = arith.constant 0 : i32
        %dma_start3A_3550 = tpu.memref_slice %arg4[%squeeze3A_3537, %dma_start3A_3549] : memref<1000000x64xf32, #tpu.memory_space<hbm>> -> memref<1x64xf32, #tpu.memory_space<hbm>>
        %dma_start3A_3551 = tpu.memref_squeeze %dma_start3A_3550 : memref<1x64xf32, #tpu.memory_space<hbm>> -> memref<64xf32, #tpu.memory_space<hbm>>
        tpu.enqueue_dma source(%dma_start3A_3551 : memref<64xf32, #tpu.memory_space<hbm>>) target(%dma_start3A_3548 : memref<64xf32, #tpu.memory_space<vmem>>) target_semaphore(%arg14 : memref<!tpu.dma_semaphore, #tpu.memory_space<semaphore_mem>>)
        %slice3A_3552 = vector.extract_strided_slice %get3A_3535 {offsets = [0], sizes = [1], strides = [1]} : vector<16xi32> to vector<1xi32>
        %squeeze3A_3553 = vector.extract %slice3A_3552[0] : i32 from vector<1xi32>
        %dma_start3A_3554 = arith.constant 0 : i32
        %dma_start3A_3555 = arith.constant 0 : i32
        %dma_start3A_3556 = arith.constant 0 : i32
        %dma_start3A_3557 = tpu.memref_slice %arg10[%dma_start3A_3554, %dma_start3A_3555, %dma_start3A_3556] : memref<2x16x64xf32, #tpu.memory_space<vmem>> -> memref<1x1x64xf32, #tpu.memory_space<vmem>>
        %dma_start3A_3558 = tpu.memref_squeeze %dma_start3A_3557 : memref<1x1x64xf32, #tpu.memory_space<vmem>> -> memref<64xf32, #tpu.memory_space<vmem>>
        %dma_start3A_3559 = arith.constant 0 : i32
        %dma_start3A_3560 = tpu.memref_slice %arg4[%squeeze3A_3553, %dma_start3A_3559] : memref<1000000x64xf32, #tpu.memory_space<hbm>> -> memref<1x64xf32, #tpu.memory_space<hbm>>
        %dma_start3A_3561 = tpu.memref_squeeze %dma_start3A_3560 : memref<1x64xf32, #tpu.memory_space<hbm>> -> memref<64xf32, #tpu.memory_space<hbm>>
        %dma_start3A_3562 = arith.constant 0 : i32
        %dma_start3A_3563 = tpu.memref_slice %arg10[%dma_start3A_3554, %dma_start3A_3555, %dma_start3A_3562] : memref<2x16x64xf32, #tpu.memory_space<vmem>> -> memref<1x1x64xf32, #tpu.memory_space<vmem>>
        %dma_start3A_3564 = tpu.memref_squeeze %dma_start3A_3563 : memref<1x1x64xf32, #tpu.memory_space<vmem>> -> memref<64xf32, #tpu.memory_space<vmem>>
        %dma_start3A_3565 = arith.constant 0 : i32
        %dma_start3A_3566 = tpu.memref_slice %arg4[%squeeze3A_3553, %dma_start3A_3565] : memref<1000000x64xf32, #tpu.memory_space<hbm>> -> memref<1x64xf32, #tpu.memory_space<hbm>>
        %dma_start3A_3567 = tpu.memref_squeeze %dma_start3A_3566 : memref<1x64xf32, #tpu.memory_space<hbm>> -> memref<64xf32, #tpu.memory_space<hbm>>
        tpu.enqueue_dma source(%dma_start3A_3567 : memref<64xf32, #tpu.memory_space<hbm>>) target(%dma_start3A_3564 : memref<64xf32, #tpu.memory_space<vmem>>) target_semaphore(%arg14 : memref<!tpu.dma_semaphore, #tpu.memory_space<semaphore_mem>>)
        %slice3A_3568 = vector.extract_strided_slice %get3A_3531 {offsets = [1], sizes = [1], strides = [1]} : vector<16xi32> to vector<1xi32>
        %squeeze3A_3569 = vector.extract %slice3A_3568[0] : i32 from vector<1xi32>
        %dma_start3A_3570 = arith.constant 0 : i32
        %dma_start3A_3571 = arith.constant 1 : i32
        %dma_start3A_3572 = arith.constant 0 : i32
        %dma_start3A_3573 = tpu.memref_slice %arg9[%dma_start3A_3570, %dma_start3A_3571, %dma_start3A_3572] : memref<2x16x64xf32, #tpu.memory_space<vmem>> -> memref<1x1x64xf32, #tpu.memory_space<vmem>>
        %dma_start3A_3574 = tpu.memref_squeeze %dma_start3A_3573 : memref<1x1x64xf32, #tpu.memory_space<vmem>> -> memref<64xf32, #tpu.memory_space<vmem>>
        %dma_start3A_3575 = arith.constant 0 : i32
        %dma_start3A_3576 = tpu.memref_slice %arg4[%squeeze3A_3569, %dma_start3A_3575] : memref<1000000x64xf32, #tpu.memory_space<hbm>> -> memref<1x64xf32, #tpu.memory_space<hbm>>
        %dma_start3A_3577 = tpu.memref_squeeze %dma_start3A_3576 : memref<1x64xf32, #tpu.memory_space<hbm>> -> memref<64xf32, #tpu.memory_space<hbm>>
        %dma_start3A_3578 = arith.constant 0 : i32
        %dma_start3A_3579 = tpu.memref_slice %arg9[%dma_start3A_3570, %dma_start3A_3571, %dma_start3A_3578] : memref<2x16x64xf32, #tpu.memory_space<vmem>> -> memref<1x1x64xf32, #tpu.memory_space<vmem>>
        %dma_start3A_3580 = tpu.memref_squeeze %dma_start3A_3579 : memref<1x1x64xf32, #tpu.memory_space<vmem>> -> memref<64xf32, #tpu.memory_space<vmem>>
        %dma_start3A_3581 = arith.constant 0 : i32
        %dma_start3A_3582 = tpu.memref_slice %arg4[%squeeze3A_3569, %dma_start3A_3581] : memref<1000000x64xf32, #tpu.memory_space<hbm>> -> memref<1x64xf32, #tpu.memory_space<hbm>>
        %dma_start3A_3583 = tpu.memref_squeeze %dma_start3A_3582 : memref<1x64xf32, #tpu.memory_space<hbm>> -> memref<64xf32, #tpu.memory_space<hbm>>
        tpu.enqueue_dma source(%dma_start3A_3583 : memref<64xf32, #tpu.memory_space<hbm>>) target(%dma_start3A_3580 : memref<64xf32, #tpu.memory_space<vmem>>) target_semaphore(%arg14 : memref<!tpu.dma_semaphore, #tpu.memory_space<semaphore_mem>>)
        %slice3A_3584 = vector.extract_strided_slice %get3A_3535 {offsets = [1], sizes = [1], strides = [1]} : vector<16xi32> to vector<1xi32>
        %squeeze3A_3585 = vector.extract %slice3A_3584[0] : i32 from vector<1xi32>
        %dma_start3A_3586 = arith.constant 0 : i32
        %dma_start3A_3587 = arith.constant 1 : i32
        %dma_start3A_3588 = arith.constant 0 : i32
        %dma_start3A_3589 = tpu.memref_slice %arg10[%dma_start3A_3586, %dma_start3A_3587, %dma_start3A_3588] : memref<2x16x64xf32, #tpu.memory_space<vmem>> -> memref<1x1x64xf32, #tpu.memory_space<vmem>>
        %dma_start3A_3590 = tpu.memref_squeeze %dma_start3A_3589 : memref<1x1x64xf32, #tpu.memory_space<vmem>> -> memref<64xf32, #tpu.memory_space<vmem>>
        %dma_start3A_3591 = arith.constant 0 : i32
        %dma_start3A_3592 = tpu.memref_slice %arg4[%squeeze3A_3585, %dma_start3A_3591] : memref<1000000x64xf32, #tpu.memory_space<hbm>> -> memref<1x64xf32, #tpu.memory_space<hbm>>
        %dma_start3A_3593 = tpu.memref_squeeze %dma_start3A_3592 : memref<1x64xf32, #tpu.memory_space<hbm>> -> memref<64xf32, #tpu.memory_space<hbm>>
        %dma_start3A_3594 = arith.constant 0 : i32
        %dma_start3A_3595 = tpu.memref_slice %arg10[%dma_start3A_3586, %dma_start3A_3587, %dma_start3A_3594] : memref<2x16x64xf32, #tpu.memory_space<vmem>> -> memref<1x1x64xf32, #tpu.memory_space<vmem>>
        %dma_start3A_3596 = tpu.memref_squeeze %dma_start3A_3595 : memref<1x1x64xf32, #tpu.memory_space<vmem>> -> memref<64xf32, #tpu.memory_space<vmem>>
        %dma_start3A_3597 = arith.constant 0 : i32
        %dma_start3A_3598 = tpu.memref_slice %arg4[%squeeze3A_3585, %dma_start3A_3597] : memref<1000000x64xf32, #tpu.memory_space<hbm>> -> memref<1x64xf32, #tpu.memory_space<hbm>>
        %dma_start3A_3599 = tpu.memref_squeeze %dma_start3A_3598 : memref<1x64xf32, #tpu.memory_space<hbm>> -> memref<64xf32, #tpu.memory_space<hbm>>
        tpu.enqueue_dma source(%dma_start3A_3599 : memref<64xf32, #tpu.memory_space<hbm>>) target(%dma_start3A_3596 : memref<64xf32, #tpu.memory_space<vmem>>) target_semaphore(%arg14 : memref<!tpu.dma_semaphore, #tpu.memory_space<semaphore_mem>>)
        %slice3A_3600 = vector.extract_strided_slice %get3A_3531 {offsets = [2], sizes = [1], strides = [1]} : vector<16xi32> to vector<1xi32>
        %squeeze3A_3601 = vector.extract %slice3A_3600[0] : i32 from vector<1xi32>
        %dma_start3A_3602 = arith.constant 0 : i32
        %dma_start3A_3603 = arith.constant 2 : i32
        %dma_start3A_3604 = arith.constant 0 : i32
        %dma_start3A_3605 = tpu.memref_slice %arg9[%dma_start3A_3602, %dma_start3A_3603, %dma_start3A_3604] : memref<2x16x64xf32, #tpu.memory_space<vmem>> -> memref<1x1x64xf32, #tpu.memory_space<vmem>>
        %dma_start3A_3606 = tpu.memref_squeeze %dma_start3A_3605 : memref<1x1x64xf32, #tpu.memory_space<vmem>> -> memref<64xf32, #tpu.memory_space<vmem>>
        %dma_start3A_3607 = arith.constant 0 : i32
        %dma_start3A_3608 = tpu.memref_slice %arg4[%squeeze3A_3601, %dma_start3A_3607] : memref<1000000x64xf32, #tpu.memory_space<hbm>> -> memref<1x64xf32, #tpu.memory_space<hbm>>
        %dma_start3A_3609 = tpu.memref_squeeze %dma_start3A_3608 : memref<1x64xf32, #tpu.memory_space<hbm>> -> memref<64xf32, #tpu.memory_space<hbm>>
        %dma_start3A_3610 = arith.constant 0 : i32
        %dma_start3A_3611 = tpu.memref_slice %arg9[%dma_start3A_3602, %dma_start3A_3603, %dma_start3A_3610] : memref<2x16x64xf32, #tpu.memory_space<vmem>> -> memref<1x1x64xf32, #tpu.memory_space<vmem>>
        %dma_start3A_3612 = tpu.memref_squeeze %dma_start3A_3611 : memref<1x1x64xf32, #tpu.memory_space<vmem>> -> memref<64xf32, #tpu.memory_space<vmem>>
        %dma_start3A_3613 = arith.constant 0 : i32
        %dma_start3A_3614 = tpu.memref_slice %arg4[%squeeze3A_3601, %dma_start3A_3613] : memref<1000000x64xf32, #tpu.memory_space<hbm>> -> memref<1x64xf32, #tpu.memory_space<hbm>>
        %dma_start3A_3615 = tpu.memref_squeeze %dma_start3A_3614 : memref<1x64xf32, #tpu.memory_space<hbm>> -> memref<64xf32, #tpu.memory_space<hbm>>
        tpu.enqueue_dma source(%dma_start3A_3615 : memref<64xf32, #tpu.memory_space<hbm>>) target(%dma_start3A_3612 : memref<64xf32, #tpu.memory_space<vmem>>) target_semaphore(%arg14 : memref<!tpu.dma_semaphore, #tpu.memory_space<semaphore_mem>>)
        %slice3A_3616 = vector.extract_strided_slice %get3A_3535 {offsets = [2], sizes = [1], strides = [1]} : vector<16xi32> to vector<1xi32>
        %squeeze3A_3617 = vector.extract %slice3A_3616[0] : i32 from vector<1xi32>
        %dma_start3A_3618 = arith.constant 0 : i32
        %dma_start3A_3619 = arith.constant 2 : i32
        %dma_start3A_3620 = arith.constant 0 : i32
        %dma_start3A_3621 = tpu.memref_slice %arg10[%dma_start3A_3618, %dma_start3A_3619, %dma_start3A_3620] : memref<2x16x64xf32, #tpu.memory_space<vmem>> -> memref<1x1x64xf32, #tpu.memory_space<vmem>>
        %dma_start3A_3622 = tpu.memref_squeeze %dma_start3A_3621 : memref<1x1x64xf32, #tpu.memory_space<vmem>> -> memref<64xf32, #tpu.memory_space<vmem>>
        %dma_start3A_3623 = arith.constant 0 : i32
        %dma_start3A_3624 = tpu.memref_slice %arg4[%squeeze3A_3617, %dma_start3A_3623] : memref<1000000x64xf32, #tpu.memory_space<hbm>> -> memref<1x64xf32, #tpu.memory_space<hbm>>
        %dma_start3A_3625 = tpu.memref_squeeze %dma_start3A_3624 : memref<1x64xf32, #tpu.memory_space<hbm>> -> memref<64xf32, #tpu.memory_space<hbm>>
        %dma_start3A_3626 = arith.constant 0 : i32
        %dma_start3A_3627 = tpu.memref_slice %arg10[%dma_start3A_3618, %dma_start3A_3619, %dma_start3A_3626] : memref<2x16x64xf32, #tpu.memory_space<vmem>> -> memref<1x1x64xf32, #tpu.memory_space<vmem>>
        %dma_start3A_3628 = tpu.memref_squeeze %dma_start3A_3627 : memref<1x1x64xf32, #tpu.memory_space<vmem>> -> memref<64xf32, #tpu.memory_space<vmem>>
        %dma_start3A_3629 = arith.constant 0 : i32
        %dma_start3A_3630 = tpu.memref_slice %arg4[%squeeze3A_3617, %dma_start3A_3629] : memref<1000000x64xf32, #tpu.memory_space<hbm>> -> memref<1x64xf32, #tpu.memory_space<hbm>>
        %dma_start3A_3631 = tpu.memref_squeeze %dma_start3A_3630 : memref<1x64xf32, #tpu.memory_space<hbm>> -> memref<64xf32, #tpu.memory_space<hbm>>
        tpu.enqueue_dma source(%dma_start3A_3631 : memref<64xf32, #tpu.memory_space<hbm>>) target(%dma_start3A_3628 : memref<64xf32, #tpu.memory_space<vmem>>) target_semaphore(%arg14 : memref<!tpu.dma_semaphore, #tpu.memory_space<semaphore_mem>>)
        %slice3A_3632 = vector.extract_strided_slice %get3A_3531 {offsets = [3], sizes = [1], strides = [1]} : vector<16xi32> to vector<1xi32>
        %squeeze3A_3633 = vector.extract %slice3A_3632[0] : i32 from vector<1xi32>
        %dma_start3A_3634 = arith.constant 0 : i32
        %dma_start3A_3635 = arith.constant 3 : i32
        %dma_start3A_3636 = arith.constant 0 : i32
        %dma_start3A_3637 = tpu.memref_slice %arg9[%dma_start3A_3634, %dma_start3A_3635, %dma_start3A_3636] : memref<2x16x64xf32, #tpu.memory_space<vmem>> -> memref<1x1x64xf32, #tpu.memory_space<vmem>>
        %dma_start3A_3638 = tpu.memref_squeeze %dma_start3A_3637 : memref<1x1x64xf32, #tpu.memory_space<vmem>> -> memref<64xf32, #tpu.memory_space<vmem>>
        %dma_start3A_3639 = arith.constant 0 : i32
        %dma_start3A_3640 = tpu.memref_slice %arg4[%squeeze3A_3633, %dma_start3A_3639] : memref<1000000x64xf32, #tpu.memory_space<hbm>> -> memref<1x64xf32, #tpu.memory_space<hbm>>
        %dma_start3A_3641 = tpu.memref_squeeze %dma_start3A_3640 : memref<1x64xf32, #tpu.memory_space<hbm>> -> memref<64xf32, #tpu.memory_space<hbm>>
        %dma_start3A_3642 = arith.constant 0 : i32
        %dma_start3A_3643 = tpu.memref_slice %arg9[%dma_start3A_3634, %dma_start3A_3635, %dma_start3A_3642] : memref<2x16x64xf32, #tpu.memory_space<vmem>> -> memref<1x1x64xf32, #tpu.memory_space<vmem>>
        %dma_start3A_3644 = tpu.memref_squeeze %dma_start3A_3643 : memref<1x1x64xf32, #tpu.memory_space<vmem>> -> memref<64xf32, #tpu.memory_space<vmem>>
        %dma_start3A_3645 = arith.constant 0 : i32
        %dma_start3A_3646 = tpu.memref_slice %arg4[%squeeze3A_3633, %dma_start3A_3645] : memref<1000000x64xf32, #tpu.memory_space<hbm>> -> memref<1x64xf32, #tpu.memory_space<hbm>>
        %dma_start3A_3647 = tpu.memref_squeeze %dma_start3A_3646 : memref<1x64xf32, #tpu.memory_space<hbm>> -> memref<64xf32, #tpu.memory_space<hbm>>
        tpu.enqueue_dma source(%dma_start3A_3647 : memref<64xf32, #tpu.memory_space<hbm>>) target(%dma_start3A_3644 : memref<64xf32, #tpu.memory_space<vmem>>) target_semaphore(%arg14 : memref<!tpu.dma_semaphore, #tpu.memory_space<semaphore_mem>>)
        %slice3A_3648 = vector.extract_strided_slice %get3A_3535 {offsets = [3], sizes = [1], strides = [1]} : vector<16xi32> to vector<1xi32>
        %squeeze3A_3649 = vector.extract %slice3A_3648[0] : i32 from vector<1xi32>
        %dma_start3A_3650 = arith.constant 0 : i32
        %dma_start3A_3651 = arith.constant 3 : i32
        %dma_start3A_3652 = arith.constant 0 : i32
        %dma_start3A_3653 = tpu.memref_slice %arg10[%dma_start3A_3650, %dma_start3A_3651, %dma_start3A_3652] : memref<2x16x64xf32, #tpu.memory_space<vmem>> -> memref<1x1x64xf32, #tpu.memory_space<vmem>>
        %dma_start3A_3654 = tpu.memref_squeeze %dma_start3A_3653 : memref<1x1x64xf32, #tpu.memory_space<vmem>> -> memref<64xf32, #tpu.memory_space<vmem>>
        %dma_start3A_3655 = arith.constant 0 : i32
        %dma_start3A_3656 = tpu.memref_slice %arg4[%squeeze3A_3649, %dma_start3A_3655] : memref<1000000x64xf32, #tpu.memory_space<hbm>> -> memref<1x64xf32, #tpu.memory_space<hbm>>
        %dma_start3A_3657 = tpu.memref_squeeze %dma_start3A_3656 : memref<1x64xf32, #tpu.memory_space<hbm>> -> memref<64xf32, #tpu.memory_space<hbm>>
        %dma_start3A_3658 = arith.constant 0 : i32
        %dma_start3A_3659 = tpu.memref_slice %arg10[%dma_start3A_3650, %dma_start3A_3651, %dma_start3A_3658] : memref<2x16x64xf32, #tpu.memory_space<vmem>> -> memref<1x1x64xf32, #tpu.memory_space<vmem>>
        %dma_start3A_3660 = tpu.memref_squeeze %dma_start3A_3659 : memref<1x1x64xf32, #tpu.memory_space<vmem>> -> memref<64xf32, #tpu.memory_space<vmem>>
        %dma_start3A_3661 = arith.constant 0 : i32
        %dma_start3A_3662 = tpu.memref_slice %arg4[%squeeze3A_3649, %dma_start3A_3661] : memref<1000000x64xf32, #tpu.memory_space<hbm>> -> memref<1x64xf32, #tpu.memory_space<hbm>>
        %dma_start3A_3663 = tpu.memref_squeeze %dma_start3A_3662 : memref<1x64xf32, #tpu.memory_space<hbm>> -> memref<64xf32, #tpu.memory_space<hbm>>
        tpu.enqueue_dma source(%dma_start3A_3663 : memref<64xf32, #tpu.memory_space<hbm>>) target(%dma_start3A_3660 : memref<64xf32, #tpu.memory_space<vmem>>) target_semaphore(%arg14 : memref<!tpu.dma_semaphore, #tpu.memory_space<semaphore_mem>>)
        %slice3A_3664 = vector.extract_strided_slice %get3A_3531 {offsets = [4], sizes = [1], strides = [1]} : vector<16xi32> to vector<1xi32>
        %squeeze3A_3665 = vector.extract %slice3A_3664[0] : i32 from vector<1xi32>
        %dma_start3A_3666 = arith.constant 0 : i32
        %dma_start3A_3667 = arith.constant 4 : i32
        %dma_start3A_3668 = arith.constant 0 : i32
        %dma_start3A_3669 = tpu.memref_slice %arg9[%dma_start3A_3666, %dma_start3A_3667, %dma_start3A_3668] : memref<2x16x64xf32, #tpu.memory_space<vmem>> -> memref<1x1x64xf32, #tpu.memory_space<vmem>>
        %dma_start3A_3670 = tpu.memref_squeeze %dma_start3A_3669 : memref<1x1x64xf32, #tpu.memory_space<vmem>> -> memref<64xf32, #tpu.memory_space<vmem>>
        %dma_start3A_3671 = arith.constant 0 : i32
        %dma_start3A_3672 = tpu.memref_slice %arg4[%squeeze3A_3665, %dma_start3A_3671] : memref<1000000x64xf32, #tpu.memory_space<hbm>> -> memref<1x64xf32, #tpu.memory_space<hbm>>
        %dma_start3A_3673 = tpu.memref_squeeze %dma_start3A_3672 : memref<1x64xf32, #tpu.memory_space<hbm>> -> memref<64xf32, #tpu.memory_space<hbm>>
        %dma_start3A_3674 = arith.constant 0 : i32
        %dma_start3A_3675 = tpu.memref_slice %arg9[%dma_start3A_3666, %dma_start3A_3667, %dma_start3A_3674] : memref<2x16x64xf32, #tpu.memory_space<vmem>> -> memref<1x1x64xf32, #tpu.memory_space<vmem>>
        %dma_start3A_3676 = tpu.memref_squeeze %dma_start3A_3675 : memref<1x1x64xf32, #tpu.memory_space<vmem>> -> memref<64xf32, #tpu.memory_space<vmem>>
        %dma_start3A_3677 = arith.constant 0 : i32
        %dma_start3A_3678 = tpu.memref_slice %arg4[%squeeze3A_3665, %dma_start3A_3677] : memref<1000000x64xf32, #tpu.memory_space<hbm>> -> memref<1x64xf32, #tpu.memory_space<hbm>>
        %dma_start3A_3679 = tpu.memref_squeeze %dma_start3A_3678 : memref<1x64xf32, #tpu.memory_space<hbm>> -> memref<64xf32, #tpu.memory_space<hbm>>
        tpu.enqueue_dma source(%dma_start3A_3679 : memref<64xf32, #tpu.memory_space<hbm>>) target(%dma_start3A_3676 : memref<64xf32, #tpu.memory_space<vmem>>) target_semaphore(%arg14 : memref<!tpu.dma_semaphore, #tpu.memory_space<semaphore_mem>>)
        %slice3A_3680 = vector.extract_strided_slice %get3A_3535 {offsets = [4], sizes = [1], strides = [1]} : vector<16xi32> to vector<1xi32>
        %squeeze3A_3681 = vector.extract %slice3A_3680[0] : i32 from vector<1xi32>
        %dma_start3A_3682 = arith.constant 0 : i32
        %dma_start3A_3683 = arith.constant 4 : i32
        %dma_start3A_3684 = arith.constant 0 : i32
        %dma_start3A_3685 = tpu.memref_slice %arg10[%dma_start3A_3682, %dma_start3A_3683, %dma_start3A_3684] : memref<2x16x64xf32, #tpu.memory_space<vmem>> -> memref<1x1x64xf32, #tpu.memory_space<vmem>>
        %dma_start3A_3686 = tpu.memref_squeeze %dma_start3A_3685 : memref<1x1x64xf32, #tpu.memory_space<vmem>> -> memref<64xf32, #tpu.memory_space<vmem>>
        %dma_start3A_3687 = arith.constant 0 : i32
        %dma_start3A_3688 = tpu.memref_slice %arg4[%squeeze3A_3681, %dma_start3A_3687] : memref<1000000x64xf32, #tpu.memory_space<hbm>> -> memref<1x64xf32, #tpu.memory_space<hbm>>
        %dma_start3A_3689 = tpu.memref_squeeze %dma_start3A_3688 : memref<1x64xf32, #tpu.memory_space<hbm>> -> memref<64xf32, #tpu.memory_space<hbm>>
        %dma_start3A_3690 = arith.constant 0 : i32
        %dma_start3A_3691 = tpu.memref_slice %arg10[%dma_start3A_3682, %dma_start3A_3683, %dma_start3A_3690] : memref<2x16x64xf32, #tpu.memory_space<vmem>> -> memref<1x1x64xf32, #tpu.memory_space<vmem>>
        %dma_start3A_3692 = tpu.memref_squeeze %dma_start3A_3691 : memref<1x1x64xf32, #tpu.memory_space<vmem>> -> memref<64xf32, #tpu.memory_space<vmem>>
        %dma_start3A_3693 = arith.constant 0 : i32
        %dma_start3A_3694 = tpu.memref_slice %arg4[%squeeze3A_3681, %dma_start3A_3693] : memref<1000000x64xf32, #tpu.memory_space<hbm>> -> memref<1x64xf32, #tpu.memory_space<hbm>>
        %dma_start3A_3695 = tpu.memref_squeeze %dma_start3A_3694 : memref<1x64xf32, #tpu.memory_space<hbm>> -> memref<64xf32, #tpu.memory_space<hbm>>
        tpu.enqueue_dma source(%dma_start3A_3695 : memref<64xf32, #tpu.memory_space<hbm>>) target(%dma_start3A_3692 : memref<64xf32, #tpu.memory_space<vmem>>) target_semaphore(%arg14 : memref<!tpu.dma_semaphore, #tpu.memory_space<semaphore_mem>>)
        %slice3A_3696 = vector.extract_strided_slice %get3A_3531 {offsets = [5], sizes = [1], strides = [1]} : vector<16xi32> to vector<1xi32>
        %squeeze3A_3697 = vector.extract %slice3A_3696[0] : i32 from vector<1xi32>
        %dma_start3A_3698 = arith.constant 0 : i32
        %dma_start3A_3699 = arith.constant 5 : i32
        %dma_start3A_3700 = arith.constant 0 : i32
        %dma_start3A_3701 = tpu.memref_slice %arg9[%dma_start3A_3698, %dma_start3A_3699, %dma_start3A_3700] : memref<2x16x64xf32, #tpu.memory_space<vmem>> -> memref<1x1x64xf32, #tpu.memory_space<vmem>>
        %dma_start3A_3702 = tpu.memref_squeeze %dma_start3A_3701 : memref<1x1x64xf32, #tpu.memory_space<vmem>> -> memref<64xf32, #tpu.memory_space<vmem>>
        %dma_start3A_3703 = arith.constant 0 : i32
        %dma_start3A_3704 = tpu.memref_slice %arg4[%squeeze3A_3697, %dma_start3A_3703] : memref<1000000x64xf32, #tpu.memory_space<hbm>> -> memref<1x64xf32, #tpu.memory_space<hbm>>
        %dma_start3A_3705 = tpu.memref_squeeze %dma_start3A_3704 : memref<1x64xf32, #tpu.memory_space<hbm>> -> memref<64xf32, #tpu.memory_space<hbm>>
        %dma_start3A_3706 = arith.constant 0 : i32
        %dma_start3A_3707 = tpu.memref_slice %arg9[%dma_start3A_3698, %dma_start3A_3699, %dma_start3A_3706] : memref<2x16x64xf32, #tpu.memory_space<vmem>> -> memref<1x1x64xf32, #tpu.memory_space<vmem>>
        %dma_start3A_3708 = tpu.memref_squeeze %dma_start3A_3707 : memref<1x1x64xf32, #tpu.memory_space<vmem>> -> memref<64xf32, #tpu.memory_space<vmem>>
        %dma_start3A_3709 = arith.constant 0 : i32
        %dma_start3A_3710 = tpu.memref_slice %arg4[%squeeze3A_3697, %dma_start3A_3709] : memref<1000000x64xf32, #tpu.memory_space<hbm>> -> memref<1x64xf32, #tpu.memory_space<hbm>>
        %dma_start3A_3711 = tpu.memref_squeeze %dma_start3A_3710 : memref<1x64xf32, #tpu.memory_space<hbm>> -> memref<64xf32, #tpu.memory_space<hbm>>
        tpu.enqueue_dma source(%dma_start3A_3711 : memref<64xf32, #tpu.memory_space<hbm>>) target(%dma_start3A_3708 : memref<64xf32, #tpu.memory_space<vmem>>) target_semaphore(%arg14 : memref<!tpu.dma_semaphore, #tpu.memory_space<semaphore_mem>>)
        %slice3A_3712 = vector.extract_strided_slice %get3A_3535 {offsets = [5], sizes = [1], strides = [1]} : vector<16xi32> to vector<1xi32>
        %squeeze3A_3713 = vector.extract %slice3A_3712[0] : i32 from vector<1xi32>
        %dma_start3A_3714 = arith.constant 0 : i32
        %dma_start3A_3715 = arith.constant 5 : i32
        %dma_start3A_3716 = arith.constant 0 : i32
        %dma_start3A_3717 = tpu.memref_slice %arg10[%dma_start3A_3714, %dma_start3A_3715, %dma_start3A_3716] : memref<2x16x64xf32, #tpu.memory_space<vmem>> -> memref<1x1x64xf32, #tpu.memory_space<vmem>>
        %dma_start3A_3718 = tpu.memref_squeeze %dma_start3A_3717 : memref<1x1x64xf32, #tpu.memory_space<vmem>> -> memref<64xf32, #tpu.memory_space<vmem>>
        %dma_start3A_3719 = arith.constant 0 : i32
        %dma_start3A_3720 = tpu.memref_slice %arg4[%squeeze3A_3713, %dma_start3A_3719] : memref<1000000x64xf32, #tpu.memory_space<hbm>> -> memref<1x64xf32, #tpu.memory_space<hbm>>
        %dma_start3A_3721 = tpu.memref_squeeze %dma_start3A_3720 : memref<1x64xf32, #tpu.memory_space<hbm>> -> memref<64xf32, #tpu.memory_space<hbm>>
        %dma_start3A_3722 = arith.constant 0 : i32
        %dma_start3A_3723 = tpu.memref_slice %arg10[%dma_start3A_3714, %dma_start3A_3715, %dma_start3A_3722] : memref<2x16x64xf32, #tpu.memory_space<vmem>> -> memref<1x1x64xf32, #tpu.memory_space<vmem>>
        %dma_start3A_3724 = tpu.memref_squeeze %dma_start3A_3723 : memref<1x1x64xf32, #tpu.memory_space<vmem>> -> memref<64xf32, #tpu.memory_space<vmem>>
        %dma_start3A_3725 = arith.constant 0 : i32
        %dma_start3A_3726 = tpu.memref_slice %arg4[%squeeze3A_3713, %dma_start3A_3725] : memref<1000000x64xf32, #tpu.memory_space<hbm>> -> memref<1x64xf32, #tpu.memory_space<hbm>>
        %dma_start3A_3727 = tpu.memref_squeeze %dma_start3A_3726 : memref<1x64xf32, #tpu.memory_space<hbm>> -> memref<64xf32, #tpu.memory_space<hbm>>
        tpu.enqueue_dma source(%dma_start3A_3727 : memref<64xf32, #tpu.memory_space<hbm>>) target(%dma_start3A_3724 : memref<64xf32, #tpu.memory_space<vmem>>) target_semaphore(%arg14 : memref<!tpu.dma_semaphore, #tpu.memory_space<semaphore_mem>>)
        %slice3A_3728 = vector.extract_strided_slice %get3A_3531 {offsets = [6], sizes = [1], strides = [1]} : vector<16xi32> to vector<1xi32>
        %squeeze3A_3729 = vector.extract %slice3A_3728[0] : i32 from vector<1xi32>
        %dma_start3A_3730 = arith.constant 0 : i32
        %dma_start3A_3731 = arith.constant 6 : i32
        %dma_start3A_3732 = arith.constant 0 : i32
        %dma_start3A_3733 = tpu.memref_slice %arg9[%dma_start3A_3730, %dma_start3A_3731, %dma_start3A_3732] : memref<2x16x64xf32, #tpu.memory_space<vmem>> -> memref<1x1x64xf32, #tpu.memory_space<vmem>>
        %dma_start3A_3734 = tpu.memref_squeeze %dma_start3A_3733 : memref<1x1x64xf32, #tpu.memory_space<vmem>> -> memref<64xf32, #tpu.memory_space<vmem>>
        %dma_start3A_3735 = arith.constant 0 : i32
        %dma_start3A_3736 = tpu.memref_slice %arg4[%squeeze3A_3729, %dma_start3A_3735] : memref<1000000x64xf32, #tpu.memory_space<hbm>> -> memref<1x64xf32, #tpu.memory_space<hbm>>
        %dma_start3A_3737 = tpu.memref_squeeze %dma_start3A_3736 : memref<1x64xf32, #tpu.memory_space<hbm>> -> memref<64xf32, #tpu.memory_space<hbm>>
        %dma_start3A_3738 = arith.constant 0 : i32
        %dma_start3A_3739 = tpu.memref_slice %arg9[%dma_start3A_3730, %dma_start3A_3731, %dma_start3A_3738] : memref<2x16x64xf32, #tpu.memory_space<vmem>> -> memref<1x1x64xf32, #tpu.memory_space<vmem>>
        %dma_start3A_3740 = tpu.memref_squeeze %dma_start3A_3739 : memref<1x1x64xf32, #tpu.memory_space<vmem>> -> memref<64xf32, #tpu.memory_space<vmem>>
        %dma_start3A_3741 = arith.constant 0 : i32
        %dma_start3A_3742 = tpu.memref_slice %arg4[%squeeze3A_3729, %dma_start3A_3741] : memref<1000000x64xf32, #tpu.memory_space<hbm>> -> memref<1x64xf32, #tpu.memory_space<hbm>>
        %dma_start3A_3743 = tpu.memref_squeeze %dma_start3A_3742 : memref<1x64xf32, #tpu.memory_space<hbm>> -> memref<64xf32, #tpu.memory_space<hbm>>
        tpu.enqueue_dma source(%dma_start3A_3743 : memref<64xf32, #tpu.memory_space<hbm>>) target(%dma_start3A_3740 : memref<64xf32, #tpu.memory_space<vmem>>) target_semaphore(%arg14 : memref<!tpu.dma_semaphore, #tpu.memory_space<semaphore_mem>>)
        %slice3A_3744 = vector.extract_strided_slice %get3A_3535 {offsets = [6], sizes = [1], strides = [1]} : vector<16xi32> to vector<1xi32>
        %squeeze3A_3745 = vector.extract %slice3A_3744[0] : i32 from vector<1xi32>
        %dma_start3A_3746 = arith.constant 0 : i32
        %dma_start3A_3747 = arith.constant 6 : i32
        %dma_start3A_3748 = arith.constant 0 : i32
        %dma_start3A_3749 = tpu.memref_slice %arg10[%dma_start3A_3746, %dma_start3A_3747, %dma_start3A_3748] : memref<2x16x64xf32, #tpu.memory_space<vmem>> -> memref<1x1x64xf32, #tpu.memory_space<vmem>>
        %dma_start3A_3750 = tpu.memref_squeeze %dma_start3A_3749 : memref<1x1x64xf32, #tpu.memory_space<vmem>> -> memref<64xf32, #tpu.memory_space<vmem>>
        %dma_start3A_3751 = arith.constant 0 : i32
        %dma_start3A_3752 = tpu.memref_slice %arg4[%squeeze3A_3745, %dma_start3A_3751] : memref<1000000x64xf32, #tpu.memory_space<hbm>> -> memref<1x64xf32, #tpu.memory_space<hbm>>
        %dma_start3A_3753 = tpu.memref_squeeze %dma_start3A_3752 : memref<1x64xf32, #tpu.memory_space<hbm>> -> memref<64xf32, #tpu.memory_space<hbm>>
        %dma_start3A_3754 = arith.constant 0 : i32
        %dma_start3A_3755 = tpu.memref_slice %arg10[%dma_start3A_3746, %dma_start3A_3747, %dma_start3A_3754] : memref<2x16x64xf32, #tpu.memory_space<vmem>> -> memref<1x1x64xf32, #tpu.memory_space<vmem>>
        %dma_start3A_3756 = tpu.memref_squeeze %dma_start3A_3755 : memref<1x1x64xf32, #tpu.memory_space<vmem>> -> memref<64xf32, #tpu.memory_space<vmem>>
        %dma_start3A_3757 = arith.constant 0 : i32
        %dma_start3A_3758 = tpu.memref_slice %arg4[%squeeze3A_3745, %dma_start3A_3757] : memref<1000000x64xf32, #tpu.memory_space<hbm>> -> memref<1x64xf32, #tpu.memory_space<hbm>>
        %dma_start3A_3759 = tpu.memref_squeeze %dma_start3A_3758 : memref<1x64xf32, #tpu.memory_space<hbm>> -> memref<64xf32, #tpu.memory_space<hbm>>
        tpu.enqueue_dma source(%dma_start3A_3759 : memref<64xf32, #tpu.memory_space<hbm>>) target(%dma_start3A_3756 : memref<64xf32, #tpu.memory_space<vmem>>) target_semaphore(%arg14 : memref<!tpu.dma_semaphore, #tpu.memory_space<semaphore_mem>>)
        %slice3A_3760 = vector.extract_strided_slice %get3A_3531 {offsets = [7], sizes = [1], strides = [1]} : vector<16xi32> to vector<1xi32>
        %squeeze3A_3761 = vector.extract %slice3A_3760[0] : i32 from vector<1xi32>
        %dma_start3A_3762 = arith.constant 0 : i32
        %dma_start3A_3763 = arith.constant 7 : i32
        %dma_start3A_3764 = arith.constant 0 : i32
        %dma_start3A_3765 = tpu.memref_slice %arg9[%dma_start3A_3762, %dma_start3A_3763, %dma_start3A_3764] : memref<2x16x64xf32, #tpu.memory_space<vmem>> -> memref<1x1x64xf32, #tpu.memory_space<vmem>>
        %dma_start3A_3766 = tpu.memref_squeeze %dma_start3A_3765 : memref<1x1x64xf32, #tpu.memory_space<vmem>> -> memref<64xf32, #tpu.memory_space<vmem>>
        %dma_start3A_3767 = arith.constant 0 : i32
        %dma_start3A_3768 = tpu.memref_slice %arg4[%squeeze3A_3761, %dma_start3A_3767] : memref<1000000x64xf32, #tpu.memory_space<hbm>> -> memref<1x64xf32, #tpu.memory_space<hbm>>
        %dma_start3A_3769 = tpu.memref_squeeze %dma_start3A_3768 : memref<1x64xf32, #tpu.memory_space<hbm>> -> memref<64xf32, #tpu.memory_space<hbm>>
        %dma_start3A_3770 = arith.constant 0 : i32
        %dma_start3A_3771 = tpu.memref_slice %arg9[%dma_start3A_3762, %dma_start3A_3763, %dma_start3A_3770] : memref<2x16x64xf32, #tpu.memory_space<vmem>> -> memref<1x1x64xf32, #tpu.memory_space<vmem>>
        %dma_start3A_3772 = tpu.memref_squeeze %dma_start3A_3771 : memref<1x1x64xf32, #tpu.memory_space<vmem>> -> memref<64xf32, #tpu.memory_space<vmem>>
        %dma_start3A_3773 = arith.constant 0 : i32
        %dma_start3A_3774 = tpu.memref_slice %arg4[%squeeze3A_3761, %dma_start3A_3773] : memref<1000000x64xf32, #tpu.memory_space<hbm>> -> memref<1x64xf32, #tpu.memory_space<hbm>>
        %dma_start3A_3775 = tpu.memref_squeeze %dma_start3A_3774 : memref<1x64xf32, #tpu.memory_space<hbm>> -> memref<64xf32, #tpu.memory_space<hbm>>
        tpu.enqueue_dma source(%dma_start3A_3775 : memref<64xf32, #tpu.memory_space<hbm>>) target(%dma_start3A_3772 : memref<64xf32, #tpu.memory_space<vmem>>) target_semaphore(%arg14 : memref<!tpu.dma_semaphore, #tpu.memory_space<semaphore_mem>>)
        %slice3A_3776 = vector.extract_strided_slice %get3A_3535 {offsets = [7], sizes = [1], strides = [1]} : vector<16xi32> to vector<1xi32>
        %squeeze3A_3777 = vector.extract %slice3A_3776[0] : i32 from vector<1xi32>
        %dma_start3A_3778 = arith.constant 0 : i32
        %dma_start3A_3779 = arith.constant 7 : i32
        %dma_start3A_3780 = arith.constant 0 : i32
        %dma_start3A_3781 = tpu.memref_slice %arg10[%dma_start3A_3778, %dma_start3A_3779, %dma_start3A_3780] : memref<2x16x64xf32, #tpu.memory_space<vmem>> -> memref<1x1x64xf32, #tpu.memory_space<vmem>>
        %dma_start3A_3782 = tpu.memref_squeeze %dma_start3A_3781 : memref<1x1x64xf32, #tpu.memory_space<vmem>> -> memref<64xf32, #tpu.memory_space<vmem>>
        %dma_start3A_3783 = arith.constant 0 : i32
        %dma_start3A_3784 = tpu.memref_slice %arg4[%squeeze3A_3777, %dma_start3A_3783] : memref<1000000x64xf32, #tpu.memory_space<hbm>> -> memref<1x64xf32, #tpu.memory_space<hbm>>
        %dma_start3A_3785 = tpu.memref_squeeze %dma_start3A_3784 : memref<1x64xf32, #tpu.memory_space<hbm>> -> memref<64xf32, #tpu.memory_space<hbm>>
        %dma_start3A_3786 = arith.constant 0 : i32
        %dma_start3A_3787 = tpu.memref_slice %arg10[%dma_start3A_3778, %dma_start3A_3779, %dma_start3A_3786] : memref<2x16x64xf32, #tpu.memory_space<vmem>> -> memref<1x1x64xf32, #tpu.memory_space<vmem>>
        %dma_start3A_3788 = tpu.memref_squeeze %dma_start3A_3787 : memref<1x1x64xf32, #tpu.memory_space<vmem>> -> memref<64xf32, #tpu.memory_space<vmem>>
        %dma_start3A_3789 = arith.constant 0 : i32
        %dma_start3A_3790 = tpu.memref_slice %arg4[%squeeze3A_3777, %dma_start3A_3789] : memref<1000000x64xf32, #tpu.memory_space<hbm>> -> memref<1x64xf32, #tpu.memory_space<hbm>>
        %dma_start3A_3791 = tpu.memref_squeeze %dma_start3A_3790 : memref<1x64xf32, #tpu.memory_space<hbm>> -> memref<64xf32, #tpu.memory_space<hbm>>
        tpu.enqueue_dma source(%dma_start3A_3791 : memref<64xf32, #tpu.memory_space<hbm>>) target(%dma_start3A_3788 : memref<64xf32, #tpu.memory_space<vmem>>) target_semaphore(%arg14 : memref<!tpu.dma_semaphore, #tpu.memory_space<semaphore_mem>>)
        %slice3A_3792 = vector.extract_strided_slice %get3A_3531 {offsets = [8], sizes = [1], strides = [1]} : vector<16xi32> to vector<1xi32>
        %squeeze3A_3793 = vector.extract %slice3A_3792[0] : i32 from vector<1xi32>
        %dma_start3A_3794 = arith.constant 0 : i32
        %dma_start3A_3795 = arith.constant 8 : i32
        %dma_start3A_3796 = arith.constant 0 : i32
        %dma_start3A_3797 = tpu.memref_slice %arg9[%dma_start3A_3794, %dma_start3A_3795, %dma_start3A_3796] : memref<2x16x64xf32, #tpu.memory_space<vmem>> -> memref<1x1x64xf32, #tpu.memory_space<vmem>>
        %dma_start3A_3798 = tpu.memref_squeeze %dma_start3A_3797 : memref<1x1x64xf32, #tpu.memory_space<vmem>> -> memref<64xf32, #tpu.memory_space<vmem>>
        %dma_start3A_3799 = arith.constant 0 : i32
        %dma_start3A_3800 = tpu.memref_slice %arg4[%squeeze3A_3793, %dma_start3A_3799] : memref<1000000x64xf32, #tpu.memory_space<hbm>> -> memref<1x64xf32, #tpu.memory_space<hbm>>
        %dma_start3A_3801 = tpu.memref_squeeze %dma_start3A_3800 : memref<1x64xf32, #tpu.memory_space<hbm>> -> memref<64xf32, #tpu.memory_space<hbm>>
        %dma_start3A_3802 = arith.constant 0 : i32
        %dma_start3A_3803 = tpu.memref_slice %arg9[%dma_start3A_3794, %dma_start3A_3795, %dma_start3A_3802] : memref<2x16x64xf32, #tpu.memory_space<vmem>> -> memref<1x1x64xf32, #tpu.memory_space<vmem>>
        %dma_start3A_3804 = tpu.memref_squeeze %dma_start3A_3803 : memref<1x1x64xf32, #tpu.memory_space<vmem>> -> memref<64xf32, #tpu.memory_space<vmem>>
        %dma_start3A_3805 = arith.constant 0 : i32
        %dma_start3A_3806 = tpu.memref_slice %arg4[%squeeze3A_3793, %dma_start3A_3805] : memref<1000000x64xf32, #tpu.memory_space<hbm>> -> memref<1x64xf32, #tpu.memory_space<hbm>>
        %dma_start3A_3807 = tpu.memref_squeeze %dma_start3A_3806 : memref<1x64xf32, #tpu.memory_space<hbm>> -> memref<64xf32, #tpu.memory_space<hbm>>
        tpu.enqueue_dma source(%dma_start3A_3807 : memref<64xf32, #tpu.memory_space<hbm>>) target(%dma_start3A_3804 : memref<64xf32, #tpu.memory_space<vmem>>) target_semaphore(%arg14 : memref<!tpu.dma_semaphore, #tpu.memory_space<semaphore_mem>>)
        %slice3A_3808 = vector.extract_strided_slice %get3A_3535 {offsets = [8], sizes = [1], strides = [1]} : vector<16xi32> to vector<1xi32>
        %squeeze3A_3809 = vector.extract %slice3A_3808[0] : i32 from vector<1xi32>
        %dma_start3A_3810 = arith.constant 0 : i32
        %dma_start3A_3811 = arith.constant 8 : i32
        %dma_start3A_3812 = arith.constant 0 : i32
        %dma_start3A_3813 = tpu.memref_slice %arg10[%dma_start3A_3810, %dma_start3A_3811, %dma_start3A_3812] : memref<2x16x64xf32, #tpu.memory_space<vmem>> -> memref<1x1x64xf32, #tpu.memory_space<vmem>>
        %dma_start3A_3814 = tpu.memref_squeeze %dma_start3A_3813 : memref<1x1x64xf32, #tpu.memory_space<vmem>> -> memref<64xf32, #tpu.memory_space<vmem>>
        %dma_start3A_3815 = arith.constant 0 : i32
        %dma_start3A_3816 = tpu.memref_slice %arg4[%squeeze3A_3809, %dma_start3A_3815] : memref<1000000x64xf32, #tpu.memory_space<hbm>> -> memref<1x64xf32, #tpu.memory_space<hbm>>
        %dma_start3A_3817 = tpu.memref_squeeze %dma_start3A_3816 : memref<1x64xf32, #tpu.memory_space<hbm>> -> memref<64xf32, #tpu.memory_space<hbm>>
        %dma_start3A_3818 = arith.constant 0 : i32
        %dma_start3A_3819 = tpu.memref_slice %arg10[%dma_start3A_3810, %dma_start3A_3811, %dma_start3A_3818] : memref<2x16x64xf32, #tpu.memory_space<vmem>> -> memref<1x1x64xf32, #tpu.memory_space<vmem>>
        %dma_start3A_3820 = tpu.memref_squeeze %dma_start3A_3819 : memref<1x1x64xf32, #tpu.memory_space<vmem>> -> memref<64xf32, #tpu.memory_space<vmem>>
        %dma_start3A_3821 = arith.constant 0 : i32
        %dma_start3A_3822 = tpu.memref_slice %arg4[%squeeze3A_3809, %dma_start3A_3821] : memref<1000000x64xf32, #tpu.memory_space<hbm>> -> memref<1x64xf32, #tpu.memory_space<hbm>>
        %dma_start3A_3823 = tpu.memref_squeeze %dma_start3A_3822 : memref<1x64xf32, #tpu.memory_space<hbm>> -> memref<64xf32, #tpu.memory_space<hbm>>
        tpu.enqueue_dma source(%dma_start3A_3823 : memref<64xf32, #tpu.memory_space<hbm>>) target(%dma_start3A_3820 : memref<64xf32, #tpu.memory_space<vmem>>) target_semaphore(%arg14 : memref<!tpu.dma_semaphore, #tpu.memory_space<semaphore_mem>>)
        %slice3A_3824 = vector.extract_strided_slice %get3A_3531 {offsets = [9], sizes = [1], strides = [1]} : vector<16xi32> to vector<1xi32>
        %squeeze3A_3825 = vector.extract %slice3A_3824[0] : i32 from vector<1xi32>
        %dma_start3A_3826 = arith.constant 0 : i32
        %dma_start3A_3827 = arith.constant 9 : i32
        %dma_start3A_3828 = arith.constant 0 : i32
        %dma_start3A_3829 = tpu.memref_slice %arg9[%dma_start3A_3826, %dma_start3A_3827, %dma_start3A_3828] : memref<2x16x64xf32, #tpu.memory_space<vmem>> -> memref<1x1x64xf32, #tpu.memory_space<vmem>>
        %dma_start3A_3830 = tpu.memref_squeeze %dma_start3A_3829 : memref<1x1x64xf32, #tpu.memory_space<vmem>> -> memref<64xf32, #tpu.memory_space<vmem>>
        %dma_start3A_3831 = arith.constant 0 : i32
        %dma_start3A_3832 = tpu.memref_slice %arg4[%squeeze3A_3825, %dma_start3A_3831] : memref<1000000x64xf32, #tpu.memory_space<hbm>> -> memref<1x64xf32, #tpu.memory_space<hbm>>
        %dma_start3A_3833 = tpu.memref_squeeze %dma_start3A_3832 : memref<1x64xf32, #tpu.memory_space<hbm>> -> memref<64xf32, #tpu.memory_space<hbm>>
        %dma_start3A_3834 = arith.constant 0 : i32
        %dma_start3A_3835 = tpu.memref_slice %arg9[%dma_start3A_3826, %dma_start3A_3827, %dma_start3A_3834] : memref<2x16x64xf32, #tpu.memory_space<vmem>> -> memref<1x1x64xf32, #tpu.memory_space<vmem>>
        %dma_start3A_3836 = tpu.memref_squeeze %dma_start3A_3835 : memref<1x1x64xf32, #tpu.memory_space<vmem>> -> memref<64xf32, #tpu.memory_space<vmem>>
        %dma_start3A_3837 = arith.constant 0 : i32
        %dma_start3A_3838 = tpu.memref_slice %arg4[%squeeze3A_3825, %dma_start3A_3837] : memref<1000000x64xf32, #tpu.memory_space<hbm>> -> memref<1x64xf32, #tpu.memory_space<hbm>>
        %dma_start3A_3839 = tpu.memref_squeeze %dma_start3A_3838 : memref<1x64xf32, #tpu.memory_space<hbm>> -> memref<64xf32, #tpu.memory_space<hbm>>
        tpu.enqueue_dma source(%dma_start3A_3839 : memref<64xf32, #tpu.memory_space<hbm>>) target(%dma_start3A_3836 : memref<64xf32, #tpu.memory_space<vmem>>) target_semaphore(%arg14 : memref<!tpu.dma_semaphore, #tpu.memory_space<semaphore_mem>>)
        %slice3A_3840 = vector.extract_strided_slice %get3A_3535 {offsets = [9], sizes = [1], strides = [1]} : vector<16xi32> to vector<1xi32>
        %squeeze3A_3841 = vector.extract %slice3A_3840[0] : i32 from vector<1xi32>
        %dma_start3A_3842 = arith.constant 0 : i32
        %dma_start3A_3843 = arith.constant 9 : i32
        %dma_start3A_3844 = arith.constant 0 : i32
        %dma_start3A_3845 = tpu.memref_slice %arg10[%dma_start3A_3842, %dma_start3A_3843, %dma_start3A_3844] : memref<2x16x64xf32, #tpu.memory_space<vmem>> -> memref<1x1x64xf32, #tpu.memory_space<vmem>>
        %dma_start3A_3846 = tpu.memref_squeeze %dma_start3A_3845 : memref<1x1x64xf32, #tpu.memory_space<vmem>> -> memref<64xf32, #tpu.memory_space<vmem>>
        %dma_start3A_3847 = arith.constant 0 : i32
        %dma_start3A_3848 = tpu.memref_slice %arg4[%squeeze3A_3841, %dma_start3A_3847] : memref<1000000x64xf32, #tpu.memory_space<hbm>> -> memref<1x64xf32, #tpu.memory_space<hbm>>
        %dma_start3A_3849 = tpu.memref_squeeze %dma_start3A_3848 : memref<1x64xf32, #tpu.memory_space<hbm>> -> memref<64xf32, #tpu.memory_space<hbm>>
        %dma_start3A_3850 = arith.constant 0 : i32
        %dma_start3A_3851 = tpu.memref_slice %arg10[%dma_start3A_3842, %dma_start3A_3843, %dma_start3A_3850] : memref<2x16x64xf32, #tpu.memory_space<vmem>> -> memref<1x1x64xf32, #tpu.memory_space<vmem>>
        %dma_start3A_3852 = tpu.memref_squeeze %dma_start3A_3851 : memref<1x1x64xf32, #tpu.memory_space<vmem>> -> memref<64xf32, #tpu.memory_space<vmem>>
        %dma_start3A_3853 = arith.constant 0 : i32
        %dma_start3A_3854 = tpu.memref_slice %arg4[%squeeze3A_3841, %dma_start3A_3853] : memref<1000000x64xf32, #tpu.memory_space<hbm>> -> memref<1x64xf32, #tpu.memory_space<hbm>>
        %dma_start3A_3855 = tpu.memref_squeeze %dma_start3A_3854 : memref<1x64xf32, #tpu.memory_space<hbm>> -> memref<64xf32, #tpu.memory_space<hbm>>
        tpu.enqueue_dma source(%dma_start3A_3855 : memref<64xf32, #tpu.memory_space<hbm>>) target(%dma_start3A_3852 : memref<64xf32, #tpu.memory_space<vmem>>) target_semaphore(%arg14 : memref<!tpu.dma_semaphore, #tpu.memory_space<semaphore_mem>>)
        %slice3A_3856 = vector.extract_strided_slice %get3A_3531 {offsets = [10], sizes = [1], strides = [1]} : vector<16xi32> to vector<1xi32>
        %squeeze3A_3857 = vector.extract %slice3A_3856[0] : i32 from vector<1xi32>
        %dma_start3A_3858 = arith.constant 0 : i32
        %dma_start3A_3859 = arith.constant 10 : i32
        %dma_start3A_3860 = arith.constant 0 : i32
        %dma_start3A_3861 = tpu.memref_slice %arg9[%dma_start3A_3858, %dma_start3A_3859, %dma_start3A_3860] : memref<2x16x64xf32, #tpu.memory_space<vmem>> -> memref<1x1x64xf32, #tpu.memory_space<vmem>>
        %dma_start3A_3862 = tpu.memref_squeeze %dma_start3A_3861 : memref<1x1x64xf32, #tpu.memory_space<vmem>> -> memref<64xf32, #tpu.memory_space<vmem>>
        %dma_start3A_3863 = arith.constant 0 : i32
        %dma_start3A_3864 = tpu.memref_slice %arg4[%squeeze3A_3857, %dma_start3A_3863] : memref<1000000x64xf32, #tpu.memory_space<hbm>> -> memref<1x64xf32, #tpu.memory_space<hbm>>
        %dma_start3A_3865 = tpu.memref_squeeze %dma_start3A_3864 : memref<1x64xf32, #tpu.memory_space<hbm>> -> memref<64xf32, #tpu.memory_space<hbm>>
        %dma_start3A_3866 = arith.constant 0 : i32
        %dma_start3A_3867 = tpu.memref_slice %arg9[%dma_start3A_3858, %dma_start3A_3859, %dma_start3A_3866] : memref<2x16x64xf32, #tpu.memory_space<vmem>> -> memref<1x1x64xf32, #tpu.memory_space<vmem>>
        %dma_start3A_3868 = tpu.memref_squeeze %dma_start3A_3867 : memref<1x1x64xf32, #tpu.memory_space<vmem>> -> memref<64xf32, #tpu.memory_space<vmem>>
        %dma_start3A_3869 = arith.constant 0 : i32
        %dma_start3A_3870 = tpu.memref_slice %arg4[%squeeze3A_3857, %dma_start3A_3869] : memref<1000000x64xf32, #tpu.memory_space<hbm>> -> memref<1x64xf32, #tpu.memory_space<hbm>>
        %dma_start3A_3871 = tpu.memref_squeeze %dma_start3A_3870 : memref<1x64xf32, #tpu.memory_space<hbm>> -> memref<64xf32, #tpu.memory_space<hbm>>
        tpu.enqueue_dma source(%dma_start3A_3871 : memref<64xf32, #tpu.memory_space<hbm>>) target(%dma_start3A_3868 : memref<64xf32, #tpu.memory_space<vmem>>) target_semaphore(%arg14 : memref<!tpu.dma_semaphore, #tpu.memory_space<semaphore_mem>>)
        %slice3A_3872 = vector.extract_strided_slice %get3A_3535 {offsets = [10], sizes = [1], strides = [1]} : vector<16xi32> to vector<1xi32>
        %squeeze3A_3873 = vector.extract %slice3A_3872[0] : i32 from vector<1xi32>
        %dma_start3A_3874 = arith.constant 0 : i32
        %dma_start3A_3875 = arith.constant 10 : i32
        %dma_start3A_3876 = arith.constant 0 : i32
        %dma_start3A_3877 = tpu.memref_slice %arg10[%dma_start3A_3874, %dma_start3A_3875, %dma_start3A_3876] : memref<2x16x64xf32, #tpu.memory_space<vmem>> -> memref<1x1x64xf32, #tpu.memory_space<vmem>>
        %dma_start3A_3878 = tpu.memref_squeeze %dma_start3A_3877 : memref<1x1x64xf32, #tpu.memory_space<vmem>> -> memref<64xf32, #tpu.memory_space<vmem>>
        %dma_start3A_3879 = arith.constant 0 : i32
        %dma_start3A_3880 = tpu.memref_slice %arg4[%squeeze3A_3873, %dma_start3A_3879] : memref<1000000x64xf32, #tpu.memory_space<hbm>> -> memref<1x64xf32, #tpu.memory_space<hbm>>
        %dma_start3A_3881 = tpu.memref_squeeze %dma_start3A_3880 : memref<1x64xf32, #tpu.memory_space<hbm>> -> memref<64xf32, #tpu.memory_space<hbm>>
        %dma_start3A_3882 = arith.constant 0 : i32
        %dma_start3A_3883 = tpu.memref_slice %arg10[%dma_start3A_3874, %dma_start3A_3875, %dma_start3A_3882] : memref<2x16x64xf32, #tpu.memory_space<vmem>> -> memref<1x1x64xf32, #tpu.memory_space<vmem>>
        %dma_start3A_3884 = tpu.memref_squeeze %dma_start3A_3883 : memref<1x1x64xf32, #tpu.memory_space<vmem>> -> memref<64xf32, #tpu.memory_space<vmem>>
        %dma_start3A_3885 = arith.constant 0 : i32
        %dma_start3A_3886 = tpu.memref_slice %arg4[%squeeze3A_3873, %dma_start3A_3885] : memref<1000000x64xf32, #tpu.memory_space<hbm>> -> memref<1x64xf32, #tpu.memory_space<hbm>>
        %dma_start3A_3887 = tpu.memref_squeeze %dma_start3A_3886 : memref<1x64xf32, #tpu.memory_space<hbm>> -> memref<64xf32, #tpu.memory_space<hbm>>
        tpu.enqueue_dma source(%dma_start3A_3887 : memref<64xf32, #tpu.memory_space<hbm>>) target(%dma_start3A_3884 : memref<64xf32, #tpu.memory_space<vmem>>) target_semaphore(%arg14 : memref<!tpu.dma_semaphore, #tpu.memory_space<semaphore_mem>>)
        %slice3A_3888 = vector.extract_strided_slice %get3A_3531 {offsets = [11], sizes = [1], strides = [1]} : vector<16xi32> to vector<1xi32>
        %squeeze3A_3889 = vector.extract %slice3A_3888[0] : i32 from vector<1xi32>
        %dma_start3A_3890 = arith.constant 0 : i32
        %dma_start3A_3891 = arith.constant 11 : i32
        %dma_start3A_3892 = arith.constant 0 : i32
        %dma_start3A_3893 = tpu.memref_slice %arg9[%dma_start3A_3890, %dma_start3A_3891, %dma_start3A_3892] : memref<2x16x64xf32, #tpu.memory_space<vmem>> -> memref<1x1x64xf32, #tpu.memory_space<vmem>>
        %dma_start3A_3894 = tpu.memref_squeeze %dma_start3A_3893 : memref<1x1x64xf32, #tpu.memory_space<vmem>> -> memref<64xf32, #tpu.memory_space<vmem>>
        %dma_start3A_3895 = arith.constant 0 : i32
        %dma_start3A_3896 = tpu.memref_slice %arg4[%squeeze3A_3889, %dma_start3A_3895] : memref<1000000x64xf32, #tpu.memory_space<hbm>> -> memref<1x64xf32, #tpu.memory_space<hbm>>
        %dma_start3A_3897 = tpu.memref_squeeze %dma_start3A_3896 : memref<1x64xf32, #tpu.memory_space<hbm>> -> memref<64xf32, #tpu.memory_space<hbm>>
        %dma_start3A_3898 = arith.constant 0 : i32
        %dma_start3A_3899 = tpu.memref_slice %arg9[%dma_start3A_3890, %dma_start3A_3891, %dma_start3A_3898] : memref<2x16x64xf32, #tpu.memory_space<vmem>> -> memref<1x1x64xf32, #tpu.memory_space<vmem>>
        %dma_start3A_3900 = tpu.memref_squeeze %dma_start3A_3899 : memref<1x1x64xf32, #tpu.memory_space<vmem>> -> memref<64xf32, #tpu.memory_space<vmem>>
        %dma_start3A_3901 = arith.constant 0 : i32
        %dma_start3A_3902 = tpu.memref_slice %arg4[%squeeze3A_3889, %dma_start3A_3901] : memref<1000000x64xf32, #tpu.memory_space<hbm>> -> memref<1x64xf32, #tpu.memory_space<hbm>>
        %dma_start3A_3903 = tpu.memref_squeeze %dma_start3A_3902 : memref<1x64xf32, #tpu.memory_space<hbm>> -> memref<64xf32, #tpu.memory_space<hbm>>
        tpu.enqueue_dma source(%dma_start3A_3903 : memref<64xf32, #tpu.memory_space<hbm>>) target(%dma_start3A_3900 : memref<64xf32, #tpu.memory_space<vmem>>) target_semaphore(%arg14 : memref<!tpu.dma_semaphore, #tpu.memory_space<semaphore_mem>>)
        %slice3A_3904 = vector.extract_strided_slice %get3A_3535 {offsets = [11], sizes = [1], strides = [1]} : vector<16xi32> to vector<1xi32>
        %squeeze3A_3905 = vector.extract %slice3A_3904[0] : i32 from vector<1xi32>
        %dma_start3A_3906 = arith.constant 0 : i32
        %dma_start3A_3907 = arith.constant 11 : i32
        %dma_start3A_3908 = arith.constant 0 : i32
        %dma_start3A_3909 = tpu.memref_slice %arg10[%dma_start3A_3906, %dma_start3A_3907, %dma_start3A_3908] : memref<2x16x64xf32, #tpu.memory_space<vmem>> -> memref<1x1x64xf32, #tpu.memory_space<vmem>>
        %dma_start3A_3910 = tpu.memref_squeeze %dma_start3A_3909 : memref<1x1x64xf32, #tpu.memory_space<vmem>> -> memref<64xf32, #tpu.memory_space<vmem>>
        %dma_start3A_3911 = arith.constant 0 : i32
        %dma_start3A_3912 = tpu.memref_slice %arg4[%squeeze3A_3905, %dma_start3A_3911] : memref<1000000x64xf32, #tpu.memory_space<hbm>> -> memref<1x64xf32, #tpu.memory_space<hbm>>
        %dma_start3A_3913 = tpu.memref_squeeze %dma_start3A_3912 : memref<1x64xf32, #tpu.memory_space<hbm>> -> memref<64xf32, #tpu.memory_space<hbm>>
        %dma_start3A_3914 = arith.constant 0 : i32
        %dma_start3A_3915 = tpu.memref_slice %arg10[%dma_start3A_3906, %dma_start3A_3907, %dma_start3A_3914] : memref<2x16x64xf32, #tpu.memory_space<vmem>> -> memref<1x1x64xf32, #tpu.memory_space<vmem>>
        %dma_start3A_3916 = tpu.memref_squeeze %dma_start3A_3915 : memref<1x1x64xf32, #tpu.memory_space<vmem>> -> memref<64xf32, #tpu.memory_space<vmem>>
        %dma_start3A_3917 = arith.constant 0 : i32
        %dma_start3A_3918 = tpu.memref_slice %arg4[%squeeze3A_3905, %dma_start3A_3917] : memref<1000000x64xf32, #tpu.memory_space<hbm>> -> memref<1x64xf32, #tpu.memory_space<hbm>>
        %dma_start3A_3919 = tpu.memref_squeeze %dma_start3A_3918 : memref<1x64xf32, #tpu.memory_space<hbm>> -> memref<64xf32, #tpu.memory_space<hbm>>
        tpu.enqueue_dma source(%dma_start3A_3919 : memref<64xf32, #tpu.memory_space<hbm>>) target(%dma_start3A_3916 : memref<64xf32, #tpu.memory_space<vmem>>) target_semaphore(%arg14 : memref<!tpu.dma_semaphore, #tpu.memory_space<semaphore_mem>>)
        %slice3A_3920 = vector.extract_strided_slice %get3A_3531 {offsets = [12], sizes = [1], strides = [1]} : vector<16xi32> to vector<1xi32>
        %squeeze3A_3921 = vector.extract %slice3A_3920[0] : i32 from vector<1xi32>
        %dma_start3A_3922 = arith.constant 0 : i32
        %dma_start3A_3923 = arith.constant 12 : i32
        %dma_start3A_3924 = arith.constant 0 : i32
        %dma_start3A_3925 = tpu.memref_slice %arg9[%dma_start3A_3922, %dma_start3A_3923, %dma_start3A_3924] : memref<2x16x64xf32, #tpu.memory_space<vmem>> -> memref<1x1x64xf32, #tpu.memory_space<vmem>>
        %dma_start3A_3926 = tpu.memref_squeeze %dma_start3A_3925 : memref<1x1x64xf32, #tpu.memory_space<vmem>> -> memref<64xf32, #tpu.memory_space<vmem>>
        %dma_start3A_3927 = arith.constant 0 : i32
        %dma_start3A_3928 = tpu.memref_slice %arg4[%squeeze3A_3921, %dma_start3A_3927] : memref<1000000x64xf32, #tpu.memory_space<hbm>> -> memref<1x64xf32, #tpu.memory_space<hbm>>
        %dma_start3A_3929 = tpu.memref_squeeze %dma_start3A_3928 : memref<1x64xf32, #tpu.memory_space<hbm>> -> memref<64xf32, #tpu.memory_space<hbm>>
        %dma_start3A_3930 = arith.constant 0 : i32
        %dma_start3A_3931 = tpu.memref_slice %arg9[%dma_start3A_3922, %dma_start3A_3923, %dma_start3A_3930] : memref<2x16x64xf32, #tpu.memory_space<vmem>> -> memref<1x1x64xf32, #tpu.memory_space<vmem>>
        %dma_start3A_3932 = tpu.memref_squeeze %dma_start3A_3931 : memref<1x1x64xf32, #tpu.memory_space<vmem>> -> memref<64xf32, #tpu.memory_space<vmem>>
        %dma_start3A_3933 = arith.constant 0 : i32
        %dma_start3A_3934 = tpu.memref_slice %arg4[%squeeze3A_3921, %dma_start3A_3933] : memref<1000000x64xf32, #tpu.memory_space<hbm>> -> memref<1x64xf32, #tpu.memory_space<hbm>>
        %dma_start3A_3935 = tpu.memref_squeeze %dma_start3A_3934 : memref<1x64xf32, #tpu.memory_space<hbm>> -> memref<64xf32, #tpu.memory_space<hbm>>
        tpu.enqueue_dma source(%dma_start3A_3935 : memref<64xf32, #tpu.memory_space<hbm>>) target(%dma_start3A_3932 : memref<64xf32, #tpu.memory_space<vmem>>) target_semaphore(%arg14 : memref<!tpu.dma_semaphore, #tpu.memory_space<semaphore_mem>>)
        %slice3A_3936 = vector.extract_strided_slice %get3A_3535 {offsets = [12], sizes = [1], strides = [1]} : vector<16xi32> to vector<1xi32>
        %squeeze3A_3937 = vector.extract %slice3A_3936[0] : i32 from vector<1xi32>
        %dma_start3A_3938 = arith.constant 0 : i32
        %dma_start3A_3939 = arith.constant 12 : i32
        %dma_start3A_3940 = arith.constant 0 : i32
        %dma_start3A_3941 = tpu.memref_slice %arg10[%dma_start3A_3938, %dma_start3A_3939, %dma_start3A_3940] : memref<2x16x64xf32, #tpu.memory_space<vmem>> -> memref<1x1x64xf32, #tpu.memory_space<vmem>>
        %dma_start3A_3942 = tpu.memref_squeeze %dma_start3A_3941 : memref<1x1x64xf32, #tpu.memory_space<vmem>> -> memref<64xf32, #tpu.memory_space<vmem>>
        %dma_start3A_3943 = arith.constant 0 : i32
        %dma_start3A_3944 = tpu.memref_slice %arg4[%squeeze3A_3937, %dma_start3A_3943] : memref<1000000x64xf32, #tpu.memory_space<hbm>> -> memref<1x64xf32, #tpu.memory_space<hbm>>
        %dma_start3A_3945 = tpu.memref_squeeze %dma_start3A_3944 : memref<1x64xf32, #tpu.memory_space<hbm>> -> memref<64xf32, #tpu.memory_space<hbm>>
        %dma_start3A_3946 = arith.constant 0 : i32
        %dma_start3A_3947 = tpu.memref_slice %arg10[%dma_start3A_3938, %dma_start3A_3939, %dma_start3A_3946] : memref<2x16x64xf32, #tpu.memory_space<vmem>> -> memref<1x1x64xf32, #tpu.memory_space<vmem>>
        %dma_start3A_3948 = tpu.memref_squeeze %dma_start3A_3947 : memref<1x1x64xf32, #tpu.memory_space<vmem>> -> memref<64xf32, #tpu.memory_space<vmem>>
        %dma_start3A_3949 = arith.constant 0 : i32
        %dma_start3A_3950 = tpu.memref_slice %arg4[%squeeze3A_3937, %dma_start3A_3949] : memref<1000000x64xf32, #tpu.memory_space<hbm>> -> memref<1x64xf32, #tpu.memory_space<hbm>>
        %dma_start3A_3951 = tpu.memref_squeeze %dma_start3A_3950 : memref<1x64xf32, #tpu.memory_space<hbm>> -> memref<64xf32, #tpu.memory_space<hbm>>
        tpu.enqueue_dma source(%dma_start3A_3951 : memref<64xf32, #tpu.memory_space<hbm>>) target(%dma_start3A_3948 : memref<64xf32, #tpu.memory_space<vmem>>) target_semaphore(%arg14 : memref<!tpu.dma_semaphore, #tpu.memory_space<semaphore_mem>>)
        %slice3A_3952 = vector.extract_strided_slice %get3A_3531 {offsets = [13], sizes = [1], strides = [1]} : vector<16xi32> to vector<1xi32>
        %squeeze3A_3953 = vector.extract %slice3A_3952[0] : i32 from vector<1xi32>
        %dma_start3A_3954 = arith.constant 0 : i32
        %dma_start3A_3955 = arith.constant 13 : i32
        %dma_start3A_3956 = arith.constant 0 : i32
        %dma_start3A_3957 = tpu.memref_slice %arg9[%dma_start3A_3954, %dma_start3A_3955, %dma_start3A_3956] : memref<2x16x64xf32, #tpu.memory_space<vmem>> -> memref<1x1x64xf32, #tpu.memory_space<vmem>>
        %dma_start3A_3958 = tpu.memref_squeeze %dma_start3A_3957 : memref<1x1x64xf32, #tpu.memory_space<vmem>> -> memref<64xf32, #tpu.memory_space<vmem>>
        %dma_start3A_3959 = arith.constant 0 : i32
        %dma_start3A_3960 = tpu.memref_slice %arg4[%squeeze3A_3953, %dma_start3A_3959] : memref<1000000x64xf32, #tpu.memory_space<hbm>> -> memref<1x64xf32, #tpu.memory_space<hbm>>
        %dma_start3A_3961 = tpu.memref_squeeze %dma_start3A_3960 : memref<1x64xf32, #tpu.memory_space<hbm>> -> memref<64xf32, #tpu.memory_space<hbm>>
        %dma_start3A_3962 = arith.constant 0 : i32
        %dma_start3A_3963 = tpu.memref_slice %arg9[%dma_start3A_3954, %dma_start3A_3955, %dma_start3A_3962] : memref<2x16x64xf32, #tpu.memory_space<vmem>> -> memref<1x1x64xf32, #tpu.memory_space<vmem>>
        %dma_start3A_3964 = tpu.memref_squeeze %dma_start3A_3963 : memref<1x1x64xf32, #tpu.memory_space<vmem>> -> memref<64xf32, #tpu.memory_space<vmem>>
        %dma_start3A_3965 = arith.constant 0 : i32
        %dma_start3A_3966 = tpu.memref_slice %arg4[%squeeze3A_3953, %dma_start3A_3965] : memref<1000000x64xf32, #tpu.memory_space<hbm>> -> memref<1x64xf32, #tpu.memory_space<hbm>>
        %dma_start3A_3967 = tpu.memref_squeeze %dma_start3A_3966 : memref<1x64xf32, #tpu.memory_space<hbm>> -> memref<64xf32, #tpu.memory_space<hbm>>
        tpu.enqueue_dma source(%dma_start3A_3967 : memref<64xf32, #tpu.memory_space<hbm>>) target(%dma_start3A_3964 : memref<64xf32, #tpu.memory_space<vmem>>) target_semaphore(%arg14 : memref<!tpu.dma_semaphore, #tpu.memory_space<semaphore_mem>>)
        %slice3A_3968 = vector.extract_strided_slice %get3A_3535 {offsets = [13], sizes = [1], strides = [1]} : vector<16xi32> to vector<1xi32>
        %squeeze3A_3969 = vector.extract %slice3A_3968[0] : i32 from vector<1xi32>
        %dma_start3A_3970 = arith.constant 0 : i32
        %dma_start3A_3971 = arith.constant 13 : i32
        %dma_start3A_3972 = arith.constant 0 : i32
        %dma_start3A_3973 = tpu.memref_slice %arg10[%dma_start3A_3970, %dma_start3A_3971, %dma_start3A_3972] : memref<2x16x64xf32, #tpu.memory_space<vmem>> -> memref<1x1x64xf32, #tpu.memory_space<vmem>>
        %dma_start3A_3974 = tpu.memref_squeeze %dma_start3A_3973 : memref<1x1x64xf32, #tpu.memory_space<vmem>> -> memref<64xf32, #tpu.memory_space<vmem>>
        %dma_start3A_3975 = arith.constant 0 : i32
        %dma_start3A_3976 = tpu.memref_slice %arg4[%squeeze3A_3969, %dma_start3A_3975] : memref<1000000x64xf32, #tpu.memory_space<hbm>> -> memref<1x64xf32, #tpu.memory_space<hbm>>
        %dma_start3A_3977 = tpu.memref_squeeze %dma_start3A_3976 : memref<1x64xf32, #tpu.memory_space<hbm>> -> memref<64xf32, #tpu.memory_space<hbm>>
        %dma_start3A_3978 = arith.constant 0 : i32
        %dma_start3A_3979 = tpu.memref_slice %arg10[%dma_start3A_3970, %dma_start3A_3971, %dma_start3A_3978] : memref<2x16x64xf32, #tpu.memory_space<vmem>> -> memref<1x1x64xf32, #tpu.memory_space<vmem>>
        %dma_start3A_3980 = tpu.memref_squeeze %dma_start3A_3979 : memref<1x1x64xf32, #tpu.memory_space<vmem>> -> memref<64xf32, #tpu.memory_space<vmem>>
        %dma_start3A_3981 = arith.constant 0 : i32
        %dma_start3A_3982 = tpu.memref_slice %arg4[%squeeze3A_3969, %dma_start3A_3981] : memref<1000000x64xf32, #tpu.memory_space<hbm>> -> memref<1x64xf32, #tpu.memory_space<hbm>>
        %dma_start3A_3983 = tpu.memref_squeeze %dma_start3A_3982 : memref<1x64xf32, #tpu.memory_space<hbm>> -> memref<64xf32, #tpu.memory_space<hbm>>
        tpu.enqueue_dma source(%dma_start3A_3983 : memref<64xf32, #tpu.memory_space<hbm>>) target(%dma_start3A_3980 : memref<64xf32, #tpu.memory_space<vmem>>) target_semaphore(%arg14 : memref<!tpu.dma_semaphore, #tpu.memory_space<semaphore_mem>>)
        %slice3A_3984 = vector.extract_strided_slice %get3A_3531 {offsets = [14], sizes = [1], strides = [1]} : vector<16xi32> to vector<1xi32>
        %squeeze3A_3985 = vector.extract %slice3A_3984[0] : i32 from vector<1xi32>
        %dma_start3A_3986 = arith.constant 0 : i32
        %dma_start3A_3987 = arith.constant 14 : i32
        %dma_start3A_3988 = arith.constant 0 : i32
        %dma_start3A_3989 = tpu.memref_slice %arg9[%dma_start3A_3986, %dma_start3A_3987, %dma_start3A_3988] : memref<2x16x64xf32, #tpu.memory_space<vmem>> -> memref<1x1x64xf32, #tpu.memory_space<vmem>>
        %dma_start3A_3990 = tpu.memref_squeeze %dma_start3A_3989 : memref<1x1x64xf32, #tpu.memory_space<vmem>> -> memref<64xf32, #tpu.memory_space<vmem>>
        %dma_start3A_3991 = arith.constant 0 : i32
        %dma_start3A_3992 = tpu.memref_slice %arg4[%squeeze3A_3985, %dma_start3A_3991] : memref<1000000x64xf32, #tpu.memory_space<hbm>> -> memref<1x64xf32, #tpu.memory_space<hbm>>
        %dma_start3A_3993 = tpu.memref_squeeze %dma_start3A_3992 : memref<1x64xf32, #tpu.memory_space<hbm>> -> memref<64xf32, #tpu.memory_space<hbm>>
        %dma_start3A_3994 = arith.constant 0 : i32
        %dma_start3A_3995 = tpu.memref_slice %arg9[%dma_start3A_3986, %dma_start3A_3987, %dma_start3A_3994] : memref<2x16x64xf32, #tpu.memory_space<vmem>> -> memref<1x1x64xf32, #tpu.memory_space<vmem>>
        %dma_start3A_3996 = tpu.memref_squeeze %dma_start3A_3995 : memref<1x1x64xf32, #tpu.memory_space<vmem>> -> memref<64xf32, #tpu.memory_space<vmem>>
        %dma_start3A_3997 = arith.constant 0 : i32
        %dma_start3A_3998 = tpu.memref_slice %arg4[%squeeze3A_3985, %dma_start3A_3997] : memref<1000000x64xf32, #tpu.memory_space<hbm>> -> memref<1x64xf32, #tpu.memory_space<hbm>>
        %dma_start3A_3999 = tpu.memref_squeeze %dma_start3A_3998 : memref<1x64xf32, #tpu.memory_space<hbm>> -> memref<64xf32, #tpu.memory_space<hbm>>
        tpu.enqueue_dma source(%dma_start3A_3999 : memref<64xf32, #tpu.memory_space<hbm>>) target(%dma_start3A_3996 : memref<64xf32, #tpu.memory_space<vmem>>) target_semaphore(%arg14 : memref<!tpu.dma_semaphore, #tpu.memory_space<semaphore_mem>>)
        %slice3A_4000 = vector.extract_strided_slice %get3A_3535 {offsets = [14], sizes = [1], strides = [1]} : vector<16xi32> to vector<1xi32>
        %squeeze3A_4001 = vector.extract %slice3A_4000[0] : i32 from vector<1xi32>
        %dma_start3A_4002 = arith.constant 0 : i32
        %dma_start3A_4003 = arith.constant 14 : i32
        %dma_start3A_4004 = arith.constant 0 : i32
        %dma_start3A_4005 = tpu.memref_slice %arg10[%dma_start3A_4002, %dma_start3A_4003, %dma_start3A_4004] : memref<2x16x64xf32, #tpu.memory_space<vmem>> -> memref<1x1x64xf32, #tpu.memory_space<vmem>>
        %dma_start3A_4006 = tpu.memref_squeeze %dma_start3A_4005 : memref<1x1x64xf32, #tpu.memory_space<vmem>> -> memref<64xf32, #tpu.memory_space<vmem>>
        %dma_start3A_4007 = arith.constant 0 : i32
        %dma_start3A_4008 = tpu.memref_slice %arg4[%squeeze3A_4001, %dma_start3A_4007] : memref<1000000x64xf32, #tpu.memory_space<hbm>> -> memref<1x64xf32, #tpu.memory_space<hbm>>
        %dma_start3A_4009 = tpu.memref_squeeze %dma_start3A_4008 : memref<1x64xf32, #tpu.memory_space<hbm>> -> memref<64xf32, #tpu.memory_space<hbm>>
        %dma_start3A_4010 = arith.constant 0 : i32
        %dma_start3A_4011 = tpu.memref_slice %arg10[%dma_start3A_4002, %dma_start3A_4003, %dma_start3A_4010] : memref<2x16x64xf32, #tpu.memory_space<vmem>> -> memref<1x1x64xf32, #tpu.memory_space<vmem>>
        %dma_start3A_4012 = tpu.memref_squeeze %dma_start3A_4011 : memref<1x1x64xf32, #tpu.memory_space<vmem>> -> memref<64xf32, #tpu.memory_space<vmem>>
        %dma_start3A_4013 = arith.constant 0 : i32
        %dma_start3A_4014 = tpu.memref_slice %arg4[%squeeze3A_4001, %dma_start3A_4013] : memref<1000000x64xf32, #tpu.memory_space<hbm>> -> memref<1x64xf32, #tpu.memory_space<hbm>>
        %dma_start3A_4015 = tpu.memref_squeeze %dma_start3A_4014 : memref<1x64xf32, #tpu.memory_space<hbm>> -> memref<64xf32, #tpu.memory_space<hbm>>
        tpu.enqueue_dma source(%dma_start3A_4015 : memref<64xf32, #tpu.memory_space<hbm>>) target(%dma_start3A_4012 : memref<64xf32, #tpu.memory_space<vmem>>) target_semaphore(%arg14 : memref<!tpu.dma_semaphore, #tpu.memory_space<semaphore_mem>>)
        %slice3A_4016 = vector.extract_strided_slice %get3A_3531 {offsets = [15], sizes = [1], strides = [1]} : vector<16xi32> to vector<1xi32>
        %squeeze3A_4017 = vector.extract %slice3A_4016[0] : i32 from vector<1xi32>
        %dma_start3A_4018 = arith.constant 0 : i32
        %dma_start3A_4019 = arith.constant 15 : i32
        %dma_start3A_4020 = arith.constant 0 : i32
        %dma_start3A_4021 = tpu.memref_slice %arg9[%dma_start3A_4018, %dma_start3A_4019, %dma_start3A_4020] : memref<2x16x64xf32, #tpu.memory_space<vmem>> -> memref<1x1x64xf32, #tpu.memory_space<vmem>>
        %dma_start3A_4022 = tpu.memref_squeeze %dma_start3A_4021 : memref<1x1x64xf32, #tpu.memory_space<vmem>> -> memref<64xf32, #tpu.memory_space<vmem>>
        %dma_start3A_4023 = arith.constant 0 : i32
        %dma_start3A_4024 = tpu.memref_slice %arg4[%squeeze3A_4017, %dma_start3A_4023] : memref<1000000x64xf32, #tpu.memory_space<hbm>> -> memref<1x64xf32, #tpu.memory_space<hbm>>
        %dma_start3A_4025 = tpu.memref_squeeze %dma_start3A_4024 : memref<1x64xf32, #tpu.memory_space<hbm>> -> memref<64xf32, #tpu.memory_space<hbm>>
        %dma_start3A_4026 = arith.constant 0 : i32
        %dma_start3A_4027 = tpu.memref_slice %arg9[%dma_start3A_4018, %dma_start3A_4019, %dma_start3A_4026] : memref<2x16x64xf32, #tpu.memory_space<vmem>> -> memref<1x1x64xf32, #tpu.memory_space<vmem>>
        %dma_start3A_4028 = tpu.memref_squeeze %dma_start3A_4027 : memref<1x1x64xf32, #tpu.memory_space<vmem>> -> memref<64xf32, #tpu.memory_space<vmem>>
        %dma_start3A_4029 = arith.constant 0 : i32
        %dma_start3A_4030 = tpu.memref_slice %arg4[%squeeze3A_4017, %dma_start3A_4029] : memref<1000000x64xf32, #tpu.memory_space<hbm>> -> memref<1x64xf32, #tpu.memory_space<hbm>>
        %dma_start3A_4031 = tpu.memref_squeeze %dma_start3A_4030 : memref<1x64xf32, #tpu.memory_space<hbm>> -> memref<64xf32, #tpu.memory_space<hbm>>
        tpu.enqueue_dma source(%dma_start3A_4031 : memref<64xf32, #tpu.memory_space<hbm>>) target(%dma_start3A_4028 : memref<64xf32, #tpu.memory_space<vmem>>) target_semaphore(%arg14 : memref<!tpu.dma_semaphore, #tpu.memory_space<semaphore_mem>>)
        %slice3A_4032 = vector.extract_strided_slice %get3A_3535 {offsets = [15], sizes = [1], strides = [1]} : vector<16xi32> to vector<1xi32>
        %squeeze3A_4033 = vector.extract %slice3A_4032[0] : i32 from vector<1xi32>
        %dma_start3A_4034 = arith.constant 0 : i32
        %dma_start3A_4035 = arith.constant 15 : i32
        %dma_start3A_4036 = arith.constant 0 : i32
        %dma_start3A_4037 = tpu.memref_slice %arg10[%dma_start3A_4034, %dma_start3A_4035, %dma_start3A_4036] : memref<2x16x64xf32, #tpu.memory_space<vmem>> -> memref<1x1x64xf32, #tpu.memory_space<vmem>>
        %dma_start3A_4038 = tpu.memref_squeeze %dma_start3A_4037 : memref<1x1x64xf32, #tpu.memory_space<vmem>> -> memref<64xf32, #tpu.memory_space<vmem>>
        %dma_start3A_4039 = arith.constant 0 : i32
        %dma_start3A_4040 = tpu.memref_slice %arg4[%squeeze3A_4033, %dma_start3A_4039] : memref<1000000x64xf32, #tpu.memory_space<hbm>> -> memref<1x64xf32, #tpu.memory_space<hbm>>
        %dma_start3A_4041 = tpu.memref_squeeze %dma_start3A_4040 : memref<1x64xf32, #tpu.memory_space<hbm>> -> memref<64xf32, #tpu.memory_space<hbm>>
        %dma_start3A_4042 = arith.constant 0 : i32
        %dma_start3A_4043 = tpu.memref_slice %arg10[%dma_start3A_4034, %dma_start3A_4035, %dma_start3A_4042] : memref<2x16x64xf32, #tpu.memory_space<vmem>> -> memref<1x1x64xf32, #tpu.memory_space<vmem>>
        %dma_start3A_4044 = tpu.memref_squeeze %dma_start3A_4043 : memref<1x1x64xf32, #tpu.memory_space<vmem>> -> memref<64xf32, #tpu.memory_space<vmem>>
        %dma_start3A_4045 = arith.constant 0 : i32
        %dma_start3A_4046 = tpu.memref_slice %arg4[%squeeze3A_4033, %dma_start3A_4045] : memref<1000000x64xf32, #tpu.memory_space<hbm>> -> memref<1x64xf32, #tpu.memory_space<hbm>>
        %dma_start3A_4047 = tpu.memref_squeeze %dma_start3A_4046 : memref<1x64xf32, #tpu.memory_space<hbm>> -> memref<64xf32, #tpu.memory_space<hbm>>
        tpu.enqueue_dma source(%dma_start3A_4047 : memref<64xf32, #tpu.memory_space<hbm>>) target(%dma_start3A_4044 : memref<64xf32, #tpu.memory_space<vmem>>) target_semaphore(%arg14 : memref<!tpu.dma_semaphore, #tpu.memory_space<semaphore_mem>>)
      } else {
      }
      %dma_wait3A_2298 = arith.constant 1 : i32
      %dma_wait3A_2299 = arith.constant 0 : i32
      %dma_wait3A_2300 = arith.constant 0 : i32
      %dma_wait3A_2301 = tpu.memref_slice %arg9[%dma_wait3A_2298, %dma_wait3A_2299, %dma_wait3A_2300] : memref<2x16x64xf32, #tpu.memory_space<vmem>> -> memref<1x16x64xf32, #tpu.memory_space<vmem>>
      %dma_wait3A_2302 = tpu.memref_squeeze %dma_wait3A_2301 : memref<1x16x64xf32, #tpu.memory_space<vmem>> -> memref<16x64xf32, #tpu.memory_space<vmem>>
      %dma_wait3A_2303 = arith.constant 0 : i32
      %dma_wait3A_2304 = arith.constant 0 : i32
      %dma_wait3A_2305 = tpu.memref_slice %arg4[%dma_wait3A_2303, %dma_wait3A_2304] : memref<1000000x64xf32, #tpu.memory_space<hbm>> -> memref<16x64xf32, #tpu.memory_space<hbm>>
      %dma_wait3A_2306 = arith.constant 0 : i32
      %dma_wait3A_2307 = arith.constant 0 : i32
      %dma_wait3A_2308 = tpu.memref_slice %arg9[%dma_wait3A_2298, %dma_wait3A_2306, %dma_wait3A_2307] : memref<2x16x64xf32, #tpu.memory_space<vmem>> -> memref<1x16x64xf32, #tpu.memory_space<vmem>>
      %dma_wait3A_2309 = tpu.memref_squeeze %dma_wait3A_2308 : memref<1x16x64xf32, #tpu.memory_space<vmem>> -> memref<16x64xf32, #tpu.memory_space<vmem>>
      %dma_wait3A_2310 = arith.constant 0 : i32
      %dma_wait3A_2311 = arith.constant 0 : i32
      %dma_wait3A_2312 = tpu.memref_slice %arg4[%dma_wait3A_2310, %dma_wait3A_2311] : memref<1000000x64xf32, #tpu.memory_space<hbm>> -> memref<16x64xf32, #tpu.memory_space<hbm>>
      tpu.wait_dma2 semaphore(%arg15 : memref<!tpu.dma_semaphore, #tpu.memory_space<semaphore_mem>>) src(%dma_wait3A_2312 : memref<16x64xf32, #tpu.memory_space<hbm>>) dst(%dma_wait3A_2309 : memref<16x64xf32, #tpu.memory_space<vmem>>)
      %dma_wait3A_2313 = arith.constant 1 : i32
      %dma_wait3A_2314 = arith.constant 0 : i32
      %dma_wait3A_2315 = arith.constant 0 : i32
      %dma_wait3A_2316 = tpu.memref_slice %arg10[%dma_wait3A_2313, %dma_wait3A_2314, %dma_wait3A_2315] : memref<2x16x64xf32, #tpu.memory_space<vmem>> -> memref<1x16x64xf32, #tpu.memory_space<vmem>>
      %dma_wait3A_2317 = tpu.memref_squeeze %dma_wait3A_2316 : memref<1x16x64xf32, #tpu.memory_space<vmem>> -> memref<16x64xf32, #tpu.memory_space<vmem>>
      %dma_wait3A_2318 = arith.constant 0 : i32
      %dma_wait3A_2319 = arith.constant 0 : i32
      %dma_wait3A_2320 = tpu.memref_slice %arg4[%dma_wait3A_2318, %dma_wait3A_2319] : memref<1000000x64xf32, #tpu.memory_space<hbm>> -> memref<16x64xf32, #tpu.memory_space<hbm>>
      %dma_wait3A_2321 = arith.constant 0 : i32
      %dma_wait3A_2322 = arith.constant 0 : i32
      %dma_wait3A_2323 = tpu.memref_slice %arg10[%dma_wait3A_2313, %dma_wait3A_2321, %dma_wait3A_2322] : memref<2x16x64xf32, #tpu.memory_space<vmem>> -> memref<1x16x64xf32, #tpu.memory_space<vmem>>
      %dma_wait3A_2324 = tpu.memref_squeeze %dma_wait3A_2323 : memref<1x16x64xf32, #tpu.memory_space<vmem>> -> memref<16x64xf32, #tpu.memory_space<vmem>>
      %dma_wait3A_2325 = arith.constant 0 : i32
      %dma_wait3A_2326 = arith.constant 0 : i32
      %dma_wait3A_2327 = tpu.memref_slice %arg4[%dma_wait3A_2325, %dma_wait3A_2326] : memref<1000000x64xf32, #tpu.memory_space<hbm>> -> memref<16x64xf32, #tpu.memory_space<hbm>>
      tpu.wait_dma2 semaphore(%arg15 : memref<!tpu.dma_semaphore, #tpu.memory_space<semaphore_mem>>) src(%dma_wait3A_2327 : memref<16x64xf32, #tpu.memory_space<hbm>>) dst(%dma_wait3A_2324 : memref<16x64xf32, #tpu.memory_space<vmem>>)
      %get3A_2328 = arith.constant 1 : i32
      %get3A_2329 = arith.constant 0 : i32
      %get3A_2330 = arith.index_cast %get3A_2328 : i32 to index
      %get3A_2331 = arith.index_cast %get3A_2329 : i32 to index
      %get3A_2332 = arith.constant 0 : index
      %get3A_2333 = tpu.vector_load %arg9[%get3A_2330, %get3A_2331, %get3A_2332] {strides = array<i32>} : memref<2x16x64xf32, #tpu.memory_space<vmem>>, vector<16xf32>,
      %get3A_2334 = arith.constant 1 : i32
      %get3A_2335 = arith.constant 0 : i32
      %get3A_2336 = arith.index_cast %get3A_2334 : i32 to index
      %get3A_2337 = arith.index_cast %get3A_2335 : i32 to index
      %get3A_2338 = arith.constant 0 : index
      %get3A_2339 = tpu.vector_load %arg10[%get3A_2336, %get3A_2337, %get3A_2338] {strides = array<i32>} : memref<2x16x64xf32, #tpu.memory_space<vmem>>, vector<16xf32>,
      %add3A_2340 = arith.addf %get3A_2333, %get3A_5 : vector<16xf32>
      %add3A_2341 = arith.addf %get3A_2339, %get3A_9 : vector<16xf32>
      %mul3A_2342 = arith.mulf %add3A_2340, %add3A_2341 : vector<16xf32>
      %mul3A_2343 = arith.mulf %mul3A_2342, %get3A_17 : vector<16xf32>
      %get3A_2344 = arith.constant 1 : i32
      %get3A_2345 = arith.constant 0 : i32
      %get3A_2346 = arith.index_cast %get3A_2344 : i32 to index
      %get3A_2347 = arith.index_cast %get3A_2345 : i32 to index
      %get3A_2348 = arith.constant 16 : index
      %get3A_2349 = tpu.vector_load %arg9[%get3A_2346, %get3A_2347, %get3A_2348] {strides = array<i32>} : memref<2x16x64xf32, #tpu.memory_space<vmem>>, vector<16xf32>,
      %get3A_2350 = arith.constant 1 : i32
      %get3A_2351 = arith.constant 0 : i32
      %get3A_2352 = arith.index_cast %get3A_2350 : i32 to index
      %get3A_2353 = arith.index_cast %get3A_2351 : i32 to index
      %get3A_2354 = arith.constant 16 : index
      %get3A_2355 = tpu.vector_load %arg10[%get3A_2352, %get3A_2353, %get3A_2354] {strides = array<i32>} : memref<2x16x64xf32, #tpu.memory_space<vmem>>, vector<16xf32>,
      %add3A_2356 = arith.addf %get3A_2349, %get3A_5 : vector<16xf32>
      %add3A_2357 = arith.addf %get3A_2355, %get3A_9 : vector<16xf32>
      %mul3A_2358 = arith.mulf %add3A_2356, %add3A_2357 : vector<16xf32>
      %mul3A_2359 = arith.mulf %mul3A_2358, %get3A_21 : vector<16xf32>
      %add3A_2360 = arith.addf %mul3A_2343, %mul3A_2359 : vector<16xf32>
      %get3A_2361 = arith.constant 1 : i32
      %get3A_2362 = arith.constant 0 : i32
      %get3A_2363 = arith.index_cast %get3A_2361 : i32 to index
      %get3A_2364 = arith.index_cast %get3A_2362 : i32 to index
      %get3A_2365 = arith.constant 32 : index
      %get3A_2366 = tpu.vector_load %arg9[%get3A_2363, %get3A_2364, %get3A_2365] {strides = array<i32>} : memref<2x16x64xf32, #tpu.memory_space<vmem>>, vector<16xf32>,
      %get3A_2367 = arith.constant 1 : i32
      %get3A_2368 = arith.constant 0 : i32
      %get3A_2369 = arith.index_cast %get3A_2367 : i32 to index
      %get3A_2370 = arith.index_cast %get3A_2368 : i32 to index
      %get3A_2371 = arith.constant 32 : index
      %get3A_2372 = tpu.vector_load %arg10[%get3A_2369, %get3A_2370, %get3A_2371] {strides = array<i32>} : memref<2x16x64xf32, #tpu.memory_space<vmem>>, vector<16xf32>,
      %add3A_2373 = arith.addf %get3A_2366, %get3A_5 : vector<16xf32>
      %add3A_2374 = arith.addf %get3A_2372, %get3A_9 : vector<16xf32>
      %mul3A_2375 = arith.mulf %add3A_2373, %add3A_2374 : vector<16xf32>
      %mul3A_2376 = arith.mulf %mul3A_2375, %get3A_25 : vector<16xf32>
      %add3A_2377 = arith.addf %add3A_2360, %mul3A_2376 : vector<16xf32>
      %get3A_2378 = arith.constant 1 : i32
      %get3A_2379 = arith.constant 0 : i32
      %get3A_2380 = arith.index_cast %get3A_2378 : i32 to index
      %get3A_2381 = arith.index_cast %get3A_2379 : i32 to index
      %get3A_2382 = arith.constant 48 : index
      %get3A_2383 = tpu.vector_load %arg9[%get3A_2380, %get3A_2381, %get3A_2382] {strides = array<i32>} : memref<2x16x64xf32, #tpu.memory_space<vmem>>, vector<16xf32>,
      %get3A_2384 = arith.constant 1 : i32
      %get3A_2385 = arith.constant 0 : i32
      %get3A_2386 = arith.index_cast %get3A_2384 : i32 to index
      %get3A_2387 = arith.index_cast %get3A_2385 : i32 to index
      %get3A_2388 = arith.constant 48 : index
      %get3A_2389 = tpu.vector_load %arg10[%get3A_2386, %get3A_2387, %get3A_2388] {strides = array<i32>} : memref<2x16x64xf32, #tpu.memory_space<vmem>>, vector<16xf32>,
      %add3A_2390 = arith.addf %get3A_2383, %get3A_5 : vector<16xf32>
      %add3A_2391 = arith.addf %get3A_2389, %get3A_9 : vector<16xf32>
      %mul3A_2392 = arith.mulf %add3A_2390, %add3A_2391 : vector<16xf32>
      %mul3A_2393 = arith.mulf %mul3A_2392, %get3A_29 : vector<16xf32>
      %add3A_2394 = arith.addf %add3A_2377, %mul3A_2393 : vector<16xf32>
      %broadcast_in_dim3A_2395 = arith.constant 0 : i32
      %broadcast_in_dim3A_2396 = vector.broadcast %broadcast_in_dim3A_2395 : i32 to vector<16xi32>
      tpu.vector_store_idx %arg13[%iota3A, %broadcast_in_dim3A_2396], %add3A_2394 : memref<16x17xf32, #tpu.memory_space<vmem>>[vector<16xi32>, vector<16xi32>], vector<16xf32>,
      %get3A_2397 = arith.constant 1 : i32
      %get3A_2398 = arith.constant 1 : i32
      %get3A_2399 = arith.index_cast %get3A_2397 : i32 to index
      %get3A_2400 = arith.index_cast %get3A_2398 : i32 to index
      %get3A_2401 = arith.constant 0 : index
      %get3A_2402 = tpu.vector_load %arg9[%get3A_2399, %get3A_2400, %get3A_2401] {strides = array<i32>} : memref<2x16x64xf32, #tpu.memory_space<vmem>>, vector<16xf32>,
      %get3A_2403 = arith.constant 1 : i32
      %get3A_2404 = arith.constant 1 : i32
      %get3A_2405 = arith.index_cast %get3A_2403 : i32 to index
      %get3A_2406 = arith.index_cast %get3A_2404 : i32 to index
      %get3A_2407 = arith.constant 0 : index
      %get3A_2408 = tpu.vector_load %arg10[%get3A_2405, %get3A_2406, %get3A_2407] {strides = array<i32>} : memref<2x16x64xf32, #tpu.memory_space<vmem>>, vector<16xf32>,
      %add3A_2409 = arith.addf %get3A_2402, %get3A_5 : vector<16xf32>
      %add3A_2410 = arith.addf %get3A_2408, %get3A_9 : vector<16xf32>
      %mul3A_2411 = arith.mulf %add3A_2409, %add3A_2410 : vector<16xf32>
      %mul3A_2412 = arith.mulf %mul3A_2411, %get3A_17 : vector<16xf32>
      %get3A_2413 = arith.constant 1 : i32
      %get3A_2414 = arith.constant 1 : i32
      %get3A_2415 = arith.index_cast %get3A_2413 : i32 to index
      %get3A_2416 = arith.index_cast %get3A_2414 : i32 to index
      %get3A_2417 = arith.constant 16 : index
      %get3A_2418 = tpu.vector_load %arg9[%get3A_2415, %get3A_2416, %get3A_2417] {strides = array<i32>} : memref<2x16x64xf32, #tpu.memory_space<vmem>>, vector<16xf32>,
      %get3A_2419 = arith.constant 1 : i32
      %get3A_2420 = arith.constant 1 : i32
      %get3A_2421 = arith.index_cast %get3A_2419 : i32 to index
      %get3A_2422 = arith.index_cast %get3A_2420 : i32 to index
      %get3A_2423 = arith.constant 16 : index
      %get3A_2424 = tpu.vector_load %arg10[%get3A_2421, %get3A_2422, %get3A_2423] {strides = array<i32>} : memref<2x16x64xf32, #tpu.memory_space<vmem>>, vector<16xf32>,
      %add3A_2425 = arith.addf %get3A_2418, %get3A_5 : vector<16xf32>
      %add3A_2426 = arith.addf %get3A_2424, %get3A_9 : vector<16xf32>
      %mul3A_2427 = arith.mulf %add3A_2425, %add3A_2426 : vector<16xf32>
      %mul3A_2428 = arith.mulf %mul3A_2427, %get3A_21 : vector<16xf32>
      %add3A_2429 = arith.addf %mul3A_2412, %mul3A_2428 : vector<16xf32>
      %get3A_2430 = arith.constant 1 : i32
      %get3A_2431 = arith.constant 1 : i32
      %get3A_2432 = arith.index_cast %get3A_2430 : i32 to index
      %get3A_2433 = arith.index_cast %get3A_2431 : i32 to index
      %get3A_2434 = arith.constant 32 : index
      %get3A_2435 = tpu.vector_load %arg9[%get3A_2432, %get3A_2433, %get3A_2434] {strides = array<i32>} : memref<2x16x64xf32, #tpu.memory_space<vmem>>, vector<16xf32>,
      %get3A_2436 = arith.constant 1 : i32
      %get3A_2437 = arith.constant 1 : i32
      %get3A_2438 = arith.index_cast %get3A_2436 : i32 to index
      %get3A_2439 = arith.index_cast %get3A_2437 : i32 to index
      %get3A_2440 = arith.constant 32 : index
      %get3A_2441 = tpu.vector_load %arg10[%get3A_2438, %get3A_2439, %get3A_2440] {strides = array<i32>} : memref<2x16x64xf32, #tpu.memory_space<vmem>>, vector<16xf32>,
      %add3A_2442 = arith.addf %get3A_2435, %get3A_5 : vector<16xf32>
      %add3A_2443 = arith.addf %get3A_2441, %get3A_9 : vector<16xf32>
      %mul3A_2444 = arith.mulf %add3A_2442, %add3A_2443 : vector<16xf32>
      %mul3A_2445 = arith.mulf %mul3A_2444, %get3A_25 : vector<16xf32>
      %add3A_2446 = arith.addf %add3A_2429, %mul3A_2445 : vector<16xf32>
      %get3A_2447 = arith.constant 1 : i32
      %get3A_2448 = arith.constant 1 : i32
      %get3A_2449 = arith.index_cast %get3A_2447 : i32 to index
      %get3A_2450 = arith.index_cast %get3A_2448 : i32 to index
      %get3A_2451 = arith.constant 48 : index
      %get3A_2452 = tpu.vector_load %arg9[%get3A_2449, %get3A_2450, %get3A_2451] {strides = array<i32>} : memref<2x16x64xf32, #tpu.memory_space<vmem>>, vector<16xf32>,
      %get3A_2453 = arith.constant 1 : i32
      %get3A_2454 = arith.constant 1 : i32
      %get3A_2455 = arith.index_cast %get3A_2453 : i32 to index
      %get3A_2456 = arith.index_cast %get3A_2454 : i32 to index
      %get3A_2457 = arith.constant 48 : index
      %get3A_2458 = tpu.vector_load %arg10[%get3A_2455, %get3A_2456, %get3A_2457] {strides = array<i32>} : memref<2x16x64xf32, #tpu.memory_space<vmem>>, vector<16xf32>,
      %add3A_2459 = arith.addf %get3A_2452, %get3A_5 : vector<16xf32>
      %add3A_2460 = arith.addf %get3A_2458, %get3A_9 : vector<16xf32>
      %mul3A_2461 = arith.mulf %add3A_2459, %add3A_2460 : vector<16xf32>
      %mul3A_2462 = arith.mulf %mul3A_2461, %get3A_29 : vector<16xf32>
      %add3A_2463 = arith.addf %add3A_2446, %mul3A_2462 : vector<16xf32>
      %broadcast_in_dim3A_2464 = arith.constant 1 : i32
      %broadcast_in_dim3A_2465 = vector.broadcast %broadcast_in_dim3A_2464 : i32 to vector<16xi32>
      tpu.vector_store_idx %arg13[%iota3A, %broadcast_in_dim3A_2465], %add3A_2463 : memref<16x17xf32, #tpu.memory_space<vmem>>[vector<16xi32>, vector<16xi32>], vector<16xf32>,
      %get3A_2466 = arith.constant 1 : i32
      %get3A_2467 = arith.constant 2 : i32
      %get3A_2468 = arith.index_cast %get3A_2466 : i32 to index
      %get3A_2469 = arith.index_cast %get3A_2467 : i32 to index
      %get3A_2470 = arith.constant 0 : index
      %get3A_2471 = tpu.vector_load %arg9[%get3A_2468, %get3A_2469, %get3A_2470] {strides = array<i32>} : memref<2x16x64xf32, #tpu.memory_space<vmem>>, vector<16xf32>,
      %get3A_2472 = arith.constant 1 : i32
      %get3A_2473 = arith.constant 2 : i32
      %get3A_2474 = arith.index_cast %get3A_2472 : i32 to index
      %get3A_2475 = arith.index_cast %get3A_2473 : i32 to index
      %get3A_2476 = arith.constant 0 : index
      %get3A_2477 = tpu.vector_load %arg10[%get3A_2474, %get3A_2475, %get3A_2476] {strides = array<i32>} : memref<2x16x64xf32, #tpu.memory_space<vmem>>, vector<16xf32>,
      %add3A_2478 = arith.addf %get3A_2471, %get3A_5 : vector<16xf32>
      %add3A_2479 = arith.addf %get3A_2477, %get3A_9 : vector<16xf32>
      %mul3A_2480 = arith.mulf %add3A_2478, %add3A_2479 : vector<16xf32>
      %mul3A_2481 = arith.mulf %mul3A_2480, %get3A_17 : vector<16xf32>
      %get3A_2482 = arith.constant 1 : i32
      %get3A_2483 = arith.constant 2 : i32
      %get3A_2484 = arith.index_cast %get3A_2482 : i32 to index
      %get3A_2485 = arith.index_cast %get3A_2483 : i32 to index
      %get3A_2486 = arith.constant 16 : index
      %get3A_2487 = tpu.vector_load %arg9[%get3A_2484, %get3A_2485, %get3A_2486] {strides = array<i32>} : memref<2x16x64xf32, #tpu.memory_space<vmem>>, vector<16xf32>,
      %get3A_2488 = arith.constant 1 : i32
      %get3A_2489 = arith.constant 2 : i32
      %get3A_2490 = arith.index_cast %get3A_2488 : i32 to index
      %get3A_2491 = arith.index_cast %get3A_2489 : i32 to index
      %get3A_2492 = arith.constant 16 : index
      %get3A_2493 = tpu.vector_load %arg10[%get3A_2490, %get3A_2491, %get3A_2492] {strides = array<i32>} : memref<2x16x64xf32, #tpu.memory_space<vmem>>, vector<16xf32>,
      %add3A_2494 = arith.addf %get3A_2487, %get3A_5 : vector<16xf32>
      %add3A_2495 = arith.addf %get3A_2493, %get3A_9 : vector<16xf32>
      %mul3A_2496 = arith.mulf %add3A_2494, %add3A_2495 : vector<16xf32>
      %mul3A_2497 = arith.mulf %mul3A_2496, %get3A_21 : vector<16xf32>
      %add3A_2498 = arith.addf %mul3A_2481, %mul3A_2497 : vector<16xf32>
      %get3A_2499 = arith.constant 1 : i32
      %get3A_2500 = arith.constant 2 : i32
      %get3A_2501 = arith.index_cast %get3A_2499 : i32 to index
      %get3A_2502 = arith.index_cast %get3A_2500 : i32 to index
      %get3A_2503 = arith.constant 32 : index
      %get3A_2504 = tpu.vector_load %arg9[%get3A_2501, %get3A_2502, %get3A_2503] {strides = array<i32>} : memref<2x16x64xf32, #tpu.memory_space<vmem>>, vector<16xf32>,
      %get3A_2505 = arith.constant 1 : i32
      %get3A_2506 = arith.constant 2 : i32
      %get3A_2507 = arith.index_cast %get3A_2505 : i32 to index
      %get3A_2508 = arith.index_cast %get3A_2506 : i32 to index
      %get3A_2509 = arith.constant 32 : index
      %get3A_2510 = tpu.vector_load %arg10[%get3A_2507, %get3A_2508, %get3A_2509] {strides = array<i32>} : memref<2x16x64xf32, #tpu.memory_space<vmem>>, vector<16xf32>,
      %add3A_2511 = arith.addf %get3A_2504, %get3A_5 : vector<16xf32>
      %add3A_2512 = arith.addf %get3A_2510, %get3A_9 : vector<16xf32>
      %mul3A_2513 = arith.mulf %add3A_2511, %add3A_2512 : vector<16xf32>
      %mul3A_2514 = arith.mulf %mul3A_2513, %get3A_25 : vector<16xf32>
      %add3A_2515 = arith.addf %add3A_2498, %mul3A_2514 : vector<16xf32>
      %get3A_2516 = arith.constant 1 : i32
      %get3A_2517 = arith.constant 2 : i32
      %get3A_2518 = arith.index_cast %get3A_2516 : i32 to index
      %get3A_2519 = arith.index_cast %get3A_2517 : i32 to index
      %get3A_2520 = arith.constant 48 : index
      %get3A_2521 = tpu.vector_load %arg9[%get3A_2518, %get3A_2519, %get3A_2520] {strides = array<i32>} : memref<2x16x64xf32, #tpu.memory_space<vmem>>, vector<16xf32>,
      %get3A_2522 = arith.constant 1 : i32
      %get3A_2523 = arith.constant 2 : i32
      %get3A_2524 = arith.index_cast %get3A_2522 : i32 to index
      %get3A_2525 = arith.index_cast %get3A_2523 : i32 to index
      %get3A_2526 = arith.constant 48 : index
      %get3A_2527 = tpu.vector_load %arg10[%get3A_2524, %get3A_2525, %get3A_2526] {strides = array<i32>} : memref<2x16x64xf32, #tpu.memory_space<vmem>>, vector<16xf32>,
      %add3A_2528 = arith.addf %get3A_2521, %get3A_5 : vector<16xf32>
      %add3A_2529 = arith.addf %get3A_2527, %get3A_9 : vector<16xf32>
      %mul3A_2530 = arith.mulf %add3A_2528, %add3A_2529 : vector<16xf32>
      %mul3A_2531 = arith.mulf %mul3A_2530, %get3A_29 : vector<16xf32>
      %add3A_2532 = arith.addf %add3A_2515, %mul3A_2531 : vector<16xf32>
      %broadcast_in_dim3A_2533 = arith.constant 2 : i32
      %broadcast_in_dim3A_2534 = vector.broadcast %broadcast_in_dim3A_2533 : i32 to vector<16xi32>
      tpu.vector_store_idx %arg13[%iota3A, %broadcast_in_dim3A_2534], %add3A_2532 : memref<16x17xf32, #tpu.memory_space<vmem>>[vector<16xi32>, vector<16xi32>], vector<16xf32>,
      %get3A_2535 = arith.constant 1 : i32
      %get3A_2536 = arith.constant 3 : i32
      %get3A_2537 = arith.index_cast %get3A_2535 : i32 to index
      %get3A_2538 = arith.index_cast %get3A_2536 : i32 to index
      %get3A_2539 = arith.constant 0 : index
      %get3A_2540 = tpu.vector_load %arg9[%get3A_2537, %get3A_2538, %get3A_2539] {strides = array<i32>} : memref<2x16x64xf32, #tpu.memory_space<vmem>>, vector<16xf32>,
      %get3A_2541 = arith.constant 1 : i32
      %get3A_2542 = arith.constant 3 : i32
      %get3A_2543 = arith.index_cast %get3A_2541 : i32 to index
      %get3A_2544 = arith.index_cast %get3A_2542 : i32 to index
      %get3A_2545 = arith.constant 0 : index
      %get3A_2546 = tpu.vector_load %arg10[%get3A_2543, %get3A_2544, %get3A_2545] {strides = array<i32>} : memref<2x16x64xf32, #tpu.memory_space<vmem>>, vector<16xf32>,
      %add3A_2547 = arith.addf %get3A_2540, %get3A_5 : vector<16xf32>
      %add3A_2548 = arith.addf %get3A_2546, %get3A_9 : vector<16xf32>
      %mul3A_2549 = arith.mulf %add3A_2547, %add3A_2548 : vector<16xf32>
      %mul3A_2550 = arith.mulf %mul3A_2549, %get3A_17 : vector<16xf32>
      %get3A_2551 = arith.constant 1 : i32
      %get3A_2552 = arith.constant 3 : i32
      %get3A_2553 = arith.index_cast %get3A_2551 : i32 to index
      %get3A_2554 = arith.index_cast %get3A_2552 : i32 to index
      %get3A_2555 = arith.constant 16 : index
      %get3A_2556 = tpu.vector_load %arg9[%get3A_2553, %get3A_2554, %get3A_2555] {strides = array<i32>} : memref<2x16x64xf32, #tpu.memory_space<vmem>>, vector<16xf32>,
      %get3A_2557 = arith.constant 1 : i32
      %get3A_2558 = arith.constant 3 : i32
      %get3A_2559 = arith.index_cast %get3A_2557 : i32 to index
      %get3A_2560 = arith.index_cast %get3A_2558 : i32 to index
      %get3A_2561 = arith.constant 16 : index
      %get3A_2562 = tpu.vector_load %arg10[%get3A_2559, %get3A_2560, %get3A_2561] {strides = array<i32>} : memref<2x16x64xf32, #tpu.memory_space<vmem>>, vector<16xf32>,
      %add3A_2563 = arith.addf %get3A_2556, %get3A_5 : vector<16xf32>
      %add3A_2564 = arith.addf %get3A_2562, %get3A_9 : vector<16xf32>
      %mul3A_2565 = arith.mulf %add3A_2563, %add3A_2564 : vector<16xf32>
      %mul3A_2566 = arith.mulf %mul3A_2565, %get3A_21 : vector<16xf32>
      %add3A_2567 = arith.addf %mul3A_2550, %mul3A_2566 : vector<16xf32>
      %get3A_2568 = arith.constant 1 : i32
      %get3A_2569 = arith.constant 3 : i32
      %get3A_2570 = arith.index_cast %get3A_2568 : i32 to index
      %get3A_2571 = arith.index_cast %get3A_2569 : i32 to index
      %get3A_2572 = arith.constant 32 : index
      %get3A_2573 = tpu.vector_load %arg9[%get3A_2570, %get3A_2571, %get3A_2572] {strides = array<i32>} : memref<2x16x64xf32, #tpu.memory_space<vmem>>, vector<16xf32>,
      %get3A_2574 = arith.constant 1 : i32
      %get3A_2575 = arith.constant 3 : i32
      %get3A_2576 = arith.index_cast %get3A_2574 : i32 to index
      %get3A_2577 = arith.index_cast %get3A_2575 : i32 to index
      %get3A_2578 = arith.constant 32 : index
      %get3A_2579 = tpu.vector_load %arg10[%get3A_2576, %get3A_2577, %get3A_2578] {strides = array<i32>} : memref<2x16x64xf32, #tpu.memory_space<vmem>>, vector<16xf32>,
      %add3A_2580 = arith.addf %get3A_2573, %get3A_5 : vector<16xf32>
      %add3A_2581 = arith.addf %get3A_2579, %get3A_9 : vector<16xf32>
      %mul3A_2582 = arith.mulf %add3A_2580, %add3A_2581 : vector<16xf32>
      %mul3A_2583 = arith.mulf %mul3A_2582, %get3A_25 : vector<16xf32>
      %add3A_2584 = arith.addf %add3A_2567, %mul3A_2583 : vector<16xf32>
      %get3A_2585 = arith.constant 1 : i32
      %get3A_2586 = arith.constant 3 : i32
      %get3A_2587 = arith.index_cast %get3A_2585 : i32 to index
      %get3A_2588 = arith.index_cast %get3A_2586 : i32 to index
      %get3A_2589 = arith.constant 48 : index
      %get3A_2590 = tpu.vector_load %arg9[%get3A_2587, %get3A_2588, %get3A_2589] {strides = array<i32>} : memref<2x16x64xf32, #tpu.memory_space<vmem>>, vector<16xf32>,
      %get3A_2591 = arith.constant 1 : i32
      %get3A_2592 = arith.constant 3 : i32
      %get3A_2593 = arith.index_cast %get3A_2591 : i32 to index
      %get3A_2594 = arith.index_cast %get3A_2592 : i32 to index
      %get3A_2595 = arith.constant 48 : index
      %get3A_2596 = tpu.vector_load %arg10[%get3A_2593, %get3A_2594, %get3A_2595] {strides = array<i32>} : memref<2x16x64xf32, #tpu.memory_space<vmem>>, vector<16xf32>,
      %add3A_2597 = arith.addf %get3A_2590, %get3A_5 : vector<16xf32>
      %add3A_2598 = arith.addf %get3A_2596, %get3A_9 : vector<16xf32>
      %mul3A_2599 = arith.mulf %add3A_2597, %add3A_2598 : vector<16xf32>
      %mul3A_2600 = arith.mulf %mul3A_2599, %get3A_29 : vector<16xf32>
      %add3A_2601 = arith.addf %add3A_2584, %mul3A_2600 : vector<16xf32>
      %broadcast_in_dim3A_2602 = arith.constant 3 : i32
      %broadcast_in_dim3A_2603 = vector.broadcast %broadcast_in_dim3A_2602 : i32 to vector<16xi32>
      tpu.vector_store_idx %arg13[%iota3A, %broadcast_in_dim3A_2603], %add3A_2601 : memref<16x17xf32, #tpu.memory_space<vmem>>[vector<16xi32>, vector<16xi32>], vector<16xf32>,
      %get3A_2604 = arith.constant 1 : i32
      %get3A_2605 = arith.constant 4 : i32
      %get3A_2606 = arith.index_cast %get3A_2604 : i32 to index
      %get3A_2607 = arith.index_cast %get3A_2605 : i32 to index
      %get3A_2608 = arith.constant 0 : index
      %get3A_2609 = tpu.vector_load %arg9[%get3A_2606, %get3A_2607, %get3A_2608] {strides = array<i32>} : memref<2x16x64xf32, #tpu.memory_space<vmem>>, vector<16xf32>,
      %get3A_2610 = arith.constant 1 : i32
      %get3A_2611 = arith.constant 4 : i32
      %get3A_2612 = arith.index_cast %get3A_2610 : i32 to index
      %get3A_2613 = arith.index_cast %get3A_2611 : i32 to index
      %get3A_2614 = arith.constant 0 : index
      %get3A_2615 = tpu.vector_load %arg10[%get3A_2612, %get3A_2613, %get3A_2614] {strides = array<i32>} : memref<2x16x64xf32, #tpu.memory_space<vmem>>, vector<16xf32>,
      %add3A_2616 = arith.addf %get3A_2609, %get3A_5 : vector<16xf32>
      %add3A_2617 = arith.addf %get3A_2615, %get3A_9 : vector<16xf32>
      %mul3A_2618 = arith.mulf %add3A_2616, %add3A_2617 : vector<16xf32>
      %mul3A_2619 = arith.mulf %mul3A_2618, %get3A_17 : vector<16xf32>
      %get3A_2620 = arith.constant 1 : i32
      %get3A_2621 = arith.constant 4 : i32
      %get3A_2622 = arith.index_cast %get3A_2620 : i32 to index
      %get3A_2623 = arith.index_cast %get3A_2621 : i32 to index
      %get3A_2624 = arith.constant 16 : index
      %get3A_2625 = tpu.vector_load %arg9[%get3A_2622, %get3A_2623, %get3A_2624] {strides = array<i32>} : memref<2x16x64xf32, #tpu.memory_space<vmem>>, vector<16xf32>,
      %get3A_2626 = arith.constant 1 : i32
      %get3A_2627 = arith.constant 4 : i32
      %get3A_2628 = arith.index_cast %get3A_2626 : i32 to index
      %get3A_2629 = arith.index_cast %get3A_2627 : i32 to index
      %get3A_2630 = arith.constant 16 : index
      %get3A_2631 = tpu.vector_load %arg10[%get3A_2628, %get3A_2629, %get3A_2630] {strides = array<i32>} : memref<2x16x64xf32, #tpu.memory_space<vmem>>, vector<16xf32>,
      %add3A_2632 = arith.addf %get3A_2625, %get3A_5 : vector<16xf32>
      %add3A_2633 = arith.addf %get3A_2631, %get3A_9 : vector<16xf32>
      %mul3A_2634 = arith.mulf %add3A_2632, %add3A_2633 : vector<16xf32>
      %mul3A_2635 = arith.mulf %mul3A_2634, %get3A_21 : vector<16xf32>
      %add3A_2636 = arith.addf %mul3A_2619, %mul3A_2635 : vector<16xf32>
      %get3A_2637 = arith.constant 1 : i32
      %get3A_2638 = arith.constant 4 : i32
      %get3A_2639 = arith.index_cast %get3A_2637 : i32 to index
      %get3A_2640 = arith.index_cast %get3A_2638 : i32 to index
      %get3A_2641 = arith.constant 32 : index
      %get3A_2642 = tpu.vector_load %arg9[%get3A_2639, %get3A_2640, %get3A_2641] {strides = array<i32>} : memref<2x16x64xf32, #tpu.memory_space<vmem>>, vector<16xf32>,
      %get3A_2643 = arith.constant 1 : i32
      %get3A_2644 = arith.constant 4 : i32
      %get3A_2645 = arith.index_cast %get3A_2643 : i32 to index
      %get3A_2646 = arith.index_cast %get3A_2644 : i32 to index
      %get3A_2647 = arith.constant 32 : index
      %get3A_2648 = tpu.vector_load %arg10[%get3A_2645, %get3A_2646, %get3A_2647] {strides = array<i32>} : memref<2x16x64xf32, #tpu.memory_space<vmem>>, vector<16xf32>,
      %add3A_2649 = arith.addf %get3A_2642, %get3A_5 : vector<16xf32>
      %add3A_2650 = arith.addf %get3A_2648, %get3A_9 : vector<16xf32>
      %mul3A_2651 = arith.mulf %add3A_2649, %add3A_2650 : vector<16xf32>
      %mul3A_2652 = arith.mulf %mul3A_2651, %get3A_25 : vector<16xf32>
      %add3A_2653 = arith.addf %add3A_2636, %mul3A_2652 : vector<16xf32>
      %get3A_2654 = arith.constant 1 : i32
      %get3A_2655 = arith.constant 4 : i32
      %get3A_2656 = arith.index_cast %get3A_2654 : i32 to index
      %get3A_2657 = arith.index_cast %get3A_2655 : i32 to index
      %get3A_2658 = arith.constant 48 : index
      %get3A_2659 = tpu.vector_load %arg9[%get3A_2656, %get3A_2657, %get3A_2658] {strides = array<i32>} : memref<2x16x64xf32, #tpu.memory_space<vmem>>, vector<16xf32>,
      %get3A_2660 = arith.constant 1 : i32
      %get3A_2661 = arith.constant 4 : i32
      %get3A_2662 = arith.index_cast %get3A_2660 : i32 to index
      %get3A_2663 = arith.index_cast %get3A_2661 : i32 to index
      %get3A_2664 = arith.constant 48 : index
      %get3A_2665 = tpu.vector_load %arg10[%get3A_2662, %get3A_2663, %get3A_2664] {strides = array<i32>} : memref<2x16x64xf32, #tpu.memory_space<vmem>>, vector<16xf32>,
      %add3A_2666 = arith.addf %get3A_2659, %get3A_5 : vector<16xf32>
      %add3A_2667 = arith.addf %get3A_2665, %get3A_9 : vector<16xf32>
      %mul3A_2668 = arith.mulf %add3A_2666, %add3A_2667 : vector<16xf32>
      %mul3A_2669 = arith.mulf %mul3A_2668, %get3A_29 : vector<16xf32>
      %add3A_2670 = arith.addf %add3A_2653, %mul3A_2669 : vector<16xf32>
      %broadcast_in_dim3A_2671 = arith.constant 4 : i32
      %broadcast_in_dim3A_2672 = vector.broadcast %broadcast_in_dim3A_2671 : i32 to vector<16xi32>
      tpu.vector_store_idx %arg13[%iota3A, %broadcast_in_dim3A_2672], %add3A_2670 : memref<16x17xf32, #tpu.memory_space<vmem>>[vector<16xi32>, vector<16xi32>], vector<16xf32>,
      %get3A_2673 = arith.constant 1 : i32
      %get3A_2674 = arith.constant 5 : i32
      %get3A_2675 = arith.index_cast %get3A_2673 : i32 to index
      %get3A_2676 = arith.index_cast %get3A_2674 : i32 to index
      %get3A_2677 = arith.constant 0 : index
      %get3A_2678 = tpu.vector_load %arg9[%get3A_2675, %get3A_2676, %get3A_2677] {strides = array<i32>} : memref<2x16x64xf32, #tpu.memory_space<vmem>>, vector<16xf32>,
      %get3A_2679 = arith.constant 1 : i32
      %get3A_2680 = arith.constant 5 : i32
      %get3A_2681 = arith.index_cast %get3A_2679 : i32 to index
      %get3A_2682 = arith.index_cast %get3A_2680 : i32 to index
      %get3A_2683 = arith.constant 0 : index
      %get3A_2684 = tpu.vector_load %arg10[%get3A_2681, %get3A_2682, %get3A_2683] {strides = array<i32>} : memref<2x16x64xf32, #tpu.memory_space<vmem>>, vector<16xf32>,
      %add3A_2685 = arith.addf %get3A_2678, %get3A_5 : vector<16xf32>
      %add3A_2686 = arith.addf %get3A_2684, %get3A_9 : vector<16xf32>
      %mul3A_2687 = arith.mulf %add3A_2685, %add3A_2686 : vector<16xf32>
      %mul3A_2688 = arith.mulf %mul3A_2687, %get3A_17 : vector<16xf32>
      %get3A_2689 = arith.constant 1 : i32
      %get3A_2690 = arith.constant 5 : i32
      %get3A_2691 = arith.index_cast %get3A_2689 : i32 to index
      %get3A_2692 = arith.index_cast %get3A_2690 : i32 to index
      %get3A_2693 = arith.constant 16 : index
      %get3A_2694 = tpu.vector_load %arg9[%get3A_2691, %get3A_2692, %get3A_2693] {strides = array<i32>} : memref<2x16x64xf32, #tpu.memory_space<vmem>>, vector<16xf32>,
      %get3A_2695 = arith.constant 1 : i32
      %get3A_2696 = arith.constant 5 : i32
      %get3A_2697 = arith.index_cast %get3A_2695 : i32 to index
      %get3A_2698 = arith.index_cast %get3A_2696 : i32 to index
      %get3A_2699 = arith.constant 16 : index
      %get3A_2700 = tpu.vector_load %arg10[%get3A_2697, %get3A_2698, %get3A_2699] {strides = array<i32>} : memref<2x16x64xf32, #tpu.memory_space<vmem>>, vector<16xf32>,
      %add3A_2701 = arith.addf %get3A_2694, %get3A_5 : vector<16xf32>
      %add3A_2702 = arith.addf %get3A_2700, %get3A_9 : vector<16xf32>
      %mul3A_2703 = arith.mulf %add3A_2701, %add3A_2702 : vector<16xf32>
      %mul3A_2704 = arith.mulf %mul3A_2703, %get3A_21 : vector<16xf32>
      %add3A_2705 = arith.addf %mul3A_2688, %mul3A_2704 : vector<16xf32>
      %get3A_2706 = arith.constant 1 : i32
      %get3A_2707 = arith.constant 5 : i32
      %get3A_2708 = arith.index_cast %get3A_2706 : i32 to index
      %get3A_2709 = arith.index_cast %get3A_2707 : i32 to index
      %get3A_2710 = arith.constant 32 : index
      %get3A_2711 = tpu.vector_load %arg9[%get3A_2708, %get3A_2709, %get3A_2710] {strides = array<i32>} : memref<2x16x64xf32, #tpu.memory_space<vmem>>, vector<16xf32>,
      %get3A_2712 = arith.constant 1 : i32
      %get3A_2713 = arith.constant 5 : i32
      %get3A_2714 = arith.index_cast %get3A_2712 : i32 to index
      %get3A_2715 = arith.index_cast %get3A_2713 : i32 to index
      %get3A_2716 = arith.constant 32 : index
      %get3A_2717 = tpu.vector_load %arg10[%get3A_2714, %get3A_2715, %get3A_2716] {strides = array<i32>} : memref<2x16x64xf32, #tpu.memory_space<vmem>>, vector<16xf32>,
      %add3A_2718 = arith.addf %get3A_2711, %get3A_5 : vector<16xf32>
      %add3A_2719 = arith.addf %get3A_2717, %get3A_9 : vector<16xf32>
      %mul3A_2720 = arith.mulf %add3A_2718, %add3A_2719 : vector<16xf32>
      %mul3A_2721 = arith.mulf %mul3A_2720, %get3A_25 : vector<16xf32>
      %add3A_2722 = arith.addf %add3A_2705, %mul3A_2721 : vector<16xf32>
      %get3A_2723 = arith.constant 1 : i32
      %get3A_2724 = arith.constant 5 : i32
      %get3A_2725 = arith.index_cast %get3A_2723 : i32 to index
      %get3A_2726 = arith.index_cast %get3A_2724 : i32 to index
      %get3A_2727 = arith.constant 48 : index
      %get3A_2728 = tpu.vector_load %arg9[%get3A_2725, %get3A_2726, %get3A_2727] {strides = array<i32>} : memref<2x16x64xf32, #tpu.memory_space<vmem>>, vector<16xf32>,
      %get3A_2729 = arith.constant 1 : i32
      %get3A_2730 = arith.constant 5 : i32
      %get3A_2731 = arith.index_cast %get3A_2729 : i32 to index
      %get3A_2732 = arith.index_cast %get3A_2730 : i32 to index
      %get3A_2733 = arith.constant 48 : index
      %get3A_2734 = tpu.vector_load %arg10[%get3A_2731, %get3A_2732, %get3A_2733] {strides = array<i32>} : memref<2x16x64xf32, #tpu.memory_space<vmem>>, vector<16xf32>,
      %add3A_2735 = arith.addf %get3A_2728, %get3A_5 : vector<16xf32>
      %add3A_2736 = arith.addf %get3A_2734, %get3A_9 : vector<16xf32>
      %mul3A_2737 = arith.mulf %add3A_2735, %add3A_2736 : vector<16xf32>
      %mul3A_2738 = arith.mulf %mul3A_2737, %get3A_29 : vector<16xf32>
      %add3A_2739 = arith.addf %add3A_2722, %mul3A_2738 : vector<16xf32>
      %broadcast_in_dim3A_2740 = arith.constant 5 : i32
      %broadcast_in_dim3A_2741 = vector.broadcast %broadcast_in_dim3A_2740 : i32 to vector<16xi32>
      tpu.vector_store_idx %arg13[%iota3A, %broadcast_in_dim3A_2741], %add3A_2739 : memref<16x17xf32, #tpu.memory_space<vmem>>[vector<16xi32>, vector<16xi32>], vector<16xf32>,
      %get3A_2742 = arith.constant 1 : i32
      %get3A_2743 = arith.constant 6 : i32
      %get3A_2744 = arith.index_cast %get3A_2742 : i32 to index
      %get3A_2745 = arith.index_cast %get3A_2743 : i32 to index
      %get3A_2746 = arith.constant 0 : index
      %get3A_2747 = tpu.vector_load %arg9[%get3A_2744, %get3A_2745, %get3A_2746] {strides = array<i32>} : memref<2x16x64xf32, #tpu.memory_space<vmem>>, vector<16xf32>,
      %get3A_2748 = arith.constant 1 : i32
      %get3A_2749 = arith.constant 6 : i32
      %get3A_2750 = arith.index_cast %get3A_2748 : i32 to index
      %get3A_2751 = arith.index_cast %get3A_2749 : i32 to index
      %get3A_2752 = arith.constant 0 : index
      %get3A_2753 = tpu.vector_load %arg10[%get3A_2750, %get3A_2751, %get3A_2752] {strides = array<i32>} : memref<2x16x64xf32, #tpu.memory_space<vmem>>, vector<16xf32>,
      %add3A_2754 = arith.addf %get3A_2747, %get3A_5 : vector<16xf32>
      %add3A_2755 = arith.addf %get3A_2753, %get3A_9 : vector<16xf32>
      %mul3A_2756 = arith.mulf %add3A_2754, %add3A_2755 : vector<16xf32>
      %mul3A_2757 = arith.mulf %mul3A_2756, %get3A_17 : vector<16xf32>
      %get3A_2758 = arith.constant 1 : i32
      %get3A_2759 = arith.constant 6 : i32
      %get3A_2760 = arith.index_cast %get3A_2758 : i32 to index
      %get3A_2761 = arith.index_cast %get3A_2759 : i32 to index
      %get3A_2762 = arith.constant 16 : index
      %get3A_2763 = tpu.vector_load %arg9[%get3A_2760, %get3A_2761, %get3A_2762] {strides = array<i32>} : memref<2x16x64xf32, #tpu.memory_space<vmem>>, vector<16xf32>,
      %get3A_2764 = arith.constant 1 : i32
      %get3A_2765 = arith.constant 6 : i32
      %get3A_2766 = arith.index_cast %get3A_2764 : i32 to index
      %get3A_2767 = arith.index_cast %get3A_2765 : i32 to index
      %get3A_2768 = arith.constant 16 : index
      %get3A_2769 = tpu.vector_load %arg10[%get3A_2766, %get3A_2767, %get3A_2768] {strides = array<i32>} : memref<2x16x64xf32, #tpu.memory_space<vmem>>, vector<16xf32>,
      %add3A_2770 = arith.addf %get3A_2763, %get3A_5 : vector<16xf32>
      %add3A_2771 = arith.addf %get3A_2769, %get3A_9 : vector<16xf32>
      %mul3A_2772 = arith.mulf %add3A_2770, %add3A_2771 : vector<16xf32>
      %mul3A_2773 = arith.mulf %mul3A_2772, %get3A_21 : vector<16xf32>
      %add3A_2774 = arith.addf %mul3A_2757, %mul3A_2773 : vector<16xf32>
      %get3A_2775 = arith.constant 1 : i32
      %get3A_2776 = arith.constant 6 : i32
      %get3A_2777 = arith.index_cast %get3A_2775 : i32 to index
      %get3A_2778 = arith.index_cast %get3A_2776 : i32 to index
      %get3A_2779 = arith.constant 32 : index
      %get3A_2780 = tpu.vector_load %arg9[%get3A_2777, %get3A_2778, %get3A_2779] {strides = array<i32>} : memref<2x16x64xf32, #tpu.memory_space<vmem>>, vector<16xf32>,
      %get3A_2781 = arith.constant 1 : i32
      %get3A_2782 = arith.constant 6 : i32
      %get3A_2783 = arith.index_cast %get3A_2781 : i32 to index
      %get3A_2784 = arith.index_cast %get3A_2782 : i32 to index
      %get3A_2785 = arith.constant 32 : index
      %get3A_2786 = tpu.vector_load %arg10[%get3A_2783, %get3A_2784, %get3A_2785] {strides = array<i32>} : memref<2x16x64xf32, #tpu.memory_space<vmem>>, vector<16xf32>,
      %add3A_2787 = arith.addf %get3A_2780, %get3A_5 : vector<16xf32>
      %add3A_2788 = arith.addf %get3A_2786, %get3A_9 : vector<16xf32>
      %mul3A_2789 = arith.mulf %add3A_2787, %add3A_2788 : vector<16xf32>
      %mul3A_2790 = arith.mulf %mul3A_2789, %get3A_25 : vector<16xf32>
      %add3A_2791 = arith.addf %add3A_2774, %mul3A_2790 : vector<16xf32>
      %get3A_2792 = arith.constant 1 : i32
      %get3A_2793 = arith.constant 6 : i32
      %get3A_2794 = arith.index_cast %get3A_2792 : i32 to index
      %get3A_2795 = arith.index_cast %get3A_2793 : i32 to index
      %get3A_2796 = arith.constant 48 : index
      %get3A_2797 = tpu.vector_load %arg9[%get3A_2794, %get3A_2795, %get3A_2796] {strides = array<i32>} : memref<2x16x64xf32, #tpu.memory_space<vmem>>, vector<16xf32>,
      %get3A_2798 = arith.constant 1 : i32
      %get3A_2799 = arith.constant 6 : i32
      %get3A_2800 = arith.index_cast %get3A_2798 : i32 to index
      %get3A_2801 = arith.index_cast %get3A_2799 : i32 to index
      %get3A_2802 = arith.constant 48 : index
      %get3A_2803 = tpu.vector_load %arg10[%get3A_2800, %get3A_2801, %get3A_2802] {strides = array<i32>} : memref<2x16x64xf32, #tpu.memory_space<vmem>>, vector<16xf32>,
      %add3A_2804 = arith.addf %get3A_2797, %get3A_5 : vector<16xf32>
      %add3A_2805 = arith.addf %get3A_2803, %get3A_9 : vector<16xf32>
      %mul3A_2806 = arith.mulf %add3A_2804, %add3A_2805 : vector<16xf32>
      %mul3A_2807 = arith.mulf %mul3A_2806, %get3A_29 : vector<16xf32>
      %add3A_2808 = arith.addf %add3A_2791, %mul3A_2807 : vector<16xf32>
      %broadcast_in_dim3A_2809 = arith.constant 6 : i32
      %broadcast_in_dim3A_2810 = vector.broadcast %broadcast_in_dim3A_2809 : i32 to vector<16xi32>
      tpu.vector_store_idx %arg13[%iota3A, %broadcast_in_dim3A_2810], %add3A_2808 : memref<16x17xf32, #tpu.memory_space<vmem>>[vector<16xi32>, vector<16xi32>], vector<16xf32>,
      %get3A_2811 = arith.constant 1 : i32
      %get3A_2812 = arith.constant 7 : i32
      %get3A_2813 = arith.index_cast %get3A_2811 : i32 to index
      %get3A_2814 = arith.index_cast %get3A_2812 : i32 to index
      %get3A_2815 = arith.constant 0 : index
      %get3A_2816 = tpu.vector_load %arg9[%get3A_2813, %get3A_2814, %get3A_2815] {strides = array<i32>} : memref<2x16x64xf32, #tpu.memory_space<vmem>>, vector<16xf32>,
      %get3A_2817 = arith.constant 1 : i32
      %get3A_2818 = arith.constant 7 : i32
      %get3A_2819 = arith.index_cast %get3A_2817 : i32 to index
      %get3A_2820 = arith.index_cast %get3A_2818 : i32 to index
      %get3A_2821 = arith.constant 0 : index
      %get3A_2822 = tpu.vector_load %arg10[%get3A_2819, %get3A_2820, %get3A_2821] {strides = array<i32>} : memref<2x16x64xf32, #tpu.memory_space<vmem>>, vector<16xf32>,
      %add3A_2823 = arith.addf %get3A_2816, %get3A_5 : vector<16xf32>
      %add3A_2824 = arith.addf %get3A_2822, %get3A_9 : vector<16xf32>
      %mul3A_2825 = arith.mulf %add3A_2823, %add3A_2824 : vector<16xf32>
      %mul3A_2826 = arith.mulf %mul3A_2825, %get3A_17 : vector<16xf32>
      %get3A_2827 = arith.constant 1 : i32
      %get3A_2828 = arith.constant 7 : i32
      %get3A_2829 = arith.index_cast %get3A_2827 : i32 to index
      %get3A_2830 = arith.index_cast %get3A_2828 : i32 to index
      %get3A_2831 = arith.constant 16 : index
      %get3A_2832 = tpu.vector_load %arg9[%get3A_2829, %get3A_2830, %get3A_2831] {strides = array<i32>} : memref<2x16x64xf32, #tpu.memory_space<vmem>>, vector<16xf32>,
      %get3A_2833 = arith.constant 1 : i32
      %get3A_2834 = arith.constant 7 : i32
      %get3A_2835 = arith.index_cast %get3A_2833 : i32 to index
      %get3A_2836 = arith.index_cast %get3A_2834 : i32 to index
      %get3A_2837 = arith.constant 16 : index
      %get3A_2838 = tpu.vector_load %arg10[%get3A_2835, %get3A_2836, %get3A_2837] {strides = array<i32>} : memref<2x16x64xf32, #tpu.memory_space<vmem>>, vector<16xf32>,
      %add3A_2839 = arith.addf %get3A_2832, %get3A_5 : vector<16xf32>
      %add3A_2840 = arith.addf %get3A_2838, %get3A_9 : vector<16xf32>
      %mul3A_2841 = arith.mulf %add3A_2839, %add3A_2840 : vector<16xf32>
      %mul3A_2842 = arith.mulf %mul3A_2841, %get3A_21 : vector<16xf32>
      %add3A_2843 = arith.addf %mul3A_2826, %mul3A_2842 : vector<16xf32>
      %get3A_2844 = arith.constant 1 : i32
      %get3A_2845 = arith.constant 7 : i32
      %get3A_2846 = arith.index_cast %get3A_2844 : i32 to index
      %get3A_2847 = arith.index_cast %get3A_2845 : i32 to index
      %get3A_2848 = arith.constant 32 : index
      %get3A_2849 = tpu.vector_load %arg9[%get3A_2846, %get3A_2847, %get3A_2848] {strides = array<i32>} : memref<2x16x64xf32, #tpu.memory_space<vmem>>, vector<16xf32>,
      %get3A_2850 = arith.constant 1 : i32
      %get3A_2851 = arith.constant 7 : i32
      %get3A_2852 = arith.index_cast %get3A_2850 : i32 to index
      %get3A_2853 = arith.index_cast %get3A_2851 : i32 to index
      %get3A_2854 = arith.constant 32 : index
      %get3A_2855 = tpu.vector_load %arg10[%get3A_2852, %get3A_2853, %get3A_2854] {strides = array<i32>} : memref<2x16x64xf32, #tpu.memory_space<vmem>>, vector<16xf32>,
      %add3A_2856 = arith.addf %get3A_2849, %get3A_5 : vector<16xf32>
      %add3A_2857 = arith.addf %get3A_2855, %get3A_9 : vector<16xf32>
      %mul3A_2858 = arith.mulf %add3A_2856, %add3A_2857 : vector<16xf32>
      %mul3A_2859 = arith.mulf %mul3A_2858, %get3A_25 : vector<16xf32>
      %add3A_2860 = arith.addf %add3A_2843, %mul3A_2859 : vector<16xf32>
      %get3A_2861 = arith.constant 1 : i32
      %get3A_2862 = arith.constant 7 : i32
      %get3A_2863 = arith.index_cast %get3A_2861 : i32 to index
      %get3A_2864 = arith.index_cast %get3A_2862 : i32 to index
      %get3A_2865 = arith.constant 48 : index
      %get3A_2866 = tpu.vector_load %arg9[%get3A_2863, %get3A_2864, %get3A_2865] {strides = array<i32>} : memref<2x16x64xf32, #tpu.memory_space<vmem>>, vector<16xf32>,
      %get3A_2867 = arith.constant 1 : i32
      %get3A_2868 = arith.constant 7 : i32
      %get3A_2869 = arith.index_cast %get3A_2867 : i32 to index
      %get3A_2870 = arith.index_cast %get3A_2868 : i32 to index
      %get3A_2871 = arith.constant 48 : index
      %get3A_2872 = tpu.vector_load %arg10[%get3A_2869, %get3A_2870, %get3A_2871] {strides = array<i32>} : memref<2x16x64xf32, #tpu.memory_space<vmem>>, vector<16xf32>,
      %add3A_2873 = arith.addf %get3A_2866, %get3A_5 : vector<16xf32>
      %add3A_2874 = arith.addf %get3A_2872, %get3A_9 : vector<16xf32>
      %mul3A_2875 = arith.mulf %add3A_2873, %add3A_2874 : vector<16xf32>
      %mul3A_2876 = arith.mulf %mul3A_2875, %get3A_29 : vector<16xf32>
      %add3A_2877 = arith.addf %add3A_2860, %mul3A_2876 : vector<16xf32>
      %broadcast_in_dim3A_2878 = arith.constant 7 : i32
      %broadcast_in_dim3A_2879 = vector.broadcast %broadcast_in_dim3A_2878 : i32 to vector<16xi32>
      tpu.vector_store_idx %arg13[%iota3A, %broadcast_in_dim3A_2879], %add3A_2877 : memref<16x17xf32, #tpu.memory_space<vmem>>[vector<16xi32>, vector<16xi32>], vector<16xf32>,
      %get3A_2880 = arith.constant 1 : i32
      %get3A_2881 = arith.constant 8 : i32
      %get3A_2882 = arith.index_cast %get3A_2880 : i32 to index
      %get3A_2883 = arith.index_cast %get3A_2881 : i32 to index
      %get3A_2884 = arith.constant 0 : index
      %get3A_2885 = tpu.vector_load %arg9[%get3A_2882, %get3A_2883, %get3A_2884] {strides = array<i32>} : memref<2x16x64xf32, #tpu.memory_space<vmem>>, vector<16xf32>,
      %get3A_2886 = arith.constant 1 : i32
      %get3A_2887 = arith.constant 8 : i32
      %get3A_2888 = arith.index_cast %get3A_2886 : i32 to index
      %get3A_2889 = arith.index_cast %get3A_2887 : i32 to index
      %get3A_2890 = arith.constant 0 : index
      %get3A_2891 = tpu.vector_load %arg10[%get3A_2888, %get3A_2889, %get3A_2890] {strides = array<i32>} : memref<2x16x64xf32, #tpu.memory_space<vmem>>, vector<16xf32>,
      %add3A_2892 = arith.addf %get3A_2885, %get3A_5 : vector<16xf32>
      %add3A_2893 = arith.addf %get3A_2891, %get3A_9 : vector<16xf32>
      %mul3A_2894 = arith.mulf %add3A_2892, %add3A_2893 : vector<16xf32>
      %mul3A_2895 = arith.mulf %mul3A_2894, %get3A_17 : vector<16xf32>
      %get3A_2896 = arith.constant 1 : i32
      %get3A_2897 = arith.constant 8 : i32
      %get3A_2898 = arith.index_cast %get3A_2896 : i32 to index
      %get3A_2899 = arith.index_cast %get3A_2897 : i32 to index
      %get3A_2900 = arith.constant 16 : index
      %get3A_2901 = tpu.vector_load %arg9[%get3A_2898, %get3A_2899, %get3A_2900] {strides = array<i32>} : memref<2x16x64xf32, #tpu.memory_space<vmem>>, vector<16xf32>,
      %get3A_2902 = arith.constant 1 : i32
      %get3A_2903 = arith.constant 8 : i32
      %get3A_2904 = arith.index_cast %get3A_2902 : i32 to index
      %get3A_2905 = arith.index_cast %get3A_2903 : i32 to index
      %get3A_2906 = arith.constant 16 : index
      %get3A_2907 = tpu.vector_load %arg10[%get3A_2904, %get3A_2905, %get3A_2906] {strides = array<i32>} : memref<2x16x64xf32, #tpu.memory_space<vmem>>, vector<16xf32>,
      %add3A_2908 = arith.addf %get3A_2901, %get3A_5 : vector<16xf32>
      %add3A_2909 = arith.addf %get3A_2907, %get3A_9 : vector<16xf32>
      %mul3A_2910 = arith.mulf %add3A_2908, %add3A_2909 : vector<16xf32>
      %mul3A_2911 = arith.mulf %mul3A_2910, %get3A_21 : vector<16xf32>
      %add3A_2912 = arith.addf %mul3A_2895, %mul3A_2911 : vector<16xf32>
      %get3A_2913 = arith.constant 1 : i32
      %get3A_2914 = arith.constant 8 : i32
      %get3A_2915 = arith.index_cast %get3A_2913 : i32 to index
      %get3A_2916 = arith.index_cast %get3A_2914 : i32 to index
      %get3A_2917 = arith.constant 32 : index
      %get3A_2918 = tpu.vector_load %arg9[%get3A_2915, %get3A_2916, %get3A_2917] {strides = array<i32>} : memref<2x16x64xf32, #tpu.memory_space<vmem>>, vector<16xf32>,
      %get3A_2919 = arith.constant 1 : i32
      %get3A_2920 = arith.constant 8 : i32
      %get3A_2921 = arith.index_cast %get3A_2919 : i32 to index
      %get3A_2922 = arith.index_cast %get3A_2920 : i32 to index
      %get3A_2923 = arith.constant 32 : index
      %get3A_2924 = tpu.vector_load %arg10[%get3A_2921, %get3A_2922, %get3A_2923] {strides = array<i32>} : memref<2x16x64xf32, #tpu.memory_space<vmem>>, vector<16xf32>,
      %add3A_2925 = arith.addf %get3A_2918, %get3A_5 : vector<16xf32>
      %add3A_2926 = arith.addf %get3A_2924, %get3A_9 : vector<16xf32>
      %mul3A_2927 = arith.mulf %add3A_2925, %add3A_2926 : vector<16xf32>
      %mul3A_2928 = arith.mulf %mul3A_2927, %get3A_25 : vector<16xf32>
      %add3A_2929 = arith.addf %add3A_2912, %mul3A_2928 : vector<16xf32>
      %get3A_2930 = arith.constant 1 : i32
      %get3A_2931 = arith.constant 8 : i32
      %get3A_2932 = arith.index_cast %get3A_2930 : i32 to index
      %get3A_2933 = arith.index_cast %get3A_2931 : i32 to index
      %get3A_2934 = arith.constant 48 : index
      %get3A_2935 = tpu.vector_load %arg9[%get3A_2932, %get3A_2933, %get3A_2934] {strides = array<i32>} : memref<2x16x64xf32, #tpu.memory_space<vmem>>, vector<16xf32>,
      %get3A_2936 = arith.constant 1 : i32
      %get3A_2937 = arith.constant 8 : i32
      %get3A_2938 = arith.index_cast %get3A_2936 : i32 to index
      %get3A_2939 = arith.index_cast %get3A_2937 : i32 to index
      %get3A_2940 = arith.constant 48 : index
      %get3A_2941 = tpu.vector_load %arg10[%get3A_2938, %get3A_2939, %get3A_2940] {strides = array<i32>} : memref<2x16x64xf32, #tpu.memory_space<vmem>>, vector<16xf32>,
      %add3A_2942 = arith.addf %get3A_2935, %get3A_5 : vector<16xf32>
      %add3A_2943 = arith.addf %get3A_2941, %get3A_9 : vector<16xf32>
      %mul3A_2944 = arith.mulf %add3A_2942, %add3A_2943 : vector<16xf32>
      %mul3A_2945 = arith.mulf %mul3A_2944, %get3A_29 : vector<16xf32>
      %add3A_2946 = arith.addf %add3A_2929, %mul3A_2945 : vector<16xf32>
      %broadcast_in_dim3A_2947 = arith.constant 8 : i32
      %broadcast_in_dim3A_2948 = vector.broadcast %broadcast_in_dim3A_2947 : i32 to vector<16xi32>
      tpu.vector_store_idx %arg13[%iota3A, %broadcast_in_dim3A_2948], %add3A_2946 : memref<16x17xf32, #tpu.memory_space<vmem>>[vector<16xi32>, vector<16xi32>], vector<16xf32>,
      %get3A_2949 = arith.constant 1 : i32
      %get3A_2950 = arith.constant 9 : i32
      %get3A_2951 = arith.index_cast %get3A_2949 : i32 to index
      %get3A_2952 = arith.index_cast %get3A_2950 : i32 to index
      %get3A_2953 = arith.constant 0 : index
      %get3A_2954 = tpu.vector_load %arg9[%get3A_2951, %get3A_2952, %get3A_2953] {strides = array<i32>} : memref<2x16x64xf32, #tpu.memory_space<vmem>>, vector<16xf32>,
      %get3A_2955 = arith.constant 1 : i32
      %get3A_2956 = arith.constant 9 : i32
      %get3A_2957 = arith.index_cast %get3A_2955 : i32 to index
      %get3A_2958 = arith.index_cast %get3A_2956 : i32 to index
      %get3A_2959 = arith.constant 0 : index
      %get3A_2960 = tpu.vector_load %arg10[%get3A_2957, %get3A_2958, %get3A_2959] {strides = array<i32>} : memref<2x16x64xf32, #tpu.memory_space<vmem>>, vector<16xf32>,
      %add3A_2961 = arith.addf %get3A_2954, %get3A_5 : vector<16xf32>
      %add3A_2962 = arith.addf %get3A_2960, %get3A_9 : vector<16xf32>
      %mul3A_2963 = arith.mulf %add3A_2961, %add3A_2962 : vector<16xf32>
      %mul3A_2964 = arith.mulf %mul3A_2963, %get3A_17 : vector<16xf32>
      %get3A_2965 = arith.constant 1 : i32
      %get3A_2966 = arith.constant 9 : i32
      %get3A_2967 = arith.index_cast %get3A_2965 : i32 to index
      %get3A_2968 = arith.index_cast %get3A_2966 : i32 to index
      %get3A_2969 = arith.constant 16 : index
      %get3A_2970 = tpu.vector_load %arg9[%get3A_2967, %get3A_2968, %get3A_2969] {strides = array<i32>} : memref<2x16x64xf32, #tpu.memory_space<vmem>>, vector<16xf32>,
      %get3A_2971 = arith.constant 1 : i32
      %get3A_2972 = arith.constant 9 : i32
      %get3A_2973 = arith.index_cast %get3A_2971 : i32 to index
      %get3A_2974 = arith.index_cast %get3A_2972 : i32 to index
      %get3A_2975 = arith.constant 16 : index
      %get3A_2976 = tpu.vector_load %arg10[%get3A_2973, %get3A_2974, %get3A_2975] {strides = array<i32>} : memref<2x16x64xf32, #tpu.memory_space<vmem>>, vector<16xf32>,
      %add3A_2977 = arith.addf %get3A_2970, %get3A_5 : vector<16xf32>
      %add3A_2978 = arith.addf %get3A_2976, %get3A_9 : vector<16xf32>
      %mul3A_2979 = arith.mulf %add3A_2977, %add3A_2978 : vector<16xf32>
      %mul3A_2980 = arith.mulf %mul3A_2979, %get3A_21 : vector<16xf32>
      %add3A_2981 = arith.addf %mul3A_2964, %mul3A_2980 : vector<16xf32>
      %get3A_2982 = arith.constant 1 : i32
      %get3A_2983 = arith.constant 9 : i32
      %get3A_2984 = arith.index_cast %get3A_2982 : i32 to index
      %get3A_2985 = arith.index_cast %get3A_2983 : i32 to index
      %get3A_2986 = arith.constant 32 : index
      %get3A_2987 = tpu.vector_load %arg9[%get3A_2984, %get3A_2985, %get3A_2986] {strides = array<i32>} : memref<2x16x64xf32, #tpu.memory_space<vmem>>, vector<16xf32>,
      %get3A_2988 = arith.constant 1 : i32
      %get3A_2989 = arith.constant 9 : i32
      %get3A_2990 = arith.index_cast %get3A_2988 : i32 to index
      %get3A_2991 = arith.index_cast %get3A_2989 : i32 to index
      %get3A_2992 = arith.constant 32 : index
      %get3A_2993 = tpu.vector_load %arg10[%get3A_2990, %get3A_2991, %get3A_2992] {strides = array<i32>} : memref<2x16x64xf32, #tpu.memory_space<vmem>>, vector<16xf32>,
      %add3A_2994 = arith.addf %get3A_2987, %get3A_5 : vector<16xf32>
      %add3A_2995 = arith.addf %get3A_2993, %get3A_9 : vector<16xf32>
      %mul3A_2996 = arith.mulf %add3A_2994, %add3A_2995 : vector<16xf32>
      %mul3A_2997 = arith.mulf %mul3A_2996, %get3A_25 : vector<16xf32>
      %add3A_2998 = arith.addf %add3A_2981, %mul3A_2997 : vector<16xf32>
      %get3A_2999 = arith.constant 1 : i32
      %get3A_3000 = arith.constant 9 : i32
      %get3A_3001 = arith.index_cast %get3A_2999 : i32 to index
      %get3A_3002 = arith.index_cast %get3A_3000 : i32 to index
      %get3A_3003 = arith.constant 48 : index
      %get3A_3004 = tpu.vector_load %arg9[%get3A_3001, %get3A_3002, %get3A_3003] {strides = array<i32>} : memref<2x16x64xf32, #tpu.memory_space<vmem>>, vector<16xf32>,
      %get3A_3005 = arith.constant 1 : i32
      %get3A_3006 = arith.constant 9 : i32
      %get3A_3007 = arith.index_cast %get3A_3005 : i32 to index
      %get3A_3008 = arith.index_cast %get3A_3006 : i32 to index
      %get3A_3009 = arith.constant 48 : index
      %get3A_3010 = tpu.vector_load %arg10[%get3A_3007, %get3A_3008, %get3A_3009] {strides = array<i32>} : memref<2x16x64xf32, #tpu.memory_space<vmem>>, vector<16xf32>,
      %add3A_3011 = arith.addf %get3A_3004, %get3A_5 : vector<16xf32>
      %add3A_3012 = arith.addf %get3A_3010, %get3A_9 : vector<16xf32>
      %mul3A_3013 = arith.mulf %add3A_3011, %add3A_3012 : vector<16xf32>
      %mul3A_3014 = arith.mulf %mul3A_3013, %get3A_29 : vector<16xf32>
      %add3A_3015 = arith.addf %add3A_2998, %mul3A_3014 : vector<16xf32>
      %broadcast_in_dim3A_3016 = arith.constant 9 : i32
      %broadcast_in_dim3A_3017 = vector.broadcast %broadcast_in_dim3A_3016 : i32 to vector<16xi32>
      tpu.vector_store_idx %arg13[%iota3A, %broadcast_in_dim3A_3017], %add3A_3015 : memref<16x17xf32, #tpu.memory_space<vmem>>[vector<16xi32>, vector<16xi32>], vector<16xf32>,
      %get3A_3018 = arith.constant 1 : i32
      %get3A_3019 = arith.constant 10 : i32
      %get3A_3020 = arith.index_cast %get3A_3018 : i32 to index
      %get3A_3021 = arith.index_cast %get3A_3019 : i32 to index
      %get3A_3022 = arith.constant 0 : index
      %get3A_3023 = tpu.vector_load %arg9[%get3A_3020, %get3A_3021, %get3A_3022] {strides = array<i32>} : memref<2x16x64xf32, #tpu.memory_space<vmem>>, vector<16xf32>,
      %get3A_3024 = arith.constant 1 : i32
      %get3A_3025 = arith.constant 10 : i32
      %get3A_3026 = arith.index_cast %get3A_3024 : i32 to index
      %get3A_3027 = arith.index_cast %get3A_3025 : i32 to index
      %get3A_3028 = arith.constant 0 : index
      %get3A_3029 = tpu.vector_load %arg10[%get3A_3026, %get3A_3027, %get3A_3028] {strides = array<i32>} : memref<2x16x64xf32, #tpu.memory_space<vmem>>, vector<16xf32>,
      %add3A_3030 = arith.addf %get3A_3023, %get3A_5 : vector<16xf32>
      %add3A_3031 = arith.addf %get3A_3029, %get3A_9 : vector<16xf32>
      %mul3A_3032 = arith.mulf %add3A_3030, %add3A_3031 : vector<16xf32>
      %mul3A_3033 = arith.mulf %mul3A_3032, %get3A_17 : vector<16xf32>
      %get3A_3034 = arith.constant 1 : i32
      %get3A_3035 = arith.constant 10 : i32
      %get3A_3036 = arith.index_cast %get3A_3034 : i32 to index
      %get3A_3037 = arith.index_cast %get3A_3035 : i32 to index
      %get3A_3038 = arith.constant 16 : index
      %get3A_3039 = tpu.vector_load %arg9[%get3A_3036, %get3A_3037, %get3A_3038] {strides = array<i32>} : memref<2x16x64xf32, #tpu.memory_space<vmem>>, vector<16xf32>,
      %get3A_3040 = arith.constant 1 : i32
      %get3A_3041 = arith.constant 10 : i32
      %get3A_3042 = arith.index_cast %get3A_3040 : i32 to index
      %get3A_3043 = arith.index_cast %get3A_3041 : i32 to index
      %get3A_3044 = arith.constant 16 : index
      %get3A_3045 = tpu.vector_load %arg10[%get3A_3042, %get3A_3043, %get3A_3044] {strides = array<i32>} : memref<2x16x64xf32, #tpu.memory_space<vmem>>, vector<16xf32>,
      %add3A_3046 = arith.addf %get3A_3039, %get3A_5 : vector<16xf32>
      %add3A_3047 = arith.addf %get3A_3045, %get3A_9 : vector<16xf32>
      %mul3A_3048 = arith.mulf %add3A_3046, %add3A_3047 : vector<16xf32>
      %mul3A_3049 = arith.mulf %mul3A_3048, %get3A_21 : vector<16xf32>
      %add3A_3050 = arith.addf %mul3A_3033, %mul3A_3049 : vector<16xf32>
      %get3A_3051 = arith.constant 1 : i32
      %get3A_3052 = arith.constant 10 : i32
      %get3A_3053 = arith.index_cast %get3A_3051 : i32 to index
      %get3A_3054 = arith.index_cast %get3A_3052 : i32 to index
      %get3A_3055 = arith.constant 32 : index
      %get3A_3056 = tpu.vector_load %arg9[%get3A_3053, %get3A_3054, %get3A_3055] {strides = array<i32>} : memref<2x16x64xf32, #tpu.memory_space<vmem>>, vector<16xf32>,
      %get3A_3057 = arith.constant 1 : i32
      %get3A_3058 = arith.constant 10 : i32
      %get3A_3059 = arith.index_cast %get3A_3057 : i32 to index
      %get3A_3060 = arith.index_cast %get3A_3058 : i32 to index
      %get3A_3061 = arith.constant 32 : index
      %get3A_3062 = tpu.vector_load %arg10[%get3A_3059, %get3A_3060, %get3A_3061] {strides = array<i32>} : memref<2x16x64xf32, #tpu.memory_space<vmem>>, vector<16xf32>,
      %add3A_3063 = arith.addf %get3A_3056, %get3A_5 : vector<16xf32>
      %add3A_3064 = arith.addf %get3A_3062, %get3A_9 : vector<16xf32>
      %mul3A_3065 = arith.mulf %add3A_3063, %add3A_3064 : vector<16xf32>
      %mul3A_3066 = arith.mulf %mul3A_3065, %get3A_25 : vector<16xf32>
      %add3A_3067 = arith.addf %add3A_3050, %mul3A_3066 : vector<16xf32>
      %get3A_3068 = arith.constant 1 : i32
      %get3A_3069 = arith.constant 10 : i32
      %get3A_3070 = arith.index_cast %get3A_3068 : i32 to index
      %get3A_3071 = arith.index_cast %get3A_3069 : i32 to index
      %get3A_3072 = arith.constant 48 : index
      %get3A_3073 = tpu.vector_load %arg9[%get3A_3070, %get3A_3071, %get3A_3072] {strides = array<i32>} : memref<2x16x64xf32, #tpu.memory_space<vmem>>, vector<16xf32>,
      %get3A_3074 = arith.constant 1 : i32
      %get3A_3075 = arith.constant 10 : i32
      %get3A_3076 = arith.index_cast %get3A_3074 : i32 to index
      %get3A_3077 = arith.index_cast %get3A_3075 : i32 to index
      %get3A_3078 = arith.constant 48 : index
      %get3A_3079 = tpu.vector_load %arg10[%get3A_3076, %get3A_3077, %get3A_3078] {strides = array<i32>} : memref<2x16x64xf32, #tpu.memory_space<vmem>>, vector<16xf32>,
      %add3A_3080 = arith.addf %get3A_3073, %get3A_5 : vector<16xf32>
      %add3A_3081 = arith.addf %get3A_3079, %get3A_9 : vector<16xf32>
      %mul3A_3082 = arith.mulf %add3A_3080, %add3A_3081 : vector<16xf32>
      %mul3A_3083 = arith.mulf %mul3A_3082, %get3A_29 : vector<16xf32>
      %add3A_3084 = arith.addf %add3A_3067, %mul3A_3083 : vector<16xf32>
      %broadcast_in_dim3A_3085 = arith.constant 10 : i32
      %broadcast_in_dim3A_3086 = vector.broadcast %broadcast_in_dim3A_3085 : i32 to vector<16xi32>
      tpu.vector_store_idx %arg13[%iota3A, %broadcast_in_dim3A_3086], %add3A_3084 : memref<16x17xf32, #tpu.memory_space<vmem>>[vector<16xi32>, vector<16xi32>], vector<16xf32>,
      %get3A_3087 = arith.constant 1 : i32
      %get3A_3088 = arith.constant 11 : i32
      %get3A_3089 = arith.index_cast %get3A_3087 : i32 to index
      %get3A_3090 = arith.index_cast %get3A_3088 : i32 to index
      %get3A_3091 = arith.constant 0 : index
      %get3A_3092 = tpu.vector_load %arg9[%get3A_3089, %get3A_3090, %get3A_3091] {strides = array<i32>} : memref<2x16x64xf32, #tpu.memory_space<vmem>>, vector<16xf32>,
      %get3A_3093 = arith.constant 1 : i32
      %get3A_3094 = arith.constant 11 : i32
      %get3A_3095 = arith.index_cast %get3A_3093 : i32 to index
      %get3A_3096 = arith.index_cast %get3A_3094 : i32 to index
      %get3A_3097 = arith.constant 0 : index
      %get3A_3098 = tpu.vector_load %arg10[%get3A_3095, %get3A_3096, %get3A_3097] {strides = array<i32>} : memref<2x16x64xf32, #tpu.memory_space<vmem>>, vector<16xf32>,
      %add3A_3099 = arith.addf %get3A_3092, %get3A_5 : vector<16xf32>
      %add3A_3100 = arith.addf %get3A_3098, %get3A_9 : vector<16xf32>
      %mul3A_3101 = arith.mulf %add3A_3099, %add3A_3100 : vector<16xf32>
      %mul3A_3102 = arith.mulf %mul3A_3101, %get3A_17 : vector<16xf32>
      %get3A_3103 = arith.constant 1 : i32
      %get3A_3104 = arith.constant 11 : i32
      %get3A_3105 = arith.index_cast %get3A_3103 : i32 to index
      %get3A_3106 = arith.index_cast %get3A_3104 : i32 to index
      %get3A_3107 = arith.constant 16 : index
      %get3A_3108 = tpu.vector_load %arg9[%get3A_3105, %get3A_3106, %get3A_3107] {strides = array<i32>} : memref<2x16x64xf32, #tpu.memory_space<vmem>>, vector<16xf32>,
      %get3A_3109 = arith.constant 1 : i32
      %get3A_3110 = arith.constant 11 : i32
      %get3A_3111 = arith.index_cast %get3A_3109 : i32 to index
      %get3A_3112 = arith.index_cast %get3A_3110 : i32 to index
      %get3A_3113 = arith.constant 16 : index
      %get3A_3114 = tpu.vector_load %arg10[%get3A_3111, %get3A_3112, %get3A_3113] {strides = array<i32>} : memref<2x16x64xf32, #tpu.memory_space<vmem>>, vector<16xf32>,
      %add3A_3115 = arith.addf %get3A_3108, %get3A_5 : vector<16xf32>
      %add3A_3116 = arith.addf %get3A_3114, %get3A_9 : vector<16xf32>
      %mul3A_3117 = arith.mulf %add3A_3115, %add3A_3116 : vector<16xf32>
      %mul3A_3118 = arith.mulf %mul3A_3117, %get3A_21 : vector<16xf32>
      %add3A_3119 = arith.addf %mul3A_3102, %mul3A_3118 : vector<16xf32>
      %get3A_3120 = arith.constant 1 : i32
      %get3A_3121 = arith.constant 11 : i32
      %get3A_3122 = arith.index_cast %get3A_3120 : i32 to index
      %get3A_3123 = arith.index_cast %get3A_3121 : i32 to index
      %get3A_3124 = arith.constant 32 : index
      %get3A_3125 = tpu.vector_load %arg9[%get3A_3122, %get3A_3123, %get3A_3124] {strides = array<i32>} : memref<2x16x64xf32, #tpu.memory_space<vmem>>, vector<16xf32>,
      %get3A_3126 = arith.constant 1 : i32
      %get3A_3127 = arith.constant 11 : i32
      %get3A_3128 = arith.index_cast %get3A_3126 : i32 to index
      %get3A_3129 = arith.index_cast %get3A_3127 : i32 to index
      %get3A_3130 = arith.constant 32 : index
      %get3A_3131 = tpu.vector_load %arg10[%get3A_3128, %get3A_3129, %get3A_3130] {strides = array<i32>} : memref<2x16x64xf32, #tpu.memory_space<vmem>>, vector<16xf32>,
      %add3A_3132 = arith.addf %get3A_3125, %get3A_5 : vector<16xf32>
      %add3A_3133 = arith.addf %get3A_3131, %get3A_9 : vector<16xf32>
      %mul3A_3134 = arith.mulf %add3A_3132, %add3A_3133 : vector<16xf32>
      %mul3A_3135 = arith.mulf %mul3A_3134, %get3A_25 : vector<16xf32>
      %add3A_3136 = arith.addf %add3A_3119, %mul3A_3135 : vector<16xf32>
      %get3A_3137 = arith.constant 1 : i32
      %get3A_3138 = arith.constant 11 : i32
      %get3A_3139 = arith.index_cast %get3A_3137 : i32 to index
      %get3A_3140 = arith.index_cast %get3A_3138 : i32 to index
      %get3A_3141 = arith.constant 48 : index
      %get3A_3142 = tpu.vector_load %arg9[%get3A_3139, %get3A_3140, %get3A_3141] {strides = array<i32>} : memref<2x16x64xf32, #tpu.memory_space<vmem>>, vector<16xf32>,
      %get3A_3143 = arith.constant 1 : i32
      %get3A_3144 = arith.constant 11 : i32
      %get3A_3145 = arith.index_cast %get3A_3143 : i32 to index
      %get3A_3146 = arith.index_cast %get3A_3144 : i32 to index
      %get3A_3147 = arith.constant 48 : index
      %get3A_3148 = tpu.vector_load %arg10[%get3A_3145, %get3A_3146, %get3A_3147] {strides = array<i32>} : memref<2x16x64xf32, #tpu.memory_space<vmem>>, vector<16xf32>,
      %add3A_3149 = arith.addf %get3A_3142, %get3A_5 : vector<16xf32>
      %add3A_3150 = arith.addf %get3A_3148, %get3A_9 : vector<16xf32>
      %mul3A_3151 = arith.mulf %add3A_3149, %add3A_3150 : vector<16xf32>
      %mul3A_3152 = arith.mulf %mul3A_3151, %get3A_29 : vector<16xf32>
      %add3A_3153 = arith.addf %add3A_3136, %mul3A_3152 : vector<16xf32>
      %broadcast_in_dim3A_3154 = arith.constant 11 : i32
      %broadcast_in_dim3A_3155 = vector.broadcast %broadcast_in_dim3A_3154 : i32 to vector<16xi32>
      tpu.vector_store_idx %arg13[%iota3A, %broadcast_in_dim3A_3155], %add3A_3153 : memref<16x17xf32, #tpu.memory_space<vmem>>[vector<16xi32>, vector<16xi32>], vector<16xf32>,
      %get3A_3156 = arith.constant 1 : i32
      %get3A_3157 = arith.constant 12 : i32
      %get3A_3158 = arith.index_cast %get3A_3156 : i32 to index
      %get3A_3159 = arith.index_cast %get3A_3157 : i32 to index
      %get3A_3160 = arith.constant 0 : index
      %get3A_3161 = tpu.vector_load %arg9[%get3A_3158, %get3A_3159, %get3A_3160] {strides = array<i32>} : memref<2x16x64xf32, #tpu.memory_space<vmem>>, vector<16xf32>,
      %get3A_3162 = arith.constant 1 : i32
      %get3A_3163 = arith.constant 12 : i32
      %get3A_3164 = arith.index_cast %get3A_3162 : i32 to index
      %get3A_3165 = arith.index_cast %get3A_3163 : i32 to index
      %get3A_3166 = arith.constant 0 : index
      %get3A_3167 = tpu.vector_load %arg10[%get3A_3164, %get3A_3165, %get3A_3166] {strides = array<i32>} : memref<2x16x64xf32, #tpu.memory_space<vmem>>, vector<16xf32>,
      %add3A_3168 = arith.addf %get3A_3161, %get3A_5 : vector<16xf32>
      %add3A_3169 = arith.addf %get3A_3167, %get3A_9 : vector<16xf32>
      %mul3A_3170 = arith.mulf %add3A_3168, %add3A_3169 : vector<16xf32>
      %mul3A_3171 = arith.mulf %mul3A_3170, %get3A_17 : vector<16xf32>
      %get3A_3172 = arith.constant 1 : i32
      %get3A_3173 = arith.constant 12 : i32
      %get3A_3174 = arith.index_cast %get3A_3172 : i32 to index
      %get3A_3175 = arith.index_cast %get3A_3173 : i32 to index
      %get3A_3176 = arith.constant 16 : index
      %get3A_3177 = tpu.vector_load %arg9[%get3A_3174, %get3A_3175, %get3A_3176] {strides = array<i32>} : memref<2x16x64xf32, #tpu.memory_space<vmem>>, vector<16xf32>,
      %get3A_3178 = arith.constant 1 : i32
      %get3A_3179 = arith.constant 12 : i32
      %get3A_3180 = arith.index_cast %get3A_3178 : i32 to index
      %get3A_3181 = arith.index_cast %get3A_3179 : i32 to index
      %get3A_3182 = arith.constant 16 : index
      %get3A_3183 = tpu.vector_load %arg10[%get3A_3180, %get3A_3181, %get3A_3182] {strides = array<i32>} : memref<2x16x64xf32, #tpu.memory_space<vmem>>, vector<16xf32>,
      %add3A_3184 = arith.addf %get3A_3177, %get3A_5 : vector<16xf32>
      %add3A_3185 = arith.addf %get3A_3183, %get3A_9 : vector<16xf32>
      %mul3A_3186 = arith.mulf %add3A_3184, %add3A_3185 : vector<16xf32>
      %mul3A_3187 = arith.mulf %mul3A_3186, %get3A_21 : vector<16xf32>
      %add3A_3188 = arith.addf %mul3A_3171, %mul3A_3187 : vector<16xf32>
      %get3A_3189 = arith.constant 1 : i32
      %get3A_3190 = arith.constant 12 : i32
      %get3A_3191 = arith.index_cast %get3A_3189 : i32 to index
      %get3A_3192 = arith.index_cast %get3A_3190 : i32 to index
      %get3A_3193 = arith.constant 32 : index
      %get3A_3194 = tpu.vector_load %arg9[%get3A_3191, %get3A_3192, %get3A_3193] {strides = array<i32>} : memref<2x16x64xf32, #tpu.memory_space<vmem>>, vector<16xf32>,
      %get3A_3195 = arith.constant 1 : i32
      %get3A_3196 = arith.constant 12 : i32
      %get3A_3197 = arith.index_cast %get3A_3195 : i32 to index
      %get3A_3198 = arith.index_cast %get3A_3196 : i32 to index
      %get3A_3199 = arith.constant 32 : index
      %get3A_3200 = tpu.vector_load %arg10[%get3A_3197, %get3A_3198, %get3A_3199] {strides = array<i32>} : memref<2x16x64xf32, #tpu.memory_space<vmem>>, vector<16xf32>,
      %add3A_3201 = arith.addf %get3A_3194, %get3A_5 : vector<16xf32>
      %add3A_3202 = arith.addf %get3A_3200, %get3A_9 : vector<16xf32>
      %mul3A_3203 = arith.mulf %add3A_3201, %add3A_3202 : vector<16xf32>
      %mul3A_3204 = arith.mulf %mul3A_3203, %get3A_25 : vector<16xf32>
      %add3A_3205 = arith.addf %add3A_3188, %mul3A_3204 : vector<16xf32>
      %get3A_3206 = arith.constant 1 : i32
      %get3A_3207 = arith.constant 12 : i32
      %get3A_3208 = arith.index_cast %get3A_3206 : i32 to index
      %get3A_3209 = arith.index_cast %get3A_3207 : i32 to index
      %get3A_3210 = arith.constant 48 : index
      %get3A_3211 = tpu.vector_load %arg9[%get3A_3208, %get3A_3209, %get3A_3210] {strides = array<i32>} : memref<2x16x64xf32, #tpu.memory_space<vmem>>, vector<16xf32>,
      %get3A_3212 = arith.constant 1 : i32
      %get3A_3213 = arith.constant 12 : i32
      %get3A_3214 = arith.index_cast %get3A_3212 : i32 to index
      %get3A_3215 = arith.index_cast %get3A_3213 : i32 to index
      %get3A_3216 = arith.constant 48 : index
      %get3A_3217 = tpu.vector_load %arg10[%get3A_3214, %get3A_3215, %get3A_3216] {strides = array<i32>} : memref<2x16x64xf32, #tpu.memory_space<vmem>>, vector<16xf32>,
      %add3A_3218 = arith.addf %get3A_3211, %get3A_5 : vector<16xf32>
      %add3A_3219 = arith.addf %get3A_3217, %get3A_9 : vector<16xf32>
      %mul3A_3220 = arith.mulf %add3A_3218, %add3A_3219 : vector<16xf32>
      %mul3A_3221 = arith.mulf %mul3A_3220, %get3A_29 : vector<16xf32>
      %add3A_3222 = arith.addf %add3A_3205, %mul3A_3221 : vector<16xf32>
      %broadcast_in_dim3A_3223 = arith.constant 12 : i32
      %broadcast_in_dim3A_3224 = vector.broadcast %broadcast_in_dim3A_3223 : i32 to vector<16xi32>
      tpu.vector_store_idx %arg13[%iota3A, %broadcast_in_dim3A_3224], %add3A_3222 : memref<16x17xf32, #tpu.memory_space<vmem>>[vector<16xi32>, vector<16xi32>], vector<16xf32>,
      %get3A_3225 = arith.constant 1 : i32
      %get3A_3226 = arith.constant 13 : i32
      %get3A_3227 = arith.index_cast %get3A_3225 : i32 to index
      %get3A_3228 = arith.index_cast %get3A_3226 : i32 to index
      %get3A_3229 = arith.constant 0 : index
      %get3A_3230 = tpu.vector_load %arg9[%get3A_3227, %get3A_3228, %get3A_3229] {strides = array<i32>} : memref<2x16x64xf32, #tpu.memory_space<vmem>>, vector<16xf32>,
      %get3A_3231 = arith.constant 1 : i32
      %get3A_3232 = arith.constant 13 : i32
      %get3A_3233 = arith.index_cast %get3A_3231 : i32 to index
      %get3A_3234 = arith.index_cast %get3A_3232 : i32 to index
      %get3A_3235 = arith.constant 0 : index
      %get3A_3236 = tpu.vector_load %arg10[%get3A_3233, %get3A_3234, %get3A_3235] {strides = array<i32>} : memref<2x16x64xf32, #tpu.memory_space<vmem>>, vector<16xf32>,
      %add3A_3237 = arith.addf %get3A_3230, %get3A_5 : vector<16xf32>
      %add3A_3238 = arith.addf %get3A_3236, %get3A_9 : vector<16xf32>
      %mul3A_3239 = arith.mulf %add3A_3237, %add3A_3238 : vector<16xf32>
      %mul3A_3240 = arith.mulf %mul3A_3239, %get3A_17 : vector<16xf32>
      %get3A_3241 = arith.constant 1 : i32
      %get3A_3242 = arith.constant 13 : i32
      %get3A_3243 = arith.index_cast %get3A_3241 : i32 to index
      %get3A_3244 = arith.index_cast %get3A_3242 : i32 to index
      %get3A_3245 = arith.constant 16 : index
      %get3A_3246 = tpu.vector_load %arg9[%get3A_3243, %get3A_3244, %get3A_3245] {strides = array<i32>} : memref<2x16x64xf32, #tpu.memory_space<vmem>>, vector<16xf32>,
      %get3A_3247 = arith.constant 1 : i32
      %get3A_3248 = arith.constant 13 : i32
      %get3A_3249 = arith.index_cast %get3A_3247 : i32 to index
      %get3A_3250 = arith.index_cast %get3A_3248 : i32 to index
      %get3A_3251 = arith.constant 16 : index
      %get3A_3252 = tpu.vector_load %arg10[%get3A_3249, %get3A_3250, %get3A_3251] {strides = array<i32>} : memref<2x16x64xf32, #tpu.memory_space<vmem>>, vector<16xf32>,
      %add3A_3253 = arith.addf %get3A_3246, %get3A_5 : vector<16xf32>
      %add3A_3254 = arith.addf %get3A_3252, %get3A_9 : vector<16xf32>
      %mul3A_3255 = arith.mulf %add3A_3253, %add3A_3254 : vector<16xf32>
      %mul3A_3256 = arith.mulf %mul3A_3255, %get3A_21 : vector<16xf32>
      %add3A_3257 = arith.addf %mul3A_3240, %mul3A_3256 : vector<16xf32>
      %get3A_3258 = arith.constant 1 : i32
      %get3A_3259 = arith.constant 13 : i32
      %get3A_3260 = arith.index_cast %get3A_3258 : i32 to index
      %get3A_3261 = arith.index_cast %get3A_3259 : i32 to index
      %get3A_3262 = arith.constant 32 : index
      %get3A_3263 = tpu.vector_load %arg9[%get3A_3260, %get3A_3261, %get3A_3262] {strides = array<i32>} : memref<2x16x64xf32, #tpu.memory_space<vmem>>, vector<16xf32>,
      %get3A_3264 = arith.constant 1 : i32
      %get3A_3265 = arith.constant 13 : i32
      %get3A_3266 = arith.index_cast %get3A_3264 : i32 to index
      %get3A_3267 = arith.index_cast %get3A_3265 : i32 to index
      %get3A_3268 = arith.constant 32 : index
      %get3A_3269 = tpu.vector_load %arg10[%get3A_3266, %get3A_3267, %get3A_3268] {strides = array<i32>} : memref<2x16x64xf32, #tpu.memory_space<vmem>>, vector<16xf32>,
      %add3A_3270 = arith.addf %get3A_3263, %get3A_5 : vector<16xf32>
      %add3A_3271 = arith.addf %get3A_3269, %get3A_9 : vector<16xf32>
      %mul3A_3272 = arith.mulf %add3A_3270, %add3A_3271 : vector<16xf32>
      %mul3A_3273 = arith.mulf %mul3A_3272, %get3A_25 : vector<16xf32>
      %add3A_3274 = arith.addf %add3A_3257, %mul3A_3273 : vector<16xf32>
      %get3A_3275 = arith.constant 1 : i32
      %get3A_3276 = arith.constant 13 : i32
      %get3A_3277 = arith.index_cast %get3A_3275 : i32 to index
      %get3A_3278 = arith.index_cast %get3A_3276 : i32 to index
      %get3A_3279 = arith.constant 48 : index
      %get3A_3280 = tpu.vector_load %arg9[%get3A_3277, %get3A_3278, %get3A_3279] {strides = array<i32>} : memref<2x16x64xf32, #tpu.memory_space<vmem>>, vector<16xf32>,
      %get3A_3281 = arith.constant 1 : i32
      %get3A_3282 = arith.constant 13 : i32
      %get3A_3283 = arith.index_cast %get3A_3281 : i32 to index
      %get3A_3284 = arith.index_cast %get3A_3282 : i32 to index
      %get3A_3285 = arith.constant 48 : index
      %get3A_3286 = tpu.vector_load %arg10[%get3A_3283, %get3A_3284, %get3A_3285] {strides = array<i32>} : memref<2x16x64xf32, #tpu.memory_space<vmem>>, vector<16xf32>,
      %add3A_3287 = arith.addf %get3A_3280, %get3A_5 : vector<16xf32>
      %add3A_3288 = arith.addf %get3A_3286, %get3A_9 : vector<16xf32>
      %mul3A_3289 = arith.mulf %add3A_3287, %add3A_3288 : vector<16xf32>
      %mul3A_3290 = arith.mulf %mul3A_3289, %get3A_29 : vector<16xf32>
      %add3A_3291 = arith.addf %add3A_3274, %mul3A_3290 : vector<16xf32>
      %broadcast_in_dim3A_3292 = arith.constant 13 : i32
      %broadcast_in_dim3A_3293 = vector.broadcast %broadcast_in_dim3A_3292 : i32 to vector<16xi32>
      tpu.vector_store_idx %arg13[%iota3A, %broadcast_in_dim3A_3293], %add3A_3291 : memref<16x17xf32, #tpu.memory_space<vmem>>[vector<16xi32>, vector<16xi32>], vector<16xf32>,
      %get3A_3294 = arith.constant 1 : i32
      %get3A_3295 = arith.constant 14 : i32
      %get3A_3296 = arith.index_cast %get3A_3294 : i32 to index
      %get3A_3297 = arith.index_cast %get3A_3295 : i32 to index
      %get3A_3298 = arith.constant 0 : index
      %get3A_3299 = tpu.vector_load %arg9[%get3A_3296, %get3A_3297, %get3A_3298] {strides = array<i32>} : memref<2x16x64xf32, #tpu.memory_space<vmem>>, vector<16xf32>,
      %get3A_3300 = arith.constant 1 : i32
      %get3A_3301 = arith.constant 14 : i32
      %get3A_3302 = arith.index_cast %get3A_3300 : i32 to index
      %get3A_3303 = arith.index_cast %get3A_3301 : i32 to index
      %get3A_3304 = arith.constant 0 : index
      %get3A_3305 = tpu.vector_load %arg10[%get3A_3302, %get3A_3303, %get3A_3304] {strides = array<i32>} : memref<2x16x64xf32, #tpu.memory_space<vmem>>, vector<16xf32>,
      %add3A_3306 = arith.addf %get3A_3299, %get3A_5 : vector<16xf32>
      %add3A_3307 = arith.addf %get3A_3305, %get3A_9 : vector<16xf32>
      %mul3A_3308 = arith.mulf %add3A_3306, %add3A_3307 : vector<16xf32>
      %mul3A_3309 = arith.mulf %mul3A_3308, %get3A_17 : vector<16xf32>
      %get3A_3310 = arith.constant 1 : i32
      %get3A_3311 = arith.constant 14 : i32
      %get3A_3312 = arith.index_cast %get3A_3310 : i32 to index
      %get3A_3313 = arith.index_cast %get3A_3311 : i32 to index
      %get3A_3314 = arith.constant 16 : index
      %get3A_3315 = tpu.vector_load %arg9[%get3A_3312, %get3A_3313, %get3A_3314] {strides = array<i32>} : memref<2x16x64xf32, #tpu.memory_space<vmem>>, vector<16xf32>,
      %get3A_3316 = arith.constant 1 : i32
      %get3A_3317 = arith.constant 14 : i32
      %get3A_3318 = arith.index_cast %get3A_3316 : i32 to index
      %get3A_3319 = arith.index_cast %get3A_3317 : i32 to index
      %get3A_3320 = arith.constant 16 : index
      %get3A_3321 = tpu.vector_load %arg10[%get3A_3318, %get3A_3319, %get3A_3320] {strides = array<i32>} : memref<2x16x64xf32, #tpu.memory_space<vmem>>, vector<16xf32>,
      %add3A_3322 = arith.addf %get3A_3315, %get3A_5 : vector<16xf32>
      %add3A_3323 = arith.addf %get3A_3321, %get3A_9 : vector<16xf32>
      %mul3A_3324 = arith.mulf %add3A_3322, %add3A_3323 : vector<16xf32>
      %mul3A_3325 = arith.mulf %mul3A_3324, %get3A_21 : vector<16xf32>
      %add3A_3326 = arith.addf %mul3A_3309, %mul3A_3325 : vector<16xf32>
      %get3A_3327 = arith.constant 1 : i32
      %get3A_3328 = arith.constant 14 : i32
      %get3A_3329 = arith.index_cast %get3A_3327 : i32 to index
      %get3A_3330 = arith.index_cast %get3A_3328 : i32 to index
      %get3A_3331 = arith.constant 32 : index
      %get3A_3332 = tpu.vector_load %arg9[%get3A_3329, %get3A_3330, %get3A_3331] {strides = array<i32>} : memref<2x16x64xf32, #tpu.memory_space<vmem>>, vector<16xf32>,
      %get3A_3333 = arith.constant 1 : i32
      %get3A_3334 = arith.constant 14 : i32
      %get3A_3335 = arith.index_cast %get3A_3333 : i32 to index
      %get3A_3336 = arith.index_cast %get3A_3334 : i32 to index
      %get3A_3337 = arith.constant 32 : index
      %get3A_3338 = tpu.vector_load %arg10[%get3A_3335, %get3A_3336, %get3A_3337] {strides = array<i32>} : memref<2x16x64xf32, #tpu.memory_space<vmem>>, vector<16xf32>,
      %add3A_3339 = arith.addf %get3A_3332, %get3A_5 : vector<16xf32>
      %add3A_3340 = arith.addf %get3A_3338, %get3A_9 : vector<16xf32>
      %mul3A_3341 = arith.mulf %add3A_3339, %add3A_3340 : vector<16xf32>
      %mul3A_3342 = arith.mulf %mul3A_3341, %get3A_25 : vector<16xf32>
      %add3A_3343 = arith.addf %add3A_3326, %mul3A_3342 : vector<16xf32>
      %get3A_3344 = arith.constant 1 : i32
      %get3A_3345 = arith.constant 14 : i32
      %get3A_3346 = arith.index_cast %get3A_3344 : i32 to index
      %get3A_3347 = arith.index_cast %get3A_3345 : i32 to index
      %get3A_3348 = arith.constant 48 : index
      %get3A_3349 = tpu.vector_load %arg9[%get3A_3346, %get3A_3347, %get3A_3348] {strides = array<i32>} : memref<2x16x64xf32, #tpu.memory_space<vmem>>, vector<16xf32>,
      %get3A_3350 = arith.constant 1 : i32
      %get3A_3351 = arith.constant 14 : i32
      %get3A_3352 = arith.index_cast %get3A_3350 : i32 to index
      %get3A_3353 = arith.index_cast %get3A_3351 : i32 to index
      %get3A_3354 = arith.constant 48 : index
      %get3A_3355 = tpu.vector_load %arg10[%get3A_3352, %get3A_3353, %get3A_3354] {strides = array<i32>} : memref<2x16x64xf32, #tpu.memory_space<vmem>>, vector<16xf32>,
      %add3A_3356 = arith.addf %get3A_3349, %get3A_5 : vector<16xf32>
      %add3A_3357 = arith.addf %get3A_3355, %get3A_9 : vector<16xf32>
      %mul3A_3358 = arith.mulf %add3A_3356, %add3A_3357 : vector<16xf32>
      %mul3A_3359 = arith.mulf %mul3A_3358, %get3A_29 : vector<16xf32>
      %add3A_3360 = arith.addf %add3A_3343, %mul3A_3359 : vector<16xf32>
      %broadcast_in_dim3A_3361 = arith.constant 14 : i32
      %broadcast_in_dim3A_3362 = vector.broadcast %broadcast_in_dim3A_3361 : i32 to vector<16xi32>
      tpu.vector_store_idx %arg13[%iota3A, %broadcast_in_dim3A_3362], %add3A_3360 : memref<16x17xf32, #tpu.memory_space<vmem>>[vector<16xi32>, vector<16xi32>], vector<16xf32>,
      %get3A_3363 = arith.constant 1 : i32
      %get3A_3364 = arith.constant 15 : i32
      %get3A_3365 = arith.index_cast %get3A_3363 : i32 to index
      %get3A_3366 = arith.index_cast %get3A_3364 : i32 to index
      %get3A_3367 = arith.constant 0 : index
      %get3A_3368 = tpu.vector_load %arg9[%get3A_3365, %get3A_3366, %get3A_3367] {strides = array<i32>} : memref<2x16x64xf32, #tpu.memory_space<vmem>>, vector<16xf32>,
      %get3A_3369 = arith.constant 1 : i32
      %get3A_3370 = arith.constant 15 : i32
      %get3A_3371 = arith.index_cast %get3A_3369 : i32 to index
      %get3A_3372 = arith.index_cast %get3A_3370 : i32 to index
      %get3A_3373 = arith.constant 0 : index
      %get3A_3374 = tpu.vector_load %arg10[%get3A_3371, %get3A_3372, %get3A_3373] {strides = array<i32>} : memref<2x16x64xf32, #tpu.memory_space<vmem>>, vector<16xf32>,
      %add3A_3375 = arith.addf %get3A_3368, %get3A_5 : vector<16xf32>
      %add3A_3376 = arith.addf %get3A_3374, %get3A_9 : vector<16xf32>
      %mul3A_3377 = arith.mulf %add3A_3375, %add3A_3376 : vector<16xf32>
      %mul3A_3378 = arith.mulf %mul3A_3377, %get3A_17 : vector<16xf32>
      %get3A_3379 = arith.constant 1 : i32
      %get3A_3380 = arith.constant 15 : i32
      %get3A_3381 = arith.index_cast %get3A_3379 : i32 to index
      %get3A_3382 = arith.index_cast %get3A_3380 : i32 to index
      %get3A_3383 = arith.constant 16 : index
      %get3A_3384 = tpu.vector_load %arg9[%get3A_3381, %get3A_3382, %get3A_3383] {strides = array<i32>} : memref<2x16x64xf32, #tpu.memory_space<vmem>>, vector<16xf32>,
      %get3A_3385 = arith.constant 1 : i32
      %get3A_3386 = arith.constant 15 : i32
      %get3A_3387 = arith.index_cast %get3A_3385 : i32 to index
      %get3A_3388 = arith.index_cast %get3A_3386 : i32 to index
      %get3A_3389 = arith.constant 16 : index
      %get3A_3390 = tpu.vector_load %arg10[%get3A_3387, %get3A_3388, %get3A_3389] {strides = array<i32>} : memref<2x16x64xf32, #tpu.memory_space<vmem>>, vector<16xf32>,
      %add3A_3391 = arith.addf %get3A_3384, %get3A_5 : vector<16xf32>
      %add3A_3392 = arith.addf %get3A_3390, %get3A_9 : vector<16xf32>
      %mul3A_3393 = arith.mulf %add3A_3391, %add3A_3392 : vector<16xf32>
      %mul3A_3394 = arith.mulf %mul3A_3393, %get3A_21 : vector<16xf32>
      %add3A_3395 = arith.addf %mul3A_3378, %mul3A_3394 : vector<16xf32>
      %get3A_3396 = arith.constant 1 : i32
      %get3A_3397 = arith.constant 15 : i32
      %get3A_3398 = arith.index_cast %get3A_3396 : i32 to index
      %get3A_3399 = arith.index_cast %get3A_3397 : i32 to index
      %get3A_3400 = arith.constant 32 : index
      %get3A_3401 = tpu.vector_load %arg9[%get3A_3398, %get3A_3399, %get3A_3400] {strides = array<i32>} : memref<2x16x64xf32, #tpu.memory_space<vmem>>, vector<16xf32>,
      %get3A_3402 = arith.constant 1 : i32
      %get3A_3403 = arith.constant 15 : i32
      %get3A_3404 = arith.index_cast %get3A_3402 : i32 to index
      %get3A_3405 = arith.index_cast %get3A_3403 : i32 to index
      %get3A_3406 = arith.constant 32 : index
      %get3A_3407 = tpu.vector_load %arg10[%get3A_3404, %get3A_3405, %get3A_3406] {strides = array<i32>} : memref<2x16x64xf32, #tpu.memory_space<vmem>>, vector<16xf32>,
      %add3A_3408 = arith.addf %get3A_3401, %get3A_5 : vector<16xf32>
      %add3A_3409 = arith.addf %get3A_3407, %get3A_9 : vector<16xf32>
      %mul3A_3410 = arith.mulf %add3A_3408, %add3A_3409 : vector<16xf32>
      %mul3A_3411 = arith.mulf %mul3A_3410, %get3A_25 : vector<16xf32>
      %add3A_3412 = arith.addf %add3A_3395, %mul3A_3411 : vector<16xf32>
      %get3A_3413 = arith.constant 1 : i32
      %get3A_3414 = arith.constant 15 : i32
      %get3A_3415 = arith.index_cast %get3A_3413 : i32 to index
      %get3A_3416 = arith.index_cast %get3A_3414 : i32 to index
      %get3A_3417 = arith.constant 48 : index
      %get3A_3418 = tpu.vector_load %arg9[%get3A_3415, %get3A_3416, %get3A_3417] {strides = array<i32>} : memref<2x16x64xf32, #tpu.memory_space<vmem>>, vector<16xf32>,
      %get3A_3419 = arith.constant 1 : i32
      %get3A_3420 = arith.constant 15 : i32
      %get3A_3421 = arith.index_cast %get3A_3419 : i32 to index
      %get3A_3422 = arith.index_cast %get3A_3420 : i32 to index
      %get3A_3423 = arith.constant 48 : index
      %get3A_3424 = tpu.vector_load %arg10[%get3A_3421, %get3A_3422, %get3A_3423] {strides = array<i32>} : memref<2x16x64xf32, #tpu.memory_space<vmem>>, vector<16xf32>,
      %add3A_3425 = arith.addf %get3A_3418, %get3A_5 : vector<16xf32>
      %add3A_3426 = arith.addf %get3A_3424, %get3A_9 : vector<16xf32>
      %mul3A_3427 = arith.mulf %add3A_3425, %add3A_3426 : vector<16xf32>
      %mul3A_3428 = arith.mulf %mul3A_3427, %get3A_29 : vector<16xf32>
      %add3A_3429 = arith.addf %add3A_3412, %mul3A_3428 : vector<16xf32>
      %broadcast_in_dim3A_3430 = arith.constant 15 : i32
      %broadcast_in_dim3A_3431 = vector.broadcast %broadcast_in_dim3A_3430 : i32 to vector<16xi32>
      tpu.vector_store_idx %arg13[%iota3A, %broadcast_in_dim3A_3431], %add3A_3429 : memref<16x17xf32, #tpu.memory_space<vmem>>[vector<16xi32>, vector<16xi32>], vector<16xf32>,
      %get3A_3432 = arith.constant 0 : i32
      %get3A_3433 = arith.index_cast %get3A_3432 : i32 to index
      %get3A_3434 = arith.constant 0 : index
      %get3A_3435 = tpu.vector_load %arg13[%get3A_3433, %get3A_3434] {strides = array<i32>} : memref<16x17xf32, #tpu.memory_space<vmem>>, vector<16xf32>,
      %get3A_3436 = arith.constant 1 : i32
      %get3A_3437 = arith.index_cast %get3A_3436 : i32 to index
      %get3A_3438 = arith.constant 0 : index
      %get3A_3439 = tpu.vector_load %arg13[%get3A_3437, %get3A_3438] {strides = array<i32>} : memref<16x17xf32, #tpu.memory_space<vmem>>, vector<16xf32>,
      %add3A_3440 = arith.addf %get3A_3435, %get3A_3439 : vector<16xf32>
      %get3A_3441 = arith.constant 2 : i32
      %get3A_3442 = arith.index_cast %get3A_3441 : i32 to index
      %get3A_3443 = arith.constant 0 : index
      %get3A_3444 = tpu.vector_load %arg13[%get3A_3442, %get3A_3443] {strides = array<i32>} : memref<16x17xf32, #tpu.memory_space<vmem>>, vector<16xf32>,
      %add3A_3445 = arith.addf %add3A_3440, %get3A_3444 : vector<16xf32>
      %get3A_3446 = arith.constant 3 : i32
      %get3A_3447 = arith.index_cast %get3A_3446 : i32 to index
      %get3A_3448 = arith.constant 0 : index
      %get3A_3449 = tpu.vector_load %arg13[%get3A_3447, %get3A_3448] {strides = array<i32>} : memref<16x17xf32, #tpu.memory_space<vmem>>, vector<16xf32>,
      %add3A_3450 = arith.addf %add3A_3445, %get3A_3449 : vector<16xf32>
      %get3A_3451 = arith.constant 4 : i32
      %get3A_3452 = arith.index_cast %get3A_3451 : i32 to index
      %get3A_3453 = arith.constant 0 : index
      %get3A_3454 = tpu.vector_load %arg13[%get3A_3452, %get3A_3453] {strides = array<i32>} : memref<16x17xf32, #tpu.memory_space<vmem>>, vector<16xf32>,
      %add3A_3455 = arith.addf %add3A_3450, %get3A_3454 : vector<16xf32>
      %get3A_3456 = arith.constant 5 : i32
      %get3A_3457 = arith.index_cast %get3A_3456 : i32 to index
      %get3A_3458 = arith.constant 0 : index
      %get3A_3459 = tpu.vector_load %arg13[%get3A_3457, %get3A_3458] {strides = array<i32>} : memref<16x17xf32, #tpu.memory_space<vmem>>, vector<16xf32>,
      %add3A_3460 = arith.addf %add3A_3455, %get3A_3459 : vector<16xf32>
      %get3A_3461 = arith.constant 6 : i32
      %get3A_3462 = arith.index_cast %get3A_3461 : i32 to index
      %get3A_3463 = arith.constant 0 : index
      %get3A_3464 = tpu.vector_load %arg13[%get3A_3462, %get3A_3463] {strides = array<i32>} : memref<16x17xf32, #tpu.memory_space<vmem>>, vector<16xf32>,
      %add3A_3465 = arith.addf %add3A_3460, %get3A_3464 : vector<16xf32>
      %get3A_3466 = arith.constant 7 : i32
      %get3A_3467 = arith.index_cast %get3A_3466 : i32 to index
      %get3A_3468 = arith.constant 0 : index
      %get3A_3469 = tpu.vector_load %arg13[%get3A_3467, %get3A_3468] {strides = array<i32>} : memref<16x17xf32, #tpu.memory_space<vmem>>, vector<16xf32>,
      %add3A_3470 = arith.addf %add3A_3465, %get3A_3469 : vector<16xf32>
      %get3A_3471 = arith.constant 8 : i32
      %get3A_3472 = arith.index_cast %get3A_3471 : i32 to index
      %get3A_3473 = arith.constant 0 : index
      %get3A_3474 = tpu.vector_load %arg13[%get3A_3472, %get3A_3473] {strides = array<i32>} : memref<16x17xf32, #tpu.memory_space<vmem>>, vector<16xf32>,
      %add3A_3475 = arith.addf %add3A_3470, %get3A_3474 : vector<16xf32>
      %get3A_3476 = arith.constant 9 : i32
      %get3A_3477 = arith.index_cast %get3A_3476 : i32 to index
      %get3A_3478 = arith.constant 0 : index
      %get3A_3479 = tpu.vector_load %arg13[%get3A_3477, %get3A_3478] {strides = array<i32>} : memref<16x17xf32, #tpu.memory_space<vmem>>, vector<16xf32>,
      %add3A_3480 = arith.addf %add3A_3475, %get3A_3479 : vector<16xf32>
      %get3A_3481 = arith.constant 10 : i32
      %get3A_3482 = arith.index_cast %get3A_3481 : i32 to index
      %get3A_3483 = arith.constant 0 : index
      %get3A_3484 = tpu.vector_load %arg13[%get3A_3482, %get3A_3483] {strides = array<i32>} : memref<16x17xf32, #tpu.memory_space<vmem>>, vector<16xf32>,
      %add3A_3485 = arith.addf %add3A_3480, %get3A_3484 : vector<16xf32>
      %get3A_3486 = arith.constant 11 : i32
      %get3A_3487 = arith.index_cast %get3A_3486 : i32 to index
      %get3A_3488 = arith.constant 0 : index
      %get3A_3489 = tpu.vector_load %arg13[%get3A_3487, %get3A_3488] {strides = array<i32>} : memref<16x17xf32, #tpu.memory_space<vmem>>, vector<16xf32>,
      %add3A_3490 = arith.addf %add3A_3485, %get3A_3489 : vector<16xf32>
      %get3A_3491 = arith.constant 12 : i32
      %get3A_3492 = arith.index_cast %get3A_3491 : i32 to index
      %get3A_3493 = arith.constant 0 : index
      %get3A_3494 = tpu.vector_load %arg13[%get3A_3492, %get3A_3493] {strides = array<i32>} : memref<16x17xf32, #tpu.memory_space<vmem>>, vector<16xf32>,
      %add3A_3495 = arith.addf %add3A_3490, %get3A_3494 : vector<16xf32>
      %get3A_3496 = arith.constant 13 : i32
      %get3A_3497 = arith.index_cast %get3A_3496 : i32 to index
      %get3A_3498 = arith.constant 0 : index
      %get3A_3499 = tpu.vector_load %arg13[%get3A_3497, %get3A_3498] {strides = array<i32>} : memref<16x17xf32, #tpu.memory_space<vmem>>, vector<16xf32>,
      %add3A_3500 = arith.addf %add3A_3495, %get3A_3499 : vector<16xf32>
      %get3A_3501 = arith.constant 14 : i32
      %get3A_3502 = arith.index_cast %get3A_3501 : i32 to index
      %get3A_3503 = arith.constant 0 : index
      %get3A_3504 = tpu.vector_load %arg13[%get3A_3502, %get3A_3503] {strides = array<i32>} : memref<16x17xf32, #tpu.memory_space<vmem>>, vector<16xf32>,
      %add3A_3505 = arith.addf %add3A_3500, %get3A_3504 : vector<16xf32>
      %get3A_3506 = arith.constant 15 : i32
      %get3A_3507 = arith.index_cast %get3A_3506 : i32 to index
      %get3A_3508 = arith.constant 0 : index
      %get3A_3509 = tpu.vector_load %arg13[%get3A_3507, %get3A_3508] {strides = array<i32>} : memref<16x17xf32, #tpu.memory_space<vmem>>, vector<16xf32>,
      %add3A_3510 = arith.addf %add3A_3505, %get3A_3509 : vector<16xf32>
      %add3A_3511 = arith.addf %add3A_3510, %get3A_13 : vector<16xf32>
      %neg3A_3512 = arith.constant 0.000000e+00 : f32
      %neg3A_3513 = vector.broadcast %neg3A_3512 : f32 to vector<16xf32>
      %neg3A_3514 = arith.subf %neg3A_3513, %add3A_3511 : vector<16xf32>
      %exp3A_3515 = math.exp %neg3A_3514 : vector<16xf32>
      %add3A_3516 = arith.constant 1.000000e+00 : f32
      %add3A_3517 = vector.broadcast %add3A_3516 : f32 to vector<16xf32>
      %add3A_3518 = arith.addf %add3A_3517, %exp3A_3515 : vector<16xf32>
      %div3A_3519 = arith.constant 1.000000e+00 : f32
      %div3A_3520 = vector.broadcast %div3A_3519 : f32 to vector<16xf32>
      %div3A_3521 = arith.divf %div3A_3520, %add3A_3518 : vector<16xf32>
      %mul3A_3522 = arith.constant 16 : i32
      %mul3A_3523 = arith.muli %add3A_551, %mul3A_3522 : i32
      %swap3A_3524 = arith.index_cast %mul3A_3523 : i32 to index
      %swap3A_3525 = tpu.vector_load %arg12[%swap3A_3524] {strides = array<i32>} : memref<512xf32, #tpu.memory_space<vmem>>, vector<16xf32>,
      tpu.vector_store %arg12[%swap3A_3524], %div3A_3521 {strides = array<i32>} : memref<512xf32, #tpu.memory_space<vmem>>, vector<16xf32>,
    }
    %scan3A_546 = arith.constant 16 : i32
    "tpu.region"() ({
      %run_scoped3A = tpu.sem_alloc : memref<!tpu.dma_semaphore, #tpu.memory_space<semaphore_mem>>
      %dma_start3A_547 = tpu.memref_slice %arg6[%mul3A_2] : memref<16384xf32, #tpu.memory_space<hbm>> -> memref<512xf32, #tpu.memory_space<hbm>>
      %dma_start3A_548 = tpu.memref_slice %arg6[%mul3A_2] : memref<16384xf32, #tpu.memory_space<hbm>> -> memref<512xf32, #tpu.memory_space<hbm>>
      tpu.enqueue_dma source(%arg12 : memref<512xf32, #tpu.memory_space<vmem>>) target(%dma_start3A_548 : memref<512xf32, #tpu.memory_space<hbm>>) target_semaphore(%run_scoped3A : memref<!tpu.dma_semaphore, #tpu.memory_space<semaphore_mem>>)
      %dma_wait3A = tpu.memref_slice %arg6[%mul3A_2] : memref<16384xf32, #tpu.memory_space<hbm>> -> memref<512xf32, #tpu.memory_space<hbm>>
      %dma_wait3A_549 = tpu.memref_slice %arg6[%mul3A_2] : memref<16384xf32, #tpu.memory_space<hbm>> -> memref<512xf32, #tpu.memory_space<hbm>>
      tpu.wait_dma2 semaphore(%run_scoped3A : memref<!tpu.dma_semaphore, #tpu.memory_space<semaphore_mem>>) src(%arg12 : memref<512xf32, #tpu.memory_space<vmem>>) dst(%dma_wait3A_549 : memref<512xf32, #tpu.memory_space<hbm>>)
      tpu.yield
    }) : () -> ()
    return
  }
}

</mosaic_0001>

<sc_bundles>
// kernel: _run.3.cloned.1.call-start
scs
__scs_entry_jumppad:
0x0: {  	(pc) =	sbr.rel $0x88, $3  }
0x1: {  	(tag) =	ssettag $0x0;
	lr =	simm.s32 $0x1  }
0x2: {  	[smem:$0x3F9D] =	sst lr;
	_ =	strace $0xD0000000  }
0x3: {  	_ = 	snop  }
0x4: {  	_ = 	snop  }
0x5: {  	_ = 	snop  }
0x6: {  	_ = 	snop  }
0x7: {  	_ = 	snop  }
__scs_overlays_trampoline_lowered:
0x8: {  	[smem:$0x3FAC] =	sst s0  }
0x9: {  	[smem:$0x3FAD] =	sst s1  }
0xa: {  	[smem:$0x3FAE] =	sst s2  }
0xb: {  	[smem:$0x3FAF] =	sst s3  }
0xc: {  	[smem:$0x3FB0] =	sst s4  }
0xd: {  	[smem:$0x3FB1] =	sst s5  }
0xe: {  	[smem:$0x3FB2] =	sst s6  }
0xf: {  	[smem:$0x3FB3] =	sst s7  }
0x10: {  	[smem:$0x3FB4] =	sst s8  }
0x11: {  	[smem:$0x3FB5] =	sst s9;
	s0 =	simm.s32 @!p0 $0x0  }
0x12: {  	s1 =	sld [smem:$0x3F9B];
	s0 =	simm.s32 @p0 $0x1  }
0x13: {  	[smem:$0x3FB6] =	sst s0;
	s0 =	simm.s32 @!p1 $0x0  }
0x14: {  	s2 =	sld [smem:$0x3F9A];
	s0 =	simm.s32 @p1 $0x1  }
0x15: {  	[smem:$0x3FB7] =	sst s0;
	s0 =	simm.s32 @!p2 $0x0  }
0x16: {  	s3 =	sld [smem:$0x3FDB];
	s0 =	simm.s32 @p2 $0x1  }
0x17: {  	s4 =	simm.s32 $0x1BF5;
	[smem:$0x3FB9] =	sst s0  }
0x18: {  	s0 =	sld [smem:$0x3F9C];
	_ =	swait.ge [sflag:s4], $0x0  }
0x19: {  	s7 =	sld [smem:$0x3F9D]  }
0x1a: {  	s8 =	sadd.s32 $0xFFFFE003, lr  }
0x1b: {  	s9 =	sadd.s32 $0xFFFFFEF7, lr;
	s5 =	simm.s32 $0xFFFFFFFF;
	p2 =	slt.u32 s8, $0xFFFFF086  }
0x1c: {  	p1 =	slt.u32 s9, $0xF7A;
	s5 =	simm.s32 @!p2 $0x0  }
0x1d: {  	s5 =	simm.s32 @p1 $0x1;
	p0 =	seq.s32 s7, s2  }
0x1e: {  	s7 =	smul.u32 @!p0 $0xF7A, s2;
	p2 =	seq.s32 @!p0 s5, $0x0  }
0x1f: {  	s9 =	smul.u32 $0xF7A, s1;
	s8 =	simm.s32 @!p0 $0x1BF5;
	p2 =	por !p2, p0  }
0x20: {  	[sflag:s8] =	ssyncset.s32 @!p0 $0xFFFFF086;
	s6 =	sadd.s32 @!p0 s3, s7;
	s7 =	simm.s32 @!p0 $0x108  }
0x21: {  	s3 =	sadd.s32 s3, s9;
	s6 =	sadd.s32 @!p0 $0x88, s6;
	s7 =	simm.s32 @p2 $0x1082  }
0x22: {  	[simem:s7], [sflag:s8] =	dma.local @!p0 [hbm:s6], $0xF7A  }
0x23: {  	s9 =	sor.u32 $0xD0000000, s2;
	s6 =	simm.s32 $0x108;
	_ =	swait.ge @!p0 [sflag:s8], $0x0  }
0x24: {  	s3 =	sadd.s32 $0x88, s3;
	s6 =	simm.s32 @!p1 $0x1082;
	[sflag:s4] =	ssyncset.s32 $0xFFFFF086  }
0x25: {  	[simem:s6], [sflag:s4] =	dma.local [hbm:s3], $0xF7A  }
0x26: {  	[smem:$0x3F9D] =	sst s1;
	(tag) =	ssettag s2;
	_ =	strace s9  }
0x27: {  	s1 =	sld [smem:$0x3FAD]  }
0x28: {  	s2 =	sld [smem:$0x3FAE]  }
0x29: {  	s4 =	sld [smem:$0x3FB0]  }
0x2a: {  	p0 =	seq.s32 s5, $0x0;
	s5 =	sld [smem:$0x3FB1]  }
0x2b: {  	s6 =	sld [smem:$0x3FB2]  }
0x2c: {  	s7 =	sld [smem:$0x3FB3]  }
0x2d: {  	s3 =	simm.s32 $0x108;
	s8 =	sld [smem:$0x3FB4]  }
0x2e: {  	s3 =	simm.s32 @!p0 $0x1082;
	s9 =	sld [smem:$0x3FB5]  }
0x2f: {  	lr =	sadd.s32 s0, s3;
	s0 =	sld [smem:$0x3FAC]  }
0x30: {  	s3 =	sld [smem:$0x3FAF]  }
0x31: {  	[smem:$0x3FB8] =	sst s10  }
0x32: {  	s10 =	sld [smem:$0x3FB6];
	_ =	sdelay $0x3  }
0x33: {  	p0 =	seq.s32 s10, $0x1;
	s10 =	sld [smem:$0x3FB8];
	_ =	sdelay $0x3  }
0x34: {  	[smem:$0x3FB8] =	sst s10  }
0x35: {  	s10 =	sld [smem:$0x3FB7];
	_ =	sdelay $0x3  }
0x36: {  	p1 =	seq.s32 s10, $0x1;
	s10 =	sld [smem:$0x3FB8];
	_ =	sdelay $0x3  }
0x37: {  	[smem:$0x3FB8] =	sst s10  }
0x38: {  	s10 =	sld [smem:$0x3FB9]  }
0x39: {  	_ = 	snop;
	(pc) =	sbr.ind lr, $3  }
0x3a: {  	_ = 	snop  }
0x3b: {  	_ = 	snop  }
0x3c: {  	p2 =	seq.s32 s10, $0x1;
	s10 =	sld [smem:$0x3FB8]  }
0x3d: {  	_ =	shalt  }
0x3e: {  	_ =	shalt  }
0x3f: {  	_ =	shalt  }
0x40: {  	_ =	shalt  }
0x41: {  	_ =	shalt  }
0x42: {  	_ =	shalt  }
0x43: {  	_ =	shalt  }
0x44: {  	_ =	shalt  }
0x45: {  	_ =	shalt  }
0x46: {  	_ =	shalt  }
0x47: {  	_ =	shalt  }
0x48: {  	_ =	shalt  }
0x49: {  	_ =	shalt  }
0x4a: {  	_ =	shalt  }
0x4b: {  	_ =	shalt  }
0x4c: {  	_ =	shalt  }
0x4d: {  	_ =	shalt  }
0x4e: {  	_ =	shalt  }
0x4f: {  	_ =	shalt  }
0x50: {  	_ =	shalt  }
0x51: {  	_ =	shalt  }
0x52: {  	_ =	shalt  }
0x53: {  	_ =	shalt  }
0x54: {  	_ =	shalt  }
0x55: {  	_ =	shalt  }
0x56: {  	_ =	shalt  }
0x57: {  	_ =	shalt  }
0x58: {  	_ =	shalt  }
0x59: {  	_ =	shalt  }
0x5a: {  	_ =	shalt  }
0x5b: {  	_ =	shalt  }
0x5c: {  	_ =	shalt  }
0x5d: {  	_ =	shalt  }
0x5e: {  	_ =	shalt  }
0x5f: {  	_ =	shalt  }
0x60: {  	_ =	shalt  }
0x61: {  	_ =	shalt  }
0x62: {  	_ =	shalt  }
0x63: {  	_ =	shalt  }
0x64: {  	_ =	shalt  }
0x65: {  	_ =	shalt  }
0x66: {  	_ =	shalt  }
0x67: {  	_ =	shalt  }
0x68: {  	_ =	shalt  }
0x69: {  	_ =	shalt  }
0x6a: {  	_ =	shalt  }
0x6b: {  	_ =	shalt  }
0x6c: {  	_ =	shalt  }
0x6d: {  	_ =	shalt  }
0x6e: {  	_ =	shalt  }
0x6f: {  	_ =	shalt  }
0x70: {  	_ =	shalt  }
0x71: {  	_ =	shalt  }
0x72: {  	_ =	shalt  }
0x73: {  	_ =	shalt  }
0x74: {  	_ =	shalt  }
0x75: {  	_ =	shalt  }
0x76: {  	_ =	shalt  }
0x77: {  	_ =	shalt  }
0x78: {  	_ =	shalt  }
0x79: {  	_ =	shalt  }
0x7a: {  	_ =	shalt  }
0x7b: {  	_ =	shalt  }
0x7c: {  	_ =	shalt  }
0x7d: {  	_ =	shalt  }
0x7e: {  	_ =	shalt  }
0x7f: {  	_ =	shalt  }
0x80: {  	_ =	shalt  }
0x81: {  	_ =	shalt  }
0x82: {  	_ =	shalt  }
0x83: {  	_ =	shalt  }
0x84: {  	_ =	shalt  }
0x85: {  	_ =	shalt  }
0x86: {  	_ =	shalt  }
0x87: {  	_ =	shalt  }
.Lfunc_end0:
.L_simem_size_0:
called_computation_lowered:
.L_overlay_start_0:
0x88: {  	s2 =	sld [smem:$0x3FD9]  }
0x89: {  	s3 =	sld [smem:$0x3FFE];
	_ =	sdelay $0x1  }
0x8a: {  	s1 =	srdreg.scid  }
0x8b: {  	s0 =	sand.u32 $0x1, s1  }
0x8c: {  	s17 =	sshll.u32 s0, $0xA;
	s2 =	sadd.s32 s3, s2  }
0x8d: {  	s2 =	sadd.s32 s2, s17  }
0x8e: {  	[smem:$0x3FC4] =	sst s2  }
0x8f: {  	_ = 	snop  }
0x90: {  	s2 =	sld [smem:$0x3FC9]  }
0x91: {  	s18 =	sld [smem:$0x3FC8]  }
0x92: {  	s4 =	sld [smem:$0x3FC6]  }
0x93: {  	s5 =	sld [smem:$0x3FD0];
	(tm) =	ssettm $0x1  }
0x94: {  	s6 =	sld [smem:$0x3FFB];
	_ =	sdelay $0x3  }
0x95: {  	_ =	strace s6  }
0x96: {  	s6 =	sld [smem:$0x3FFC];
	_ =	sdelay $0x3  }
0x97: {  	_ =	strace s6  }
0x98: {  	s6 =	sld [smem:$0x3FFD];
	_ =	sdelay $0x3  }
0x99: {  	_ =	strace s6  }
0x9a: {  	_ =	strace $0x8FFFFFFF  }
0x9b: {  	s19 =	sld [smem:$0x3FDB];
	_ =	sdelay $0x1  }
0x9c: {  	s7 =	simm.s32 $_scs_section_size  }
0x9d: {  	s8 =	simm.s32 $_size__tile_overlayer_lowered;
	s9 =	simm.s32 $_tile_overlayer_lowered  }
0x9e: {  	s22 =	simm.s32 $0x1BFF;
	s21 =	sshll.u32 s9, $0x1;
	s6 =	sadd.s32 s7, s19  }
0x9f: {  	s10 =	simm.s32 $0x0;
	s20 =	sshll.u32 s8, $0x1;
	s8 =	sadd.s32 s21, s6  }
0xa0: {  	[timem:s10], [sflag:s22] =	dma.local [hbm:s8], s20  }
0xa1: {  	_ =	swait.ge [sflag:s22], s20  }
0xa2: {  	s7 =	ssub.s32 $0x0, s20;
	[sflag:s22] =	ssyncset.done $0x0  }
0xa3: {  	[sflag:s22] =	ssyncadd.s32 s7;
	_ =	sdelay $0x1  }
0xa4: {  	s23 =	simm.s32 $0x1B8B  }
0xa5: {  	_ =	swait.ge [sflag:s23], $0x1  }
0xa6: {  	[sflag:s23] =	ssyncset.done $0x0  }
0xa7: {  	s25 =	simm.s32 $0x1B8E;
	s24 =	sld [smem:$0x3FFE];
	[sflag:s23] =	ssyncadd.s32 $0xFFFFFFFF  }
0xa8: {  	s26 =	simm.s32 $execute0_lowered;
	[smem:$0x3FD2] =	sst s25  }
0xa9: {  	s8 =	sshll.u32 s26, $0x1;
	_ =	strace $0x80000046;
	[dreg:$0x1] =	wrdreg $0xFFFFFFFF  }
0xaa: {  	s28 =	simm.s32 $_size_execute0_lowered;
	s6 =	sadd.s32 s6, s8;
	[dreg:$0x0] =	wrdreg $0x0  }
0xab: {  	s8 =	sshll.u32 s28, $0x1;
	[dreg:$0x2] =	wrdreg s6  }
0xac: {  	[dreg:$0x3] =	wrdreg s8  }
0xad: {  	[dreg:$0x4] =	wrdreg $0xC0  }
0xae: {  	_ =	task [dreg:s10], $0x5FFFF  }
0xaf: {  	[dreg:$0x1] =	wrdreg $0xFFFFFFFF  }
0xb0: {  	[dreg:$0x0] =	wrdreg $0x60  }
0xb1: {  	[dreg:$0x2] =	wrdreg s2  }
0xb2: {  	[dreg:$0x3] =	wrdreg s18  }
0xb3: {  	[dreg:$0x4] =	wrdreg s24  }
0xb4: {  	[dreg:$0x5] =	wrdreg s4  }
0xb5: {  	[dreg:$0x6] =	wrdreg s5  }
0xb6: {  	[dreg:$0x7] =	wrdreg $0x9  }
0xb7: {  	_ =	task.clear_ibuf [dreg:s10], $0x8FFFF;
	_ =	strace $0x90000046  }
0xb8: {  	s29 =	simm.s32 $0x9;
	_ =	strace $0x80000048  }
0xb9: {  	_ =	swait.ge [sflag:s29], $0x1  }
0xba: {  	[sflag:s29] =	ssyncadd.s32 $0xFFFFFFFF  }
0xbb: {  	_ =	strace $0x90000048  }
0xbc: {  	_ =	sfence  }
0xbd: {  	s30 =	sld [smem:$0x0];
	_ =	sdelay $0x2  }
0xbe: {  	s31 =	sshll.u32 s1, $0xD;
	s1 =	sshrl.u32 s1, $0x2  }
0xbf: {  	s3 =	sand.u32 $0x4000, s31;
	s1 =	sadd.s32 s1, s30  }
0xc0: {  	s0 =	sor.u32 s3, s0;
	s1 =	sshll.u32 s1, $0x11  }
0xc1: {  	s0 =	sor.u32 s1, s0  }
0xc2: {  	s0 =	sadd.s32 $0x8F2B, s0  }
0xc3: {  	[sflag:s0] =	ssyncadd.remote.s32 $0x1  }
0xc4: {  	_ =	sfence.sel $0xFFFF  }
0xc5: {  	[dreg:$0x0] =	wrdreg $0xFFFFFFFF;
	(pc) =	sbr.abs _section_cstart, $3  }
0xc6: {  	[dreg:$0x1] =	wrdreg $0xFFFFFFFF  }
0xc7: {  	_ =	task.clear_ibuf [dreg:s10], $0x2FFFF;
	_ =	strace $0x9FFFFFFF  }
0xc8: {  	(tm) =	ssettm $0x7FFFFFFF  }
0xc9: {  	_ =	shalt  }
tec
execute0_lowered:
.L_overlay_start_1:
0x0: {  	(tag) =	ssettag $0x1  }
0x1: {  	s0 =	rddreg [dreg:$0x0]  }
0x2: {  	s1 =	rddreg [dreg:$0x1]  }
0x3: {  	s2 =	rddreg [dreg:$0x2]  }
0x4: {  	s5 =	rddreg [dreg:$0x4]  }
0x5: {  	s4 =	srdreg.scid;
	s8 =	stileid.u32;
	s3 =	simm.s32 $0x0  }
0x6: {  	s29 =	simm.s32 $0x1E80;
	s30 =	simm.s32 $0xF00;
	s31 =	simm.s32 $0x1F00  }
0x7: {  	s12 =	simm.s32 $0x2000;
	s13 =	simm.s32 $0x1080;
	s11 =	simm.s32 $0x1200  }
0x8: {  	s14 =	simm.s32 $0x2200;
	s15 =	simm.s32 $0x1280;
	s16 =	simm.s32 $0x2280  }
0x9: {  	s10 =	simm.s32 $0x1300;
	s17 =	simm.s32 $0x2300;
	s18 =	simm.s32 $0x1380  }
0xa: {  	s19 =	simm.s32 $0x2380;
	s20 =	simm.s32 $0x1;
	s4 =	sand.u32 $0x1, s4  }
0xb: {  	s6 =	sshll.u32 s8, $0x1;
	[smem:$0x7FF] =	sst s3;
	s21 =	sshll.u32 s8, $0x7  }
0xc: {  	s6 =	sor.u32 s4, s6;
	s7 =	ssub.s32 $0x2, s4;
	_ =	strace $0x80000047  }
0xd: {  	s4 =	sadd.s32 $0x400, s2;
	s2 =	simm.s32 $0x1000;
	s22 =	sshll.u32 s6, $0x4  }
0xe: {  	v0 =	vlaneseq.u32;
	s9 =	sshrl.u32 s7, $0x1;
	s26 =	sshll.u32 s6, $0x6;
	s6 =	simm.s32 $0x2100  }
0xf: {  	v0 =	vmul.u32 $0x80, v0;
	s8 =	sor.u32 s21, s22;
	s23 =	ssub.s32 s7, s9;
	s9 =	simm.s32 $0x2080  }
0x10: {  	s7 =	simm.s32 $0x1180;
	s21 =	simm.s32 $0x2A00;
	s22 =	simm.s32 $0x2  }
.Ltmp0:
0x11: {  	v1 =	vor.u32 $0x1, v0;
	v2 =	vor.u32 $0x2, v0;
	v3 =	vor.u32 $0x3, v0;
	s24 =	sand.u32 $0x670, s8;
	s28 =	smax.u32 s23, $0x1;
	(pc) =	sbr.rel .LBB2_1-.Ltmp0, $4  }
0x12: {  	v4 =	vor.u32 $0x4, v0;
	v5 =	vor.u32 $0x5, v0;
	v6 =	vor.u32 $0x6, v0;
	s8 =	simm.s32 $0x2180;
	s0 =	sadd.s32 s0, s24;
	[dreg:$0x9] =	wrdreg s28  }
0x13: {  	v7 =	vor.u32 $0x7, v0;
	v8 =	vor.u32 $0x8, v0;
	v9 =	vor.u32 $0x9, v0;
	s25 =	sadd.s32 s1, s24;
	s1 =	simm.s32 $0x1F80;
	[dreg:$0x6] =	wrdreg s0  }
0x14: {  	v10 =	vor.u32 $0xA, v0;
	v11 =	vor.u32 $0xB, v0;
	v12 =	vor.u32 $0xC, v0;
	[dreg:$0x7] =	wrdreg s25;
	s0 =	sadd.s32 s5, s26;
	s5 =	simm.s32 $0x1100  }
0x15: {  	v13 =	vor.u32 $0xD, v0;
	v14 =	vor.u32 $0xE, v0;
	v15 =	vor.u32 $0xF, v0;
	s25 =	simm.s32 $0x0;
	[dreg:$0x8] =	wrdreg s0;
	s0 =	simm.s32 $0xF80  }
.LBB2_5:
0x16: {  	s23 =	rddreg [dreg:$0x8];
	s24 =	simm.s32 $0x2800;
	s26 =	simm.s32 $0x3  }
0x17: {  	[hbm4b:s23+s3] =	stream.linear.scatter [tilespmem:s24], [sflag:$0x3], $0x200, $0x38;
	[tilespmem:$0x3200] =	vst v63  }
0x18: {  	_ =	swait.ge [sflag:s26], $0x200  }
0x19: {  	s25 =	rddreg [dreg:$0xa]  }
0x1a: {  	s28 =	rddreg [dreg:$0x9];
	s25 =	sadd.s32 $0x1, s25  }
0x1b: {  	p0 =	sne.s32 s25, s28  }
.Ltmp1:
0x1c: {  	_ = 	snop;
	(pc) =	sbr.rel @!p0 .LBB2_6-.Ltmp1, $3  }
0x1d: {  	_ =	sdelay $0x1  }
0x1e: {  	[sflag:s26] =	ssyncset.done $0x0  }
0x1f: {  	[sflag:s26] =	ssyncadd.s32 $0xFFFFFE00  }
.LBB2_1:
0x20: {  	[dreg:$0xa] =	wrdreg s25  }
0x21: {  	s23 =	rddreg [dreg:$0x6]  }
0x22: {  	s24 =	simm.s32 $0x80;
	s26 =	simm.s32 $0x3;
	s25 =	simm.s32 $0x400  }
0x23: {  	[tilespmem:s3], [sflag:$0x3] =	stream.strided.gather [hbm4b:s23+s24], $0x200, s25, s24, $0x38;
	[tilespmem:$0x3200] =	vst v63  }
0x24: {  	_ =	swait.ge [sflag:s26], $0x200  }
0x25: {  	[sflag:s26] =	ssyncset.done $0x0  }
0x26: {  	s28 =	simm.s32 $0x200;
	s23 =	rddreg [dreg:$0x7];
	[sflag:s26] =	ssyncadd.s32 $0xFFFFFE00  }
0x27: {  	[tilespmem:s28], [sflag:$0x3] =	stream.strided.gather [hbm4b:s23+s24], $0x200, s25, s24, $0x38;
	[tilespmem:$0x3200] =	vst v63  }
0x28: {  	_ =	swait.ge [sflag:s26], $0x200  }
0x29: {  	[sflag:s26] =	ssyncset.done $0x0  }
0x2a: {  	[sflag:s26] =	ssyncadd.s32 $0xFFFFFE00  }
0x2b: {  	s24 =	simm.s32 $0x2400;
	s23 =	rddreg [dreg:$0x3]  }
0x2c: {  	[tilespmem:s24], [sflag:$0x3] =	stream.linear.gather [hbm4b:s23+s3], $0x400, $0x38;
	[tilespmem:$0x3200] =	vst v63  }
0x2d: {  	_ =	swait.ge [sflag:s26], $0x400  }
0x2e: {  	[sflag:s26] =	ssyncset.done $0x0  }
0x2f: {  	[sflag:s26] =	ssyncadd.s32 $0xFFFFFC00  }
0x30: {  	v16 =	vld [tilespmem:$0x0];
	_ =	sdelay $0x1  }
0x31: {  	v17 =	vld [tilespmem:$0x200];
	_ =	sdelay $0x2  }
0x32: {  	v24 =	vshll.u32 v16, $0x4  }
0x33: {  	(v2sf) =	vpush v24, $0x0  }
0x34: {  	v23 =	vshll.u32 v17, $0x4  }
0x35: {  	(v2sf) =	vpush v23, $0x0;
	_ =	sdelay $0x2  }
0x36: {  	(v2sf) =	vpush v24, $0x1;
	_ =	sdelay $0x4  }
0x37: {  	(v2sf) =	vpush v23, $0x1;
	_ =	sdelay $0x2  }
0x38: {  	v18 =	vld [tilespmem:$0x2500]  }
0x39: {  	v19 =	vld [tilespmem:$0x2600]  }
0x3a: {  	v20 =	vld [tilespmem:$0x2680];
	s26 =	spop (v2sf);
	(v2sf) =	vpush v24, $0x2  }
0x3b: {  	v21 =	vld [tilespmem:$0x2700]  }
0x3c: {  	v22 =	vld [tilespmem:$0x2780];
	s23 =	sand.u32 $0x1FFFFFF0, s26;
	s24 =	spop (v2sf);
	(v2sf) =	vpush v23, $0x2  }
0x3d: {  	v16 =	vld [tilespmem:$0x2400];
	s23 =	sadd.s32 s4, s23  }
0x3e: {  	v17 =	vld [tilespmem:$0x2480];
	[tilespmem:s25], [sflag:$0x1] =	stream.linear.gather [hbm4b:s23+s3], $0x80, $0x38  }
0x3f: {  	s25 =	spop (v2sf);
	(v2sf) =	vpush v24, $0x3;
	_ =	sdelay $0x1  }
0x40: {  	s23 =	sand.u32 $0x1FFFFFF0, s24  }
0x41: {  	s28 =	simm.s32 $0x1400;
	s23 =	sadd.s32 s4, s23  }
0x42: {  	[tilespmem:s28], [sflag:$0x1] =	stream.linear.gather [hbm4b:s23+s3], $0x80, $0x38;
	[tilespmem:$0x3200] =	vst v63  }
0x43: {  	s23 =	sand.u32 $0x1FFFFFF0, s25;
	s25 =	spop (v2sf);
	(v2sf) =	vpush v23, $0x3;
	_ =	sdelay $0x1  }
0x44: {  	s26 =	simm.s32 $0x480;
	s23 =	sadd.s32 s4, s23  }
0x45: {  	[tilespmem:s26], [sflag:$0x1] =	stream.linear.gather [hbm4b:s23+s3], $0x80, $0x38;
	[tilespmem:$0x3200] =	vst v63  }
0x46: {  	s23 =	sand.u32 $0x1FFFFFF0, s25  }
0x47: {  	s26 =	simm.s32 $0x1480;
	s23 =	sadd.s32 s4, s23;
	s25 =	spop (v2sf);
	(v2sf) =	vpush v24, $0x4  }
0x48: {  	[tilespmem:s26], [sflag:$0x1] =	stream.linear.gather [hbm4b:s23+s3], $0x80, $0x38;
	[tilespmem:$0x3200] =	vst v63  }
0x49: {  	s23 =	sand.u32 $0x1FFFFFF0, s25;
	s25 =	spop (v2sf);
	(v2sf) =	vpush v23, $0x4  }
0x4a: {  	s26 =	simm.s32 $0x500;
	s23 =	sadd.s32 s4, s23  }
0x4b: {  	[tilespmem:s26], [sflag:$0x1] =	stream.linear.gather [hbm4b:s23+s3], $0x80, $0x38;
	[tilespmem:$0x3200] =	vst v63  }
0x4c: {  	s23 =	sand.u32 $0x1FFFFFF0, s25;
	s25 =	spop (v2sf);
	(v2sf) =	vpush v24, $0x5;
	_ =	sdelay $0x2  }
0x4d: {  	s26 =	simm.s32 $0x1500;
	s23 =	sadd.s32 s4, s23  }
0x4e: {  	[tilespmem:s26], [sflag:$0x1] =	stream.linear.gather [hbm4b:s23+s3], $0x80, $0x38;
	[tilespmem:$0x3200] =	vst v63  }
0x4f: {  	s23 =	sand.u32 $0x1FFFFFF0, s25;
	s25 =	spop (v2sf);
	(v2sf) =	vpush v23, $0x5;
	_ =	sdelay $0x1  }
0x50: {  	s26 =	simm.s32 $0x580;
	s23 =	sadd.s32 s4, s23  }
0x51: {  	[tilespmem:s26], [sflag:$0x1] =	stream.linear.gather [hbm4b:s23+s3], $0x80, $0x38;
	[tilespmem:$0x3200] =	vst v63  }
0x52: {  	s23 =	sand.u32 $0x1FFFFFF0, s25  }
0x53: {  	s26 =	simm.s32 $0x1580;
	s23 =	sadd.s32 s4, s23;
	s25 =	spop (v2sf);
	(v2sf) =	vpush v24, $0x6  }
0x54: {  	[tilespmem:s26], [sflag:$0x1] =	stream.linear.gather [hbm4b:s23+s3], $0x80, $0x38;
	[tilespmem:$0x3200] =	vst v63  }
0x55: {  	s23 =	sand.u32 $0x1FFFFFF0, s25;
	s25 =	spop (v2sf);
	(v2sf) =	vpush v23, $0x6  }
0x56: {  	s26 =	simm.s32 $0x600;
	s23 =	sadd.s32 s4, s23  }
0x57: {  	[tilespmem:s26], [sflag:$0x1] =	stream.linear.gather [hbm4b:s23+s3], $0x80, $0x38;
	[tilespmem:$0x3200] =	vst v63  }
0x58: {  	s23 =	sand.u32 $0x1FFFFFF0, s25;
	s25 =	spop (v2sf);
	(v2sf) =	vpush v24, $0x7;
	_ =	sdelay $0x2  }
0x59: {  	s26 =	simm.s32 $0x1600;
	s23 =	sadd.s32 s4, s23  }
0x5a: {  	[tilespmem:s26], [sflag:$0x1] =	stream.linear.gather [hbm4b:s23+s3], $0x80, $0x38;
	[tilespmem:$0x3200] =	vst v63  }
0x5b: {  	s23 =	sand.u32 $0x1FFFFFF0, s25;
	s25 =	spop (v2sf);
	(v2sf) =	vpush v23, $0x7;
	_ =	sdelay $0x1  }
0x5c: {  	s26 =	simm.s32 $0x680;
	s23 =	sadd.s32 s4, s23  }
0x5d: {  	[tilespmem:s26], [sflag:$0x1] =	stream.linear.gather [hbm4b:s23+s3], $0x80, $0x38;
	[tilespmem:$0x3200] =	vst v63  }
0x5e: {  	s23 =	sand.u32 $0x1FFFFFF0, s25  }
0x5f: {  	s26 =	simm.s32 $0x1680;
	s23 =	sadd.s32 s4, s23;
	s25 =	spop (v2sf);
	(v2sf) =	vpush v24, $0x8  }
0x60: {  	[tilespmem:s26], [sflag:$0x1] =	stream.linear.gather [hbm4b:s23+s3], $0x80, $0x38;
	[tilespmem:$0x3200] =	vst v63  }
0x61: {  	s23 =	sand.u32 $0x1FFFFFF0, s25;
	s25 =	spop (v2sf);
	(v2sf) =	vpush v23, $0x8  }
0x62: {  	s26 =	simm.s32 $0x700;
	s23 =	sadd.s32 s4, s23  }
0x63: {  	[tilespmem:s26], [sflag:$0x1] =	stream.linear.gather [hbm4b:s23+s3], $0x80, $0x38;
	[tilespmem:$0x3200] =	vst v63  }
0x64: {  	s23 =	sand.u32 $0x1FFFFFF0, s25;
	s25 =	spop (v2sf);
	(v2sf) =	vpush v24, $0x9;
	_ =	sdelay $0x2  }
0x65: {  	s26 =	simm.s32 $0x1700;
	s23 =	sadd.s32 s4, s23  }
0x66: {  	[tilespmem:s26], [sflag:$0x1] =	stream.linear.gather [hbm4b:s23+s3], $0x80, $0x38;
	[tilespmem:$0x3200] =	vst v63  }
0x67: {  	s23 =	sand.u32 $0x1FFFFFF0, s25;
	s25 =	spop (v2sf);
	(v2sf) =	vpush v23, $0x9;
	_ =	sdelay $0x1  }
0x68: {  	s26 =	simm.s32 $0x780;
	s23 =	sadd.s32 s4, s23  }
0x69: {  	[tilespmem:s26], [sflag:$0x1] =	stream.linear.gather [hbm4b:s23+s3], $0x80, $0x38;
	[tilespmem:$0x3200] =	vst v63  }
0x6a: {  	s23 =	sand.u32 $0x1FFFFFF0, s25  }
0x6b: {  	s26 =	simm.s32 $0x1780;
	s23 =	sadd.s32 s4, s23;
	s25 =	spop (v2sf);
	(v2sf) =	vpush v24, $0xA  }
0x6c: {  	[tilespmem:s26], [sflag:$0x1] =	stream.linear.gather [hbm4b:s23+s3], $0x80, $0x38;
	[tilespmem:$0x3200] =	vst v63  }
0x6d: {  	s23 =	sand.u32 $0x1FFFFFF0, s25;
	s25 =	spop (v2sf);
	(v2sf) =	vpush v23, $0xA  }
0x6e: {  	s26 =	simm.s32 $0x800;
	s23 =	sadd.s32 s4, s23  }
0x6f: {  	[tilespmem:s26], [sflag:$0x1] =	stream.linear.gather [hbm4b:s23+s3], $0x80, $0x38;
	[tilespmem:$0x3200] =	vst v63  }
0x70: {  	s23 =	sand.u32 $0x1FFFFFF0, s25;
	s25 =	spop (v2sf);
	(v2sf) =	vpush v24, $0xB;
	_ =	sdelay $0x2  }
0x71: {  	s26 =	simm.s32 $0x1800;
	s23 =	sadd.s32 s4, s23  }
0x72: {  	[tilespmem:s26], [sflag:$0x1] =	stream.linear.gather [hbm4b:s23+s3], $0x80, $0x38;
	[tilespmem:$0x3200] =	vst v63  }
0x73: {  	s23 =	sand.u32 $0x1FFFFFF0, s25;
	s25 =	spop (v2sf);
	(v2sf) =	vpush v23, $0xB;
	_ =	sdelay $0x1  }
0x74: {  	s26 =	simm.s32 $0x880;
	s23 =	sadd.s32 s4, s23  }
0x75: {  	[tilespmem:s26], [sflag:$0x1] =	stream.linear.gather [hbm4b:s23+s3], $0x80, $0x38;
	[tilespmem:$0x3200] =	vst v63  }
0x76: {  	s23 =	sand.u32 $0x1FFFFFF0, s25  }
0x77: {  	s26 =	simm.s32 $0x1880;
	s23 =	sadd.s32 s4, s23;
	s25 =	spop (v2sf);
	(v2sf) =	vpush v24, $0xC  }
0x78: {  	[tilespmem:s26], [sflag:$0x1] =	stream.linear.gather [hbm4b:s23+s3], $0x80, $0x38;
	[tilespmem:$0x3200] =	vst v63  }
0x79: {  	s23 =	sand.u32 $0x1FFFFFF0, s25;
	s25 =	spop (v2sf);
	(v2sf) =	vpush v23, $0xC  }
0x7a: {  	s26 =	simm.s32 $0x900;
	s23 =	sadd.s32 s4, s23  }
0x7b: {  	[tilespmem:s26], [sflag:$0x1] =	stream.linear.gather [hbm4b:s23+s3], $0x80, $0x38;
	[tilespmem:$0x3200] =	vst v63  }
0x7c: {  	s23 =	sand.u32 $0x1FFFFFF0, s25;
	s25 =	spop (v2sf);
	(v2sf) =	vpush v24, $0xD;
	_ =	sdelay $0x2  }
0x7d: {  	s26 =	simm.s32 $0x1900;
	s23 =	sadd.s32 s4, s23  }
0x7e: {  	[tilespmem:s26], [sflag:$0x1] =	stream.linear.gather [hbm4b:s23+s3], $0x80, $0x38;
	[tilespmem:$0x3200] =	vst v63  }
0x7f: {  	s23 =	sand.u32 $0x1FFFFFF0, s25;
	s25 =	spop (v2sf);
	(v2sf) =	vpush v23, $0xD;
	_ =	sdelay $0x1  }
0x80: {  	s26 =	simm.s32 $0x980;
	s23 =	sadd.s32 s4, s23  }
0x81: {  	[tilespmem:s26], [sflag:$0x1] =	stream.linear.gather [hbm4b:s23+s3], $0x80, $0x38;
	[tilespmem:$0x3200] =	vst v63  }
0x82: {  	s23 =	sand.u32 $0x1FFFFFF0, s25  }
0x83: {  	s26 =	simm.s32 $0x1980;
	s23 =	sadd.s32 s4, s23;
	s25 =	spop (v2sf);
	(v2sf) =	vpush v24, $0xE  }
0x84: {  	[tilespmem:s26], [sflag:$0x1] =	stream.linear.gather [hbm4b:s23+s3], $0x80, $0x38;
	[tilespmem:$0x3200] =	vst v63  }
0x85: {  	s23 =	sand.u32 $0x1FFFFFF0, s25;
	s25 =	spop (v2sf);
	(v2sf) =	vpush v23, $0xE  }
0x86: {  	s26 =	simm.s32 $0xA00;
	s23 =	sadd.s32 s4, s23  }
0x87: {  	[tilespmem:s26], [sflag:$0x1] =	stream.linear.gather [hbm4b:s23+s3], $0x80, $0x38;
	[tilespmem:$0x3200] =	vst v63  }
0x88: {  	s23 =	sand.u32 $0x1FFFFFF0, s25;
	s25 =	spop (v2sf);
	(v2sf) =	vpush v24, $0xF;
	_ =	sdelay $0x1  }
0x89: {  	s26 =	simm.s32 $0x1A00;
	s23 =	sadd.s32 s4, s23  }
0x8a: {  	[tilespmem:s26], [sflag:$0x1] =	stream.linear.gather [hbm4b:s23+s3], $0x80, $0x38;
	[tilespmem:$0x3200] =	vst v63  }
0x8b: {  	s23 =	sand.u32 $0x1FFFFFF0, s25  }
0x8c: {  	s26 =	simm.s32 $0xA80;
	s25 =	spop (v2sf);
	(v2sf) =	vpush v23, $0xF;
	s23 =	sadd.s32 s4, s23  }
0x8d: {  	[tilespmem:s26], [sflag:$0x1] =	stream.linear.gather [hbm4b:s23+s3], $0x80, $0x38;
	[tilespmem:$0x3200] =	vst v63  }
0x8e: {  	s23 =	sand.u32 $0x1FFFFFF0, s25  }
0x8f: {  	s26 =	simm.s32 $0x1A80;
	s23 =	sadd.s32 s4, s23  }
0x90: {  	[tilespmem:s26], [sflag:$0x1] =	stream.linear.gather [hbm4b:s23+s3], $0x80, $0x38;
	[tilespmem:$0x3200] =	vst v63  }
0x91: {  	s25 =	spop (v2sf)  }
0x92: {  	s23 =	sand.u32 $0x1FFFFFF0, s25  }
0x93: {  	s26 =	simm.s32 $0xB00;
	s25 =	spop (v2sf);
	s23 =	sadd.s32 s4, s23  }
0x94: {  	[tilespmem:s26], [sflag:$0x1] =	stream.linear.gather [hbm4b:s23+s3], $0x80, $0x38;
	[tilespmem:$0x3200] =	vst v63  }
0x95: {  	s23 =	sand.u32 $0x1FFFFFF0, s25  }
0x96: {  	s26 =	simm.s32 $0x1B00;
	s25 =	spop (v2sf);
	s23 =	sadd.s32 s4, s23  }
0x97: {  	[tilespmem:s26], [sflag:$0x1] =	stream.linear.gather [hbm4b:s23+s3], $0x80, $0x38;
	[tilespmem:$0x3200] =	vst v63  }
0x98: {  	s23 =	sand.u32 $0x1FFFFFF0, s25  }
0x99: {  	s26 =	simm.s32 $0xB80;
	s23 =	sadd.s32 s4, s23  }
0x9a: {  	[tilespmem:s26], [sflag:$0x1] =	stream.linear.gather [hbm4b:s23+s3], $0x80, $0x38;
	[tilespmem:$0x3200] =	vst v63  }
.Ltmp2:
0x9b: {  	s25 =	spop (v2sf);
	(pc) =	sbr.rel .LBB2_2-.Ltmp2, $4  }
0x9c: {  	s23 =	sand.u32 $0x1FFFFFF0, s25  }
0x9d: {  	s26 =	simm.s32 $0x1B80;
	s23 =	sadd.s32 s4, s23  }
0x9e: {  	[tilespmem:s26], [sflag:$0x1] =	stream.linear.gather [hbm4b:s23+s3], $0x80, $0x38;
	[tilespmem:$0x3200] =	vst v63  }
0x9f: {  	s23 =	simm.s32 $0x0  }
.LBB2_4:
0xa0: {  	_ =	swait.ge [sflag:s22], $0x800  }
0xa1: {  	[sflag:s22] =	ssyncset.done $0x0  }
0xa2: {  	[sflag:s22] =	ssyncadd.s32 $0xFFFFF800  }
0xa3: {  	_ =	swait.ge [sflag:s22], $0x800  }
0xa4: {  	[sflag:s22] =	ssyncset.done $0x0  }
0xa5: {  	[sflag:s22] =	ssyncadd.s32 $0xFFFFF800  }
0xa6: {  	v23 =	vld [tilespmem:$0xC00]  }
0xa7: {  	v24 =	vld [tilespmem:$0x1C00]  }
0xa8: {  	v25 =	vld [tilespmem:$0xC10]  }
0xa9: {  	v26 =	vld [tilespmem:$0x1C10]  }
0xaa: {  	v27 =	vld [tilespmem:$0xC20]  }
0xab: {  	v28 =	vld [tilespmem:$0x1C20];
	_ =	sdelay $0x1  }
0xac: {  	v29 =	vld [tilespmem:$0xC30]  }
0xad: {  	v30 =	vld [tilespmem:$0x1C30];
	v23 =	vadd.f32 v23, v16;
	v24 =	vadd.f32 v24, v17  }
0xae: {  	v25 =	vadd.f32 v25, v16;
	v26 =	vadd.f32 v26, v17  }
0xaf: {  	v45 =	vadd.f32 v27, v16;
	v46 =	vadd.f32 v28, v17  }
0xb0: {  	v23 =	vmul.f32 v24, v23;
	v44 =	vmul.f32 v26, v25  }
0xb1: {  	v47 =	vadd.f32 v29, v16;
	v25 =	vmul.f32 v46, v45  }
0xb2: {  	v48 =	vadd.f32 v30, v17;
	v23 =	vmul.f32 v23, v19;
	v24 =	vmul.f32 v44, v20;
	_ =	sdelay $0x1  }
0xb3: {  	v50 =	vmul.f32 v48, v47;
	v49 =	vmul.f32 v25, v21;
	v23 =	vadd.f32 v24, v23;
	_ =	sdelay $0x1  }
0xb4: {  	v51 =	vmul.f32 v50, v22;
	v23 =	vadd.f32 v49, v23;
	_ =	sdelay $0x1  }
0xb5: {  	v23 =	vadd.f32 v51, v23;
	_ =	sdelay $0x1  }
0xb6: {  	[tilespmem:v0+s21+$0x0] =	vst.idx.msk $0xffff, v23  }
0xb7: {  	v23 =	vld [tilespmem:$0xC80]  }
0xb8: {  	v52 =	vld [tilespmem:$0x1C80]  }
0xb9: {  	v53 =	vld [tilespmem:$0xC90]  }
0xba: {  	v54 =	vld [tilespmem:$0x1C90]  }
0xbb: {  	v55 =	vld [tilespmem:$0xCA0]  }
0xbc: {  	v56 =	vld [tilespmem:$0x1CA0];
	_ =	sdelay $0x1  }
0xbd: {  	v57 =	vld [tilespmem:$0xCB0]  }
0xbe: {  	v58 =	vld [tilespmem:$0x1CB0];
	v23 =	vadd.f32 v23, v16;
	v24 =	vadd.f32 v52, v17  }
0xbf: {  	v25 =	vadd.f32 v53, v16;
	v26 =	vadd.f32 v54, v17  }
0xc0: {  	v60 =	vadd.f32 v55, v16;
	v61 =	vadd.f32 v56, v17  }
0xc1: {  	v23 =	vmul.f32 v24, v23;
	v59 =	vmul.f32 v26, v25  }
0xc2: {  	v62 =	vadd.f32 v57, v16;
	v25 =	vmul.f32 v61, v60  }
0xc3: {  	v63 =	vadd.f32 v58, v17;
	v23 =	vmul.f32 v23, v19;
	v24 =	vmul.f32 v59, v20;
	_ =	sdelay $0x1  }
0xc4: {  	v30 =	vmul.f32 v63, v62;
	v29 =	vmul.f32 v25, v21;
	v23 =	vadd.f32 v24, v23;
	_ =	sdelay $0x1  }
0xc5: {  	v31 =	vmul.f32 v30, v22;
	v23 =	vadd.f32 v29, v23;
	_ =	sdelay $0x1  }
0xc6: {  	v23 =	vadd.f32 v31, v23;
	_ =	sdelay $0x1  }
0xc7: {  	[tilespmem:v1+s21+$0x0] =	vst.idx.msk $0xffff, v23  }
0xc8: {  	v23 =	vld [tilespmem:$0xD00]  }
0xc9: {  	v32 =	vld [tilespmem:$0x1D00]  }
0xca: {  	v33 =	vld [tilespmem:$0xD10]  }
0xcb: {  	v34 =	vld [tilespmem:$0x1D10]  }
0xcc: {  	v35 =	vld [tilespmem:$0xD20]  }
0xcd: {  	v36 =	vld [tilespmem:$0x1D20];
	_ =	sdelay $0x1  }
0xce: {  	v37 =	vld [tilespmem:$0xD30]  }
0xcf: {  	v38 =	vld [tilespmem:$0x1D30];
	v23 =	vadd.f32 v23, v16;
	v24 =	vadd.f32 v32, v17  }
0xd0: {  	v25 =	vadd.f32 v33, v16;
	v26 =	vadd.f32 v34, v17  }
0xd1: {  	v40 =	vadd.f32 v35, v16;
	v41 =	vadd.f32 v36, v17  }
0xd2: {  	v23 =	vmul.f32 v24, v23;
	v39 =	vmul.f32 v26, v25  }
0xd3: {  	v42 =	vadd.f32 v37, v16;
	v25 =	vmul.f32 v41, v40  }
0xd4: {  	v43 =	vadd.f32 v38, v17;
	v23 =	vmul.f32 v23, v19;
	v24 =	vmul.f32 v39, v20;
	_ =	sdelay $0x1  }
0xd5: {  	v45 =	vmul.f32 v43, v42;
	v44 =	vmul.f32 v25, v21;
	v23 =	vadd.f32 v24, v23;
	_ =	sdelay $0x1  }
0xd6: {  	v46 =	vmul.f32 v45, v22;
	v23 =	vadd.f32 v44, v23;
	_ =	sdelay $0x1  }
0xd7: {  	v23 =	vadd.f32 v46, v23;
	_ =	sdelay $0x1  }
0xd8: {  	[tilespmem:v2+s21+$0x0] =	vst.idx.msk $0xffff, v23  }
0xd9: {  	v23 =	vld [tilespmem:$0xD80]  }
0xda: {  	v47 =	vld [tilespmem:$0x1D80]  }
0xdb: {  	v48 =	vld [tilespmem:$0xD90]  }
0xdc: {  	v49 =	vld [tilespmem:$0x1D90]  }
0xdd: {  	v50 =	vld [tilespmem:$0xDA0]  }
0xde: {  	v51 =	vld [tilespmem:$0x1DA0];
	_ =	sdelay $0x1  }
0xdf: {  	v52 =	vld [tilespmem:$0xDB0]  }
0xe0: {  	v53 =	vld [tilespmem:$0x1DB0];
	v23 =	vadd.f32 v23, v16;
	v24 =	vadd.f32 v47, v17  }
0xe1: {  	v25 =	vadd.f32 v48, v16;
	v26 =	vadd.f32 v49, v17  }
0xe2: {  	v55 =	vadd.f32 v50, v16;
	v56 =	vadd.f32 v51, v17  }
0xe3: {  	v23 =	vmul.f32 v24, v23;
	v54 =	vmul.f32 v26, v25  }
0xe4: {  	v57 =	vadd.f32 v52, v16;
	v25 =	vmul.f32 v56, v55  }
0xe5: {  	v58 =	vadd.f32 v53, v17;
	v23 =	vmul.f32 v23, v19;
	v24 =	vmul.f32 v54, v20;
	_ =	sdelay $0x1  }
0xe6: {  	v60 =	vmul.f32 v58, v57;
	v59 =	vmul.f32 v25, v21;
	v23 =	vadd.f32 v24, v23;
	_ =	sdelay $0x1  }
0xe7: {  	v61 =	vmul.f32 v60, v22;
	v23 =	vadd.f32 v59, v23;
	_ =	sdelay $0x1  }
0xe8: {  	v23 =	vadd.f32 v61, v23;
	_ =	sdelay $0x1  }
0xe9: {  	[tilespmem:v3+s21+$0x0] =	vst.idx.msk $0xffff, v23  }
0xea: {  	v23 =	vld [tilespmem:$0xE00]  }
0xeb: {  	v62 =	vld [tilespmem:$0x1E00]  }
0xec: {  	v63 =	vld [tilespmem:$0xE10]  }
0xed: {  	v32 =	vld [tilespmem:$0x1E10]  }
0xee: {  	v33 =	vld [tilespmem:$0xE20]  }
0xef: {  	v34 =	vld [tilespmem:$0x1E20];
	_ =	sdelay $0x1  }
0xf0: {  	v35 =	vld [tilespmem:$0xE30]  }
0xf1: {  	v36 =	vld [tilespmem:$0x1E30];
	v23 =	vadd.f32 v23, v16;
	v24 =	vadd.f32 v62, v17  }
0xf2: {  	v25 =	vadd.f32 v63, v16;
	v26 =	vadd.f32 v32, v17  }
0xf3: {  	v38 =	vadd.f32 v33, v16;
	v39 =	vadd.f32 v34, v17  }
0xf4: {  	v23 =	vmul.f32 v24, v23;
	v37 =	vmul.f32 v26, v25  }
0xf5: {  	v40 =	vadd.f32 v35, v16;
	v25 =	vmul.f32 v39, v38  }
0xf6: {  	v41 =	vadd.f32 v36, v17;
	v23 =	vmul.f32 v23, v19;
	v24 =	vmul.f32 v37, v20;
	_ =	sdelay $0x1  }
0xf7: {  	v43 =	vmul.f32 v41, v40;
	v42 =	vmul.f32 v25, v21;
	v23 =	vadd.f32 v24, v23;
	_ =	sdelay $0x1  }
0xf8: {  	v44 =	vmul.f32 v43, v22;
	v23 =	vadd.f32 v42, v23;
	_ =	sdelay $0x1  }
0xf9: {  	v23 =	vadd.f32 v44, v23;
	_ =	sdelay $0x1  }
0xfa: {  	[tilespmem:v4+s21+$0x0] =	vst.idx.msk $0xffff, v23  }
0xfb: {  	v23 =	vld [tilespmem:$0xE80]  }
0xfc: {  	v45 =	vld [tilespmem:$0x1E80]  }
0xfd: {  	v46 =	vld [tilespmem:$0xE90]  }
0xfe: {  	v47 =	vld [tilespmem:$0x1E90]  }
0xff: {  	v48 =	vld [tilespmem:$0xEA0]  }
0x100: {  	v49 =	vld [tilespmem:$0x1EA0];
	_ =	sdelay $0x1  }
0x101: {  	v50 =	vld [tilespmem:$0xEB0]  }
0x102: {  	v51 =	vld [tilespmem:$0x1EB0];
	v23 =	vadd.f32 v23, v16;
	v24 =	vadd.f32 v45, v17  }
0x103: {  	v25 =	vadd.f32 v46, v16;
	v26 =	vadd.f32 v47, v17  }
0x104: {  	v53 =	vadd.f32 v48, v16;
	v54 =	vadd.f32 v49, v17  }
0x105: {  	v23 =	vmul.f32 v24, v23;
	v52 =	vmul.f32 v26, v25  }
0x106: {  	v55 =	vadd.f32 v50, v16;
	v25 =	vmul.f32 v54, v53  }
0x107: {  	v56 =	vadd.f32 v51, v17;
	v23 =	vmul.f32 v23, v19;
	v24 =	vmul.f32 v52, v20;
	_ =	sdelay $0x1  }
0x108: {  	v58 =	vmul.f32 v56, v55;
	v57 =	vmul.f32 v25, v21;
	v23 =	vadd.f32 v24, v23;
	_ =	sdelay $0x1  }
0x109: {  	v59 =	vmul.f32 v58, v22;
	v23 =	vadd.f32 v57, v23;
	_ =	sdelay $0x1  }
0x10a: {  	v23 =	vadd.f32 v59, v23;
	_ =	sdelay $0x1  }
0x10b: {  	[tilespmem:v5+s21+$0x0] =	vst.idx.msk $0xffff, v23  }
0x10c: {  	v23 =	vld [tilespmem:$0xF00]  }
0x10d: {  	v60 =	vld [tilespmem:$0x1F00]  }
0x10e: {  	v61 =	vld [tilespmem:$0xF10]  }
0x10f: {  	v62 =	vld [tilespmem:$0x1F10]  }
0x110: {  	v63 =	vld [tilespmem:$0xF20]  }
0x111: {  	v33 =	vld [tilespmem:$0x1F20];
	_ =	sdelay $0x1  }
0x112: {  	v34 =	vld [tilespmem:$0xF30]  }
0x113: {  	v35 =	vld [tilespmem:$0x1F30];
	v23 =	vadd.f32 v23, v16;
	v24 =	vadd.f32 v60, v17  }
0x114: {  	v25 =	vadd.f32 v61, v16;
	v26 =	vadd.f32 v62, v17  }
0x115: {  	v37 =	vadd.f32 v63, v16;
	v38 =	vadd.f32 v33, v17  }
0x116: {  	v23 =	vmul.f32 v24, v23;
	v36 =	vmul.f32 v26, v25  }
0x117: {  	v39 =	vadd.f32 v34, v16;
	v25 =	vmul.f32 v38, v37  }
0x118: {  	v40 =	vadd.f32 v35, v17;
	v23 =	vmul.f32 v23, v19;
	v24 =	vmul.f32 v36, v20;
	_ =	sdelay $0x1  }
0x119: {  	v42 =	vmul.f32 v40, v39;
	v41 =	vmul.f32 v25, v21;
	v23 =	vadd.f32 v24, v23;
	_ =	sdelay $0x1  }
0x11a: {  	v43 =	vmul.f32 v42, v22;
	v23 =	vadd.f32 v41, v23;
	_ =	sdelay $0x1  }
0x11b: {  	v23 =	vadd.f32 v43, v23;
	_ =	sdelay $0x1  }
0x11c: {  	[tilespmem:v6+s21+$0x0] =	vst.idx.msk $0xffff, v23  }
0x11d: {  	v23 =	vld [tilespmem:$0xF80]  }
0x11e: {  	v44 =	vld [tilespmem:$0x1F80]  }
0x11f: {  	v45 =	vld [tilespmem:$0xF90]  }
0x120: {  	v46 =	vld [tilespmem:$0x1F90]  }
0x121: {  	v47 =	vld [tilespmem:$0xFA0]  }
0x122: {  	v48 =	vld [tilespmem:$0x1FA0];
	_ =	sdelay $0x1  }
0x123: {  	v49 =	vld [tilespmem:$0xFB0]  }
0x124: {  	v50 =	vld [tilespmem:$0x1FB0];
	v23 =	vadd.f32 v23, v16;
	v24 =	vadd.f32 v44, v17  }
0x125: {  	v25 =	vadd.f32 v45, v16;
	v26 =	vadd.f32 v46, v17  }
0x126: {  	v52 =	vadd.f32 v47, v16;
	v53 =	vadd.f32 v48, v17  }
0x127: {  	v23 =	vmul.f32 v24, v23;
	v51 =	vmul.f32 v26, v25  }
0x128: {  	v54 =	vadd.f32 v49, v16;
	v25 =	vmul.f32 v53, v52  }
0x129: {  	v55 =	vadd.f32 v50, v17;
	v23 =	vmul.f32 v23, v19;
	v24 =	vmul.f32 v51, v20;
	_ =	sdelay $0x1  }
0x12a: {  	v57 =	vmul.f32 v55, v54;
	v56 =	vmul.f32 v25, v21;
	v23 =	vadd.f32 v24, v23;
	_ =	sdelay $0x1  }
0x12b: {  	v58 =	vmul.f32 v57, v22;
	v23 =	vadd.f32 v56, v23;
	_ =	sdelay $0x1  }
0x12c: {  	v23 =	vadd.f32 v58, v23;
	_ =	sdelay $0x1  }
0x12d: {  	[tilespmem:v7+s21+$0x0] =	vst.idx.msk $0xffff, v23  }
0x12e: {  	v23 =	vld [tilespmem:$0x1000]  }
0x12f: {  	v59 =	vld [tilespmem:$0x2000]  }
0x130: {  	v60 =	vld [tilespmem:$0x1010]  }
0x131: {  	v61 =	vld [tilespmem:$0x2010]  }
0x132: {  	v62 =	vld [tilespmem:$0x1020]  }
0x133: {  	v63 =	vld [tilespmem:$0x2020];
	_ =	sdelay $0x1  }
0x134: {  	v33 =	vld [tilespmem:$0x1030]  }
0x135: {  	v34 =	vld [tilespmem:$0x2030];
	v23 =	vadd.f32 v23, v16;
	v24 =	vadd.f32 v59, v17  }
0x136: {  	v25 =	vadd.f32 v60, v16;
	v26 =	vadd.f32 v61, v17  }
0x137: {  	v36 =	vadd.f32 v62, v16;
	v37 =	vadd.f32 v63, v17  }
0x138: {  	v23 =	vmul.f32 v24, v23;
	v35 =	vmul.f32 v26, v25  }
0x139: {  	v38 =	vadd.f32 v33, v16;
	v25 =	vmul.f32 v37, v36  }
0x13a: {  	v39 =	vadd.f32 v34, v17;
	v23 =	vmul.f32 v23, v19;
	v24 =	vmul.f32 v35, v20;
	_ =	sdelay $0x1  }
0x13b: {  	v41 =	vmul.f32 v39, v38;
	v40 =	vmul.f32 v25, v21;
	v23 =	vadd.f32 v24, v23;
	_ =	sdelay $0x1  }
0x13c: {  	v42 =	vmul.f32 v41, v22;
	v23 =	vadd.f32 v40, v23;
	_ =	sdelay $0x1  }
0x13d: {  	v23 =	vadd.f32 v42, v23;
	_ =	sdelay $0x1  }
0x13e: {  	[tilespmem:v8+s21+$0x0] =	vst.idx.msk $0xffff, v23  }
0x13f: {  	v23 =	vld [tilespmem:$0x1080]  }
0x140: {  	v43 =	vld [tilespmem:$0x2080]  }
0x141: {  	v44 =	vld [tilespmem:$0x1090]  }
0x142: {  	v45 =	vld [tilespmem:$0x2090]  }
0x143: {  	v46 =	vld [tilespmem:$0x10A0]  }
0x144: {  	v47 =	vld [tilespmem:$0x20A0];
	_ =	sdelay $0x1  }
0x145: {  	v48 =	vld [tilespmem:$0x10B0]  }
0x146: {  	v49 =	vld [tilespmem:$0x20B0];
	v23 =	vadd.f32 v23, v16;
	v24 =	vadd.f32 v43, v17  }
0x147: {  	v25 =	vadd.f32 v44, v16;
	v26 =	vadd.f32 v45, v17  }
0x148: {  	v51 =	vadd.f32 v46, v16;
	v52 =	vadd.f32 v47, v17  }
0x149: {  	v23 =	vmul.f32 v24, v23;
	v50 =	vmul.f32 v26, v25  }
0x14a: {  	v53 =	vadd.f32 v48, v16;
	v25 =	vmul.f32 v52, v51  }
0x14b: {  	v54 =	vadd.f32 v49, v17;
	v23 =	vmul.f32 v23, v19;
	v24 =	vmul.f32 v50, v20;
	_ =	sdelay $0x1  }
0x14c: {  	v56 =	vmul.f32 v54, v53;
	v55 =	vmul.f32 v25, v21;
	v23 =	vadd.f32 v24, v23;
	_ =	sdelay $0x1  }
0x14d: {  	v57 =	vmul.f32 v56, v22;
	v23 =	vadd.f32 v55, v23;
	_ =	sdelay $0x1  }
0x14e: {  	v23 =	vadd.f32 v57, v23;
	_ =	sdelay $0x1  }
0x14f: {  	[tilespmem:v9+s21+$0x0] =	vst.idx.msk $0xffff, v23  }
0x150: {  	v23 =	vld [tilespmem:$0x1100]  }
0x151: {  	v58 =	vld [tilespmem:$0x2100]  }
0x152: {  	v59 =	vld [tilespmem:$0x1110]  }
0x153: {  	v60 =	vld [tilespmem:$0x2110]  }
0x154: {  	v61 =	vld [tilespmem:$0x1120]  }
0x155: {  	v62 =	vld [tilespmem:$0x2120];
	_ =	sdelay $0x1  }
0x156: {  	v63 =	vld [tilespmem:$0x1130]  }
0x157: {  	v33 =	vld [tilespmem:$0x2130];
	v23 =	vadd.f32 v23, v16;
	v24 =	vadd.f32 v58, v17  }
0x158: {  	v25 =	vadd.f32 v59, v16;
	v26 =	vadd.f32 v60, v17  }
0x159: {  	v35 =	vadd.f32 v61, v16;
	v36 =	vadd.f32 v62, v17  }
0x15a: {  	v23 =	vmul.f32 v24, v23;
	v34 =	vmul.f32 v26, v25  }
0x15b: {  	v37 =	vadd.f32 v63, v16;
	v25 =	vmul.f32 v36, v35  }
0x15c: {  	v38 =	vadd.f32 v33, v17;
	v23 =	vmul.f32 v23, v19;
	v24 =	vmul.f32 v34, v20;
	_ =	sdelay $0x1  }
0x15d: {  	v40 =	vmul.f32 v38, v37;
	v39 =	vmul.f32 v25, v21;
	v23 =	vadd.f32 v24, v23;
	_ =	sdelay $0x1  }
0x15e: {  	v41 =	vmul.f32 v40, v22;
	v23 =	vadd.f32 v39, v23;
	_ =	sdelay $0x1  }
0x15f: {  	v23 =	vadd.f32 v41, v23;
	_ =	sdelay $0x1  }
0x160: {  	[tilespmem:v10+s21+$0x0] =	vst.idx.msk $0xffff, v23  }
0x161: {  	v23 =	vld [tilespmem:$0x1180]  }
0x162: {  	v42 =	vld [tilespmem:$0x2180]  }
0x163: {  	v43 =	vld [tilespmem:$0x1190]  }
0x164: {  	v44 =	vld [tilespmem:$0x2190]  }
0x165: {  	v45 =	vld [tilespmem:$0x11A0]  }
0x166: {  	v46 =	vld [tilespmem:$0x21A0];
	_ =	sdelay $0x1  }
0x167: {  	v47 =	vld [tilespmem:$0x11B0]  }
0x168: {  	v48 =	vld [tilespmem:$0x21B0];
	v23 =	vadd.f32 v23, v16;
	v24 =	vadd.f32 v42, v17  }
0x169: {  	v25 =	vadd.f32 v43, v16;
	v26 =	vadd.f32 v44, v17  }
0x16a: {  	v50 =	vadd.f32 v45, v16;
	v51 =	vadd.f32 v46, v17  }
0x16b: {  	v23 =	vmul.f32 v24, v23;
	v49 =	vmul.f32 v26, v25  }
0x16c: {  	v52 =	vadd.f32 v47, v16;
	v25 =	vmul.f32 v51, v50  }
0x16d: {  	v53 =	vadd.f32 v48, v17;
	v23 =	vmul.f32 v23, v19;
	v24 =	vmul.f32 v49, v20;
	_ =	sdelay $0x1  }
0x16e: {  	v55 =	vmul.f32 v53, v52;
	v54 =	vmul.f32 v25, v21;
	v23 =	vadd.f32 v24, v23;
	_ =	sdelay $0x1  }
0x16f: {  	v56 =	vmul.f32 v55, v22;
	v23 =	vadd.f32 v54, v23;
	_ =	sdelay $0x1  }
0x170: {  	v23 =	vadd.f32 v56, v23;
	_ =	sdelay $0x1  }
0x171: {  	[tilespmem:v11+s21+$0x0] =	vst.idx.msk $0xffff, v23  }
0x172: {  	v23 =	vld [tilespmem:$0x1200]  }
0x173: {  	v57 =	vld [tilespmem:$0x2200]  }
0x174: {  	v58 =	vld [tilespmem:$0x1210]  }
0x175: {  	v59 =	vld [tilespmem:$0x2210]  }
0x176: {  	v60 =	vld [tilespmem:$0x1220]  }
0x177: {  	v61 =	vld [tilespmem:$0x2220];
	_ =	sdelay $0x1  }
0x178: {  	v62 =	vld [tilespmem:$0x1230]  }
0x179: {  	v63 =	vld [tilespmem:$0x2230];
	v23 =	vadd.f32 v23, v16;
	v24 =	vadd.f32 v57, v17  }
0x17a: {  	v25 =	vadd.f32 v58, v16;
	v26 =	vadd.f32 v59, v17  }
0x17b: {  	v33 =	vadd.f32 v60, v16;
	v34 =	vadd.f32 v61, v17  }
0x17c: {  	v23 =	vmul.f32 v24, v23;
	v32 =	vmul.f32 v26, v25  }
0x17d: {  	v35 =	vadd.f32 v62, v16;
	v25 =	vmul.f32 v34, v33  }
0x17e: {  	v36 =	vadd.f32 v63, v17;
	v23 =	vmul.f32 v23, v19;
	v24 =	vmul.f32 v32, v20;
	_ =	sdelay $0x1  }
0x17f: {  	v38 =	vmul.f32 v36, v35;
	v37 =	vmul.f32 v25, v21;
	v23 =	vadd.f32 v24, v23;
	_ =	sdelay $0x1  }
0x180: {  	v39 =	vmul.f32 v38, v22;
	v23 =	vadd.f32 v37, v23;
	_ =	sdelay $0x1  }
0x181: {  	v23 =	vadd.f32 v39, v23;
	_ =	sdelay $0x1  }
0x182: {  	[tilespmem:v12+s21+$0x0] =	vst.idx.msk $0xffff, v23  }
0x183: {  	v23 =	vld [tilespmem:$0x1280]  }
0x184: {  	v40 =	vld [tilespmem:$0x2280]  }
0x185: {  	v41 =	vld [tilespmem:$0x1290]  }
0x186: {  	v42 =	vld [tilespmem:$0x2290]  }
0x187: {  	v43 =	vld [tilespmem:$0x12A0]  }
0x188: {  	v44 =	vld [tilespmem:$0x22A0];
	_ =	sdelay $0x1  }
0x189: {  	v45 =	vld [tilespmem:$0x12B0]  }
0x18a: {  	v46 =	vld [tilespmem:$0x22B0];
	v23 =	vadd.f32 v23, v16;
	v24 =	vadd.f32 v40, v17  }
0x18b: {  	v25 =	vadd.f32 v41, v16;
	v26 =	vadd.f32 v42, v17  }
0x18c: {  	v48 =	vadd.f32 v43, v16;
	v49 =	vadd.f32 v44, v17  }
0x18d: {  	v23 =	vmul.f32 v24, v23;
	v47 =	vmul.f32 v26, v25  }
0x18e: {  	v50 =	vadd.f32 v45, v16;
	v25 =	vmul.f32 v49, v48  }
0x18f: {  	v51 =	vadd.f32 v46, v17;
	v23 =	vmul.f32 v23, v19;
	v24 =	vmul.f32 v47, v20;
	_ =	sdelay $0x1  }
0x190: {  	v53 =	vmul.f32 v51, v50;
	v52 =	vmul.f32 v25, v21;
	v23 =	vadd.f32 v24, v23;
	_ =	sdelay $0x1  }
0x191: {  	v54 =	vmul.f32 v53, v22;
	v23 =	vadd.f32 v52, v23;
	_ =	sdelay $0x1  }
0x192: {  	v23 =	vadd.f32 v54, v23;
	_ =	sdelay $0x1  }
0x193: {  	[tilespmem:v13+s21+$0x0] =	vst.idx.msk $0xffff, v23  }
0x194: {  	v23 =	vld [tilespmem:$0x1300]  }
0x195: {  	v55 =	vld [tilespmem:$0x2300]  }
0x196: {  	v56 =	vld [tilespmem:$0x1310]  }
0x197: {  	v57 =	vld [tilespmem:$0x2310]  }
0x198: {  	v58 =	vld [tilespmem:$0x1320]  }
0x199: {  	v59 =	vld [tilespmem:$0x2320];
	_ =	sdelay $0x1  }
0x19a: {  	v60 =	vld [tilespmem:$0x1330]  }
0x19b: {  	v61 =	vld [tilespmem:$0x2330];
	v23 =	vadd.f32 v23, v16;
	v24 =	vadd.f32 v55, v17  }
0x19c: {  	v25 =	vadd.f32 v56, v16;
	v26 =	vadd.f32 v57, v17  }
0x19d: {  	v63 =	vadd.f32 v58, v16;
	v28 =	vadd.f32 v59, v17  }
0x19e: {  	v23 =	vmul.f32 v24, v23;
	v62 =	vmul.f32 v26, v25  }
0x19f: {  	v31 =	vadd.f32 v60, v16;
	v25 =	vmul.f32 v28, v63  }
0x1a0: {  	v32 =	vadd.f32 v61, v17;
	v23 =	vmul.f32 v23, v19;
	v24 =	vmul.f32 v62, v20;
	_ =	sdelay $0x1  }
0x1a1: {  	v34 =	vmul.f32 v32, v31;
	v33 =	vmul.f32 v25, v21;
	v23 =	vadd.f32 v24, v23;
	_ =	sdelay $0x1  }
0x1a2: {  	v35 =	vmul.f32 v34, v22;
	v23 =	vadd.f32 v33, v23;
	_ =	sdelay $0x1  }
0x1a3: {  	v23 =	vadd.f32 v35, v23;
	_ =	sdelay $0x1  }
0x1a4: {  	[tilespmem:v14+s21+$0x0] =	vst.idx.msk $0xffff, v23  }
0x1a5: {  	v23 =	vld [tilespmem:$0x1380]  }
0x1a6: {  	v36 =	vld [tilespmem:$0x2380]  }
0x1a7: {  	v37 =	vld [tilespmem:$0x1390]  }
0x1a8: {  	v38 =	vld [tilespmem:$0x2390]  }
0x1a9: {  	v39 =	vld [tilespmem:$0x13A0]  }
0x1aa: {  	v40 =	vld [tilespmem:$0x23A0];
	_ =	sdelay $0x1  }
0x1ab: {  	v41 =	vld [tilespmem:$0x13B0]  }
0x1ac: {  	v42 =	vld [tilespmem:$0x23B0];
	v23 =	vadd.f32 v23, v16;
	v24 =	vadd.f32 v36, v17  }
0x1ad: {  	v25 =	vadd.f32 v37, v16;
	v26 =	vadd.f32 v38, v17  }
0x1ae: {  	v43 =	vadd.f32 v39, v16;
	v44 =	vadd.f32 v40, v17  }
0x1af: {  	v23 =	vmul.f32 v24, v23;
	v25 =	vmul.f32 v26, v25  }
0x1b0: {  	v45 =	vadd.f32 v41, v16;
	v24 =	vmul.f32 v44, v43  }
0x1b1: {  	v46 =	vadd.f32 v42, v17;
	v23 =	vmul.f32 v23, v19;
	v25 =	vmul.f32 v25, v20;
	_ =	sdelay $0x1  }
0x1b2: {  	v47 =	vmul.f32 v46, v45;
	v24 =	vmul.f32 v24, v21;
	v23 =	vadd.f32 v25, v23;
	_ =	sdelay $0x1  }
0x1b3: {  	v48 =	vmul.f32 v47, v22;
	v23 =	vadd.f32 v24, v23;
	_ =	sdelay $0x1  }
0x1b4: {  	v23 =	vadd.f32 v48, v23;
	_ =	sdelay $0x1  }
0x1b5: {  	[tilespmem:v15+s21+$0x0] =	vst.idx.msk $0xffff, v23  }
0x1b6: {  	v23 =	vld [tilespmem:$0x2A00]  }
0x1b7: {  	v49 =	vld [tilespmem:$0x2A80];
	_ =	sdelay $0x1  }
0x1b8: {  	v50 =	vld [tilespmem:$0x2B00];
	_ =	sdelay $0x1  }
0x1b9: {  	v51 =	vld [tilespmem:$0x2B80]  }
0x1ba: {  	v23 =	vadd.f32 v49, v23  }
0x1bb: {  	v52 =	vld [tilespmem:$0x2C00]  }
0x1bc: {  	v23 =	vadd.f32 v50, v23  }
0x1bd: {  	v53 =	vld [tilespmem:$0x2C80]  }
0x1be: {  	v23 =	vadd.f32 v51, v23  }
0x1bf: {  	v54 =	vld [tilespmem:$0x2D00]  }
0x1c0: {  	v23 =	vadd.f32 v52, v23  }
0x1c1: {  	v55 =	vld [tilespmem:$0x2D80]  }
0x1c2: {  	v23 =	vadd.f32 v53, v23  }
0x1c3: {  	v56 =	vld [tilespmem:$0x2E00]  }
0x1c4: {  	v23 =	vadd.f32 v54, v23  }
0x1c5: {  	v57 =	vld [tilespmem:$0x2E80]  }
0x1c6: {  	v23 =	vadd.f32 v55, v23  }
0x1c7: {  	v58 =	vld [tilespmem:$0x2F00]  }
0x1c8: {  	v23 =	vadd.f32 v56, v23  }
0x1c9: {  	v59 =	vld [tilespmem:$0x2F80]  }
0x1ca: {  	v23 =	vadd.f32 v57, v23  }
0x1cb: {  	v60 =	vld [tilespmem:$0x3000]  }
0x1cc: {  	v23 =	vadd.f32 v58, v23  }
0x1cd: {  	v61 =	vld [tilespmem:$0x3080]  }
0x1ce: {  	v23 =	vadd.f32 v59, v23  }
0x1cf: {  	v62 =	vld [tilespmem:$0x3100]  }
0x1d0: {  	v23 =	vadd.f32 v60, v23  }
0x1d1: {  	v63 =	vld [tilespmem:$0x3180]  }
0x1d2: {  	v23 =	vadd.f32 v61, v23;
	_ =	sdelay $0x1  }
0x1d3: {  	v23 =	vadd.f32 v62, v23;
	_ =	sdelay $0x1  }
0x1d4: {  	v23 =	vadd.f32 v63, v23;
	_ =	sdelay $0x1  }
0x1d5: {  	v23 =	vadd.f32 v23, v18;
	_ =	sdelay $0x1  }
0x1d6: {  	v23 =	vsub.f32 $0.0e+00, v23;
	_ =	sdelay $0x1  }
0x1d7: {  	v23 =	vmul.f32 $1.442695020e+00, v23;
	_ =	sdelay $0x1  }
0x1d8: {  	(erf) = vpow2.f32 v23;
	_ =	sdelay $0x8  }
0x1d9: {  	v23 =	vpop (erf)  }
0x1da: {  	v23 =	vadd.f32 $1.000000000e+00, v23;
	_ =	sdelay $0x1  }
0x1db: {  	(erf) = vrcp.f32 v23;
	_ =	sdelay $0x3  }
0x1dc: {  	s23 =	sadd.s32 $0x80, s23  }
0x1dd: {  	p0 =	sne.s32 s23, $0x800  }
.Ltmp3:
0x1de: {  	_ = 	snop;
	(pc) =	sbr.rel @!p0 .LBB2_5-.Ltmp3, $3  }
0x1df: {  	_ =	sdelay $0x1  }
0x1e0: {  	v23 =	vpop (erf)  }
0x1e1: {  	[tilespmem:s24+$0x2810] =	vst v23  }
.LBB2_2:
0x1e2: {  	s24 =	sshra.s32 s23, $0x2  }
0x1e3: {  	v23 =	vld [tilespmem:s24+$0x10];
	_ =	sdelay $0x3  }
0x1e4: {  	v25 =	vld [tilespmem:s24+$0x210]  }
0x1e5: {  	v24 =	vshll.u32 v23, $0x4  }
0x1e6: {  	(v2sf) =	vpush v24, $0x0;
	_ =	sdelay $0x2  }
0x1e7: {  	v23 =	vshll.u32 v25, $0x4  }
0x1e8: {  	(v2sf) =	vpush v23, $0x0;
	_ =	sdelay $0x3  }
0x1e9: {  	(v2sf) =	vpush v24, $0x1;
	_ =	sdelay $0x3  }
0x1ea: {  	(v2sf) =	vpush v23, $0x1;
	_ =	sdelay $0x2  }
0x1eb: {  	s25 =	spop (v2sf)  }
0x1ec: {  	(v2sf) =	vpush v24, $0x2;
	s25 =	sand.u32 $0x1FFFFFF0, s25  }
0x1ed: {  	s26 =	simm.s32 $0xC00;
	s25 =	sadd.s32 s4, s25  }
0x1ee: {  	[tilespmem:s26], [sflag:$0x2] =	stream.linear.gather [hbm4b:s25+s3], $0x80, $0x38;
	[tilespmem:$0x3200] =	vst v63  }
0x1ef: {  	s26 =	spop (v2sf)  }
0x1f0: {  	(v2sf) =	vpush v23, $0x2;
	s25 =	sand.u32 $0x1FFFFFF0, s26  }
0x1f1: {  	s26 =	simm.s32 $0x1C00;
	s25 =	sadd.s32 s4, s25  }
0x1f2: {  	[tilespmem:s26], [sflag:$0x2] =	stream.linear.gather [hbm4b:s25+s3], $0x80, $0x38;
	[tilespmem:$0x3200] =	vst v63  }
0x1f3: {  	s26 =	spop (v2sf)  }
0x1f4: {  	(v2sf) =	vpush v24, $0x3;
	s25 =	sand.u32 $0x1FFFFFF0, s26  }
0x1f5: {  	s26 =	simm.s32 $0xC80;
	s25 =	sadd.s32 s4, s25  }
0x1f6: {  	[tilespmem:s26], [sflag:$0x2] =	stream.linear.gather [hbm4b:s25+s3], $0x80, $0x38;
	[tilespmem:$0x3200] =	vst v63  }
0x1f7: {  	s26 =	spop (v2sf)  }
0x1f8: {  	(v2sf) =	vpush v23, $0x3;
	s25 =	sand.u32 $0x1FFFFFF0, s26  }
0x1f9: {  	s26 =	simm.s32 $0x1C80;
	s25 =	sadd.s32 s4, s25  }
0x1fa: {  	[tilespmem:s26], [sflag:$0x2] =	stream.linear.gather [hbm4b:s25+s3], $0x80, $0x38;
	[tilespmem:$0x3200] =	vst v63  }
0x1fb: {  	s26 =	spop (v2sf)  }
0x1fc: {  	(v2sf) =	vpush v24, $0x4;
	s25 =	sand.u32 $0x1FFFFFF0, s26  }
0x1fd: {  	s26 =	simm.s32 $0xD00;
	s25 =	sadd.s32 s4, s25  }
0x1fe: {  	[tilespmem:s26], [sflag:$0x2] =	stream.linear.gather [hbm4b:s25+s3], $0x80, $0x38;
	[tilespmem:$0x3200] =	vst v63  }
0x1ff: {  	s26 =	spop (v2sf)  }
0x200: {  	(v2sf) =	vpush v23, $0x4;
	s25 =	sand.u32 $0x1FFFFFF0, s26  }
0x201: {  	s26 =	simm.s32 $0x1D00;
	s25 =	sadd.s32 s4, s25  }
0x202: {  	[tilespmem:s26], [sflag:$0x2] =	stream.linear.gather [hbm4b:s25+s3], $0x80, $0x38;
	[tilespmem:$0x3200] =	vst v63  }
0x203: {  	s26 =	spop (v2sf)  }
0x204: {  	(v2sf) =	vpush v24, $0x5;
	s25 =	sand.u32 $0x1FFFFFF0, s26  }
0x205: {  	s26 =	simm.s32 $0xD80;
	s25 =	sadd.s32 s4, s25  }
0x206: {  	[tilespmem:s26], [sflag:$0x2] =	stream.linear.gather [hbm4b:s25+s3], $0x80, $0x38;
	[tilespmem:$0x3200] =	vst v63  }
0x207: {  	s26 =	spop (v2sf)  }
0x208: {  	(v2sf) =	vpush v23, $0x5;
	s25 =	sand.u32 $0x1FFFFFF0, s26  }
0x209: {  	s26 =	simm.s32 $0x1D80;
	s25 =	sadd.s32 s4, s25  }
0x20a: {  	[tilespmem:s26], [sflag:$0x2] =	stream.linear.gather [hbm4b:s25+s3], $0x80, $0x38;
	[tilespmem:$0x3200] =	vst v63  }
0x20b: {  	s26 =	spop (v2sf)  }
0x20c: {  	(v2sf) =	vpush v24, $0x6;
	s25 =	sand.u32 $0x1FFFFFF0, s26  }
0x20d: {  	s26 =	simm.s32 $0xE00;
	s25 =	sadd.s32 s4, s25  }
0x20e: {  	[tilespmem:s26], [sflag:$0x2] =	stream.linear.gather [hbm4b:s25+s3], $0x80, $0x38;
	[tilespmem:$0x3200] =	vst v63  }
0x20f: {  	s26 =	spop (v2sf)  }
0x210: {  	(v2sf) =	vpush v23, $0x6;
	s25 =	sand.u32 $0x1FFFFFF0, s26  }
0x211: {  	s26 =	simm.s32 $0x1E00;
	s25 =	sadd.s32 s4, s25  }
0x212: {  	[tilespmem:s26], [sflag:$0x2] =	stream.linear.gather [hbm4b:s25+s3], $0x80, $0x38;
	[tilespmem:$0x3200] =	vst v63  }
0x213: {  	s26 =	spop (v2sf)  }
0x214: {  	(v2sf) =	vpush v24, $0x7;
	s25 =	sand.u32 $0x1FFFFFF0, s26  }
0x215: {  	s26 =	simm.s32 $0xE80;
	s25 =	sadd.s32 s4, s25  }
0x216: {  	[tilespmem:s26], [sflag:$0x2] =	stream.linear.gather [hbm4b:s25+s3], $0x80, $0x38;
	[tilespmem:$0x3200] =	vst v63  }
0x217: {  	s26 =	spop (v2sf)  }
0x218: {  	(v2sf) =	vpush v23, $0x7;
	s25 =	sand.u32 $0x1FFFFFF0, s26  }
0x219: {  	s25 =	sadd.s32 s4, s25  }
0x21a: {  	[tilespmem:s29], [sflag:$0x2] =	stream.linear.gather [hbm4b:s25+s3], $0x80, $0x38;
	[tilespmem:$0x3200] =	vst v63  }
0x21b: {  	s26 =	spop (v2sf)  }
0x21c: {  	(v2sf) =	vpush v24, $0x8;
	s25 =	sand.u32 $0x1FFFFFF0, s26  }
0x21d: {  	s25 =	sadd.s32 s4, s25  }
0x21e: {  	[tilespmem:s30], [sflag:$0x2] =	stream.linear.gather [hbm4b:s25+s3], $0x80, $0x38;
	[tilespmem:$0x3200] =	vst v63  }
0x21f: {  	s26 =	spop (v2sf)  }
0x220: {  	(v2sf) =	vpush v23, $0x8;
	s25 =	sand.u32 $0x1FFFFFF0, s26  }
0x221: {  	s25 =	sadd.s32 s4, s25  }
0x222: {  	[tilespmem:s31], [sflag:$0x2] =	stream.linear.gather [hbm4b:s25+s3], $0x80, $0x38;
	[tilespmem:$0x3200] =	vst v63  }
0x223: {  	s26 =	spop (v2sf)  }
0x224: {  	(v2sf) =	vpush v24, $0x9;
	s25 =	sand.u32 $0x1FFFFFF0, s26  }
0x225: {  	s25 =	sadd.s32 s4, s25  }
0x226: {  	[tilespmem:s0], [sflag:$0x2] =	stream.linear.gather [hbm4b:s25+s3], $0x80, $0x38;
	[tilespmem:$0x3200] =	vst v63  }
0x227: {  	s26 =	spop (v2sf)  }
0x228: {  	(v2sf) =	vpush v23, $0x9;
	s25 =	sand.u32 $0x1FFFFFF0, s26  }
0x229: {  	s25 =	sadd.s32 s4, s25  }
0x22a: {  	[tilespmem:s1], [sflag:$0x2] =	stream.linear.gather [hbm4b:s25+s3], $0x80, $0x38;
	[tilespmem:$0x3200] =	vst v63  }
0x22b: {  	s26 =	spop (v2sf)  }
0x22c: {  	(v2sf) =	vpush v24, $0xA;
	s25 =	sand.u32 $0x1FFFFFF0, s26  }
0x22d: {  	s25 =	sadd.s32 s4, s25  }
0x22e: {  	[tilespmem:s2], [sflag:$0x2] =	stream.linear.gather [hbm4b:s25+s3], $0x80, $0x38;
	[tilespmem:$0x3200] =	vst v63  }
0x22f: {  	s26 =	spop (v2sf)  }
0x230: {  	(v2sf) =	vpush v23, $0xA;
	s25 =	sand.u32 $0x1FFFFFF0, s26  }
0x231: {  	s25 =	sadd.s32 s4, s25  }
0x232: {  	[tilespmem:s12], [sflag:$0x2] =	stream.linear.gather [hbm4b:s25+s3], $0x80, $0x38;
	[tilespmem:$0x3200] =	vst v63  }
0x233: {  	s26 =	spop (v2sf)  }
0x234: {  	(v2sf) =	vpush v24, $0xB;
	s25 =	sand.u32 $0x1FFFFFF0, s26  }
0x235: {  	s25 =	sadd.s32 s4, s25  }
0x236: {  	[tilespmem:s13], [sflag:$0x2] =	stream.linear.gather [hbm4b:s25+s3], $0x80, $0x38;
	[tilespmem:$0x3200] =	vst v63  }
0x237: {  	s26 =	spop (v2sf)  }
0x238: {  	(v2sf) =	vpush v23, $0xB;
	s25 =	sand.u32 $0x1FFFFFF0, s26  }
0x239: {  	s25 =	sadd.s32 s4, s25  }
0x23a: {  	[tilespmem:s9], [sflag:$0x2] =	stream.linear.gather [hbm4b:s25+s3], $0x80, $0x38;
	[tilespmem:$0x3200] =	vst v63  }
0x23b: {  	s26 =	spop (v2sf)  }
0x23c: {  	(v2sf) =	vpush v24, $0xC;
	s25 =	sand.u32 $0x1FFFFFF0, s26  }
0x23d: {  	s25 =	sadd.s32 s4, s25  }
0x23e: {  	[tilespmem:s5], [sflag:$0x2] =	stream.linear.gather [hbm4b:s25+s3], $0x80, $0x38;
	[tilespmem:$0x3200] =	vst v63  }
0x23f: {  	s26 =	spop (v2sf)  }
0x240: {  	(v2sf) =	vpush v23, $0xC;
	s25 =	sand.u32 $0x1FFFFFF0, s26  }
0x241: {  	s25 =	sadd.s32 s4, s25  }
0x242: {  	[tilespmem:s6], [sflag:$0x2] =	stream.linear.gather [hbm4b:s25+s3], $0x80, $0x38;
	[tilespmem:$0x3200] =	vst v63  }
0x243: {  	s26 =	spop (v2sf)  }
0x244: {  	(v2sf) =	vpush v24, $0xD;
	s25 =	sand.u32 $0x1FFFFFF0, s26  }
0x245: {  	s25 =	sadd.s32 s4, s25  }
0x246: {  	[tilespmem:s7], [sflag:$0x2] =	stream.linear.gather [hbm4b:s25+s3], $0x80, $0x38;
	[tilespmem:$0x3200] =	vst v63  }
0x247: {  	s26 =	spop (v2sf)  }
0x248: {  	(v2sf) =	vpush v23, $0xD;
	s25 =	sand.u32 $0x1FFFFFF0, s26  }
0x249: {  	s25 =	sadd.s32 s4, s25  }
0x24a: {  	[tilespmem:s8], [sflag:$0x2] =	stream.linear.gather [hbm4b:s25+s3], $0x80, $0x38;
	[tilespmem:$0x3200] =	vst v63  }
0x24b: {  	s26 =	spop (v2sf)  }
0x24c: {  	(v2sf) =	vpush v24, $0xE;
	s25 =	sand.u32 $0x1FFFFFF0, s26  }
0x24d: {  	s25 =	sadd.s32 s4, s25  }
0x24e: {  	[tilespmem:s11], [sflag:$0x2] =	stream.linear.gather [hbm4b:s25+s3], $0x80, $0x38;
	[tilespmem:$0x3200] =	vst v63  }
0x24f: {  	s26 =	spop (v2sf)  }
0x250: {  	(v2sf) =	vpush v23, $0xE;
	s25 =	sand.u32 $0x1FFFFFF0, s26  }
0x251: {  	s25 =	sadd.s32 s4, s25  }
0x252: {  	[tilespmem:s14], [sflag:$0x2] =	stream.linear.gather [hbm4b:s25+s3], $0x80, $0x38;
	[tilespmem:$0x3200] =	vst v63  }
0x253: {  	s26 =	spop (v2sf)  }
0x254: {  	(v2sf) =	vpush v24, $0xF;
	s25 =	sand.u32 $0x1FFFFFF0, s26  }
0x255: {  	s25 =	sadd.s32 s4, s25  }
0x256: {  	[tilespmem:s15], [sflag:$0x2] =	stream.linear.gather [hbm4b:s25+s3], $0x80, $0x38;
	[tilespmem:$0x3200] =	vst v63  }
0x257: {  	s26 =	spop (v2sf)  }
0x258: {  	(v2sf) =	vpush v23, $0xF;
	s25 =	sand.u32 $0x1FFFFFF0, s26  }
0x259: {  	s25 =	sadd.s32 s4, s25  }
0x25a: {  	[tilespmem:s16], [sflag:$0x2] =	stream.linear.gather [hbm4b:s25+s3], $0x80, $0x38;
	[tilespmem:$0x3200] =	vst v63  }
0x25b: {  	s26 =	spop (v2sf)  }
0x25c: {  	s25 =	sand.u32 $0x1FFFFFF0, s26  }
0x25d: {  	s25 =	sadd.s32 s4, s25  }
0x25e: {  	[tilespmem:s10], [sflag:$0x2] =	stream.linear.gather [hbm4b:s25+s3], $0x80, $0x38;
	[tilespmem:$0x3200] =	vst v63  }
0x25f: {  	s26 =	spop (v2sf)  }
0x260: {  	s25 =	sand.u32 $0x1FFFFFF0, s26  }
0x261: {  	s25 =	sadd.s32 s4, s25  }
0x262: {  	[tilespmem:s17], [sflag:$0x2] =	stream.linear.gather [hbm4b:s25+s3], $0x80, $0x38;
	[tilespmem:$0x3200] =	vst v63  }
0x263: {  	s26 =	spop (v2sf)  }
0x264: {  	s25 =	sand.u32 $0x1FFFFFF0, s26  }
0x265: {  	s25 =	sadd.s32 s4, s25  }
0x266: {  	[tilespmem:s18], [sflag:$0x2] =	stream.linear.gather [hbm4b:s25+s3], $0x80, $0x38;
	[tilespmem:$0x3200] =	vst v63  }
0x267: {  	s26 =	spop (v2sf)  }
0x268: {  	s25 =	sand.u32 $0x1FFFFFF0, s26  }
0x269: {  	s25 =	sadd.s32 s4, s25  }
0x26a: {  	[tilespmem:s19], [sflag:$0x2] =	stream.linear.gather [hbm4b:s25+s3], $0x80, $0x38;
	[tilespmem:$0x3200] =	vst v63  }
0x26b: {  	_ =	swait.ge [sflag:s20], $0x800  }
0x26c: {  	[sflag:s20] =	ssyncset.done $0x0  }
0x26d: {  	[sflag:s20] =	ssyncadd.s32 $0xFFFFF800  }
0x26e: {  	_ =	swait.ge [sflag:s20], $0x800  }
0x26f: {  	[sflag:s20] =	ssyncset.done $0x0  }
0x270: {  	[sflag:s20] =	ssyncadd.s32 $0xFFFFF800  }
0x271: {  	v23 =	vld [tilespmem:$0x400]  }
0x272: {  	v42 =	vld [tilespmem:$0x1400]  }
0x273: {  	v43 =	vld [tilespmem:$0x410]  }
0x274: {  	v26 =	vld [tilespmem:$0x1410]  }
0x275: {  	v27 =	vld [tilespmem:$0x420]  }
0x276: {  	v28 =	vld [tilespmem:$0x1420];
	_ =	sdelay $0x1  }
0x277: {  	v29 =	vld [tilespmem:$0x430]  }
0x278: {  	v30 =	vld [tilespmem:$0x1430];
	v23 =	vadd.f32 v23, v16;
	v24 =	vadd.f32 v42, v17  }
0x279: {  	v25 =	vadd.f32 v43, v16;
	v26 =	vadd.f32 v26, v17  }
0x27a: {  	v45 =	vadd.f32 v27, v16;
	v46 =	vadd.f32 v28, v17  }
0x27b: {  	v23 =	vmul.f32 v24, v23;
	v44 =	vmul.f32 v26, v25  }
0x27c: {  	v47 =	vadd.f32 v29, v16;
	v25 =	vmul.f32 v46, v45  }
0x27d: {  	v48 =	vadd.f32 v30, v17;
	v23 =	vmul.f32 v23, v19;
	v24 =	vmul.f32 v44, v20;
	_ =	sdelay $0x1  }
0x27e: {  	v50 =	vmul.f32 v48, v47;
	v49 =	vmul.f32 v25, v21;
	v23 =	vadd.f32 v24, v23;
	_ =	sdelay $0x1  }
0x27f: {  	v51 =	vmul.f32 v50, v22;
	v23 =	vadd.f32 v49, v23;
	_ =	sdelay $0x1  }
0x280: {  	v23 =	vadd.f32 v51, v23;
	_ =	sdelay $0x1  }
0x281: {  	[tilespmem:v0+s21+$0x0] =	vst.idx.msk $0xffff, v23  }
0x282: {  	v23 =	vld [tilespmem:$0x480]  }
0x283: {  	v52 =	vld [tilespmem:$0x1480]  }
0x284: {  	v53 =	vld [tilespmem:$0x490]  }
0x285: {  	v54 =	vld [tilespmem:$0x1490]  }
0x286: {  	v55 =	vld [tilespmem:$0x4A0]  }
0x287: {  	v56 =	vld [tilespmem:$0x14A0];
	_ =	sdelay $0x1  }
0x288: {  	v57 =	vld [tilespmem:$0x4B0]  }
0x289: {  	v58 =	vld [tilespmem:$0x14B0];
	v23 =	vadd.f32 v23, v16;
	v24 =	vadd.f32 v52, v17  }
0x28a: {  	v25 =	vadd.f32 v53, v16;
	v26 =	vadd.f32 v54, v17  }
0x28b: {  	v60 =	vadd.f32 v55, v16;
	v61 =	vadd.f32 v56, v17  }
0x28c: {  	v23 =	vmul.f32 v24, v23;
	v59 =	vmul.f32 v26, v25  }
0x28d: {  	v62 =	vadd.f32 v57, v16;
	v25 =	vmul.f32 v61, v60  }
0x28e: {  	v63 =	vadd.f32 v58, v17;
	v23 =	vmul.f32 v23, v19;
	v24 =	vmul.f32 v59, v20;
	_ =	sdelay $0x1  }
0x28f: {  	v30 =	vmul.f32 v63, v62;
	v29 =	vmul.f32 v25, v21;
	v23 =	vadd.f32 v24, v23;
	_ =	sdelay $0x1  }
0x290: {  	v31 =	vmul.f32 v30, v22;
	v23 =	vadd.f32 v29, v23;
	_ =	sdelay $0x1  }
0x291: {  	v23 =	vadd.f32 v31, v23;
	_ =	sdelay $0x1  }
0x292: {  	[tilespmem:v1+s21+$0x0] =	vst.idx.msk $0xffff, v23  }
0x293: {  	v23 =	vld [tilespmem:$0x500]  }
0x294: {  	v32 =	vld [tilespmem:$0x1500]  }
0x295: {  	v33 =	vld [tilespmem:$0x510]  }
0x296: {  	v34 =	vld [tilespmem:$0x1510]  }
0x297: {  	v35 =	vld [tilespmem:$0x520]  }
0x298: {  	v36 =	vld [tilespmem:$0x1520];
	_ =	sdelay $0x1  }
0x299: {  	v37 =	vld [tilespmem:$0x530]  }
0x29a: {  	v38 =	vld [tilespmem:$0x1530];
	v23 =	vadd.f32 v23, v16;
	v24 =	vadd.f32 v32, v17  }
0x29b: {  	v25 =	vadd.f32 v33, v16;
	v26 =	vadd.f32 v34, v17  }
0x29c: {  	v40 =	vadd.f32 v35, v16;
	v41 =	vadd.f32 v36, v17  }
0x29d: {  	v23 =	vmul.f32 v24, v23;
	v39 =	vmul.f32 v26, v25  }
0x29e: {  	v42 =	vadd.f32 v37, v16;
	v25 =	vmul.f32 v41, v40  }
0x29f: {  	v43 =	vadd.f32 v38, v17;
	v23 =	vmul.f32 v23, v19;
	v24 =	vmul.f32 v39, v20;
	_ =	sdelay $0x1  }
0x2a0: {  	v45 =	vmul.f32 v43, v42;
	v44 =	vmul.f32 v25, v21;
	v23 =	vadd.f32 v24, v23;
	_ =	sdelay $0x1  }
0x2a1: {  	v46 =	vmul.f32 v45, v22;
	v23 =	vadd.f32 v44, v23;
	_ =	sdelay $0x1  }
0x2a2: {  	v23 =	vadd.f32 v46, v23;
	_ =	sdelay $0x1  }
0x2a3: {  	[tilespmem:v2+s21+$0x0] =	vst.idx.msk $0xffff, v23  }
0x2a4: {  	v23 =	vld [tilespmem:$0x580]  }
0x2a5: {  	v47 =	vld [tilespmem:$0x1580]  }
0x2a6: {  	v48 =	vld [tilespmem:$0x590]  }
0x2a7: {  	v49 =	vld [tilespmem:$0x1590]  }
0x2a8: {  	v50 =	vld [tilespmem:$0x5A0]  }
0x2a9: {  	v51 =	vld [tilespmem:$0x15A0];
	_ =	sdelay $0x1  }
0x2aa: {  	v52 =	vld [tilespmem:$0x5B0]  }
0x2ab: {  	v53 =	vld [tilespmem:$0x15B0];
	v23 =	vadd.f32 v23, v16;
	v24 =	vadd.f32 v47, v17  }
0x2ac: {  	v25 =	vadd.f32 v48, v16;
	v26 =	vadd.f32 v49, v17  }
0x2ad: {  	v55 =	vadd.f32 v50, v16;
	v56 =	vadd.f32 v51, v17  }
0x2ae: {  	v23 =	vmul.f32 v24, v23;
	v54 =	vmul.f32 v26, v25  }
0x2af: {  	v57 =	vadd.f32 v52, v16;
	v25 =	vmul.f32 v56, v55  }
0x2b0: {  	v58 =	vadd.f32 v53, v17;
	v23 =	vmul.f32 v23, v19;
	v24 =	vmul.f32 v54, v20;
	_ =	sdelay $0x1  }
0x2b1: {  	v60 =	vmul.f32 v58, v57;
	v59 =	vmul.f32 v25, v21;
	v23 =	vadd.f32 v24, v23;
	_ =	sdelay $0x1  }
0x2b2: {  	v61 =	vmul.f32 v60, v22;
	v23 =	vadd.f32 v59, v23;
	_ =	sdelay $0x1  }
0x2b3: {  	v23 =	vadd.f32 v61, v23;
	_ =	sdelay $0x1  }
0x2b4: {  	[tilespmem:v3+s21+$0x0] =	vst.idx.msk $0xffff, v23  }
0x2b5: {  	v23 =	vld [tilespmem:$0x600]  }
0x2b6: {  	v62 =	vld [tilespmem:$0x1600]  }
0x2b7: {  	v63 =	vld [tilespmem:$0x610]  }
0x2b8: {  	v32 =	vld [tilespmem:$0x1610]  }
0x2b9: {  	v33 =	vld [tilespmem:$0x620]  }
0x2ba: {  	v34 =	vld [tilespmem:$0x1620];
	_ =	sdelay $0x1  }
0x2bb: {  	v35 =	vld [tilespmem:$0x630]  }
0x2bc: {  	v36 =	vld [tilespmem:$0x1630];
	v23 =	vadd.f32 v23, v16;
	v24 =	vadd.f32 v62, v17  }
0x2bd: {  	v25 =	vadd.f32 v63, v16;
	v26 =	vadd.f32 v32, v17  }
0x2be: {  	v38 =	vadd.f32 v33, v16;
	v39 =	vadd.f32 v34, v17  }
0x2bf: {  	v23 =	vmul.f32 v24, v23;
	v37 =	vmul.f32 v26, v25  }
0x2c0: {  	v40 =	vadd.f32 v35, v16;
	v25 =	vmul.f32 v39, v38  }
0x2c1: {  	v41 =	vadd.f32 v36, v17;
	v23 =	vmul.f32 v23, v19;
	v24 =	vmul.f32 v37, v20;
	_ =	sdelay $0x1  }
0x2c2: {  	v43 =	vmul.f32 v41, v40;
	v42 =	vmul.f32 v25, v21;
	v23 =	vadd.f32 v24, v23;
	_ =	sdelay $0x1  }
0x2c3: {  	v44 =	vmul.f32 v43, v22;
	v23 =	vadd.f32 v42, v23;
	_ =	sdelay $0x1  }
0x2c4: {  	v23 =	vadd.f32 v44, v23;
	_ =	sdelay $0x1  }
0x2c5: {  	[tilespmem:v4+s21+$0x0] =	vst.idx.msk $0xffff, v23  }
0x2c6: {  	v23 =	vld [tilespmem:$0x680]  }
0x2c7: {  	v45 =	vld [tilespmem:$0x1680]  }
0x2c8: {  	v46 =	vld [tilespmem:$0x690]  }
0x2c9: {  	v47 =	vld [tilespmem:$0x1690]  }
0x2ca: {  	v48 =	vld [tilespmem:$0x6A0]  }
0x2cb: {  	v49 =	vld [tilespmem:$0x16A0];
	_ =	sdelay $0x1  }
0x2cc: {  	v50 =	vld [tilespmem:$0x6B0]  }
0x2cd: {  	v51 =	vld [tilespmem:$0x16B0];
	v23 =	vadd.f32 v23, v16;
	v24 =	vadd.f32 v45, v17  }
0x2ce: {  	v25 =	vadd.f32 v46, v16;
	v26 =	vadd.f32 v47, v17  }
0x2cf: {  	v53 =	vadd.f32 v48, v16;
	v54 =	vadd.f32 v49, v17  }
0x2d0: {  	v23 =	vmul.f32 v24, v23;
	v52 =	vmul.f32 v26, v25  }
0x2d1: {  	v55 =	vadd.f32 v50, v16;
	v25 =	vmul.f32 v54, v53  }
0x2d2: {  	v56 =	vadd.f32 v51, v17;
	v23 =	vmul.f32 v23, v19;
	v24 =	vmul.f32 v52, v20;
	_ =	sdelay $0x1  }
0x2d3: {  	v58 =	vmul.f32 v56, v55;
	v57 =	vmul.f32 v25, v21;
	v23 =	vadd.f32 v24, v23;
	_ =	sdelay $0x1  }
0x2d4: {  	v59 =	vmul.f32 v58, v22;
	v23 =	vadd.f32 v57, v23;
	_ =	sdelay $0x1  }
0x2d5: {  	v23 =	vadd.f32 v59, v23;
	_ =	sdelay $0x1  }
0x2d6: {  	[tilespmem:v5+s21+$0x0] =	vst.idx.msk $0xffff, v23  }
0x2d7: {  	v23 =	vld [tilespmem:$0x700]  }
0x2d8: {  	v60 =	vld [tilespmem:$0x1700]  }
0x2d9: {  	v61 =	vld [tilespmem:$0x710]  }
0x2da: {  	v62 =	vld [tilespmem:$0x1710]  }
0x2db: {  	v63 =	vld [tilespmem:$0x720]  }
0x2dc: {  	v33 =	vld [tilespmem:$0x1720];
	_ =	sdelay $0x1  }
0x2dd: {  	v34 =	vld [tilespmem:$0x730]  }
0x2de: {  	v35 =	vld [tilespmem:$0x1730];
	v23 =	vadd.f32 v23, v16;
	v24 =	vadd.f32 v60, v17  }
0x2df: {  	v25 =	vadd.f32 v61, v16;
	v26 =	vadd.f32 v62, v17  }
0x2e0: {  	v37 =	vadd.f32 v63, v16;
	v38 =	vadd.f32 v33, v17  }
0x2e1: {  	v23 =	vmul.f32 v24, v23;
	v36 =	vmul.f32 v26, v25  }
0x2e2: {  	v39 =	vadd.f32 v34, v16;
	v25 =	vmul.f32 v38, v37  }
0x2e3: {  	v40 =	vadd.f32 v35, v17;
	v23 =	vmul.f32 v23, v19;
	v24 =	vmul.f32 v36, v20;
	_ =	sdelay $0x1  }
0x2e4: {  	v42 =	vmul.f32 v40, v39;
	v41 =	vmul.f32 v25, v21;
	v23 =	vadd.f32 v24, v23;
	_ =	sdelay $0x1  }
0x2e5: {  	v43 =	vmul.f32 v42, v22;
	v23 =	vadd.f32 v41, v23;
	_ =	sdelay $0x1  }
0x2e6: {  	v23 =	vadd.f32 v43, v23;
	_ =	sdelay $0x1  }
0x2e7: {  	[tilespmem:v6+s21+$0x0] =	vst.idx.msk $0xffff, v23  }
0x2e8: {  	v23 =	vld [tilespmem:$0x780]  }
0x2e9: {  	v44 =	vld [tilespmem:$0x1780]  }
0x2ea: {  	v45 =	vld [tilespmem:$0x790]  }
0x2eb: {  	v46 =	vld [tilespmem:$0x1790]  }
0x2ec: {  	v47 =	vld [tilespmem:$0x7A0]  }
0x2ed: {  	v48 =	vld [tilespmem:$0x17A0];
	_ =	sdelay $0x1  }
0x2ee: {  	v49 =	vld [tilespmem:$0x7B0]  }
0x2ef: {  	v50 =	vld [tilespmem:$0x17B0];
	v23 =	vadd.f32 v23, v16;
	v24 =	vadd.f32 v44, v17  }
0x2f0: {  	v25 =	vadd.f32 v45, v16;
	v26 =	vadd.f32 v46, v17  }
0x2f1: {  	v52 =	vadd.f32 v47, v16;
	v53 =	vadd.f32 v48, v17  }
0x2f2: {  	v23 =	vmul.f32 v24, v23;
	v51 =	vmul.f32 v26, v25  }
0x2f3: {  	v54 =	vadd.f32 v49, v16;
	v25 =	vmul.f32 v53, v52  }
0x2f4: {  	v55 =	vadd.f32 v50, v17;
	v23 =	vmul.f32 v23, v19;
	v24 =	vmul.f32 v51, v20;
	_ =	sdelay $0x1  }
0x2f5: {  	v57 =	vmul.f32 v55, v54;
	v56 =	vmul.f32 v25, v21;
	v23 =	vadd.f32 v24, v23;
	_ =	sdelay $0x1  }
0x2f6: {  	v58 =	vmul.f32 v57, v22;
	v23 =	vadd.f32 v56, v23;
	_ =	sdelay $0x1  }
0x2f7: {  	v23 =	vadd.f32 v58, v23;
	_ =	sdelay $0x1  }
0x2f8: {  	[tilespmem:v7+s21+$0x0] =	vst.idx.msk $0xffff, v23  }
0x2f9: {  	v23 =	vld [tilespmem:$0x800]  }
0x2fa: {  	v59 =	vld [tilespmem:$0x1800]  }
0x2fb: {  	v60 =	vld [tilespmem:$0x810]  }
0x2fc: {  	v61 =	vld [tilespmem:$0x1810]  }
0x2fd: {  	v62 =	vld [tilespmem:$0x820]  }
0x2fe: {  	v63 =	vld [tilespmem:$0x1820];
	_ =	sdelay $0x1  }
0x2ff: {  	v33 =	vld [tilespmem:$0x830]  }
0x300: {  	v34 =	vld [tilespmem:$0x1830];
	v23 =	vadd.f32 v23, v16;
	v24 =	vadd.f32 v59, v17  }
0x301: {  	v25 =	vadd.f32 v60, v16;
	v26 =	vadd.f32 v61, v17  }
0x302: {  	v36 =	vadd.f32 v62, v16;
	v37 =	vadd.f32 v63, v17  }
0x303: {  	v23 =	vmul.f32 v24, v23;
	v35 =	vmul.f32 v26, v25  }
0x304: {  	v38 =	vadd.f32 v33, v16;
	v25 =	vmul.f32 v37, v36  }
0x305: {  	v39 =	vadd.f32 v34, v17;
	v23 =	vmul.f32 v23, v19;
	v24 =	vmul.f32 v35, v20;
	_ =	sdelay $0x1  }
0x306: {  	v41 =	vmul.f32 v39, v38;
	v40 =	vmul.f32 v25, v21;
	v23 =	vadd.f32 v24, v23;
	_ =	sdelay $0x1  }
0x307: {  	v42 =	vmul.f32 v41, v22;
	v23 =	vadd.f32 v40, v23;
	_ =	sdelay $0x1  }
0x308: {  	v23 =	vadd.f32 v42, v23;
	_ =	sdelay $0x1  }
0x309: {  	[tilespmem:v8+s21+$0x0] =	vst.idx.msk $0xffff, v23  }
0x30a: {  	v23 =	vld [tilespmem:$0x880]  }
0x30b: {  	v43 =	vld [tilespmem:$0x1880]  }
0x30c: {  	v44 =	vld [tilespmem:$0x890]  }
0x30d: {  	v45 =	vld [tilespmem:$0x1890]  }
0x30e: {  	v46 =	vld [tilespmem:$0x8A0]  }
0x30f: {  	v47 =	vld [tilespmem:$0x18A0];
	_ =	sdelay $0x1  }
0x310: {  	v48 =	vld [tilespmem:$0x8B0]  }
0x311: {  	v49 =	vld [tilespmem:$0x18B0];
	v23 =	vadd.f32 v23, v16;
	v24 =	vadd.f32 v43, v17  }
0x312: {  	v25 =	vadd.f32 v44, v16;
	v26 =	vadd.f32 v45, v17  }
0x313: {  	v51 =	vadd.f32 v46, v16;
	v52 =	vadd.f32 v47, v17  }
0x314: {  	v23 =	vmul.f32 v24, v23;
	v50 =	vmul.f32 v26, v25  }
0x315: {  	v53 =	vadd.f32 v48, v16;
	v25 =	vmul.f32 v52, v51  }
0x316: {  	v54 =	vadd.f32 v49, v17;
	v23 =	vmul.f32 v23, v19;
	v24 =	vmul.f32 v50, v20;
	_ =	sdelay $0x1  }
0x317: {  	v56 =	vmul.f32 v54, v53;
	v55 =	vmul.f32 v25, v21;
	v23 =	vadd.f32 v24, v23;
	_ =	sdelay $0x1  }
0x318: {  	v57 =	vmul.f32 v56, v22;
	v23 =	vadd.f32 v55, v23;
	_ =	sdelay $0x1  }
0x319: {  	v23 =	vadd.f32 v57, v23;
	_ =	sdelay $0x1  }
0x31a: {  	[tilespmem:v9+s21+$0x0] =	vst.idx.msk $0xffff, v23  }
0x31b: {  	v23 =	vld [tilespmem:$0x900]  }
0x31c: {  	v58 =	vld [tilespmem:$0x1900]  }
0x31d: {  	v59 =	vld [tilespmem:$0x910]  }
0x31e: {  	v60 =	vld [tilespmem:$0x1910]  }
0x31f: {  	v61 =	vld [tilespmem:$0x920]  }
0x320: {  	v62 =	vld [tilespmem:$0x1920];
	_ =	sdelay $0x1  }
0x321: {  	v63 =	vld [tilespmem:$0x930]  }
0x322: {  	v33 =	vld [tilespmem:$0x1930];
	v23 =	vadd.f32 v23, v16;
	v24 =	vadd.f32 v58, v17  }
0x323: {  	v25 =	vadd.f32 v59, v16;
	v26 =	vadd.f32 v60, v17  }
0x324: {  	v35 =	vadd.f32 v61, v16;
	v36 =	vadd.f32 v62, v17  }
0x325: {  	v23 =	vmul.f32 v24, v23;
	v34 =	vmul.f32 v26, v25  }
0x326: {  	v37 =	vadd.f32 v63, v16;
	v25 =	vmul.f32 v36, v35  }
0x327: {  	v38 =	vadd.f32 v33, v17;
	v23 =	vmul.f32 v23, v19;
	v24 =	vmul.f32 v34, v20;
	_ =	sdelay $0x1  }
0x328: {  	v40 =	vmul.f32 v38, v37;
	v39 =	vmul.f32 v25, v21;
	v23 =	vadd.f32 v24, v23;
	_ =	sdelay $0x1  }
0x329: {  	v41 =	vmul.f32 v40, v22;
	v23 =	vadd.f32 v39, v23;
	_ =	sdelay $0x1  }
0x32a: {  	v23 =	vadd.f32 v41, v23;
	_ =	sdelay $0x1  }
0x32b: {  	[tilespmem:v10+s21+$0x0] =	vst.idx.msk $0xffff, v23  }
0x32c: {  	v23 =	vld [tilespmem:$0x980]  }
0x32d: {  	v42 =	vld [tilespmem:$0x1980]  }
0x32e: {  	v43 =	vld [tilespmem:$0x990]  }
0x32f: {  	v44 =	vld [tilespmem:$0x1990]  }
0x330: {  	v45 =	vld [tilespmem:$0x9A0]  }
0x331: {  	v46 =	vld [tilespmem:$0x19A0];
	_ =	sdelay $0x1  }
0x332: {  	v47 =	vld [tilespmem:$0x9B0]  }
0x333: {  	v48 =	vld [tilespmem:$0x19B0];
	v23 =	vadd.f32 v23, v16;
	v24 =	vadd.f32 v42, v17  }
0x334: {  	v25 =	vadd.f32 v43, v16;
	v26 =	vadd.f32 v44, v17  }
0x335: {  	v50 =	vadd.f32 v45, v16;
	v51 =	vadd.f32 v46, v17  }
0x336: {  	v23 =	vmul.f32 v24, v23;
	v49 =	vmul.f32 v26, v25  }
0x337: {  	v52 =	vadd.f32 v47, v16;
	v25 =	vmul.f32 v51, v50  }
0x338: {  	v53 =	vadd.f32 v48, v17;
	v23 =	vmul.f32 v23, v19;
	v24 =	vmul.f32 v49, v20;
	_ =	sdelay $0x1  }
0x339: {  	v55 =	vmul.f32 v53, v52;
	v54 =	vmul.f32 v25, v21;
	v23 =	vadd.f32 v24, v23;
	_ =	sdelay $0x1  }
0x33a: {  	v56 =	vmul.f32 v55, v22;
	v23 =	vadd.f32 v54, v23;
	_ =	sdelay $0x1  }
0x33b: {  	v23 =	vadd.f32 v56, v23;
	_ =	sdelay $0x1  }
0x33c: {  	[tilespmem:v11+s21+$0x0] =	vst.idx.msk $0xffff, v23  }
0x33d: {  	v23 =	vld [tilespmem:$0xA00]  }
0x33e: {  	v57 =	vld [tilespmem:$0x1A00]  }
0x33f: {  	v58 =	vld [tilespmem:$0xA10]  }
0x340: {  	v59 =	vld [tilespmem:$0x1A10]  }
0x341: {  	v60 =	vld [tilespmem:$0xA20]  }
0x342: {  	v61 =	vld [tilespmem:$0x1A20];
	_ =	sdelay $0x1  }
0x343: {  	v62 =	vld [tilespmem:$0xA30]  }
0x344: {  	v63 =	vld [tilespmem:$0x1A30];
	v23 =	vadd.f32 v23, v16;
	v24 =	vadd.f32 v57, v17  }
0x345: {  	v25 =	vadd.f32 v58, v16;
	v26 =	vadd.f32 v59, v17  }
0x346: {  	v33 =	vadd.f32 v60, v16;
	v34 =	vadd.f32 v61, v17  }
0x347: {  	v23 =	vmul.f32 v24, v23;
	v32 =	vmul.f32 v26, v25  }
0x348: {  	v35 =	vadd.f32 v62, v16;
	v25 =	vmul.f32 v34, v33  }
0x349: {  	v36 =	vadd.f32 v63, v17;
	v23 =	vmul.f32 v23, v19;
	v24 =	vmul.f32 v32, v20;
	_ =	sdelay $0x1  }
0x34a: {  	v38 =	vmul.f32 v36, v35;
	v37 =	vmul.f32 v25, v21;
	v23 =	vadd.f32 v24, v23;
	_ =	sdelay $0x1  }
0x34b: {  	v39 =	vmul.f32 v38, v22;
	v23 =	vadd.f32 v37, v23;
	_ =	sdelay $0x1  }
0x34c: {  	v23 =	vadd.f32 v39, v23;
	_ =	sdelay $0x1  }
0x34d: {  	[tilespmem:v12+s21+$0x0] =	vst.idx.msk $0xffff, v23  }
0x34e: {  	v23 =	vld [tilespmem:$0xA80]  }
0x34f: {  	v40 =	vld [tilespmem:$0x1A80]  }
0x350: {  	v41 =	vld [tilespmem:$0xA90]  }
0x351: {  	v42 =	vld [tilespmem:$0x1A90]  }
0x352: {  	v43 =	vld [tilespmem:$0xAA0]  }
0x353: {  	v44 =	vld [tilespmem:$0x1AA0];
	_ =	sdelay $0x1  }
0x354: {  	v45 =	vld [tilespmem:$0xAB0]  }
0x355: {  	v46 =	vld [tilespmem:$0x1AB0];
	v23 =	vadd.f32 v23, v16;
	v24 =	vadd.f32 v40, v17  }
0x356: {  	v25 =	vadd.f32 v41, v16;
	v26 =	vadd.f32 v42, v17  }
0x357: {  	v48 =	vadd.f32 v43, v16;
	v49 =	vadd.f32 v44, v17  }
0x358: {  	v23 =	vmul.f32 v24, v23;
	v47 =	vmul.f32 v26, v25  }
0x359: {  	v50 =	vadd.f32 v45, v16;
	v25 =	vmul.f32 v49, v48  }
0x35a: {  	v51 =	vadd.f32 v46, v17;
	v23 =	vmul.f32 v23, v19;
	v24 =	vmul.f32 v47, v20;
	_ =	sdelay $0x1  }
0x35b: {  	v53 =	vmul.f32 v51, v50;
	v52 =	vmul.f32 v25, v21;
	v23 =	vadd.f32 v24, v23;
	_ =	sdelay $0x1  }
0x35c: {  	v54 =	vmul.f32 v53, v22;
	v23 =	vadd.f32 v52, v23;
	_ =	sdelay $0x1  }
0x35d: {  	v23 =	vadd.f32 v54, v23;
	_ =	sdelay $0x1  }
0x35e: {  	[tilespmem:v13+s21+$0x0] =	vst.idx.msk $0xffff, v23  }
0x35f: {  	v23 =	vld [tilespmem:$0xB00]  }
0x360: {  	v55 =	vld [tilespmem:$0x1B00]  }
0x361: {  	v56 =	vld [tilespmem:$0xB10]  }
0x362: {  	v57 =	vld [tilespmem:$0x1B10]  }
0x363: {  	v58 =	vld [tilespmem:$0xB20]  }
0x364: {  	v59 =	vld [tilespmem:$0x1B20];
	_ =	sdelay $0x1  }
0x365: {  	v60 =	vld [tilespmem:$0xB30]  }
0x366: {  	v61 =	vld [tilespmem:$0x1B30];
	v23 =	vadd.f32 v23, v16;
	v24 =	vadd.f32 v55, v17  }
0x367: {  	v25 =	vadd.f32 v56, v16;
	v26 =	vadd.f32 v57, v17  }
0x368: {  	v63 =	vadd.f32 v58, v16;
	v28 =	vadd.f32 v59, v17  }
0x369: {  	v23 =	vmul.f32 v24, v23;
	v62 =	vmul.f32 v26, v25  }
0x36a: {  	v31 =	vadd.f32 v60, v16;
	v25 =	vmul.f32 v28, v63  }
0x36b: {  	v32 =	vadd.f32 v61, v17;
	v23 =	vmul.f32 v23, v19;
	v24 =	vmul.f32 v62, v20;
	_ =	sdelay $0x1  }
0x36c: {  	v34 =	vmul.f32 v32, v31;
	v33 =	vmul.f32 v25, v21;
	v23 =	vadd.f32 v24, v23;
	_ =	sdelay $0x1  }
0x36d: {  	v35 =	vmul.f32 v34, v22;
	v23 =	vadd.f32 v33, v23;
	_ =	sdelay $0x1  }
0x36e: {  	v23 =	vadd.f32 v35, v23;
	_ =	sdelay $0x1  }
0x36f: {  	[tilespmem:v14+s21+$0x0] =	vst.idx.msk $0xffff, v23  }
0x370: {  	v23 =	vld [tilespmem:$0xB80]  }
0x371: {  	v36 =	vld [tilespmem:$0x1B80]  }
0x372: {  	v37 =	vld [tilespmem:$0xB90]  }
0x373: {  	v38 =	vld [tilespmem:$0x1B90]  }
0x374: {  	v39 =	vld [tilespmem:$0xBA0]  }
0x375: {  	v40 =	vld [tilespmem:$0x1BA0];
	_ =	sdelay $0x1  }
0x376: {  	v41 =	vld [tilespmem:$0xBB0]  }
0x377: {  	v42 =	vld [tilespmem:$0x1BB0];
	v23 =	vadd.f32 v23, v16;
	v24 =	vadd.f32 v36, v17  }
0x378: {  	v25 =	vadd.f32 v37, v16;
	v26 =	vadd.f32 v38, v17  }
0x379: {  	v43 =	vadd.f32 v39, v16;
	v44 =	vadd.f32 v40, v17  }
0x37a: {  	v23 =	vmul.f32 v24, v23;
	v25 =	vmul.f32 v26, v25  }
0x37b: {  	v45 =	vadd.f32 v41, v16;
	v24 =	vmul.f32 v44, v43  }
0x37c: {  	v46 =	vadd.f32 v42, v17;
	v23 =	vmul.f32 v23, v19;
	v25 =	vmul.f32 v25, v20;
	_ =	sdelay $0x1  }
0x37d: {  	v47 =	vmul.f32 v46, v45;
	v24 =	vmul.f32 v24, v21;
	v23 =	vadd.f32 v25, v23;
	_ =	sdelay $0x1  }
0x37e: {  	v48 =	vmul.f32 v47, v22;
	v23 =	vadd.f32 v24, v23;
	_ =	sdelay $0x1  }
0x37f: {  	v23 =	vadd.f32 v48, v23;
	_ =	sdelay $0x1  }
0x380: {  	[tilespmem:v15+s21+$0x0] =	vst.idx.msk $0xffff, v23  }
0x381: {  	v23 =	vld [tilespmem:$0x2A00]  }
0x382: {  	v49 =	vld [tilespmem:$0x2A80];
	_ =	sdelay $0x1  }
0x383: {  	v50 =	vld [tilespmem:$0x2B00];
	_ =	sdelay $0x1  }
0x384: {  	v51 =	vld [tilespmem:$0x2B80]  }
0x385: {  	v23 =	vadd.f32 v49, v23  }
0x386: {  	v52 =	vld [tilespmem:$0x2C00]  }
0x387: {  	v23 =	vadd.f32 v50, v23  }
0x388: {  	v53 =	vld [tilespmem:$0x2C80]  }
0x389: {  	v23 =	vadd.f32 v51, v23  }
0x38a: {  	v54 =	vld [tilespmem:$0x2D00]  }
0x38b: {  	v23 =	vadd.f32 v52, v23  }
0x38c: {  	v55 =	vld [tilespmem:$0x2D80]  }
0x38d: {  	v23 =	vadd.f32 v53, v23  }
0x38e: {  	v56 =	vld [tilespmem:$0x2E00]  }
0x38f: {  	v23 =	vadd.f32 v54, v23  }
0x390: {  	v57 =	vld [tilespmem:$0x2E80]  }
0x391: {  	v23 =	vadd.f32 v55, v23  }
0x392: {  	v58 =	vld [tilespmem:$0x2F00]  }
0x393: {  	v23 =	vadd.f32 v56, v23  }
0x394: {  	v59 =	vld [tilespmem:$0x2F80]  }
0x395: {  	v23 =	vadd.f32 v57, v23  }
0x396: {  	v60 =	vld [tilespmem:$0x3000]  }
0x397: {  	v23 =	vadd.f32 v58, v23  }
0x398: {  	v61 =	vld [tilespmem:$0x3080]  }
0x399: {  	v23 =	vadd.f32 v59, v23  }
0x39a: {  	v62 =	vld [tilespmem:$0x3100]  }
0x39b: {  	v23 =	vadd.f32 v60, v23  }
0x39c: {  	v63 =	vld [tilespmem:$0x3180]  }
0x39d: {  	v23 =	vadd.f32 v61, v23;
	_ =	sdelay $0x1  }
0x39e: {  	v23 =	vadd.f32 v62, v23;
	_ =	sdelay $0x1  }
0x39f: {  	v23 =	vadd.f32 v63, v23;
	_ =	sdelay $0x1  }
0x3a0: {  	v23 =	vadd.f32 v23, v18;
	_ =	sdelay $0x1  }
0x3a1: {  	v23 =	vsub.f32 $0.0e+00, v23;
	_ =	sdelay $0x1  }
0x3a2: {  	v23 =	vmul.f32 $1.442695020e+00, v23;
	_ =	sdelay $0x1  }
0x3a3: {  	(erf) = vpow2.f32 v23;
	_ =	sdelay $0x8  }
0x3a4: {  	v23 =	vpop (erf)  }
0x3a5: {  	v23 =	vadd.f32 $1.000000000e+00, v23;
	_ =	sdelay $0x1  }
0x3a6: {  	(erf) = vrcp.f32 v23;
	_ =	sdelay $0x4  }
0x3a7: {  	p0 =	seq.s32 s23, $0x780  }
.Ltmp4:
0x3a8: {  	_ = 	snop;
	(pc) =	sbr.rel @p0 .LBB2_4-.Ltmp4, $3  }
0x3a9: {  	_ =	sdelay $0x1  }
0x3aa: {  	v23 =	vpop (erf)  }
0x3ab: {  	[tilespmem:s24+$0x2800] =	vst v23  }
0x3ac: {  	v23 =	vld [tilespmem:s24+$0x20];
	_ =	sdelay $0x3  }
0x3ad: {  	v25 =	vld [tilespmem:s24+$0x220]  }
0x3ae: {  	v24 =	vshll.u32 v23, $0x4  }
0x3af: {  	(v2sf) =	vpush v24, $0x0;
	_ =	sdelay $0x2  }
0x3b0: {  	v23 =	vshll.u32 v25, $0x4  }
0x3b1: {  	(v2sf) =	vpush v23, $0x0;
	_ =	sdelay $0x1  }
0x3b2: {  	(v2sf) =	vpush v24, $0x1;
	_ =	sdelay $0x4  }
0x3b3: {  	(v2sf) =	vpush v23, $0x1;
	_ =	sdelay $0x3  }
0x3b4: {  	s25 =	spop (v2sf);
	(v2sf) =	vpush v24, $0x2  }
0x3b5: {  	s25 =	sand.u32 $0x1FFFFFF0, s25  }
0x3b6: {  	s26 =	simm.s32 $0x400;
	s25 =	sadd.s32 s4, s25  }
0x3b7: {  	[tilespmem:s26], [sflag:$0x1] =	stream.linear.gather [hbm4b:s25+s3], $0x80, $0x38;
	[tilespmem:$0x3200] =	vst v63  }
0x3b8: {  	s26 =	spop (v2sf);
	(v2sf) =	vpush v23, $0x2  }
0x3b9: {  	s25 =	sand.u32 $0x1FFFFFF0, s26  }
0x3ba: {  	s26 =	spop (v2sf);
	s25 =	sadd.s32 s4, s25  }
0x3bb: {  	[tilespmem:s28], [sflag:$0x1] =	stream.linear.gather [hbm4b:s25+s3], $0x80, $0x38;
	[tilespmem:$0x3200] =	vst v63  }
0x3bc: {  	(v2sf) =	vpush v24, $0x3;
	s25 =	sand.u32 $0x1FFFFFF0, s26  }
0x3bd: {  	s26 =	simm.s32 $0x480;
	s25 =	sadd.s32 s4, s25  }
0x3be: {  	[tilespmem:s26], [sflag:$0x1] =	stream.linear.gather [hbm4b:s25+s3], $0x80, $0x38;
	[tilespmem:$0x3200] =	vst v63  }
0x3bf: {  	s26 =	spop (v2sf)  }
0x3c0: {  	(v2sf) =	vpush v23, $0x3;
	s25 =	sand.u32 $0x1FFFFFF0, s26  }
0x3c1: {  	s26 =	simm.s32 $0x1480;
	s25 =	sadd.s32 s4, s25  }
0x3c2: {  	[tilespmem:s26], [sflag:$0x1] =	stream.linear.gather [hbm4b:s25+s3], $0x80, $0x38;
	[tilespmem:$0x3200] =	vst v63  }
0x3c3: {  	s26 =	spop (v2sf)  }
0x3c4: {  	(v2sf) =	vpush v24, $0x4;
	s25 =	sand.u32 $0x1FFFFFF0, s26  }
0x3c5: {  	s26 =	simm.s32 $0x500;
	s25 =	sadd.s32 s4, s25  }
0x3c6: {  	[tilespmem:s26], [sflag:$0x1] =	stream.linear.gather [hbm4b:s25+s3], $0x80, $0x38;
	[tilespmem:$0x3200] =	vst v63  }
0x3c7: {  	s26 =	spop (v2sf)  }
0x3c8: {  	(v2sf) =	vpush v23, $0x4;
	s25 =	sand.u32 $0x1FFFFFF0, s26  }
0x3c9: {  	s26 =	simm.s32 $0x1500;
	s25 =	sadd.s32 s4, s25  }
0x3ca: {  	[tilespmem:s26], [sflag:$0x1] =	stream.linear.gather [hbm4b:s25+s3], $0x80, $0x38;
	[tilespmem:$0x3200] =	vst v63  }
0x3cb: {  	s26 =	spop (v2sf)  }
0x3cc: {  	(v2sf) =	vpush v24, $0x5;
	s25 =	sand.u32 $0x1FFFFFF0, s26  }
0x3cd: {  	s26 =	simm.s32 $0x580;
	s25 =	sadd.s32 s4, s25  }
0x3ce: {  	[tilespmem:s26], [sflag:$0x1] =	stream.linear.gather [hbm4b:s25+s3], $0x80, $0x38;
	[tilespmem:$0x3200] =	vst v63  }
0x3cf: {  	s26 =	spop (v2sf)  }
0x3d0: {  	(v2sf) =	vpush v23, $0x5;
	s25 =	sand.u32 $0x1FFFFFF0, s26  }
0x3d1: {  	s26 =	simm.s32 $0x1580;
	s25 =	sadd.s32 s4, s25  }
0x3d2: {  	[tilespmem:s26], [sflag:$0x1] =	stream.linear.gather [hbm4b:s25+s3], $0x80, $0x38;
	[tilespmem:$0x3200] =	vst v63  }
0x3d3: {  	s26 =	spop (v2sf)  }
0x3d4: {  	(v2sf) =	vpush v24, $0x6;
	s25 =	sand.u32 $0x1FFFFFF0, s26  }
0x3d5: {  	s26 =	simm.s32 $0x600;
	s25 =	sadd.s32 s4, s25  }
0x3d6: {  	[tilespmem:s26], [sflag:$0x1] =	stream.linear.gather [hbm4b:s25+s3], $0x80, $0x38;
	[tilespmem:$0x3200] =	vst v63  }
0x3d7: {  	s26 =	spop (v2sf)  }
0x3d8: {  	(v2sf) =	vpush v23, $0x6;
	s25 =	sand.u32 $0x1FFFFFF0, s26  }
0x3d9: {  	s26 =	simm.s32 $0x1600;
	s25 =	sadd.s32 s4, s25  }
0x3da: {  	[tilespmem:s26], [sflag:$0x1] =	stream.linear.gather [hbm4b:s25+s3], $0x80, $0x38;
	[tilespmem:$0x3200] =	vst v63  }
0x3db: {  	s26 =	spop (v2sf)  }
0x3dc: {  	(v2sf) =	vpush v24, $0x7;
	s25 =	sand.u32 $0x1FFFFFF0, s26  }
0x3dd: {  	s26 =	simm.s32 $0x680;
	s25 =	sadd.s32 s4, s25  }
0x3de: {  	[tilespmem:s26], [sflag:$0x1] =	stream.linear.gather [hbm4b:s25+s3], $0x80, $0x38;
	[tilespmem:$0x3200] =	vst v63  }
0x3df: {  	s26 =	spop (v2sf)  }
0x3e0: {  	(v2sf) =	vpush v23, $0x7;
	s25 =	sand.u32 $0x1FFFFFF0, s26  }
0x3e1: {  	s26 =	simm.s32 $0x1680;
	s25 =	sadd.s32 s4, s25  }
0x3e2: {  	[tilespmem:s26], [sflag:$0x1] =	stream.linear.gather [hbm4b:s25+s3], $0x80, $0x38;
	[tilespmem:$0x3200] =	vst v63  }
0x3e3: {  	s26 =	spop (v2sf)  }
0x3e4: {  	(v2sf) =	vpush v24, $0x8;
	s25 =	sand.u32 $0x1FFFFFF0, s26  }
0x3e5: {  	s26 =	simm.s32 $0x700;
	s25 =	sadd.s32 s4, s25  }
0x3e6: {  	[tilespmem:s26], [sflag:$0x1] =	stream.linear.gather [hbm4b:s25+s3], $0x80, $0x38;
	[tilespmem:$0x3200] =	vst v63  }
0x3e7: {  	s26 =	spop (v2sf)  }
0x3e8: {  	(v2sf) =	vpush v23, $0x8;
	s25 =	sand.u32 $0x1FFFFFF0, s26  }
0x3e9: {  	s26 =	simm.s32 $0x1700;
	s25 =	sadd.s32 s4, s25  }
0x3ea: {  	[tilespmem:s26], [sflag:$0x1] =	stream.linear.gather [hbm4b:s25+s3], $0x80, $0x38;
	[tilespmem:$0x3200] =	vst v63  }
0x3eb: {  	s26 =	spop (v2sf)  }
0x3ec: {  	(v2sf) =	vpush v24, $0x9;
	s25 =	sand.u32 $0x1FFFFFF0, s26  }
0x3ed: {  	s26 =	simm.s32 $0x780;
	s25 =	sadd.s32 s4, s25  }
0x3ee: {  	[tilespmem:s26], [sflag:$0x1] =	stream.linear.gather [hbm4b:s25+s3], $0x80, $0x38;
	[tilespmem:$0x3200] =	vst v63  }
0x3ef: {  	s26 =	spop (v2sf)  }
0x3f0: {  	(v2sf) =	vpush v23, $0x9;
	s25 =	sand.u32 $0x1FFFFFF0, s26  }
0x3f1: {  	s26 =	simm.s32 $0x1780;
	s25 =	sadd.s32 s4, s25  }
0x3f2: {  	[tilespmem:s26], [sflag:$0x1] =	stream.linear.gather [hbm4b:s25+s3], $0x80, $0x38;
	[tilespmem:$0x3200] =	vst v63  }
0x3f3: {  	s26 =	spop (v2sf)  }
0x3f4: {  	(v2sf) =	vpush v24, $0xA;
	s25 =	sand.u32 $0x1FFFFFF0, s26  }
0x3f5: {  	s26 =	simm.s32 $0x800;
	s25 =	sadd.s32 s4, s25  }
0x3f6: {  	[tilespmem:s26], [sflag:$0x1] =	stream.linear.gather [hbm4b:s25+s3], $0x80, $0x38;
	[tilespmem:$0x3200] =	vst v63  }
0x3f7: {  	s26 =	spop (v2sf)  }
0x3f8: {  	(v2sf) =	vpush v23, $0xA;
	s25 =	sand.u32 $0x1FFFFFF0, s26  }
0x3f9: {  	s26 =	simm.s32 $0x1800;
	s25 =	sadd.s32 s4, s25  }
0x3fa: {  	[tilespmem:s26], [sflag:$0x1] =	stream.linear.gather [hbm4b:s25+s3], $0x80, $0x38;
	[tilespmem:$0x3200] =	vst v63  }
0x3fb: {  	s26 =	spop (v2sf)  }
0x3fc: {  	(v2sf) =	vpush v24, $0xB;
	s25 =	sand.u32 $0x1FFFFFF0, s26  }
0x3fd: {  	s26 =	simm.s32 $0x880;
	s25 =	sadd.s32 s4, s25  }
0x3fe: {  	[tilespmem:s26], [sflag:$0x1] =	stream.linear.gather [hbm4b:s25+s3], $0x80, $0x38;
	[tilespmem:$0x3200] =	vst v63  }
0x3ff: {  	s26 =	spop (v2sf)  }
0x400: {  	(v2sf) =	vpush v23, $0xB;
	s25 =	sand.u32 $0x1FFFFFF0, s26  }
0x401: {  	s26 =	simm.s32 $0x1880;
	s25 =	sadd.s32 s4, s25  }
0x402: {  	[tilespmem:s26], [sflag:$0x1] =	stream.linear.gather [hbm4b:s25+s3], $0x80, $0x38;
	[tilespmem:$0x3200] =	vst v63  }
0x403: {  	s26 =	spop (v2sf)  }
0x404: {  	(v2sf) =	vpush v24, $0xC;
	s25 =	sand.u32 $0x1FFFFFF0, s26  }
0x405: {  	s26 =	simm.s32 $0x900;
	s25 =	sadd.s32 s4, s25  }
0x406: {  	[tilespmem:s26], [sflag:$0x1] =	stream.linear.gather [hbm4b:s25+s3], $0x80, $0x38;
	[tilespmem:$0x3200] =	vst v63  }
0x407: {  	s26 =	spop (v2sf)  }
0x408: {  	(v2sf) =	vpush v23, $0xC;
	s25 =	sand.u32 $0x1FFFFFF0, s26  }
0x409: {  	s26 =	simm.s32 $0x1900;
	s25 =	sadd.s32 s4, s25  }
0x40a: {  	[tilespmem:s26], [sflag:$0x1] =	stream.linear.gather [hbm4b:s25+s3], $0x80, $0x38;
	[tilespmem:$0x3200] =	vst v63  }
0x40b: {  	s26 =	spop (v2sf)  }
0x40c: {  	(v2sf) =	vpush v24, $0xD;
	s25 =	sand.u32 $0x1FFFFFF0, s26  }
0x40d: {  	s26 =	simm.s32 $0x980;
	s25 =	sadd.s32 s4, s25  }
0x40e: {  	[tilespmem:s26], [sflag:$0x1] =	stream.linear.gather [hbm4b:s25+s3], $0x80, $0x38;
	[tilespmem:$0x3200] =	vst v63  }
0x40f: {  	s26 =	spop (v2sf)  }
0x410: {  	(v2sf) =	vpush v23, $0xD;
	s25 =	sand.u32 $0x1FFFFFF0, s26  }
0x411: {  	s26 =	simm.s32 $0x1980;
	s25 =	sadd.s32 s4, s25  }
0x412: {  	[tilespmem:s26], [sflag:$0x1] =	stream.linear.gather [hbm4b:s25+s3], $0x80, $0x38;
	[tilespmem:$0x3200] =	vst v63  }
0x413: {  	s26 =	spop (v2sf)  }
0x414: {  	(v2sf) =	vpush v24, $0xE;
	s25 =	sand.u32 $0x1FFFFFF0, s26  }
0x415: {  	s26 =	simm.s32 $0xA00;
	s25 =	sadd.s32 s4, s25  }
0x416: {  	[tilespmem:s26], [sflag:$0x1] =	stream.linear.gather [hbm4b:s25+s3], $0x80, $0x38;
	[tilespmem:$0x3200] =	vst v63  }
0x417: {  	s26 =	spop (v2sf)  }
0x418: {  	(v2sf) =	vpush v23, $0xE;
	s25 =	sand.u32 $0x1FFFFFF0, s26  }
0x419: {  	s26 =	simm.s32 $0x1A00;
	s25 =	sadd.s32 s4, s25  }
0x41a: {  	[tilespmem:s26], [sflag:$0x1] =	stream.linear.gather [hbm4b:s25+s3], $0x80, $0x38;
	[tilespmem:$0x3200] =	vst v63  }
0x41b: {  	s26 =	spop (v2sf)  }
0x41c: {  	(v2sf) =	vpush v24, $0xF;
	s25 =	sand.u32 $0x1FFFFFF0, s26  }
0x41d: {  	s26 =	simm.s32 $0xA80;
	s25 =	sadd.s32 s4, s25  }
0x41e: {  	[tilespmem:s26], [sflag:$0x1] =	stream.linear.gather [hbm4b:s25+s3], $0x80, $0x38;
	[tilespmem:$0x3200] =	vst v63  }
0x41f: {  	s26 =	spop (v2sf)  }
0x420: {  	s25 =	sand.u32 $0x1FFFFFF0, s26  }
0x421: {  	(v2sf) =	vpush v23, $0xF;
	s26 =	simm.s32 $0x1A80;
	s25 =	sadd.s32 s4, s25  }
0x422: {  	[tilespmem:s26], [sflag:$0x1] =	stream.linear.gather [hbm4b:s25+s3], $0x80, $0x38;
	[tilespmem:$0x3200] =	vst v63  }
0x423: {  	s26 =	spop (v2sf)  }
0x424: {  	s25 =	sand.u32 $0x1FFFFFF0, s26  }
0x425: {  	s26 =	simm.s32 $0xB00;
	s25 =	sadd.s32 s4, s25  }
0x426: {  	[tilespmem:s26], [sflag:$0x1] =	stream.linear.gather [hbm4b:s25+s3], $0x80, $0x38;
	[tilespmem:$0x3200] =	vst v63  }
0x427: {  	s26 =	spop (v2sf)  }
0x428: {  	s25 =	sand.u32 $0x1FFFFFF0, s26  }
0x429: {  	s26 =	simm.s32 $0x1B00;
	s25 =	sadd.s32 s4, s25  }
0x42a: {  	[tilespmem:s26], [sflag:$0x1] =	stream.linear.gather [hbm4b:s25+s3], $0x80, $0x38;
	[tilespmem:$0x3200] =	vst v63  }
0x42b: {  	s26 =	spop (v2sf)  }
0x42c: {  	s25 =	sand.u32 $0x1FFFFFF0, s26  }
0x42d: {  	s26 =	simm.s32 $0xB80;
	s25 =	sadd.s32 s4, s25  }
0x42e: {  	[tilespmem:s26], [sflag:$0x1] =	stream.linear.gather [hbm4b:s25+s3], $0x80, $0x38;
	[tilespmem:$0x3200] =	vst v63  }
.Ltmp5:
0x42f: {  	_ = 	snop;
	(pc) =	sbr.rel .LBB2_4-.Ltmp5, $4  }
0x430: {  	s26 =	spop (v2sf)  }
0x431: {  	s25 =	sand.u32 $0x1FFFFFF0, s26  }
0x432: {  	s26 =	simm.s32 $0x1B80;
	s25 =	sadd.s32 s4, s25  }
0x433: {  	[tilespmem:s26], [sflag:$0x1] =	stream.linear.gather [hbm4b:s25+s3], $0x80, $0x38;
	[tilespmem:$0x3200] =	vst v63  }
.LBB2_6:
0x434: {  	_ =	sfence.sel $0x180000  }
0x435: {  	[bflag:$0x0] =	sbarrier.arrive $0xFFFF  }
0x436: {  	_ =	strace $0x90000047  }
0x437: {  	s0 =	stileid.u32;
	[bflag:$0x2] =	sbarrier.arrive $0xFFFF  }
0x438: {  	p0 =	sne.s32 s0, $0x0;
	s0 =	rddreg [dreg:$0x5]  }
0x439: {  	s0 =	sadd.s32 @!p0 $0x100000, s0  }
0x43a: {  	[sflag:s0] =	ssyncadd.tile.s32 @!p0 $0x1;
	_ =	shalt  }
.Lfunc_end2:
_tile_overlayer_lowered:
.L_overlay_start_2:
0x43b: {  	(tag) =	ssettag $0x2  }
0x43c: {  	s0 =	rddreg [dreg:$0x0];
	s2 =	stileid.u32  }
0x43d: {  	s1 =	rddreg [dreg:$0x1];
	p0 =	sne.s32 s2, $0x0  }
0x43e: {  	s3 =	rddreg [dreg:$0x2];
	[bflag:$0x3] =	sbarrier.arrive $0xFFFF;
	s2 =	simm.s32 @!p0 $0x1C03  }
0x43f: {  	[timem:s3], [sflag:s2] =	dma.local @!p0 [hbm:s0], s1  }
0x440: {  	s0 =	simm.s32 @!p0 $0x3  }
0x441: {  	_ =	swait.ge @!p0 [sflag:s0], s1  }
0x442: {  	s1 =	ssub.s32 @!p0 $0x0, s1;
	[sflag:s0] =	ssyncset.done @!p0 $0x0  }
0x443: {  	[sflag:s0] =	ssyncadd.s32 @!p0 s1  }
0x444: {  	[bflag:$0x3] =	sbarrier.arrive $0xFFFF  }
0x445: {  	_ =	shalt  }

</sc_bundles>
